<compile_context>
chip_gen: v7x
topology: tpu7x:2x2x1
jax: 0.10.2.dev20260603
libtpu: 0.0.44.dev20260713+nightly
codegen_flags: <defaults>
</compile_context>

<pallas_src>
import functools

import jax
import jax.numpy as jnp
from jax import lax
from jax.experimental import pallas as pl
from jax.experimental.pallas import tpu as pltpu
from jax.experimental.pallas import tpu_sc as plsc

N_NODES = 10000
N_EDGES = 320000
N_GRAPHS = 64
IN_DIM = 128
HID_DIM = 64
OUT_DIM = 64
LAYERS = 4
EPS_BN = 1e-5


_NC = 2
_NS = 16
_NW = _NC * _NS
_CHUNK = 125
_NCHUNKS = N_EDGES // _CHUNK
_CH_PER_W = _NCHUNKS // _NW
_ROWS_PER_TILE = 632
_N_PAD = _ROWS_PER_TILE * _NS


_DEPTH = 8


def _sc_edge_agg(h, edges3d, zrows):
    mesh = plsc.VectorSubcoreMesh(core_axis_name="c", subcore_axis_name="s")

    @functools.partial(
        pl.kernel,
        mesh=mesh,
        out_type=jax.ShapeDtypeStruct((_NC, _N_PAD, HID_DIM), jnp.float32),
        scratch_types=[
            pltpu.VMEM((_CH_PER_W, _CHUNK), jnp.int32),
            pltpu.VMEM((_CH_PER_W, _CHUNK), jnp.int32),
            [pltpu.VMEM((_CHUNK, HID_DIM), jnp.float32) for _ in range(_DEPTH)],
            [pltpu.SemaphoreType.DMA for _ in range(_DEPTH)],
            [pltpu.SemaphoreType.DMA for _ in range(_DEPTH)],
            pltpu.VMEM_SHARED((_N_PAD, HID_DIM), jnp.float32),
        ],
        compiler_params=pltpu.CompilerParams(use_tc_tiling_on_sc=False),
    )
    def agg_kernel(h_hbm, e_hbm, z_hbm, out_hbm,
                   src_v, dst_v, rows, gsems, ssems, acc_sh):
        c = lax.axis_index("c")
        s = lax.axis_index("s")
        w = s * _NC + c

        r0 = s * _ROWS_PER_TILE
        zslab = acc_sh.at[pl.ds(r0, _ROWS_PER_TILE)]
        pltpu.async_copy(z_hbm, zslab, ssems[_DEPTH - 1])
        pltpu.sync_copy(e_hbm.at[0, pl.ds(w * _CH_PER_W, _CH_PER_W)], src_v)
        pltpu.sync_copy(e_hbm.at[1, pl.ds(w * _CH_PER_W, _CH_PER_W)], dst_v)

        def gstart(chunk, p):
            pltpu.async_copy(h_hbm.at[src_v.at[chunk]], rows[p], gsems[p])

        def gwait(chunk, p):
            pltpu.make_async_copy(h_hbm.at[src_v.at[chunk]], rows[p],
                                  gsems[p]).wait()

        def sstart(chunk, p):
            pltpu.async_copy(rows[p], acc_sh.at[dst_v.at[chunk]], ssems[p],
                             add=True)

        def swait(chunk, p):
            pltpu.make_async_copy(rows[p], acc_sh.at[dst_v.at[chunk]],
                                  ssems[p]).wait()

        for cc in range(_DEPTH):
            gstart(cc, cc)
        pltpu.make_async_copy(z_hbm, zslab, ssems[_DEPTH - 1]).wait()
        plsc.subcore_barrier()
        _AHEAD = _DEPTH // 2
        for cc in range(_AHEAD):
            gwait(cc, cc)
            sstart(cc, cc)

        def body(j, carry):
            c0 = _AHEAD + _DEPTH * j
            for k in range(_DEPTH):
                ck = c0 + k
                p = (_AHEAD + k) % _DEPTH
                q = k
                swait(ck - _AHEAD, q)
                gstart(ck + _AHEAD, q)
                gwait(ck, p)
                sstart(ck, p)
            return carry

        n_steady = _CH_PER_W - 2 * _AHEAD
        lax.fori_loop(0, n_steady // _DEPTH, body, 0)
        for ck in range(_CH_PER_W - _AHEAD, _CH_PER_W):
            gwait(ck, ck % _DEPTH)
            sstart(ck, ck % _DEPTH)
        for ck in range(_CH_PER_W - _DEPTH, _CH_PER_W):
            swait(ck, ck % _DEPTH)

        plsc.subcore_barrier()
        pltpu.sync_copy(acc_sh.at[pl.ds(r0, _ROWS_PER_TILE)],
                        out_hbm.at[c, pl.ds(r0, _ROWS_PER_TILE)])

    return agg_kernel(h, edges3d, zrows)



_PREC = lax.Precision.DEFAULT



_NP = N_NODES // 2
_PACK = 2 * HID_DIM


_HI = lax.Precision.HIGHEST


def _bn_relu_packed(y, fold_ref, unfold_ref, g2, be2):
    m = jnp.dot(jnp.mean(y, axis=0, keepdims=True), fold_ref[...],
                precision=_HI) * 0.5
    yc = y - jnp.dot(m, unfold_ref[...], precision=_HI)
    v = jnp.dot(jnp.mean(yc * yc, axis=0, keepdims=True), fold_ref[...],
                precision=_HI) * 0.5
    vb = jnp.dot(v, unfold_ref[...], precision=_HI)
    return jnp.maximum(yc * lax.rsqrt(vb + EPS_BN) * g2 + be2, 0.0)


def _first_body(x_ref, fold_ref, unfold_ref, w1t_ref, b1_ref, g1_ref,
                be1_ref, w2t_ref, b2_ref, g2_ref, be2_ref, h_ref):
    y = jnp.dot(x_ref[...], w1t_ref[...], precision=_PREC) + b1_ref[...]
    y = _bn_relu_packed(y, fold_ref, unfold_ref, g1_ref[...], be1_ref[...])
    y = jnp.dot(y, w2t_ref[...], precision=_PREC) + b2_ref[...]
    h_ref[...] = _bn_relu_packed(y, fold_ref, unfold_ref, g2_ref[...],
                                 be2_ref[...])


def _layer_body(h_in_ref, agg_ref, eps_ref, fold_ref, unfold_ref, w1t_ref,
                b1_ref, g1_ref, be1_ref, w2t_ref, b2_ref, g2_ref, be2_ref,
                h_ref):
    u = (h_in_ref[...] * (1.0 + eps_ref[...])
         + agg_ref[0, :_NP, :] + agg_ref[1, :_NP, :])
    y = jnp.dot(u, w1t_ref[...], precision=_PREC) + b1_ref[...]
    y = _bn_relu_packed(y, fold_ref, unfold_ref, g1_ref[...], be1_ref[...])
    y = jnp.dot(y, w2t_ref[...], precision=_PREC) + b2_ref[...]
    h_ref[...] = _bn_relu_packed(y, fold_ref, unfold_ref, g2_ref[...],
                                 be2_ref[...])


def _onehots(be_ref, bo_ref):
    ae = (lax.broadcasted_iota(jnp.int32, (N_GRAPHS, _NP), 0)
          == be_ref[...]).astype(jnp.float32)
    ao = (lax.broadcasted_iota(jnp.int32, (N_GRAPHS, _NP), 0)
          == bo_ref[...]).astype(jnp.float32)
    cnt = (jnp.sum(ae, axis=1, keepdims=True)
           + jnp.sum(ao, axis=1, keepdims=True))
    return ae, ao, 1.0 / jnp.maximum(cnt, 1.0)


def _seg_mean(ae, ao, inv_cnt, hp, se_ref, so_ref):
    sums = (jnp.dot(jnp.dot(ae, hp, precision=_PREC), se_ref[...],
                    precision=_PREC)
            + jnp.dot(jnp.dot(ao, hp, precision=_PREC), so_ref[...],
                      precision=_PREC))
    return sums * inv_cnt


def _poolpre_body(be_ref, bo_ref, se_ref, so_ref, h1_ref, h2_ref, h3_ref,
                  wlts_ref, blsum_ref, out_ref):
    ae, ao, inv_cnt = _onehots(be_ref, bo_ref)
    acc = blsum_ref[...]
    for i, h_ref in enumerate((h1_ref, h2_ref, h3_ref)):
        pooled = _seg_mean(ae, ao, inv_cnt, h_ref[...], se_ref, so_ref)
        acc = acc + jnp.dot(pooled, wlts_ref[i], precision=_PREC)
    out_ref[...] = acc


def _poolfin_body(be_ref, bo_ref, se_ref, so_ref, h4_ref, w4t_ref, pacc_ref,
                  out_ref):
    ae, ao, inv_cnt = _onehots(be_ref, bo_ref)
    pooled = _seg_mean(ae, ao, inv_cnt, h4_ref[...], se_ref, so_ref)
    out_ref[...] = pacc_ref[...] + jnp.dot(pooled, w4t_ref[...],
                                           precision=_PREC)


_H_OUT = jax.ShapeDtypeStruct((_NP, _PACK), jnp.float32)
_OUT_SD = jax.ShapeDtypeStruct((N_GRAPHS, OUT_DIM), jnp.float32)

_first_call = pl.pallas_call(_first_body, out_shape=_H_OUT)
_layer_call = pl.pallas_call(_layer_body, out_shape=_H_OUT)
_poolpre_call = pl.pallas_call(_poolpre_body, out_shape=_OUT_SD)
_poolfin_call = pl.pallas_call(_poolfin_body, out_shape=_OUT_SD)


def _blockdiag(w):
    z = jnp.zeros_like(w)
    return jnp.block([[w, z], [z, w]])


def _tile2(v):
    return jnp.concatenate([v, v]).reshape(1, -1)


def _mlp_args(p):
    return (_blockdiag(p["W1"].T), _tile2(p["b1"]), _tile2(p["g1"]),
            _tile2(p["be1"]), _blockdiag(p["W2"].T), _tile2(p["b2"]),
            _tile2(p["g2"]), _tile2(p["be2"]))


def kernel(x, edge_index, batch, params):
    edges3d = edge_index.reshape(2, _NCHUNKS, _CHUNK)
    zrows = jnp.zeros((_ROWS_PER_TILE, HID_DIM), jnp.float32)

    eye = jnp.eye(HID_DIM, dtype=jnp.float32)
    zed = jnp.zeros((HID_DIM, HID_DIM), jnp.float32)
    fold = jnp.concatenate([eye, eye], axis=0)
    unfold = jnp.concatenate([eye, eye], axis=1)
    se = jnp.concatenate([eye, zed], axis=0)
    so = jnp.concatenate([zed, eye], axis=0)

    x_p = x.reshape(_NP, 2 * IN_DIM)
    b2d = batch.reshape(_NP, 2)
    b_even = b2d[:, 0].reshape(1, _NP)
    b_odd = b2d[:, 1].reshape(1, _NP)

    lin = params["lin"]
    hs = [_first_call(x_p, fold, unfold, *_mlp_args(params["first_h"]))]
    for layer in range(1, LAYERS):
        agg = _sc_edge_agg(hs[-1].reshape(N_NODES, HID_DIM), edges3d, zrows)
        agg_p = agg.reshape(_NC, _N_PAD // 2, _PACK)
        eps = params["eps"][layer - 1].reshape(1, 1)
        hs.append(_layer_call(hs[-1], agg_p, eps, fold, unfold,
                              *_mlp_args(params["nns"][layer - 1])))

    wlts3 = jnp.stack([lin[i]["W"].T for i in range(LAYERS - 1)])
    blsum = sum(lin[i]["b"] for i in range(LAYERS)).reshape(1, -1)
    pacc = _poolpre_call(b_even, b_odd, se, so, hs[0], hs[1], hs[2],
                         wlts3, blsum)
    return _poolfin_call(b_even, b_odd, se, so, hs[3], lin[3]["W"].T, pacc)

# --- scband reference (transcript-rebuilt; emitter-appended) ---
"""Pipeline reference for scband-gin-63333587746870 (READ-ONLY COPY).

The authoritative reference and input builder live on the scoring server;
editing this copy changes nothing except your own understanding.
"""

import jax, jax.numpy as jnp
import numpy as np

N = 10000
E = 320000
G = 64
IN_CH = 128
HID = 64
OUT_CH = 64
NUM_LAYERS = 4
BN_EPS = 1e-5


def _lin_params(k, din, dout):
    k1, k2 = jax.random.split(k)
    return {
        "W": jax.random.normal(k1, (dout, din), dtype=jnp.float32) * (1.0 / np.sqrt(din)),
        "b": jax.random.normal(k2, (dout,), dtype=jnp.float32) * 0.01,
    }


def _mlp_params(k, din, dh):
    k1, k2 = jax.random.split(k)
    p1 = _lin_params(k1, din, dh)
    p2 = _lin_params(k2, dh, dh)
    return {
        "W1": p1["W"], "b1": p1["b"],
        "g1": jnp.ones((dh,), dtype=jnp.float32), "be1": jnp.zeros((dh,), dtype=jnp.float32),
        "W2": p2["W"], "b2": p2["b"],
        "g2": jnp.ones((dh,), dtype=jnp.float32), "be2": jnp.zeros((dh,), dtype=jnp.float32),
    }


def setup_inputs(seed: int = 0) -> dict:
    key = jax.random.key(seed)
    ks = jax.random.split(key, 16)
    x = jax.random.normal(ks[0], (N, IN_CH), dtype=jnp.float32)
    edge_index = jax.random.randint(ks[1], (2, E), 0, N, dtype=jnp.int32)
    batch = jnp.sort(jax.random.randint(ks[2], (N,), 0, G, dtype=jnp.int32))
    params = {
        "first_h": _mlp_params(ks[3], IN_CH, HID),
        "nns": [_mlp_params(ks[4 + i], HID, HID) for i in range(NUM_LAYERS - 1)],
        "eps": jnp.zeros((NUM_LAYERS - 1,), dtype=jnp.float32),
        "lin": [_lin_params(ks[8 + i], HID, OUT_CH) for i in range(NUM_LAYERS)],
    }
    return {"x": x, "edge_index": edge_index, "batch": batch, "params": params}


def _bn(x, g, b):
    m = jnp.mean(x, axis=0)
    v = jnp.var(x, axis=0)
    return (x - m) * jax.lax.rsqrt(v + BN_EPS) * g + b


def _mlp_apply(p, x):
    x = x @ p["W1"].T + p["b1"]
    x = jax.nn.relu(_bn(x, p["g1"], p["be1"]))
    x = x @ p["W2"].T + p["b2"]
    x = jax.nn.relu(_bn(x, p["g2"], p["be2"]))
    return x


def _global_mean_pool(x, batch):
    sums = jax.ops.segment_sum(x, batch, num_segments=G)
    cnt = jax.ops.segment_sum(jnp.ones((x.shape[0], 1), dtype=x.dtype), batch, num_segments=G)
    return sums / jnp.maximum(cnt, 1.0)


def reference(x, edge_index, batch, params):
    src = edge_index[0]
    dst = edge_index[1]
    h = _mlp_apply(params["first_h"], x)
    out = _global_mean_pool(h @ params["lin"][0]["W"].T + params["lin"][0]["b"], batch)
    for layer in range(1, NUM_LAYERS):
        # GINConv: nn((1 + eps) * x + sum_{j in N(i)} x_j), aggregated at dst
        agg = jax.ops.segment_sum(h[src], dst, num_segments=N)
        h = _mlp_apply(params["nns"][layer - 1], (1.0 + params["eps"][layer - 1]) * h + agg)
        pooled = _global_mean_pool(h, batch)
        out = out + (pooled @ params["lin"][layer]["W"].T + params["lin"][layer]["b"])
    return out

if __name__ == "__main__":
    import jax
    _d = setup_inputs()
    print(jax.jit(kernel)(*tuple(_d.values())))

</pallas_src>

<mosaic_0001>
#map = affine_map<(d0, d1) -> (0, 0)>
#map1 = affine_map<(d0, d1) -> (0, 0, 0)>
module attributes {stable_mosaic.version = 14 : i64} {
  func.func @agg_kernel(%arg0: i32, %arg1: i32, %arg2: memref<10000x64xf32, #tpu.memory_space<hbm>>, %arg3: memref<2x2560x125xi32, #tpu.memory_space<hbm>>, %arg4: memref<632x64xf32, #tpu.memory_space<hbm>>, %arg5: memref<2x10112x64xf32, #tpu.memory_space<hbm>>, %arg6: memref<80x125xi32, #tpu.memory_space<vmem>>, %arg7: memref<80x125xi32, #tpu.memory_space<vmem>>, %arg8: memref<125x64xf32, #tpu.memory_space<vmem>>, %arg9: memref<125x64xf32, #tpu.memory_space<vmem>>, %arg10: memref<125x64xf32, #tpu.memory_space<vmem>>, %arg11: memref<125x64xf32, #tpu.memory_space<vmem>>, %arg12: memref<125x64xf32, #tpu.memory_space<vmem>>, %arg13: memref<125x64xf32, #tpu.memory_space<vmem>>, %arg14: memref<125x64xf32, #tpu.memory_space<vmem>>, %arg15: memref<125x64xf32, #tpu.memory_space<vmem>>, %arg16: memref<!tpu.dma_semaphore, #tpu.memory_space<semaphore_mem>>, %arg17: memref<!tpu.dma_semaphore, #tpu.memory_space<semaphore_mem>>, %arg18: memref<!tpu.dma_semaphore, #tpu.memory_space<semaphore_mem>>, %arg19: memref<!tpu.dma_semaphore, #tpu.memory_space<semaphore_mem>>, %arg20: memref<!tpu.dma_semaphore, #tpu.memory_space<semaphore_mem>>, %arg21: memref<!tpu.dma_semaphore, #tpu.memory_space<semaphore_mem>>, %arg22: memref<!tpu.dma_semaphore, #tpu.memory_space<semaphore_mem>>, %arg23: memref<!tpu.dma_semaphore, #tpu.memory_space<semaphore_mem>>, %arg24: memref<!tpu.dma_semaphore, #tpu.memory_space<semaphore_mem>>, %arg25: memref<!tpu.dma_semaphore, #tpu.memory_space<semaphore_mem>>, %arg26: memref<!tpu.dma_semaphore, #tpu.memory_space<semaphore_mem>>, %arg27: memref<!tpu.dma_semaphore, #tpu.memory_space<semaphore_mem>>, %arg28: memref<!tpu.dma_semaphore, #tpu.memory_space<semaphore_mem>>, %arg29: memref<!tpu.dma_semaphore, #tpu.memory_space<semaphore_mem>>, %arg30: memref<!tpu.dma_semaphore, #tpu.memory_space<semaphore_mem>>, %arg31: memref<!tpu.dma_semaphore, #tpu.memory_space<semaphore_mem>>, %arg32: memref<10112x64xf32, #tpu.memory_space<vmem_shared>>) attributes {dimension_semantics = [#tpu.dimension_semantics<core_parallel>, #tpu.dimension_semantics<subcore_parallel>], iteration_bounds = array<i64: 2, 16>, scalar_prefetch = 0 : i64, scratch_operands = 27 : i64, tpu.core_type = #tpu.core_type<sc_vector_subcore>, window_params = [{transform_indices = #map}, {transform_indices = #map1}, {transform_indices = #map}, {transform_indices = #map1}]} {
    %mul3A = arith.constant 2 : i32
    %mul3A_0 = arith.muli %arg1, %mul3A : i32
    %add3A = arith.addi %mul3A_0, %arg0 : i32
    %mul3A_1 = arith.constant 632 : i32
    %mul3A_2 = arith.muli %arg1, %mul3A_1 : i32
    %dma_start3A = arith.constant 0 : i32
    %dma_start3A_3 = tpu.memref_slice %arg32[%mul3A_2, %dma_start3A] : memref<10112x64xf32, #tpu.memory_space<vmem_shared>> -> memref<632x64xf32, #tpu.memory_space<vmem_shared>>
    tpu.enqueue_dma source(%arg4 : memref<632x64xf32, #tpu.memory_space<hbm>>) target(%dma_start3A_3 : memref<632x64xf32, #tpu.memory_space<vmem_shared>>) target_semaphore(%arg31 : memref<!tpu.dma_semaphore, #tpu.memory_space<semaphore_mem>>)
    %mul3A_4 = arith.constant 80 : i32
    %mul3A_5 = arith.muli %add3A, %mul3A_4 : i32
    %run_scoped3A = arith.constant 0 : i32
    "tpu.region"() ({
      %run_scoped3A_240 = tpu.sem_alloc : memref<!tpu.dma_semaphore, #tpu.memory_space<semaphore_mem>>
      %dma_start3A_241 = arith.constant 0 : i32
      %dma_start3A_242 = tpu.memref_slice %arg3[%run_scoped3A, %mul3A_5, %dma_start3A_241] : memref<2x2560x125xi32, #tpu.memory_space<hbm>> -> memref<1x80x125xi32, #tpu.memory_space<hbm>>
      %dma_start3A_243 = tpu.memref_squeeze %dma_start3A_242 : memref<1x80x125xi32, #tpu.memory_space<hbm>> -> memref<80x125xi32, #tpu.memory_space<hbm>>
      %dma_start3A_244 = arith.constant 0 : i32
      %dma_start3A_245 = tpu.memref_slice %arg3[%run_scoped3A, %mul3A_5, %dma_start3A_244] : memref<2x2560x125xi32, #tpu.memory_space<hbm>> -> memref<1x80x125xi32, #tpu.memory_space<hbm>>
      %dma_start3A_246 = tpu.memref_squeeze %dma_start3A_245 : memref<1x80x125xi32, #tpu.memory_space<hbm>> -> memref<80x125xi32, #tpu.memory_space<hbm>>
      tpu.enqueue_dma source(%dma_start3A_246 : memref<80x125xi32, #tpu.memory_space<hbm>>) target(%arg6 : memref<80x125xi32, #tpu.memory_space<vmem>>) target_semaphore(%run_scoped3A_240 : memref<!tpu.dma_semaphore, #tpu.memory_space<semaphore_mem>>)
      %dma_wait3A_247 = arith.constant 0 : i32
      %dma_wait3A_248 = tpu.memref_slice %arg3[%run_scoped3A, %mul3A_5, %dma_wait3A_247] : memref<2x2560x125xi32, #tpu.memory_space<hbm>> -> memref<1x80x125xi32, #tpu.memory_space<hbm>>
      %dma_wait3A_249 = tpu.memref_squeeze %dma_wait3A_248 : memref<1x80x125xi32, #tpu.memory_space<hbm>> -> memref<80x125xi32, #tpu.memory_space<hbm>>
      %dma_wait3A_250 = arith.constant 0 : i32
      %dma_wait3A_251 = tpu.memref_slice %arg3[%run_scoped3A, %mul3A_5, %dma_wait3A_250] : memref<2x2560x125xi32, #tpu.memory_space<hbm>> -> memref<1x80x125xi32, #tpu.memory_space<hbm>>
      %dma_wait3A_252 = tpu.memref_squeeze %dma_wait3A_251 : memref<1x80x125xi32, #tpu.memory_space<hbm>> -> memref<80x125xi32, #tpu.memory_space<hbm>>
      tpu.wait_dma2 semaphore(%run_scoped3A_240 : memref<!tpu.dma_semaphore, #tpu.memory_space<semaphore_mem>>) src(%dma_wait3A_252 : memref<80x125xi32, #tpu.memory_space<hbm>>) dst(%arg6 : memref<80x125xi32, #tpu.memory_space<vmem>>)
      tpu.yield
    }) : () -> ()
    %mul3A_6 = arith.constant 80 : i32
    %mul3A_7 = arith.muli %add3A, %mul3A_6 : i32
    %run_scoped3A_8 = arith.constant 1 : i32
    "tpu.region"() ({
      %run_scoped3A_240 = tpu.sem_alloc : memref<!tpu.dma_semaphore, #tpu.memory_space<semaphore_mem>>
      %dma_start3A_241 = arith.constant 0 : i32
      %dma_start3A_242 = tpu.memref_slice %arg3[%run_scoped3A_8, %mul3A_7, %dma_start3A_241] : memref<2x2560x125xi32, #tpu.memory_space<hbm>> -> memref<1x80x125xi32, #tpu.memory_space<hbm>>
      %dma_start3A_243 = tpu.memref_squeeze %dma_start3A_242 : memref<1x80x125xi32, #tpu.memory_space<hbm>> -> memref<80x125xi32, #tpu.memory_space<hbm>>
      %dma_start3A_244 = arith.constant 0 : i32
      %dma_start3A_245 = tpu.memref_slice %arg3[%run_scoped3A_8, %mul3A_7, %dma_start3A_244] : memref<2x2560x125xi32, #tpu.memory_space<hbm>> -> memref<1x80x125xi32, #tpu.memory_space<hbm>>
      %dma_start3A_246 = tpu.memref_squeeze %dma_start3A_245 : memref<1x80x125xi32, #tpu.memory_space<hbm>> -> memref<80x125xi32, #tpu.memory_space<hbm>>
      tpu.enqueue_dma source(%dma_start3A_246 : memref<80x125xi32, #tpu.memory_space<hbm>>) target(%arg7 : memref<80x125xi32, #tpu.memory_space<vmem>>) target_semaphore(%run_scoped3A_240 : memref<!tpu.dma_semaphore, #tpu.memory_space<semaphore_mem>>)
      %dma_wait3A_247 = arith.constant 0 : i32
      %dma_wait3A_248 = tpu.memref_slice %arg3[%run_scoped3A_8, %mul3A_7, %dma_wait3A_247] : memref<2x2560x125xi32, #tpu.memory_space<hbm>> -> memref<1x80x125xi32, #tpu.memory_space<hbm>>
      %dma_wait3A_249 = tpu.memref_squeeze %dma_wait3A_248 : memref<1x80x125xi32, #tpu.memory_space<hbm>> -> memref<80x125xi32, #tpu.memory_space<hbm>>
      %dma_wait3A_250 = arith.constant 0 : i32
      %dma_wait3A_251 = tpu.memref_slice %arg3[%run_scoped3A_8, %mul3A_7, %dma_wait3A_250] : memref<2x2560x125xi32, #tpu.memory_space<hbm>> -> memref<1x80x125xi32, #tpu.memory_space<hbm>>
      %dma_wait3A_252 = tpu.memref_squeeze %dma_wait3A_251 : memref<1x80x125xi32, #tpu.memory_space<hbm>> -> memref<80x125xi32, #tpu.memory_space<hbm>>
      tpu.wait_dma2 semaphore(%run_scoped3A_240 : memref<!tpu.dma_semaphore, #tpu.memory_space<semaphore_mem>>) src(%dma_wait3A_252 : memref<80x125xi32, #tpu.memory_space<hbm>>) dst(%arg7 : memref<80x125xi32, #tpu.memory_space<vmem>>)
      tpu.yield
    }) : () -> ()
    %dma_start3A_9 = arith.constant 0 : i32
    %dma_start3A_10 = arith.constant 0 : i32
    %dma_start3A_11 = tpu.memref_slice %arg6[%dma_start3A_9, %dma_start3A_10] : memref<80x125xi32, #tpu.memory_space<vmem>> -> memref<1x125xi32, #tpu.memory_space<vmem>>
    %dma_start3A_12 = tpu.memref_squeeze %dma_start3A_11 : memref<1x125xi32, #tpu.memory_space<vmem>> -> memref<125xi32, #tpu.memory_space<vmem>>
    %dma_start3A_13 = arith.constant 0 : i32
    %dma_start3A_14 = arith.constant 0 : i32
    %dma_start3A_15 = tpu.memref_slice %arg2[%dma_start3A_13, %dma_start3A_14] : memref<10000x64xf32, #tpu.memory_space<hbm>> -> memref<10000x64xf32, #tpu.memory_space<hbm>>
    tpu.enqueue_indirect_dma source(%dma_start3A_15 : memref<10000x64xf32, #tpu.memory_space<hbm>>) target(%arg8 : memref<125x64xf32, #tpu.memory_space<vmem>>) offsets(%dma_start3A_12 : memref<125xi32, #tpu.memory_space<vmem>>) semaphore(%arg16 : memref<!tpu.dma_semaphore, #tpu.memory_space<semaphore_mem>>)
    %dma_start3A_16 = arith.constant 1 : i32
    %dma_start3A_17 = arith.constant 0 : i32
    %dma_start3A_18 = tpu.memref_slice %arg6[%dma_start3A_16, %dma_start3A_17] : memref<80x125xi32, #tpu.memory_space<vmem>> -> memref<1x125xi32, #tpu.memory_space<vmem>>
    %dma_start3A_19 = tpu.memref_squeeze %dma_start3A_18 : memref<1x125xi32, #tpu.memory_space<vmem>> -> memref<125xi32, #tpu.memory_space<vmem>>
    %dma_start3A_20 = arith.constant 0 : i32
    %dma_start3A_21 = arith.constant 0 : i32
    %dma_start3A_22 = tpu.memref_slice %arg2[%dma_start3A_20, %dma_start3A_21] : memref<10000x64xf32, #tpu.memory_space<hbm>> -> memref<10000x64xf32, #tpu.memory_space<hbm>>
    tpu.enqueue_indirect_dma source(%dma_start3A_22 : memref<10000x64xf32, #tpu.memory_space<hbm>>) target(%arg9 : memref<125x64xf32, #tpu.memory_space<vmem>>) offsets(%dma_start3A_19 : memref<125xi32, #tpu.memory_space<vmem>>) semaphore(%arg17 : memref<!tpu.dma_semaphore, #tpu.memory_space<semaphore_mem>>)
    %dma_start3A_23 = arith.constant 2 : i32
    %dma_start3A_24 = arith.constant 0 : i32
    %dma_start3A_25 = tpu.memref_slice %arg6[%dma_start3A_23, %dma_start3A_24] : memref<80x125xi32, #tpu.memory_space<vmem>> -> memref<1x125xi32, #tpu.memory_space<vmem>>
    %dma_start3A_26 = tpu.memref_squeeze %dma_start3A_25 : memref<1x125xi32, #tpu.memory_space<vmem>> -> memref<125xi32, #tpu.memory_space<vmem>>
    %dma_start3A_27 = arith.constant 0 : i32
    %dma_start3A_28 = arith.constant 0 : i32
    %dma_start3A_29 = tpu.memref_slice %arg2[%dma_start3A_27, %dma_start3A_28] : memref<10000x64xf32, #tpu.memory_space<hbm>> -> memref<10000x64xf32, #tpu.memory_space<hbm>>
    tpu.enqueue_indirect_dma source(%dma_start3A_29 : memref<10000x64xf32, #tpu.memory_space<hbm>>) target(%arg10 : memref<125x64xf32, #tpu.memory_space<vmem>>) offsets(%dma_start3A_26 : memref<125xi32, #tpu.memory_space<vmem>>) semaphore(%arg18 : memref<!tpu.dma_semaphore, #tpu.memory_space<semaphore_mem>>)
    %dma_start3A_30 = arith.constant 3 : i32
    %dma_start3A_31 = arith.constant 0 : i32
    %dma_start3A_32 = tpu.memref_slice %arg6[%dma_start3A_30, %dma_start3A_31] : memref<80x125xi32, #tpu.memory_space<vmem>> -> memref<1x125xi32, #tpu.memory_space<vmem>>
    %dma_start3A_33 = tpu.memref_squeeze %dma_start3A_32 : memref<1x125xi32, #tpu.memory_space<vmem>> -> memref<125xi32, #tpu.memory_space<vmem>>
    %dma_start3A_34 = arith.constant 0 : i32
    %dma_start3A_35 = arith.constant 0 : i32
    %dma_start3A_36 = tpu.memref_slice %arg2[%dma_start3A_34, %dma_start3A_35] : memref<10000x64xf32, #tpu.memory_space<hbm>> -> memref<10000x64xf32, #tpu.memory_space<hbm>>
    tpu.enqueue_indirect_dma source(%dma_start3A_36 : memref<10000x64xf32, #tpu.memory_space<hbm>>) target(%arg11 : memref<125x64xf32, #tpu.memory_space<vmem>>) offsets(%dma_start3A_33 : memref<125xi32, #tpu.memory_space<vmem>>) semaphore(%arg19 : memref<!tpu.dma_semaphore, #tpu.memory_space<semaphore_mem>>)
    %dma_start3A_37 = arith.constant 4 : i32
    %dma_start3A_38 = arith.constant 0 : i32
    %dma_start3A_39 = tpu.memref_slice %arg6[%dma_start3A_37, %dma_start3A_38] : memref<80x125xi32, #tpu.memory_space<vmem>> -> memref<1x125xi32, #tpu.memory_space<vmem>>
    %dma_start3A_40 = tpu.memref_squeeze %dma_start3A_39 : memref<1x125xi32, #tpu.memory_space<vmem>> -> memref<125xi32, #tpu.memory_space<vmem>>
    %dma_start3A_41 = arith.constant 0 : i32
    %dma_start3A_42 = arith.constant 0 : i32
    %dma_start3A_43 = tpu.memref_slice %arg2[%dma_start3A_41, %dma_start3A_42] : memref<10000x64xf32, #tpu.memory_space<hbm>> -> memref<10000x64xf32, #tpu.memory_space<hbm>>
    tpu.enqueue_indirect_dma source(%dma_start3A_43 : memref<10000x64xf32, #tpu.memory_space<hbm>>) target(%arg12 : memref<125x64xf32, #tpu.memory_space<vmem>>) offsets(%dma_start3A_40 : memref<125xi32, #tpu.memory_space<vmem>>) semaphore(%arg20 : memref<!tpu.dma_semaphore, #tpu.memory_space<semaphore_mem>>)
    %dma_start3A_44 = arith.constant 5 : i32
    %dma_start3A_45 = arith.constant 0 : i32
    %dma_start3A_46 = tpu.memref_slice %arg6[%dma_start3A_44, %dma_start3A_45] : memref<80x125xi32, #tpu.memory_space<vmem>> -> memref<1x125xi32, #tpu.memory_space<vmem>>
    %dma_start3A_47 = tpu.memref_squeeze %dma_start3A_46 : memref<1x125xi32, #tpu.memory_space<vmem>> -> memref<125xi32, #tpu.memory_space<vmem>>
    %dma_start3A_48 = arith.constant 0 : i32
    %dma_start3A_49 = arith.constant 0 : i32
    %dma_start3A_50 = tpu.memref_slice %arg2[%dma_start3A_48, %dma_start3A_49] : memref<10000x64xf32, #tpu.memory_space<hbm>> -> memref<10000x64xf32, #tpu.memory_space<hbm>>
    tpu.enqueue_indirect_dma source(%dma_start3A_50 : memref<10000x64xf32, #tpu.memory_space<hbm>>) target(%arg13 : memref<125x64xf32, #tpu.memory_space<vmem>>) offsets(%dma_start3A_47 : memref<125xi32, #tpu.memory_space<vmem>>) semaphore(%arg21 : memref<!tpu.dma_semaphore, #tpu.memory_space<semaphore_mem>>)
    %dma_start3A_51 = arith.constant 6 : i32
    %dma_start3A_52 = arith.constant 0 : i32
    %dma_start3A_53 = tpu.memref_slice %arg6[%dma_start3A_51, %dma_start3A_52] : memref<80x125xi32, #tpu.memory_space<vmem>> -> memref<1x125xi32, #tpu.memory_space<vmem>>
    %dma_start3A_54 = tpu.memref_squeeze %dma_start3A_53 : memref<1x125xi32, #tpu.memory_space<vmem>> -> memref<125xi32, #tpu.memory_space<vmem>>
    %dma_start3A_55 = arith.constant 0 : i32
    %dma_start3A_56 = arith.constant 0 : i32
    %dma_start3A_57 = tpu.memref_slice %arg2[%dma_start3A_55, %dma_start3A_56] : memref<10000x64xf32, #tpu.memory_space<hbm>> -> memref<10000x64xf32, #tpu.memory_space<hbm>>
    tpu.enqueue_indirect_dma source(%dma_start3A_57 : memref<10000x64xf32, #tpu.memory_space<hbm>>) target(%arg14 : memref<125x64xf32, #tpu.memory_space<vmem>>) offsets(%dma_start3A_54 : memref<125xi32, #tpu.memory_space<vmem>>) semaphore(%arg22 : memref<!tpu.dma_semaphore, #tpu.memory_space<semaphore_mem>>)
    %dma_start3A_58 = arith.constant 7 : i32
    %dma_start3A_59 = arith.constant 0 : i32
    %dma_start3A_60 = tpu.memref_slice %arg6[%dma_start3A_58, %dma_start3A_59] : memref<80x125xi32, #tpu.memory_space<vmem>> -> memref<1x125xi32, #tpu.memory_space<vmem>>
    %dma_start3A_61 = tpu.memref_squeeze %dma_start3A_60 : memref<1x125xi32, #tpu.memory_space<vmem>> -> memref<125xi32, #tpu.memory_space<vmem>>
    %dma_start3A_62 = arith.constant 0 : i32
    %dma_start3A_63 = arith.constant 0 : i32
    %dma_start3A_64 = tpu.memref_slice %arg2[%dma_start3A_62, %dma_start3A_63] : memref<10000x64xf32, #tpu.memory_space<hbm>> -> memref<10000x64xf32, #tpu.memory_space<hbm>>
    tpu.enqueue_indirect_dma source(%dma_start3A_64 : memref<10000x64xf32, #tpu.memory_space<hbm>>) target(%arg15 : memref<125x64xf32, #tpu.memory_space<vmem>>) offsets(%dma_start3A_61 : memref<125xi32, #tpu.memory_space<vmem>>) semaphore(%arg23 : memref<!tpu.dma_semaphore, #tpu.memory_space<semaphore_mem>>)
    %dma_wait3A = arith.constant 0 : i32
    %dma_wait3A_65 = tpu.memref_slice %arg32[%mul3A_2, %dma_wait3A] : memref<10112x64xf32, #tpu.memory_space<vmem_shared>> -> memref<632x64xf32, #tpu.memory_space<vmem_shared>>
    tpu.wait_dma2 semaphore(%arg31 : memref<!tpu.dma_semaphore, #tpu.memory_space<semaphore_mem>>) src(%arg4 : memref<632x64xf32, #tpu.memory_space<hbm>>) dst(%dma_wait3A_65 : memref<632x64xf32, #tpu.memory_space<vmem_shared>>)
    %barrier3A = arith.constant 0 : index
    tpu.barrier barrier_id(%barrier3A)
    %dma_wait3A_66 = arith.constant 0 : i32
    %dma_wait3A_67 = arith.constant 0 : i32
    %dma_wait3A_68 = tpu.memref_slice %arg6[%dma_wait3A_66, %dma_wait3A_67] : memref<80x125xi32, #tpu.memory_space<vmem>> -> memref<1x125xi32, #tpu.memory_space<vmem>>
    %dma_wait3A_69 = tpu.memref_squeeze %dma_wait3A_68 : memref<1x125xi32, #tpu.memory_space<vmem>> -> memref<125xi32, #tpu.memory_space<vmem>>
    %dma_wait3A_70 = arith.constant 0 : i32
    %dma_wait3A_71 = arith.constant 0 : i32
    %dma_wait3A_72 = tpu.memref_slice %arg2[%dma_wait3A_70, %dma_wait3A_71] : memref<10000x64xf32, #tpu.memory_space<hbm>> -> memref<10000x64xf32, #tpu.memory_space<hbm>>
    tpu.wait_indirect_dma semaphore(%arg16 : memref<!tpu.dma_semaphore, #tpu.memory_space<semaphore_mem>>) src(%dma_wait3A_72 : memref<10000x64xf32, #tpu.memory_space<hbm>>) dst(%arg8 : memref<125x64xf32, #tpu.memory_space<vmem>>)
    %dma_start3A_73 = arith.constant 0 : i32
    %dma_start3A_74 = arith.constant 0 : i32
    %dma_start3A_75 = tpu.memref_slice %arg7[%dma_start3A_73, %dma_start3A_74] : memref<80x125xi32, #tpu.memory_space<vmem>> -> memref<1x125xi32, #tpu.memory_space<vmem>>
    %dma_start3A_76 = tpu.memref_squeeze %dma_start3A_75 : memref<1x125xi32, #tpu.memory_space<vmem>> -> memref<125xi32, #tpu.memory_space<vmem>>
    %dma_start3A_77 = arith.constant 0 : i32
    %dma_start3A_78 = arith.constant 0 : i32
    %dma_start3A_79 = tpu.memref_slice %arg32[%dma_start3A_77, %dma_start3A_78] : memref<10112x64xf32, #tpu.memory_space<vmem_shared>> -> memref<10112x64xf32, #tpu.memory_space<vmem_shared>>
    tpu.enqueue_indirect_dma source(%arg8 : memref<125x64xf32, #tpu.memory_space<vmem>>) target(%dma_start3A_79 : memref<10112x64xf32, #tpu.memory_space<vmem_shared>>) offsets(%dma_start3A_76 : memref<125xi32, #tpu.memory_space<vmem>>) semaphore(%arg24 : memref<!tpu.dma_semaphore, #tpu.memory_space<semaphore_mem>>) {add = true}
    %dma_wait3A_80 = arith.constant 1 : i32
    %dma_wait3A_81 = arith.constant 0 : i32
    %dma_wait3A_82 = tpu.memref_slice %arg6[%dma_wait3A_80, %dma_wait3A_81] : memref<80x125xi32, #tpu.memory_space<vmem>> -> memref<1x125xi32, #tpu.memory_space<vmem>>
    %dma_wait3A_83 = tpu.memref_squeeze %dma_wait3A_82 : memref<1x125xi32, #tpu.memory_space<vmem>> -> memref<125xi32, #tpu.memory_space<vmem>>
    %dma_wait3A_84 = arith.constant 0 : i32
    %dma_wait3A_85 = arith.constant 0 : i32
    %dma_wait3A_86 = tpu.memref_slice %arg2[%dma_wait3A_84, %dma_wait3A_85] : memref<10000x64xf32, #tpu.memory_space<hbm>> -> memref<10000x64xf32, #tpu.memory_space<hbm>>
    tpu.wait_indirect_dma semaphore(%arg17 : memref<!tpu.dma_semaphore, #tpu.memory_space<semaphore_mem>>) src(%dma_wait3A_86 : memref<10000x64xf32, #tpu.memory_space<hbm>>) dst(%arg9 : memref<125x64xf32, #tpu.memory_space<vmem>>)
    %dma_start3A_87 = arith.constant 1 : i32
    %dma_start3A_88 = arith.constant 0 : i32
    %dma_start3A_89 = tpu.memref_slice %arg7[%dma_start3A_87, %dma_start3A_88] : memref<80x125xi32, #tpu.memory_space<vmem>> -> memref<1x125xi32, #tpu.memory_space<vmem>>
    %dma_start3A_90 = tpu.memref_squeeze %dma_start3A_89 : memref<1x125xi32, #tpu.memory_space<vmem>> -> memref<125xi32, #tpu.memory_space<vmem>>
    %dma_start3A_91 = arith.constant 0 : i32
    %dma_start3A_92 = arith.constant 0 : i32
    %dma_start3A_93 = tpu.memref_slice %arg32[%dma_start3A_91, %dma_start3A_92] : memref<10112x64xf32, #tpu.memory_space<vmem_shared>> -> memref<10112x64xf32, #tpu.memory_space<vmem_shared>>
    tpu.enqueue_indirect_dma source(%arg9 : memref<125x64xf32, #tpu.memory_space<vmem>>) target(%dma_start3A_93 : memref<10112x64xf32, #tpu.memory_space<vmem_shared>>) offsets(%dma_start3A_90 : memref<125xi32, #tpu.memory_space<vmem>>) semaphore(%arg25 : memref<!tpu.dma_semaphore, #tpu.memory_space<semaphore_mem>>) {add = true}
    %dma_wait3A_94 = arith.constant 2 : i32
    %dma_wait3A_95 = arith.constant 0 : i32
    %dma_wait3A_96 = tpu.memref_slice %arg6[%dma_wait3A_94, %dma_wait3A_95] : memref<80x125xi32, #tpu.memory_space<vmem>> -> memref<1x125xi32, #tpu.memory_space<vmem>>
    %dma_wait3A_97 = tpu.memref_squeeze %dma_wait3A_96 : memref<1x125xi32, #tpu.memory_space<vmem>> -> memref<125xi32, #tpu.memory_space<vmem>>
    %dma_wait3A_98 = arith.constant 0 : i32
    %dma_wait3A_99 = arith.constant 0 : i32
    %dma_wait3A_100 = tpu.memref_slice %arg2[%dma_wait3A_98, %dma_wait3A_99] : memref<10000x64xf32, #tpu.memory_space<hbm>> -> memref<10000x64xf32, #tpu.memory_space<hbm>>
    tpu.wait_indirect_dma semaphore(%arg18 : memref<!tpu.dma_semaphore, #tpu.memory_space<semaphore_mem>>) src(%dma_wait3A_100 : memref<10000x64xf32, #tpu.memory_space<hbm>>) dst(%arg10 : memref<125x64xf32, #tpu.memory_space<vmem>>)
    %dma_start3A_101 = arith.constant 2 : i32
    %dma_start3A_102 = arith.constant 0 : i32
    %dma_start3A_103 = tpu.memref_slice %arg7[%dma_start3A_101, %dma_start3A_102] : memref<80x125xi32, #tpu.memory_space<vmem>> -> memref<1x125xi32, #tpu.memory_space<vmem>>
    %dma_start3A_104 = tpu.memref_squeeze %dma_start3A_103 : memref<1x125xi32, #tpu.memory_space<vmem>> -> memref<125xi32, #tpu.memory_space<vmem>>
    %dma_start3A_105 = arith.constant 0 : i32
    %dma_start3A_106 = arith.constant 0 : i32
    %dma_start3A_107 = tpu.memref_slice %arg32[%dma_start3A_105, %dma_start3A_106] : memref<10112x64xf32, #tpu.memory_space<vmem_shared>> -> memref<10112x64xf32, #tpu.memory_space<vmem_shared>>
    tpu.enqueue_indirect_dma source(%arg10 : memref<125x64xf32, #tpu.memory_space<vmem>>) target(%dma_start3A_107 : memref<10112x64xf32, #tpu.memory_space<vmem_shared>>) offsets(%dma_start3A_104 : memref<125xi32, #tpu.memory_space<vmem>>) semaphore(%arg26 : memref<!tpu.dma_semaphore, #tpu.memory_space<semaphore_mem>>) {add = true}
    %dma_wait3A_108 = arith.constant 3 : i32
    %dma_wait3A_109 = arith.constant 0 : i32
    %dma_wait3A_110 = tpu.memref_slice %arg6[%dma_wait3A_108, %dma_wait3A_109] : memref<80x125xi32, #tpu.memory_space<vmem>> -> memref<1x125xi32, #tpu.memory_space<vmem>>
    %dma_wait3A_111 = tpu.memref_squeeze %dma_wait3A_110 : memref<1x125xi32, #tpu.memory_space<vmem>> -> memref<125xi32, #tpu.memory_space<vmem>>
    %dma_wait3A_112 = arith.constant 0 : i32
    %dma_wait3A_113 = arith.constant 0 : i32
    %dma_wait3A_114 = tpu.memref_slice %arg2[%dma_wait3A_112, %dma_wait3A_113] : memref<10000x64xf32, #tpu.memory_space<hbm>> -> memref<10000x64xf32, #tpu.memory_space<hbm>>
    tpu.wait_indirect_dma semaphore(%arg19 : memref<!tpu.dma_semaphore, #tpu.memory_space<semaphore_mem>>) src(%dma_wait3A_114 : memref<10000x64xf32, #tpu.memory_space<hbm>>) dst(%arg11 : memref<125x64xf32, #tpu.memory_space<vmem>>)
    %dma_start3A_115 = arith.constant 3 : i32
    %dma_start3A_116 = arith.constant 0 : i32
    %dma_start3A_117 = tpu.memref_slice %arg7[%dma_start3A_115, %dma_start3A_116] : memref<80x125xi32, #tpu.memory_space<vmem>> -> memref<1x125xi32, #tpu.memory_space<vmem>>
    %dma_start3A_118 = tpu.memref_squeeze %dma_start3A_117 : memref<1x125xi32, #tpu.memory_space<vmem>> -> memref<125xi32, #tpu.memory_space<vmem>>
    %dma_start3A_119 = arith.constant 0 : i32
    %dma_start3A_120 = arith.constant 0 : i32
    %dma_start3A_121 = tpu.memref_slice %arg32[%dma_start3A_119, %dma_start3A_120] : memref<10112x64xf32, #tpu.memory_space<vmem_shared>> -> memref<10112x64xf32, #tpu.memory_space<vmem_shared>>
    tpu.enqueue_indirect_dma source(%arg11 : memref<125x64xf32, #tpu.memory_space<vmem>>) target(%dma_start3A_121 : memref<10112x64xf32, #tpu.memory_space<vmem_shared>>) offsets(%dma_start3A_118 : memref<125xi32, #tpu.memory_space<vmem>>) semaphore(%arg27 : memref<!tpu.dma_semaphore, #tpu.memory_space<semaphore_mem>>) {add = true}
    %scan3A = arith.constant 0 : i32
    %scan3A_122 = arith.constant 0 : i32
    %scan3A_123 = arith.constant 9 : i32
    %scan3A_124 = arith.addi %scan3A_122, %scan3A_123 : i32
    %scan3A_125 = arith.constant 1 : i32
    scf.for %scan3A_240 = %scan3A_122 to %scan3A_124 step %scan3A_125  : i32 {
      %mul3A_241 = arith.constant 8 : i32
      %mul3A_242 = arith.muli %mul3A_241, %scan3A_240 : i32
      %add3A_243 = arith.constant 4 : i32
      %add3A_244 = arith.addi %add3A_243, %mul3A_242 : i32
      %add3A_245 = arith.constant 0 : i32
      %add3A_246 = arith.addi %add3A_244, %add3A_245 : i32
      %sub3A = arith.constant 4 : i32
      %sub3A_247 = arith.subi %add3A_246, %sub3A : i32
      %dma_wait3A_248 = arith.constant 0 : i32
      %dma_wait3A_249 = tpu.memref_slice %arg7[%sub3A_247, %dma_wait3A_248] : memref<80x125xi32, #tpu.memory_space<vmem>> -> memref<1x125xi32, #tpu.memory_space<vmem>>
      %dma_wait3A_250 = tpu.memref_squeeze %dma_wait3A_249 : memref<1x125xi32, #tpu.memory_space<vmem>> -> memref<125xi32, #tpu.memory_space<vmem>>
      %dma_wait3A_251 = arith.constant 0 : i32
      %dma_wait3A_252 = arith.constant 0 : i32
      %dma_wait3A_253 = tpu.memref_slice %arg32[%dma_wait3A_251, %dma_wait3A_252] : memref<10112x64xf32, #tpu.memory_space<vmem_shared>> -> memref<10112x64xf32, #tpu.memory_space<vmem_shared>>
      tpu.wait_indirect_dma semaphore(%arg24 : memref<!tpu.dma_semaphore, #tpu.memory_space<semaphore_mem>>) src(%arg8 : memref<125x64xf32, #tpu.memory_space<vmem>>) dst(%dma_wait3A_253 : memref<10112x64xf32, #tpu.memory_space<vmem_shared>>)
      %add3A_254 = arith.constant 4 : i32
      %add3A_255 = arith.addi %add3A_246, %add3A_254 : i32
      %dma_start3A_256 = arith.constant 0 : i32
      %dma_start3A_257 = tpu.memref_slice %arg6[%add3A_255, %dma_start3A_256] : memref<80x125xi32, #tpu.memory_space<vmem>> -> memref<1x125xi32, #tpu.memory_space<vmem>>
      %dma_start3A_258 = tpu.memref_squeeze %dma_start3A_257 : memref<1x125xi32, #tpu.memory_space<vmem>> -> memref<125xi32, #tpu.memory_space<vmem>>
      %dma_start3A_259 = arith.constant 0 : i32
      %dma_start3A_260 = arith.constant 0 : i32
      %dma_start3A_261 = tpu.memref_slice %arg2[%dma_start3A_259, %dma_start3A_260] : memref<10000x64xf32, #tpu.memory_space<hbm>> -> memref<10000x64xf32, #tpu.memory_space<hbm>>
      tpu.enqueue_indirect_dma source(%dma_start3A_261 : memref<10000x64xf32, #tpu.memory_space<hbm>>) target(%arg8 : memref<125x64xf32, #tpu.memory_space<vmem>>) offsets(%dma_start3A_258 : memref<125xi32, #tpu.memory_space<vmem>>) semaphore(%arg16 : memref<!tpu.dma_semaphore, #tpu.memory_space<semaphore_mem>>)
      %dma_wait3A_262 = arith.constant 0 : i32
      %dma_wait3A_263 = tpu.memref_slice %arg6[%add3A_246, %dma_wait3A_262] : memref<80x125xi32, #tpu.memory_space<vmem>> -> memref<1x125xi32, #tpu.memory_space<vmem>>
      %dma_wait3A_264 = tpu.memref_squeeze %dma_wait3A_263 : memref<1x125xi32, #tpu.memory_space<vmem>> -> memref<125xi32, #tpu.memory_space<vmem>>
      %dma_wait3A_265 = arith.constant 0 : i32
      %dma_wait3A_266 = arith.constant 0 : i32
      %dma_wait3A_267 = tpu.memref_slice %arg2[%dma_wait3A_265, %dma_wait3A_266] : memref<10000x64xf32, #tpu.memory_space<hbm>> -> memref<10000x64xf32, #tpu.memory_space<hbm>>
      tpu.wait_indirect_dma semaphore(%arg20 : memref<!tpu.dma_semaphore, #tpu.memory_space<semaphore_mem>>) src(%dma_wait3A_267 : memref<10000x64xf32, #tpu.memory_space<hbm>>) dst(%arg12 : memref<125x64xf32, #tpu.memory_space<vmem>>)
      %dma_start3A_268 = arith.constant 0 : i32
      %dma_start3A_269 = tpu.memref_slice %arg7[%add3A_246, %dma_start3A_268] : memref<80x125xi32, #tpu.memory_space<vmem>> -> memref<1x125xi32, #tpu.memory_space<vmem>>
      %dma_start3A_270 = tpu.memref_squeeze %dma_start3A_269 : memref<1x125xi32, #tpu.memory_space<vmem>> -> memref<125xi32, #tpu.memory_space<vmem>>
      %dma_start3A_271 = arith.constant 0 : i32
      %dma_start3A_272 = arith.constant 0 : i32
      %dma_start3A_273 = tpu.memref_slice %arg32[%dma_start3A_271, %dma_start3A_272] : memref<10112x64xf32, #tpu.memory_space<vmem_shared>> -> memref<10112x64xf32, #tpu.memory_space<vmem_shared>>
      tpu.enqueue_indirect_dma source(%arg12 : memref<125x64xf32, #tpu.memory_space<vmem>>) target(%dma_start3A_273 : memref<10112x64xf32, #tpu.memory_space<vmem_shared>>) offsets(%dma_start3A_270 : memref<125xi32, #tpu.memory_space<vmem>>) semaphore(%arg28 : memref<!tpu.dma_semaphore, #tpu.memory_space<semaphore_mem>>) {add = true}
      %add3A_274 = arith.constant 1 : i32
      %add3A_275 = arith.addi %add3A_244, %add3A_274 : i32
      %sub3A_276 = arith.constant 4 : i32
      %sub3A_277 = arith.subi %add3A_275, %sub3A_276 : i32
      %dma_wait3A_278 = arith.constant 0 : i32
      %dma_wait3A_279 = tpu.memref_slice %arg7[%sub3A_277, %dma_wait3A_278] : memref<80x125xi32, #tpu.memory_space<vmem>> -> memref<1x125xi32, #tpu.memory_space<vmem>>
      %dma_wait3A_280 = tpu.memref_squeeze %dma_wait3A_279 : memref<1x125xi32, #tpu.memory_space<vmem>> -> memref<125xi32, #tpu.memory_space<vmem>>
      %dma_wait3A_281 = arith.constant 0 : i32
      %dma_wait3A_282 = arith.constant 0 : i32
      %dma_wait3A_283 = tpu.memref_slice %arg32[%dma_wait3A_281, %dma_wait3A_282] : memref<10112x64xf32, #tpu.memory_space<vmem_shared>> -> memref<10112x64xf32, #tpu.memory_space<vmem_shared>>
      tpu.wait_indirect_dma semaphore(%arg25 : memref<!tpu.dma_semaphore, #tpu.memory_space<semaphore_mem>>) src(%arg9 : memref<125x64xf32, #tpu.memory_space<vmem>>) dst(%dma_wait3A_283 : memref<10112x64xf32, #tpu.memory_space<vmem_shared>>)
      %add3A_284 = arith.constant 4 : i32
      %add3A_285 = arith.addi %add3A_275, %add3A_284 : i32
      %dma_start3A_286 = arith.constant 0 : i32
      %dma_start3A_287 = tpu.memref_slice %arg6[%add3A_285, %dma_start3A_286] : memref<80x125xi32, #tpu.memory_space<vmem>> -> memref<1x125xi32, #tpu.memory_space<vmem>>
      %dma_start3A_288 = tpu.memref_squeeze %dma_start3A_287 : memref<1x125xi32, #tpu.memory_space<vmem>> -> memref<125xi32, #tpu.memory_space<vmem>>
      %dma_start3A_289 = arith.constant 0 : i32
      %dma_start3A_290 = arith.constant 0 : i32
      %dma_start3A_291 = tpu.memref_slice %arg2[%dma_start3A_289, %dma_start3A_290] : memref<10000x64xf32, #tpu.memory_space<hbm>> -> memref<10000x64xf32, #tpu.memory_space<hbm>>
      tpu.enqueue_indirect_dma source(%dma_start3A_291 : memref<10000x64xf32, #tpu.memory_space<hbm>>) target(%arg9 : memref<125x64xf32, #tpu.memory_space<vmem>>) offsets(%dma_start3A_288 : memref<125xi32, #tpu.memory_space<vmem>>) semaphore(%arg17 : memref<!tpu.dma_semaphore, #tpu.memory_space<semaphore_mem>>)
      %dma_wait3A_292 = arith.constant 0 : i32
      %dma_wait3A_293 = tpu.memref_slice %arg6[%add3A_275, %dma_wait3A_292] : memref<80x125xi32, #tpu.memory_space<vmem>> -> memref<1x125xi32, #tpu.memory_space<vmem>>
      %dma_wait3A_294 = tpu.memref_squeeze %dma_wait3A_293 : memref<1x125xi32, #tpu.memory_space<vmem>> -> memref<125xi32, #tpu.memory_space<vmem>>
      %dma_wait3A_295 = arith.constant 0 : i32
      %dma_wait3A_296 = arith.constant 0 : i32
      %dma_wait3A_297 = tpu.memref_slice %arg2[%dma_wait3A_295, %dma_wait3A_296] : memref<10000x64xf32, #tpu.memory_space<hbm>> -> memref<10000x64xf32, #tpu.memory_space<hbm>>
      tpu.wait_indirect_dma semaphore(%arg21 : memref<!tpu.dma_semaphore, #tpu.memory_space<semaphore_mem>>) src(%dma_wait3A_297 : memref<10000x64xf32, #tpu.memory_space<hbm>>) dst(%arg13 : memref<125x64xf32, #tpu.memory_space<vmem>>)
      %dma_start3A_298 = arith.constant 0 : i32
      %dma_start3A_299 = tpu.memref_slice %arg7[%add3A_275, %dma_start3A_298] : memref<80x125xi32, #tpu.memory_space<vmem>> -> memref<1x125xi32, #tpu.memory_space<vmem>>
      %dma_start3A_300 = tpu.memref_squeeze %dma_start3A_299 : memref<1x125xi32, #tpu.memory_space<vmem>> -> memref<125xi32, #tpu.memory_space<vmem>>
      %dma_start3A_301 = arith.constant 0 : i32
      %dma_start3A_302 = arith.constant 0 : i32
      %dma_start3A_303 = tpu.memref_slice %arg32[%dma_start3A_301, %dma_start3A_302] : memref<10112x64xf32, #tpu.memory_space<vmem_shared>> -> memref<10112x64xf32, #tpu.memory_space<vmem_shared>>
      tpu.enqueue_indirect_dma source(%arg13 : memref<125x64xf32, #tpu.memory_space<vmem>>) target(%dma_start3A_303 : memref<10112x64xf32, #tpu.memory_space<vmem_shared>>) offsets(%dma_start3A_300 : memref<125xi32, #tpu.memory_space<vmem>>) semaphore(%arg29 : memref<!tpu.dma_semaphore, #tpu.memory_space<semaphore_mem>>) {add = true}
      %add3A_304 = arith.constant 2 : i32
      %add3A_305 = arith.addi %add3A_244, %add3A_304 : i32
      %sub3A_306 = arith.constant 4 : i32
      %sub3A_307 = arith.subi %add3A_305, %sub3A_306 : i32
      %dma_wait3A_308 = arith.constant 0 : i32
      %dma_wait3A_309 = tpu.memref_slice %arg7[%sub3A_307, %dma_wait3A_308] : memref<80x125xi32, #tpu.memory_space<vmem>> -> memref<1x125xi32, #tpu.memory_space<vmem>>
      %dma_wait3A_310 = tpu.memref_squeeze %dma_wait3A_309 : memref<1x125xi32, #tpu.memory_space<vmem>> -> memref<125xi32, #tpu.memory_space<vmem>>
      %dma_wait3A_311 = arith.constant 0 : i32
      %dma_wait3A_312 = arith.constant 0 : i32
      %dma_wait3A_313 = tpu.memref_slice %arg32[%dma_wait3A_311, %dma_wait3A_312] : memref<10112x64xf32, #tpu.memory_space<vmem_shared>> -> memref<10112x64xf32, #tpu.memory_space<vmem_shared>>
      tpu.wait_indirect_dma semaphore(%arg26 : memref<!tpu.dma_semaphore, #tpu.memory_space<semaphore_mem>>) src(%arg10 : memref<125x64xf32, #tpu.memory_space<vmem>>) dst(%dma_wait3A_313 : memref<10112x64xf32, #tpu.memory_space<vmem_shared>>)
      %add3A_314 = arith.constant 4 : i32
      %add3A_315 = arith.addi %add3A_305, %add3A_314 : i32
      %dma_start3A_316 = arith.constant 0 : i32
      %dma_start3A_317 = tpu.memref_slice %arg6[%add3A_315, %dma_start3A_316] : memref<80x125xi32, #tpu.memory_space<vmem>> -> memref<1x125xi32, #tpu.memory_space<vmem>>
      %dma_start3A_318 = tpu.memref_squeeze %dma_start3A_317 : memref<1x125xi32, #tpu.memory_space<vmem>> -> memref<125xi32, #tpu.memory_space<vmem>>
      %dma_start3A_319 = arith.constant 0 : i32
      %dma_start3A_320 = arith.constant 0 : i32
      %dma_start3A_321 = tpu.memref_slice %arg2[%dma_start3A_319, %dma_start3A_320] : memref<10000x64xf32, #tpu.memory_space<hbm>> -> memref<10000x64xf32, #tpu.memory_space<hbm>>
      tpu.enqueue_indirect_dma source(%dma_start3A_321 : memref<10000x64xf32, #tpu.memory_space<hbm>>) target(%arg10 : memref<125x64xf32, #tpu.memory_space<vmem>>) offsets(%dma_start3A_318 : memref<125xi32, #tpu.memory_space<vmem>>) semaphore(%arg18 : memref<!tpu.dma_semaphore, #tpu.memory_space<semaphore_mem>>)
      %dma_wait3A_322 = arith.constant 0 : i32
      %dma_wait3A_323 = tpu.memref_slice %arg6[%add3A_305, %dma_wait3A_322] : memref<80x125xi32, #tpu.memory_space<vmem>> -> memref<1x125xi32, #tpu.memory_space<vmem>>
      %dma_wait3A_324 = tpu.memref_squeeze %dma_wait3A_323 : memref<1x125xi32, #tpu.memory_space<vmem>> -> memref<125xi32, #tpu.memory_space<vmem>>
      %dma_wait3A_325 = arith.constant 0 : i32
      %dma_wait3A_326 = arith.constant 0 : i32
      %dma_wait3A_327 = tpu.memref_slice %arg2[%dma_wait3A_325, %dma_wait3A_326] : memref<10000x64xf32, #tpu.memory_space<hbm>> -> memref<10000x64xf32, #tpu.memory_space<hbm>>
      tpu.wait_indirect_dma semaphore(%arg22 : memref<!tpu.dma_semaphore, #tpu.memory_space<semaphore_mem>>) src(%dma_wait3A_327 : memref<10000x64xf32, #tpu.memory_space<hbm>>) dst(%arg14 : memref<125x64xf32, #tpu.memory_space<vmem>>)
      %dma_start3A_328 = arith.constant 0 : i32
      %dma_start3A_329 = tpu.memref_slice %arg7[%add3A_305, %dma_start3A_328] : memref<80x125xi32, #tpu.memory_space<vmem>> -> memref<1x125xi32, #tpu.memory_space<vmem>>
      %dma_start3A_330 = tpu.memref_squeeze %dma_start3A_329 : memref<1x125xi32, #tpu.memory_space<vmem>> -> memref<125xi32, #tpu.memory_space<vmem>>
      %dma_start3A_331 = arith.constant 0 : i32
      %dma_start3A_332 = arith.constant 0 : i32
      %dma_start3A_333 = tpu.memref_slice %arg32[%dma_start3A_331, %dma_start3A_332] : memref<10112x64xf32, #tpu.memory_space<vmem_shared>> -> memref<10112x64xf32, #tpu.memory_space<vmem_shared>>
      tpu.enqueue_indirect_dma source(%arg14 : memref<125x64xf32, #tpu.memory_space<vmem>>) target(%dma_start3A_333 : memref<10112x64xf32, #tpu.memory_space<vmem_shared>>) offsets(%dma_start3A_330 : memref<125xi32, #tpu.memory_space<vmem>>) semaphore(%arg30 : memref<!tpu.dma_semaphore, #tpu.memory_space<semaphore_mem>>) {add = true}
      %add3A_334 = arith.constant 3 : i32
      %add3A_335 = arith.addi %add3A_244, %add3A_334 : i32
      %sub3A_336 = arith.constant 4 : i32
      %sub3A_337 = arith.subi %add3A_335, %sub3A_336 : i32
      %dma_wait3A_338 = arith.constant 0 : i32
      %dma_wait3A_339 = tpu.memref_slice %arg7[%sub3A_337, %dma_wait3A_338] : memref<80x125xi32, #tpu.memory_space<vmem>> -> memref<1x125xi32, #tpu.memory_space<vmem>>
      %dma_wait3A_340 = tpu.memref_squeeze %dma_wait3A_339 : memref<1x125xi32, #tpu.memory_space<vmem>> -> memref<125xi32, #tpu.memory_space<vmem>>
      %dma_wait3A_341 = arith.constant 0 : i32
      %dma_wait3A_342 = arith.constant 0 : i32
      %dma_wait3A_343 = tpu.memref_slice %arg32[%dma_wait3A_341, %dma_wait3A_342] : memref<10112x64xf32, #tpu.memory_space<vmem_shared>> -> memref<10112x64xf32, #tpu.memory_space<vmem_shared>>
      tpu.wait_indirect_dma semaphore(%arg27 : memref<!tpu.dma_semaphore, #tpu.memory_space<semaphore_mem>>) src(%arg11 : memref<125x64xf32, #tpu.memory_space<vmem>>) dst(%dma_wait3A_343 : memref<10112x64xf32, #tpu.memory_space<vmem_shared>>)
      %add3A_344 = arith.constant 4 : i32
      %add3A_345 = arith.addi %add3A_335, %add3A_344 : i32
      %dma_start3A_346 = arith.constant 0 : i32
      %dma_start3A_347 = tpu.memref_slice %arg6[%add3A_345, %dma_start3A_346] : memref<80x125xi32, #tpu.memory_space<vmem>> -> memref<1x125xi32, #tpu.memory_space<vmem>>
      %dma_start3A_348 = tpu.memref_squeeze %dma_start3A_347 : memref<1x125xi32, #tpu.memory_space<vmem>> -> memref<125xi32, #tpu.memory_space<vmem>>
      %dma_start3A_349 = arith.constant 0 : i32
      %dma_start3A_350 = arith.constant 0 : i32
      %dma_start3A_351 = tpu.memref_slice %arg2[%dma_start3A_349, %dma_start3A_350] : memref<10000x64xf32, #tpu.memory_space<hbm>> -> memref<10000x64xf32, #tpu.memory_space<hbm>>
      tpu.enqueue_indirect_dma source(%dma_start3A_351 : memref<10000x64xf32, #tpu.memory_space<hbm>>) target(%arg11 : memref<125x64xf32, #tpu.memory_space<vmem>>) offsets(%dma_start3A_348 : memref<125xi32, #tpu.memory_space<vmem>>) semaphore(%arg19 : memref<!tpu.dma_semaphore, #tpu.memory_space<semaphore_mem>>)
      %dma_wait3A_352 = arith.constant 0 : i32
      %dma_wait3A_353 = tpu.memref_slice %arg6[%add3A_335, %dma_wait3A_352] : memref<80x125xi32, #tpu.memory_space<vmem>> -> memref<1x125xi32, #tpu.memory_space<vmem>>
      %dma_wait3A_354 = tpu.memref_squeeze %dma_wait3A_353 : memref<1x125xi32, #tpu.memory_space<vmem>> -> memref<125xi32, #tpu.memory_space<vmem>>
      %dma_wait3A_355 = arith.constant 0 : i32
      %dma_wait3A_356 = arith.constant 0 : i32
      %dma_wait3A_357 = tpu.memref_slice %arg2[%dma_wait3A_355, %dma_wait3A_356] : memref<10000x64xf32, #tpu.memory_space<hbm>> -> memref<10000x64xf32, #tpu.memory_space<hbm>>
      tpu.wait_indirect_dma semaphore(%arg23 : memref<!tpu.dma_semaphore, #tpu.memory_space<semaphore_mem>>) src(%dma_wait3A_357 : memref<10000x64xf32, #tpu.memory_space<hbm>>) dst(%arg15 : memref<125x64xf32, #tpu.memory_space<vmem>>)
      %dma_start3A_358 = arith.constant 0 : i32
      %dma_start3A_359 = tpu.memref_slice %arg7[%add3A_335, %dma_start3A_358] : memref<80x125xi32, #tpu.memory_space<vmem>> -> memref<1x125xi32, #tpu.memory_space<vmem>>
      %dma_start3A_360 = tpu.memref_squeeze %dma_start3A_359 : memref<1x125xi32, #tpu.memory_space<vmem>> -> memref<125xi32, #tpu.memory_space<vmem>>
      %dma_start3A_361 = arith.constant 0 : i32
      %dma_start3A_362 = arith.constant 0 : i32
      %dma_start3A_363 = tpu.memref_slice %arg32[%dma_start3A_361, %dma_start3A_362] : memref<10112x64xf32, #tpu.memory_space<vmem_shared>> -> memref<10112x64xf32, #tpu.memory_space<vmem_shared>>
      tpu.enqueue_indirect_dma source(%arg15 : memref<125x64xf32, #tpu.memory_space<vmem>>) target(%dma_start3A_363 : memref<10112x64xf32, #tpu.memory_space<vmem_shared>>) offsets(%dma_start3A_360 : memref<125xi32, #tpu.memory_space<vmem>>) semaphore(%arg31 : memref<!tpu.dma_semaphore, #tpu.memory_space<semaphore_mem>>) {add = true}
      %add3A_364 = arith.constant 4 : i32
      %add3A_365 = arith.addi %add3A_244, %add3A_364 : i32
      %sub3A_366 = arith.constant 4 : i32
      %sub3A_367 = arith.subi %add3A_365, %sub3A_366 : i32
      %dma_wait3A_368 = arith.constant 0 : i32
      %dma_wait3A_369 = tpu.memref_slice %arg7[%sub3A_367, %dma_wait3A_368] : memref<80x125xi32, #tpu.memory_space<vmem>> -> memref<1x125xi32, #tpu.memory_space<vmem>>
      %dma_wait3A_370 = tpu.memref_squeeze %dma_wait3A_369 : memref<1x125xi32, #tpu.memory_space<vmem>> -> memref<125xi32, #tpu.memory_space<vmem>>
      %dma_wait3A_371 = arith.constant 0 : i32
      %dma_wait3A_372 = arith.constant 0 : i32
      %dma_wait3A_373 = tpu.memref_slice %arg32[%dma_wait3A_371, %dma_wait3A_372] : memref<10112x64xf32, #tpu.memory_space<vmem_shared>> -> memref<10112x64xf32, #tpu.memory_space<vmem_shared>>
      tpu.wait_indirect_dma semaphore(%arg28 : memref<!tpu.dma_semaphore, #tpu.memory_space<semaphore_mem>>) src(%arg12 : memref<125x64xf32, #tpu.memory_space<vmem>>) dst(%dma_wait3A_373 : memref<10112x64xf32, #tpu.memory_space<vmem_shared>>)
      %add3A_374 = arith.constant 4 : i32
      %add3A_375 = arith.addi %add3A_365, %add3A_374 : i32
      %dma_start3A_376 = arith.constant 0 : i32
      %dma_start3A_377 = tpu.memref_slice %arg6[%add3A_375, %dma_start3A_376] : memref<80x125xi32, #tpu.memory_space<vmem>> -> memref<1x125xi32, #tpu.memory_space<vmem>>
      %dma_start3A_378 = tpu.memref_squeeze %dma_start3A_377 : memref<1x125xi32, #tpu.memory_space<vmem>> -> memref<125xi32, #tpu.memory_space<vmem>>
      %dma_start3A_379 = arith.constant 0 : i32
      %dma_start3A_380 = arith.constant 0 : i32
      %dma_start3A_381 = tpu.memref_slice %arg2[%dma_start3A_379, %dma_start3A_380] : memref<10000x64xf32, #tpu.memory_space<hbm>> -> memref<10000x64xf32, #tpu.memory_space<hbm>>
      tpu.enqueue_indirect_dma source(%dma_start3A_381 : memref<10000x64xf32, #tpu.memory_space<hbm>>) target(%arg12 : memref<125x64xf32, #tpu.memory_space<vmem>>) offsets(%dma_start3A_378 : memref<125xi32, #tpu.memory_space<vmem>>) semaphore(%arg20 : memref<!tpu.dma_semaphore, #tpu.memory_space<semaphore_mem>>)
      %dma_wait3A_382 = arith.constant 0 : i32
      %dma_wait3A_383 = tpu.memref_slice %arg6[%add3A_365, %dma_wait3A_382] : memref<80x125xi32, #tpu.memory_space<vmem>> -> memref<1x125xi32, #tpu.memory_space<vmem>>
      %dma_wait3A_384 = tpu.memref_squeeze %dma_wait3A_383 : memref<1x125xi32, #tpu.memory_space<vmem>> -> memref<125xi32, #tpu.memory_space<vmem>>
      %dma_wait3A_385 = arith.constant 0 : i32
      %dma_wait3A_386 = arith.constant 0 : i32
      %dma_wait3A_387 = tpu.memref_slice %arg2[%dma_wait3A_385, %dma_wait3A_386] : memref<10000x64xf32, #tpu.memory_space<hbm>> -> memref<10000x64xf32, #tpu.memory_space<hbm>>
      tpu.wait_indirect_dma semaphore(%arg16 : memref<!tpu.dma_semaphore, #tpu.memory_space<semaphore_mem>>) src(%dma_wait3A_387 : memref<10000x64xf32, #tpu.memory_space<hbm>>) dst(%arg8 : memref<125x64xf32, #tpu.memory_space<vmem>>)
      %dma_start3A_388 = arith.constant 0 : i32
      %dma_start3A_389 = tpu.memref_slice %arg7[%add3A_365, %dma_start3A_388] : memref<80x125xi32, #tpu.memory_space<vmem>> -> memref<1x125xi32, #tpu.memory_space<vmem>>
      %dma_start3A_390 = tpu.memref_squeeze %dma_start3A_389 : memref<1x125xi32, #tpu.memory_space<vmem>> -> memref<125xi32, #tpu.memory_space<vmem>>
      %dma_start3A_391 = arith.constant 0 : i32
      %dma_start3A_392 = arith.constant 0 : i32
      %dma_start3A_393 = tpu.memref_slice %arg32[%dma_start3A_391, %dma_start3A_392] : memref<10112x64xf32, #tpu.memory_space<vmem_shared>> -> memref<10112x64xf32, #tpu.memory_space<vmem_shared>>
      tpu.enqueue_indirect_dma source(%arg8 : memref<125x64xf32, #tpu.memory_space<vmem>>) target(%dma_start3A_393 : memref<10112x64xf32, #tpu.memory_space<vmem_shared>>) offsets(%dma_start3A_390 : memref<125xi32, #tpu.memory_space<vmem>>) semaphore(%arg24 : memref<!tpu.dma_semaphore, #tpu.memory_space<semaphore_mem>>) {add = true}
      %add3A_394 = arith.constant 5 : i32
      %add3A_395 = arith.addi %add3A_244, %add3A_394 : i32
      %sub3A_396 = arith.constant 4 : i32
      %sub3A_397 = arith.subi %add3A_395, %sub3A_396 : i32
      %dma_wait3A_398 = arith.constant 0 : i32
      %dma_wait3A_399 = tpu.memref_slice %arg7[%sub3A_397, %dma_wait3A_398] : memref<80x125xi32, #tpu.memory_space<vmem>> -> memref<1x125xi32, #tpu.memory_space<vmem>>
      %dma_wait3A_400 = tpu.memref_squeeze %dma_wait3A_399 : memref<1x125xi32, #tpu.memory_space<vmem>> -> memref<125xi32, #tpu.memory_space<vmem>>
      %dma_wait3A_401 = arith.constant 0 : i32
      %dma_wait3A_402 = arith.constant 0 : i32
      %dma_wait3A_403 = tpu.memref_slice %arg32[%dma_wait3A_401, %dma_wait3A_402] : memref<10112x64xf32, #tpu.memory_space<vmem_shared>> -> memref<10112x64xf32, #tpu.memory_space<vmem_shared>>
      tpu.wait_indirect_dma semaphore(%arg29 : memref<!tpu.dma_semaphore, #tpu.memory_space<semaphore_mem>>) src(%arg13 : memref<125x64xf32, #tpu.memory_space<vmem>>) dst(%dma_wait3A_403 : memref<10112x64xf32, #tpu.memory_space<vmem_shared>>)
      %add3A_404 = arith.constant 4 : i32
      %add3A_405 = arith.addi %add3A_395, %add3A_404 : i32
      %dma_start3A_406 = arith.constant 0 : i32
      %dma_start3A_407 = tpu.memref_slice %arg6[%add3A_405, %dma_start3A_406] : memref<80x125xi32, #tpu.memory_space<vmem>> -> memref<1x125xi32, #tpu.memory_space<vmem>>
      %dma_start3A_408 = tpu.memref_squeeze %dma_start3A_407 : memref<1x125xi32, #tpu.memory_space<vmem>> -> memref<125xi32, #tpu.memory_space<vmem>>
      %dma_start3A_409 = arith.constant 0 : i32
      %dma_start3A_410 = arith.constant 0 : i32
      %dma_start3A_411 = tpu.memref_slice %arg2[%dma_start3A_409, %dma_start3A_410] : memref<10000x64xf32, #tpu.memory_space<hbm>> -> memref<10000x64xf32, #tpu.memory_space<hbm>>
      tpu.enqueue_indirect_dma source(%dma_start3A_411 : memref<10000x64xf32, #tpu.memory_space<hbm>>) target(%arg13 : memref<125x64xf32, #tpu.memory_space<vmem>>) offsets(%dma_start3A_408 : memref<125xi32, #tpu.memory_space<vmem>>) semaphore(%arg21 : memref<!tpu.dma_semaphore, #tpu.memory_space<semaphore_mem>>)
      %dma_wait3A_412 = arith.constant 0 : i32
      %dma_wait3A_413 = tpu.memref_slice %arg6[%add3A_395, %dma_wait3A_412] : memref<80x125xi32, #tpu.memory_space<vmem>> -> memref<1x125xi32, #tpu.memory_space<vmem>>
      %dma_wait3A_414 = tpu.memref_squeeze %dma_wait3A_413 : memref<1x125xi32, #tpu.memory_space<vmem>> -> memref<125xi32, #tpu.memory_space<vmem>>
      %dma_wait3A_415 = arith.constant 0 : i32
      %dma_wait3A_416 = arith.constant 0 : i32
      %dma_wait3A_417 = tpu.memref_slice %arg2[%dma_wait3A_415, %dma_wait3A_416] : memref<10000x64xf32, #tpu.memory_space<hbm>> -> memref<10000x64xf32, #tpu.memory_space<hbm>>
      tpu.wait_indirect_dma semaphore(%arg17 : memref<!tpu.dma_semaphore, #tpu.memory_space<semaphore_mem>>) src(%dma_wait3A_417 : memref<10000x64xf32, #tpu.memory_space<hbm>>) dst(%arg9 : memref<125x64xf32, #tpu.memory_space<vmem>>)
      %dma_start3A_418 = arith.constant 0 : i32
      %dma_start3A_419 = tpu.memref_slice %arg7[%add3A_395, %dma_start3A_418] : memref<80x125xi32, #tpu.memory_space<vmem>> -> memref<1x125xi32, #tpu.memory_space<vmem>>
      %dma_start3A_420 = tpu.memref_squeeze %dma_start3A_419 : memref<1x125xi32, #tpu.memory_space<vmem>> -> memref<125xi32, #tpu.memory_space<vmem>>
      %dma_start3A_421 = arith.constant 0 : i32
      %dma_start3A_422 = arith.constant 0 : i32
      %dma_start3A_423 = tpu.memref_slice %arg32[%dma_start3A_421, %dma_start3A_422] : memref<10112x64xf32, #tpu.memory_space<vmem_shared>> -> memref<10112x64xf32, #tpu.memory_space<vmem_shared>>
      tpu.enqueue_indirect_dma source(%arg9 : memref<125x64xf32, #tpu.memory_space<vmem>>) target(%dma_start3A_423 : memref<10112x64xf32, #tpu.memory_space<vmem_shared>>) offsets(%dma_start3A_420 : memref<125xi32, #tpu.memory_space<vmem>>) semaphore(%arg25 : memref<!tpu.dma_semaphore, #tpu.memory_space<semaphore_mem>>) {add = true}
      %add3A_424 = arith.constant 6 : i32
      %add3A_425 = arith.addi %add3A_244, %add3A_424 : i32
      %sub3A_426 = arith.constant 4 : i32
      %sub3A_427 = arith.subi %add3A_425, %sub3A_426 : i32
      %dma_wait3A_428 = arith.constant 0 : i32
      %dma_wait3A_429 = tpu.memref_slice %arg7[%sub3A_427, %dma_wait3A_428] : memref<80x125xi32, #tpu.memory_space<vmem>> -> memref<1x125xi32, #tpu.memory_space<vmem>>
      %dma_wait3A_430 = tpu.memref_squeeze %dma_wait3A_429 : memref<1x125xi32, #tpu.memory_space<vmem>> -> memref<125xi32, #tpu.memory_space<vmem>>
      %dma_wait3A_431 = arith.constant 0 : i32
      %dma_wait3A_432 = arith.constant 0 : i32
      %dma_wait3A_433 = tpu.memref_slice %arg32[%dma_wait3A_431, %dma_wait3A_432] : memref<10112x64xf32, #tpu.memory_space<vmem_shared>> -> memref<10112x64xf32, #tpu.memory_space<vmem_shared>>
      tpu.wait_indirect_dma semaphore(%arg30 : memref<!tpu.dma_semaphore, #tpu.memory_space<semaphore_mem>>) src(%arg14 : memref<125x64xf32, #tpu.memory_space<vmem>>) dst(%dma_wait3A_433 : memref<10112x64xf32, #tpu.memory_space<vmem_shared>>)
      %add3A_434 = arith.constant 4 : i32
      %add3A_435 = arith.addi %add3A_425, %add3A_434 : i32
      %dma_start3A_436 = arith.constant 0 : i32
      %dma_start3A_437 = tpu.memref_slice %arg6[%add3A_435, %dma_start3A_436] : memref<80x125xi32, #tpu.memory_space<vmem>> -> memref<1x125xi32, #tpu.memory_space<vmem>>
      %dma_start3A_438 = tpu.memref_squeeze %dma_start3A_437 : memref<1x125xi32, #tpu.memory_space<vmem>> -> memref<125xi32, #tpu.memory_space<vmem>>
      %dma_start3A_439 = arith.constant 0 : i32
      %dma_start3A_440 = arith.constant 0 : i32
      %dma_start3A_441 = tpu.memref_slice %arg2[%dma_start3A_439, %dma_start3A_440] : memref<10000x64xf32, #tpu.memory_space<hbm>> -> memref<10000x64xf32, #tpu.memory_space<hbm>>
      tpu.enqueue_indirect_dma source(%dma_start3A_441 : memref<10000x64xf32, #tpu.memory_space<hbm>>) target(%arg14 : memref<125x64xf32, #tpu.memory_space<vmem>>) offsets(%dma_start3A_438 : memref<125xi32, #tpu.memory_space<vmem>>) semaphore(%arg22 : memref<!tpu.dma_semaphore, #tpu.memory_space<semaphore_mem>>)
      %dma_wait3A_442 = arith.constant 0 : i32
      %dma_wait3A_443 = tpu.memref_slice %arg6[%add3A_425, %dma_wait3A_442] : memref<80x125xi32, #tpu.memory_space<vmem>> -> memref<1x125xi32, #tpu.memory_space<vmem>>
      %dma_wait3A_444 = tpu.memref_squeeze %dma_wait3A_443 : memref<1x125xi32, #tpu.memory_space<vmem>> -> memref<125xi32, #tpu.memory_space<vmem>>
      %dma_wait3A_445 = arith.constant 0 : i32
      %dma_wait3A_446 = arith.constant 0 : i32
      %dma_wait3A_447 = tpu.memref_slice %arg2[%dma_wait3A_445, %dma_wait3A_446] : memref<10000x64xf32, #tpu.memory_space<hbm>> -> memref<10000x64xf32, #tpu.memory_space<hbm>>
      tpu.wait_indirect_dma semaphore(%arg18 : memref<!tpu.dma_semaphore, #tpu.memory_space<semaphore_mem>>) src(%dma_wait3A_447 : memref<10000x64xf32, #tpu.memory_space<hbm>>) dst(%arg10 : memref<125x64xf32, #tpu.memory_space<vmem>>)
      %dma_start3A_448 = arith.constant 0 : i32
      %dma_start3A_449 = tpu.memref_slice %arg7[%add3A_425, %dma_start3A_448] : memref<80x125xi32, #tpu.memory_space<vmem>> -> memref<1x125xi32, #tpu.memory_space<vmem>>
      %dma_start3A_450 = tpu.memref_squeeze %dma_start3A_449 : memref<1x125xi32, #tpu.memory_space<vmem>> -> memref<125xi32, #tpu.memory_space<vmem>>
      %dma_start3A_451 = arith.constant 0 : i32
      %dma_start3A_452 = arith.constant 0 : i32
      %dma_start3A_453 = tpu.memref_slice %arg32[%dma_start3A_451, %dma_start3A_452] : memref<10112x64xf32, #tpu.memory_space<vmem_shared>> -> memref<10112x64xf32, #tpu.memory_space<vmem_shared>>
      tpu.enqueue_indirect_dma source(%arg10 : memref<125x64xf32, #tpu.memory_space<vmem>>) target(%dma_start3A_453 : memref<10112x64xf32, #tpu.memory_space<vmem_shared>>) offsets(%dma_start3A_450 : memref<125xi32, #tpu.memory_space<vmem>>) semaphore(%arg26 : memref<!tpu.dma_semaphore, #tpu.memory_space<semaphore_mem>>) {add = true}
      %add3A_454 = arith.constant 7 : i32
      %add3A_455 = arith.addi %add3A_244, %add3A_454 : i32
      %sub3A_456 = arith.constant 4 : i32
      %sub3A_457 = arith.subi %add3A_455, %sub3A_456 : i32
      %dma_wait3A_458 = arith.constant 0 : i32
      %dma_wait3A_459 = tpu.memref_slice %arg7[%sub3A_457, %dma_wait3A_458] : memref<80x125xi32, #tpu.memory_space<vmem>> -> memref<1x125xi32, #tpu.memory_space<vmem>>
      %dma_wait3A_460 = tpu.memref_squeeze %dma_wait3A_459 : memref<1x125xi32, #tpu.memory_space<vmem>> -> memref<125xi32, #tpu.memory_space<vmem>>
      %dma_wait3A_461 = arith.constant 0 : i32
      %dma_wait3A_462 = arith.constant 0 : i32
      %dma_wait3A_463 = tpu.memref_slice %arg32[%dma_wait3A_461, %dma_wait3A_462] : memref<10112x64xf32, #tpu.memory_space<vmem_shared>> -> memref<10112x64xf32, #tpu.memory_space<vmem_shared>>
      tpu.wait_indirect_dma semaphore(%arg31 : memref<!tpu.dma_semaphore, #tpu.memory_space<semaphore_mem>>) src(%arg15 : memref<125x64xf32, #tpu.memory_space<vmem>>) dst(%dma_wait3A_463 : memref<10112x64xf32, #tpu.memory_space<vmem_shared>>)
      %add3A_464 = arith.constant 4 : i32
      %add3A_465 = arith.addi %add3A_455, %add3A_464 : i32
      %dma_start3A_466 = arith.constant 0 : i32
      %dma_start3A_467 = tpu.memref_slice %arg6[%add3A_465, %dma_start3A_466] : memref<80x125xi32, #tpu.memory_space<vmem>> -> memref<1x125xi32, #tpu.memory_space<vmem>>
      %dma_start3A_468 = tpu.memref_squeeze %dma_start3A_467 : memref<1x125xi32, #tpu.memory_space<vmem>> -> memref<125xi32, #tpu.memory_space<vmem>>
      %dma_start3A_469 = arith.constant 0 : i32
      %dma_start3A_470 = arith.constant 0 : i32
      %dma_start3A_471 = tpu.memref_slice %arg2[%dma_start3A_469, %dma_start3A_470] : memref<10000x64xf32, #tpu.memory_space<hbm>> -> memref<10000x64xf32, #tpu.memory_space<hbm>>
      tpu.enqueue_indirect_dma source(%dma_start3A_471 : memref<10000x64xf32, #tpu.memory_space<hbm>>) target(%arg15 : memref<125x64xf32, #tpu.memory_space<vmem>>) offsets(%dma_start3A_468 : memref<125xi32, #tpu.memory_space<vmem>>) semaphore(%arg23 : memref<!tpu.dma_semaphore, #tpu.memory_space<semaphore_mem>>)
      %dma_wait3A_472 = arith.constant 0 : i32
      %dma_wait3A_473 = tpu.memref_slice %arg6[%add3A_455, %dma_wait3A_472] : memref<80x125xi32, #tpu.memory_space<vmem>> -> memref<1x125xi32, #tpu.memory_space<vmem>>
      %dma_wait3A_474 = tpu.memref_squeeze %dma_wait3A_473 : memref<1x125xi32, #tpu.memory_space<vmem>> -> memref<125xi32, #tpu.memory_space<vmem>>
      %dma_wait3A_475 = arith.constant 0 : i32
      %dma_wait3A_476 = arith.constant 0 : i32
      %dma_wait3A_477 = tpu.memref_slice %arg2[%dma_wait3A_475, %dma_wait3A_476] : memref<10000x64xf32, #tpu.memory_space<hbm>> -> memref<10000x64xf32, #tpu.memory_space<hbm>>
      tpu.wait_indirect_dma semaphore(%arg19 : memref<!tpu.dma_semaphore, #tpu.memory_space<semaphore_mem>>) src(%dma_wait3A_477 : memref<10000x64xf32, #tpu.memory_space<hbm>>) dst(%arg11 : memref<125x64xf32, #tpu.memory_space<vmem>>)
      %dma_start3A_478 = arith.constant 0 : i32
      %dma_start3A_479 = tpu.memref_slice %arg7[%add3A_455, %dma_start3A_478] : memref<80x125xi32, #tpu.memory_space<vmem>> -> memref<1x125xi32, #tpu.memory_space<vmem>>
      %dma_start3A_480 = tpu.memref_squeeze %dma_start3A_479 : memref<1x125xi32, #tpu.memory_space<vmem>> -> memref<125xi32, #tpu.memory_space<vmem>>
      %dma_start3A_481 = arith.constant 0 : i32
      %dma_start3A_482 = arith.constant 0 : i32
      %dma_start3A_483 = tpu.memref_slice %arg32[%dma_start3A_481, %dma_start3A_482] : memref<10112x64xf32, #tpu.memory_space<vmem_shared>> -> memref<10112x64xf32, #tpu.memory_space<vmem_shared>>
      tpu.enqueue_indirect_dma source(%arg11 : memref<125x64xf32, #tpu.memory_space<vmem>>) target(%dma_start3A_483 : memref<10112x64xf32, #tpu.memory_space<vmem_shared>>) offsets(%dma_start3A_480 : memref<125xi32, #tpu.memory_space<vmem>>) semaphore(%arg27 : memref<!tpu.dma_semaphore, #tpu.memory_space<semaphore_mem>>) {add = true}
    }
    %scan3A_126 = arith.constant 9 : i32
    %dma_wait3A_127 = arith.constant 76 : i32
    %dma_wait3A_128 = arith.constant 0 : i32
    %dma_wait3A_129 = tpu.memref_slice %arg6[%dma_wait3A_127, %dma_wait3A_128] : memref<80x125xi32, #tpu.memory_space<vmem>> -> memref<1x125xi32, #tpu.memory_space<vmem>>
    %dma_wait3A_130 = tpu.memref_squeeze %dma_wait3A_129 : memref<1x125xi32, #tpu.memory_space<vmem>> -> memref<125xi32, #tpu.memory_space<vmem>>
    %dma_wait3A_131 = arith.constant 0 : i32
    %dma_wait3A_132 = arith.constant 0 : i32
    %dma_wait3A_133 = tpu.memref_slice %arg2[%dma_wait3A_131, %dma_wait3A_132] : memref<10000x64xf32, #tpu.memory_space<hbm>> -> memref<10000x64xf32, #tpu.memory_space<hbm>>
    tpu.wait_indirect_dma semaphore(%arg20 : memref<!tpu.dma_semaphore, #tpu.memory_space<semaphore_mem>>) src(%dma_wait3A_133 : memref<10000x64xf32, #tpu.memory_space<hbm>>) dst(%arg12 : memref<125x64xf32, #tpu.memory_space<vmem>>)
    %dma_start3A_134 = arith.constant 76 : i32
    %dma_start3A_135 = arith.constant 0 : i32
    %dma_start3A_136 = tpu.memref_slice %arg7[%dma_start3A_134, %dma_start3A_135] : memref<80x125xi32, #tpu.memory_space<vmem>> -> memref<1x125xi32, #tpu.memory_space<vmem>>
    %dma_start3A_137 = tpu.memref_squeeze %dma_start3A_136 : memref<1x125xi32, #tpu.memory_space<vmem>> -> memref<125xi32, #tpu.memory_space<vmem>>
    %dma_start3A_138 = arith.constant 0 : i32
    %dma_start3A_139 = arith.constant 0 : i32
    %dma_start3A_140 = tpu.memref_slice %arg32[%dma_start3A_138, %dma_start3A_139] : memref<10112x64xf32, #tpu.memory_space<vmem_shared>> -> memref<10112x64xf32, #tpu.memory_space<vmem_shared>>
    tpu.enqueue_indirect_dma source(%arg12 : memref<125x64xf32, #tpu.memory_space<vmem>>) target(%dma_start3A_140 : memref<10112x64xf32, #tpu.memory_space<vmem_shared>>) offsets(%dma_start3A_137 : memref<125xi32, #tpu.memory_space<vmem>>) semaphore(%arg28 : memref<!tpu.dma_semaphore, #tpu.memory_space<semaphore_mem>>) {add = true}
    %dma_wait3A_141 = arith.constant 77 : i32
    %dma_wait3A_142 = arith.constant 0 : i32
    %dma_wait3A_143 = tpu.memref_slice %arg6[%dma_wait3A_141, %dma_wait3A_142] : memref<80x125xi32, #tpu.memory_space<vmem>> -> memref<1x125xi32, #tpu.memory_space<vmem>>
    %dma_wait3A_144 = tpu.memref_squeeze %dma_wait3A_143 : memref<1x125xi32, #tpu.memory_space<vmem>> -> memref<125xi32, #tpu.memory_space<vmem>>
    %dma_wait3A_145 = arith.constant 0 : i32
    %dma_wait3A_146 = arith.constant 0 : i32
    %dma_wait3A_147 = tpu.memref_slice %arg2[%dma_wait3A_145, %dma_wait3A_146] : memref<10000x64xf32, #tpu.memory_space<hbm>> -> memref<10000x64xf32, #tpu.memory_space<hbm>>
    tpu.wait_indirect_dma semaphore(%arg21 : memref<!tpu.dma_semaphore, #tpu.memory_space<semaphore_mem>>) src(%dma_wait3A_147 : memref<10000x64xf32, #tpu.memory_space<hbm>>) dst(%arg13 : memref<125x64xf32, #tpu.memory_space<vmem>>)
    %dma_start3A_148 = arith.constant 77 : i32
    %dma_start3A_149 = arith.constant 0 : i32
    %dma_start3A_150 = tpu.memref_slice %arg7[%dma_start3A_148, %dma_start3A_149] : memref<80x125xi32, #tpu.memory_space<vmem>> -> memref<1x125xi32, #tpu.memory_space<vmem>>
    %dma_start3A_151 = tpu.memref_squeeze %dma_start3A_150 : memref<1x125xi32, #tpu.memory_space<vmem>> -> memref<125xi32, #tpu.memory_space<vmem>>
    %dma_start3A_152 = arith.constant 0 : i32
    %dma_start3A_153 = arith.constant 0 : i32
    %dma_start3A_154 = tpu.memref_slice %arg32[%dma_start3A_152, %dma_start3A_153] : memref<10112x64xf32, #tpu.memory_space<vmem_shared>> -> memref<10112x64xf32, #tpu.memory_space<vmem_shared>>
    tpu.enqueue_indirect_dma source(%arg13 : memref<125x64xf32, #tpu.memory_space<vmem>>) target(%dma_start3A_154 : memref<10112x64xf32, #tpu.memory_space<vmem_shared>>) offsets(%dma_start3A_151 : memref<125xi32, #tpu.memory_space<vmem>>) semaphore(%arg29 : memref<!tpu.dma_semaphore, #tpu.memory_space<semaphore_mem>>) {add = true}
    %dma_wait3A_155 = arith.constant 78 : i32
    %dma_wait3A_156 = arith.constant 0 : i32
    %dma_wait3A_157 = tpu.memref_slice %arg6[%dma_wait3A_155, %dma_wait3A_156] : memref<80x125xi32, #tpu.memory_space<vmem>> -> memref<1x125xi32, #tpu.memory_space<vmem>>
    %dma_wait3A_158 = tpu.memref_squeeze %dma_wait3A_157 : memref<1x125xi32, #tpu.memory_space<vmem>> -> memref<125xi32, #tpu.memory_space<vmem>>
    %dma_wait3A_159 = arith.constant 0 : i32
    %dma_wait3A_160 = arith.constant 0 : i32
    %dma_wait3A_161 = tpu.memref_slice %arg2[%dma_wait3A_159, %dma_wait3A_160] : memref<10000x64xf32, #tpu.memory_space<hbm>> -> memref<10000x64xf32, #tpu.memory_space<hbm>>
    tpu.wait_indirect_dma semaphore(%arg22 : memref<!tpu.dma_semaphore, #tpu.memory_space<semaphore_mem>>) src(%dma_wait3A_161 : memref<10000x64xf32, #tpu.memory_space<hbm>>) dst(%arg14 : memref<125x64xf32, #tpu.memory_space<vmem>>)
    %dma_start3A_162 = arith.constant 78 : i32
    %dma_start3A_163 = arith.constant 0 : i32
    %dma_start3A_164 = tpu.memref_slice %arg7[%dma_start3A_162, %dma_start3A_163] : memref<80x125xi32, #tpu.memory_space<vmem>> -> memref<1x125xi32, #tpu.memory_space<vmem>>
    %dma_start3A_165 = tpu.memref_squeeze %dma_start3A_164 : memref<1x125xi32, #tpu.memory_space<vmem>> -> memref<125xi32, #tpu.memory_space<vmem>>
    %dma_start3A_166 = arith.constant 0 : i32
    %dma_start3A_167 = arith.constant 0 : i32
    %dma_start3A_168 = tpu.memref_slice %arg32[%dma_start3A_166, %dma_start3A_167] : memref<10112x64xf32, #tpu.memory_space<vmem_shared>> -> memref<10112x64xf32, #tpu.memory_space<vmem_shared>>
    tpu.enqueue_indirect_dma source(%arg14 : memref<125x64xf32, #tpu.memory_space<vmem>>) target(%dma_start3A_168 : memref<10112x64xf32, #tpu.memory_space<vmem_shared>>) offsets(%dma_start3A_165 : memref<125xi32, #tpu.memory_space<vmem>>) semaphore(%arg30 : memref<!tpu.dma_semaphore, #tpu.memory_space<semaphore_mem>>) {add = true}
    %dma_wait3A_169 = arith.constant 79 : i32
    %dma_wait3A_170 = arith.constant 0 : i32
    %dma_wait3A_171 = tpu.memref_slice %arg6[%dma_wait3A_169, %dma_wait3A_170] : memref<80x125xi32, #tpu.memory_space<vmem>> -> memref<1x125xi32, #tpu.memory_space<vmem>>
    %dma_wait3A_172 = tpu.memref_squeeze %dma_wait3A_171 : memref<1x125xi32, #tpu.memory_space<vmem>> -> memref<125xi32, #tpu.memory_space<vmem>>
    %dma_wait3A_173 = arith.constant 0 : i32
    %dma_wait3A_174 = arith.constant 0 : i32
    %dma_wait3A_175 = tpu.memref_slice %arg2[%dma_wait3A_173, %dma_wait3A_174] : memref<10000x64xf32, #tpu.memory_space<hbm>> -> memref<10000x64xf32, #tpu.memory_space<hbm>>
    tpu.wait_indirect_dma semaphore(%arg23 : memref<!tpu.dma_semaphore, #tpu.memory_space<semaphore_mem>>) src(%dma_wait3A_175 : memref<10000x64xf32, #tpu.memory_space<hbm>>) dst(%arg15 : memref<125x64xf32, #tpu.memory_space<vmem>>)
    %dma_start3A_176 = arith.constant 79 : i32
    %dma_start3A_177 = arith.constant 0 : i32
    %dma_start3A_178 = tpu.memref_slice %arg7[%dma_start3A_176, %dma_start3A_177] : memref<80x125xi32, #tpu.memory_space<vmem>> -> memref<1x125xi32, #tpu.memory_space<vmem>>
    %dma_start3A_179 = tpu.memref_squeeze %dma_start3A_178 : memref<1x125xi32, #tpu.memory_space<vmem>> -> memref<125xi32, #tpu.memory_space<vmem>>
    %dma_start3A_180 = arith.constant 0 : i32
    %dma_start3A_181 = arith.constant 0 : i32
    %dma_start3A_182 = tpu.memref_slice %arg32[%dma_start3A_180, %dma_start3A_181] : memref<10112x64xf32, #tpu.memory_space<vmem_shared>> -> memref<10112x64xf32, #tpu.memory_space<vmem_shared>>
    tpu.enqueue_indirect_dma source(%arg15 : memref<125x64xf32, #tpu.memory_space<vmem>>) target(%dma_start3A_182 : memref<10112x64xf32, #tpu.memory_space<vmem_shared>>) offsets(%dma_start3A_179 : memref<125xi32, #tpu.memory_space<vmem>>) semaphore(%arg31 : memref<!tpu.dma_semaphore, #tpu.memory_space<semaphore_mem>>) {add = true}
    %dma_wait3A_183 = arith.constant 72 : i32
    %dma_wait3A_184 = arith.constant 0 : i32
    %dma_wait3A_185 = tpu.memref_slice %arg7[%dma_wait3A_183, %dma_wait3A_184] : memref<80x125xi32, #tpu.memory_space<vmem>> -> memref<1x125xi32, #tpu.memory_space<vmem>>
    %dma_wait3A_186 = tpu.memref_squeeze %dma_wait3A_185 : memref<1x125xi32, #tpu.memory_space<vmem>> -> memref<125xi32, #tpu.memory_space<vmem>>
    %dma_wait3A_187 = arith.constant 0 : i32
    %dma_wait3A_188 = arith.constant 0 : i32
    %dma_wait3A_189 = tpu.memref_slice %arg32[%dma_wait3A_187, %dma_wait3A_188] : memref<10112x64xf32, #tpu.memory_space<vmem_shared>> -> memref<10112x64xf32, #tpu.memory_space<vmem_shared>>
    tpu.wait_indirect_dma semaphore(%arg24 : memref<!tpu.dma_semaphore, #tpu.memory_space<semaphore_mem>>) src(%arg8 : memref<125x64xf32, #tpu.memory_space<vmem>>) dst(%dma_wait3A_189 : memref<10112x64xf32, #tpu.memory_space<vmem_shared>>)
    %dma_wait3A_190 = arith.constant 73 : i32
    %dma_wait3A_191 = arith.constant 0 : i32
    %dma_wait3A_192 = tpu.memref_slice %arg7[%dma_wait3A_190, %dma_wait3A_191] : memref<80x125xi32, #tpu.memory_space<vmem>> -> memref<1x125xi32, #tpu.memory_space<vmem>>
    %dma_wait3A_193 = tpu.memref_squeeze %dma_wait3A_192 : memref<1x125xi32, #tpu.memory_space<vmem>> -> memref<125xi32, #tpu.memory_space<vmem>>
    %dma_wait3A_194 = arith.constant 0 : i32
    %dma_wait3A_195 = arith.constant 0 : i32
    %dma_wait3A_196 = tpu.memref_slice %arg32[%dma_wait3A_194, %dma_wait3A_195] : memref<10112x64xf32, #tpu.memory_space<vmem_shared>> -> memref<10112x64xf32, #tpu.memory_space<vmem_shared>>
    tpu.wait_indirect_dma semaphore(%arg25 : memref<!tpu.dma_semaphore, #tpu.memory_space<semaphore_mem>>) src(%arg9 : memref<125x64xf32, #tpu.memory_space<vmem>>) dst(%dma_wait3A_196 : memref<10112x64xf32, #tpu.memory_space<vmem_shared>>)
    %dma_wait3A_197 = arith.constant 74 : i32
    %dma_wait3A_198 = arith.constant 0 : i32
    %dma_wait3A_199 = tpu.memref_slice %arg7[%dma_wait3A_197, %dma_wait3A_198] : memref<80x125xi32, #tpu.memory_space<vmem>> -> memref<1x125xi32, #tpu.memory_space<vmem>>
    %dma_wait3A_200 = tpu.memref_squeeze %dma_wait3A_199 : memref<1x125xi32, #tpu.memory_space<vmem>> -> memref<125xi32, #tpu.memory_space<vmem>>
    %dma_wait3A_201 = arith.constant 0 : i32
    %dma_wait3A_202 = arith.constant 0 : i32
    %dma_wait3A_203 = tpu.memref_slice %arg32[%dma_wait3A_201, %dma_wait3A_202] : memref<10112x64xf32, #tpu.memory_space<vmem_shared>> -> memref<10112x64xf32, #tpu.memory_space<vmem_shared>>
    tpu.wait_indirect_dma semaphore(%arg26 : memref<!tpu.dma_semaphore, #tpu.memory_space<semaphore_mem>>) src(%arg10 : memref<125x64xf32, #tpu.memory_space<vmem>>) dst(%dma_wait3A_203 : memref<10112x64xf32, #tpu.memory_space<vmem_shared>>)
    %dma_wait3A_204 = arith.constant 75 : i32
    %dma_wait3A_205 = arith.constant 0 : i32
    %dma_wait3A_206 = tpu.memref_slice %arg7[%dma_wait3A_204, %dma_wait3A_205] : memref<80x125xi32, #tpu.memory_space<vmem>> -> memref<1x125xi32, #tpu.memory_space<vmem>>
    %dma_wait3A_207 = tpu.memref_squeeze %dma_wait3A_206 : memref<1x125xi32, #tpu.memory_space<vmem>> -> memref<125xi32, #tpu.memory_space<vmem>>
    %dma_wait3A_208 = arith.constant 0 : i32
    %dma_wait3A_209 = arith.constant 0 : i32
    %dma_wait3A_210 = tpu.memref_slice %arg32[%dma_wait3A_208, %dma_wait3A_209] : memref<10112x64xf32, #tpu.memory_space<vmem_shared>> -> memref<10112x64xf32, #tpu.memory_space<vmem_shared>>
    tpu.wait_indirect_dma semaphore(%arg27 : memref<!tpu.dma_semaphore, #tpu.memory_space<semaphore_mem>>) src(%arg11 : memref<125x64xf32, #tpu.memory_space<vmem>>) dst(%dma_wait3A_210 : memref<10112x64xf32, #tpu.memory_space<vmem_shared>>)
    %dma_wait3A_211 = arith.constant 76 : i32
    %dma_wait3A_212 = arith.constant 0 : i32
    %dma_wait3A_213 = tpu.memref_slice %arg7[%dma_wait3A_211, %dma_wait3A_212] : memref<80x125xi32, #tpu.memory_space<vmem>> -> memref<1x125xi32, #tpu.memory_space<vmem>>
    %dma_wait3A_214 = tpu.memref_squeeze %dma_wait3A_213 : memref<1x125xi32, #tpu.memory_space<vmem>> -> memref<125xi32, #tpu.memory_space<vmem>>
    %dma_wait3A_215 = arith.constant 0 : i32
    %dma_wait3A_216 = arith.constant 0 : i32
    %dma_wait3A_217 = tpu.memref_slice %arg32[%dma_wait3A_215, %dma_wait3A_216] : memref<10112x64xf32, #tpu.memory_space<vmem_shared>> -> memref<10112x64xf32, #tpu.memory_space<vmem_shared>>
    tpu.wait_indirect_dma semaphore(%arg28 : memref<!tpu.dma_semaphore, #tpu.memory_space<semaphore_mem>>) src(%arg12 : memref<125x64xf32, #tpu.memory_space<vmem>>) dst(%dma_wait3A_217 : memref<10112x64xf32, #tpu.memory_space<vmem_shared>>)
    %dma_wait3A_218 = arith.constant 77 : i32
    %dma_wait3A_219 = arith.constant 0 : i32
    %dma_wait3A_220 = tpu.memref_slice %arg7[%dma_wait3A_218, %dma_wait3A_219] : memref<80x125xi32, #tpu.memory_space<vmem>> -> memref<1x125xi32, #tpu.memory_space<vmem>>
    %dma_wait3A_221 = tpu.memref_squeeze %dma_wait3A_220 : memref<1x125xi32, #tpu.memory_space<vmem>> -> memref<125xi32, #tpu.memory_space<vmem>>
    %dma_wait3A_222 = arith.constant 0 : i32
    %dma_wait3A_223 = arith.constant 0 : i32
    %dma_wait3A_224 = tpu.memref_slice %arg32[%dma_wait3A_222, %dma_wait3A_223] : memref<10112x64xf32, #tpu.memory_space<vmem_shared>> -> memref<10112x64xf32, #tpu.memory_space<vmem_shared>>
    tpu.wait_indirect_dma semaphore(%arg29 : memref<!tpu.dma_semaphore, #tpu.memory_space<semaphore_mem>>) src(%arg13 : memref<125x64xf32, #tpu.memory_space<vmem>>) dst(%dma_wait3A_224 : memref<10112x64xf32, #tpu.memory_space<vmem_shared>>)
    %dma_wait3A_225 = arith.constant 78 : i32
    %dma_wait3A_226 = arith.constant 0 : i32
    %dma_wait3A_227 = tpu.memref_slice %arg7[%dma_wait3A_225, %dma_wait3A_226] : memref<80x125xi32, #tpu.memory_space<vmem>> -> memref<1x125xi32, #tpu.memory_space<vmem>>
    %dma_wait3A_228 = tpu.memref_squeeze %dma_wait3A_227 : memref<1x125xi32, #tpu.memory_space<vmem>> -> memref<125xi32, #tpu.memory_space<vmem>>
    %dma_wait3A_229 = arith.constant 0 : i32
    %dma_wait3A_230 = arith.constant 0 : i32
    %dma_wait3A_231 = tpu.memref_slice %arg32[%dma_wait3A_229, %dma_wait3A_230] : memref<10112x64xf32, #tpu.memory_space<vmem_shared>> -> memref<10112x64xf32, #tpu.memory_space<vmem_shared>>
    tpu.wait_indirect_dma semaphore(%arg30 : memref<!tpu.dma_semaphore, #tpu.memory_space<semaphore_mem>>) src(%arg14 : memref<125x64xf32, #tpu.memory_space<vmem>>) dst(%dma_wait3A_231 : memref<10112x64xf32, #tpu.memory_space<vmem_shared>>)
    %dma_wait3A_232 = arith.constant 79 : i32
    %dma_wait3A_233 = arith.constant 0 : i32
    %dma_wait3A_234 = tpu.memref_slice %arg7[%dma_wait3A_232, %dma_wait3A_233] : memref<80x125xi32, #tpu.memory_space<vmem>> -> memref<1x125xi32, #tpu.memory_space<vmem>>
    %dma_wait3A_235 = tpu.memref_squeeze %dma_wait3A_234 : memref<1x125xi32, #tpu.memory_space<vmem>> -> memref<125xi32, #tpu.memory_space<vmem>>
    %dma_wait3A_236 = arith.constant 0 : i32
    %dma_wait3A_237 = arith.constant 0 : i32
    %dma_wait3A_238 = tpu.memref_slice %arg32[%dma_wait3A_236, %dma_wait3A_237] : memref<10112x64xf32, #tpu.memory_space<vmem_shared>> -> memref<10112x64xf32, #tpu.memory_space<vmem_shared>>
    tpu.wait_indirect_dma semaphore(%arg31 : memref<!tpu.dma_semaphore, #tpu.memory_space<semaphore_mem>>) src(%arg15 : memref<125x64xf32, #tpu.memory_space<vmem>>) dst(%dma_wait3A_238 : memref<10112x64xf32, #tpu.memory_space<vmem_shared>>)
    %barrier3A_239 = arith.constant 0 : index
    tpu.barrier barrier_id(%barrier3A_239)
    "tpu.region"() ({
      %run_scoped3A_240 = tpu.sem_alloc : memref<!tpu.dma_semaphore, #tpu.memory_space<semaphore_mem>>
      %dma_start3A_241 = arith.constant 0 : i32
      %dma_start3A_242 = tpu.memref_slice %arg5[%arg0, %mul3A_2, %dma_start3A_241] : memref<2x10112x64xf32, #tpu.memory_space<hbm>> -> memref<1x632x64xf32, #tpu.memory_space<hbm>>
      %dma_start3A_243 = tpu.memref_squeeze %dma_start3A_242 : memref<1x632x64xf32, #tpu.memory_space<hbm>> -> memref<632x64xf32, #tpu.memory_space<hbm>>
      %dma_start3A_244 = arith.constant 0 : i32
      %dma_start3A_245 = tpu.memref_slice %arg32[%mul3A_2, %dma_start3A_244] : memref<10112x64xf32, #tpu.memory_space<vmem_shared>> -> memref<632x64xf32, #tpu.memory_space<vmem_shared>>
      tpu.enqueue_dma source(%dma_start3A_245 : memref<632x64xf32, #tpu.memory_space<vmem_shared>>) target(%dma_start3A_243 : memref<632x64xf32, #tpu.memory_space<hbm>>) target_semaphore(%run_scoped3A_240 : memref<!tpu.dma_semaphore, #tpu.memory_space<semaphore_mem>>)
      %dma_wait3A_246 = arith.constant 0 : i32
      %dma_wait3A_247 = tpu.memref_slice %arg5[%arg0, %mul3A_2, %dma_wait3A_246] : memref<2x10112x64xf32, #tpu.memory_space<hbm>> -> memref<1x632x64xf32, #tpu.memory_space<hbm>>
      %dma_wait3A_248 = tpu.memref_squeeze %dma_wait3A_247 : memref<1x632x64xf32, #tpu.memory_space<hbm>> -> memref<632x64xf32, #tpu.memory_space<hbm>>
      %dma_wait3A_249 = arith.constant 0 : i32
      %dma_wait3A_250 = tpu.memref_slice %arg32[%mul3A_2, %dma_wait3A_249] : memref<10112x64xf32, #tpu.memory_space<vmem_shared>> -> memref<632x64xf32, #tpu.memory_space<vmem_shared>>
      tpu.wait_dma2 semaphore(%run_scoped3A_240 : memref<!tpu.dma_semaphore, #tpu.memory_space<semaphore_mem>>) src(%dma_wait3A_250 : memref<632x64xf32, #tpu.memory_space<vmem_shared>>) dst(%dma_wait3A_248 : memref<632x64xf32, #tpu.memory_space<hbm>>)
      tpu.yield
    }) : () -> ()
    return
  }
}

#map = affine_map<(d0, d1) -> (0, 0)>
#map1 = affine_map<(d0, d1) -> (0, 0, 0)>
module attributes {stable_mosaic.version = 14 : i64} {
  func.func @agg_kernel(%arg0: i32, %arg1: i32, %arg2: memref<10000x64xf32, #tpu.memory_space<hbm>>, %arg3: memref<2x2560x125xi32, #tpu.memory_space<hbm>>, %arg4: memref<632x64xf32, #tpu.memory_space<hbm>>, %arg5: memref<2x10112x64xf32, #tpu.memory_space<hbm>>, %arg6: memref<80x125xi32, #tpu.memory_space<vmem>>, %arg7: memref<80x125xi32, #tpu.memory_space<vmem>>, %arg8: memref<125x64xf32, #tpu.memory_space<vmem>>, %arg9: memref<125x64xf32, #tpu.memory_space<vmem>>, %arg10: memref<125x64xf32, #tpu.memory_space<vmem>>, %arg11: memref<125x64xf32, #tpu.memory_space<vmem>>, %arg12: memref<125x64xf32, #tpu.memory_space<vmem>>, %arg13: memref<125x64xf32, #tpu.memory_space<vmem>>, %arg14: memref<125x64xf32, #tpu.memory_space<vmem>>, %arg15: memref<125x64xf32, #tpu.memory_space<vmem>>, %arg16: memref<!tpu.dma_semaphore, #tpu.memory_space<semaphore_mem>>, %arg17: memref<!tpu.dma_semaphore, #tpu.memory_space<semaphore_mem>>, %arg18: memref<!tpu.dma_semaphore, #tpu.memory_space<semaphore_mem>>, %arg19: memref<!tpu.dma_semaphore, #tpu.memory_space<semaphore_mem>>, %arg20: memref<!tpu.dma_semaphore, #tpu.memory_space<semaphore_mem>>, %arg21: memref<!tpu.dma_semaphore, #tpu.memory_space<semaphore_mem>>, %arg22: memref<!tpu.dma_semaphore, #tpu.memory_space<semaphore_mem>>, %arg23: memref<!tpu.dma_semaphore, #tpu.memory_space<semaphore_mem>>, %arg24: memref<!tpu.dma_semaphore, #tpu.memory_space<semaphore_mem>>, %arg25: memref<!tpu.dma_semaphore, #tpu.memory_space<semaphore_mem>>, %arg26: memref<!tpu.dma_semaphore, #tpu.memory_space<semaphore_mem>>, %arg27: memref<!tpu.dma_semaphore, #tpu.memory_space<semaphore_mem>>, %arg28: memref<!tpu.dma_semaphore, #tpu.memory_space<semaphore_mem>>, %arg29: memref<!tpu.dma_semaphore, #tpu.memory_space<semaphore_mem>>, %arg30: memref<!tpu.dma_semaphore, #tpu.memory_space<semaphore_mem>>, %arg31: memref<!tpu.dma_semaphore, #tpu.memory_space<semaphore_mem>>, %arg32: memref<10112x64xf32, #tpu.memory_space<vmem_shared>>) attributes {dimension_semantics = [#tpu.dimension_semantics<core_parallel>, #tpu.dimension_semantics<subcore_parallel>], iteration_bounds = array<i64: 2, 16>, scalar_prefetch = 0 : i64, scratch_operands = 27 : i64, tpu.core_type = #tpu.core_type<sc_vector_subcore>, window_params = [{transform_indices = #map}, {transform_indices = #map1}, {transform_indices = #map}, {transform_indices = #map1}]} {
    %mul3A = arith.constant 2 : i32
    %mul3A_0 = arith.muli %arg1, %mul3A : i32
    %add3A = arith.addi %mul3A_0, %arg0 : i32
    %mul3A_1 = arith.constant 632 : i32
    %mul3A_2 = arith.muli %arg1, %mul3A_1 : i32
    %dma_start3A = arith.constant 0 : i32
    %dma_start3A_3 = tpu.memref_slice %arg32[%mul3A_2, %dma_start3A] : memref<10112x64xf32, #tpu.memory_space<vmem_shared>> -> memref<632x64xf32, #tpu.memory_space<vmem_shared>>
    tpu.enqueue_dma source(%arg4 : memref<632x64xf32, #tpu.memory_space<hbm>>) target(%dma_start3A_3 : memref<632x64xf32, #tpu.memory_space<vmem_shared>>) target_semaphore(%arg31 : memref<!tpu.dma_semaphore, #tpu.memory_space<semaphore_mem>>)
    %mul3A_4 = arith.constant 80 : i32
    %mul3A_5 = arith.muli %add3A, %mul3A_4 : i32
    %run_scoped3A = arith.constant 0 : i32
    "tpu.region"() ({
      %run_scoped3A_240 = tpu.sem_alloc : memref<!tpu.dma_semaphore, #tpu.memory_space<semaphore_mem>>
      %dma_start3A_241 = arith.constant 0 : i32
      %dma_start3A_242 = tpu.memref_slice %arg3[%run_scoped3A, %mul3A_5, %dma_start3A_241] : memref<2x2560x125xi32, #tpu.memory_space<hbm>> -> memref<1x80x125xi32, #tpu.memory_space<hbm>>
      %dma_start3A_243 = tpu.memref_squeeze %dma_start3A_242 : memref<1x80x125xi32, #tpu.memory_space<hbm>> -> memref<80x125xi32, #tpu.memory_space<hbm>>
      %dma_start3A_244 = arith.constant 0 : i32
      %dma_start3A_245 = tpu.memref_slice %arg3[%run_scoped3A, %mul3A_5, %dma_start3A_244] : memref<2x2560x125xi32, #tpu.memory_space<hbm>> -> memref<1x80x125xi32, #tpu.memory_space<hbm>>
      %dma_start3A_246 = tpu.memref_squeeze %dma_start3A_245 : memref<1x80x125xi32, #tpu.memory_space<hbm>> -> memref<80x125xi32, #tpu.memory_space<hbm>>
      tpu.enqueue_dma source(%dma_start3A_246 : memref<80x125xi32, #tpu.memory_space<hbm>>) target(%arg6 : memref<80x125xi32, #tpu.memory_space<vmem>>) target_semaphore(%run_scoped3A_240 : memref<!tpu.dma_semaphore, #tpu.memory_space<semaphore_mem>>)
      %dma_wait3A_247 = arith.constant 0 : i32
      %dma_wait3A_248 = tpu.memref_slice %arg3[%run_scoped3A, %mul3A_5, %dma_wait3A_247] : memref<2x2560x125xi32, #tpu.memory_space<hbm>> -> memref<1x80x125xi32, #tpu.memory_space<hbm>>
      %dma_wait3A_249 = tpu.memref_squeeze %dma_wait3A_248 : memref<1x80x125xi32, #tpu.memory_space<hbm>> -> memref<80x125xi32, #tpu.memory_space<hbm>>
      %dma_wait3A_250 = arith.constant 0 : i32
      %dma_wait3A_251 = tpu.memref_slice %arg3[%run_scoped3A, %mul3A_5, %dma_wait3A_250] : memref<2x2560x125xi32, #tpu.memory_space<hbm>> -> memref<1x80x125xi32, #tpu.memory_space<hbm>>
      %dma_wait3A_252 = tpu.memref_squeeze %dma_wait3A_251 : memref<1x80x125xi32, #tpu.memory_space<hbm>> -> memref<80x125xi32, #tpu.memory_space<hbm>>
      tpu.wait_dma2 semaphore(%run_scoped3A_240 : memref<!tpu.dma_semaphore, #tpu.memory_space<semaphore_mem>>) src(%dma_wait3A_252 : memref<80x125xi32, #tpu.memory_space<hbm>>) dst(%arg6 : memref<80x125xi32, #tpu.memory_space<vmem>>)
      tpu.yield
    }) : () -> ()
    %mul3A_6 = arith.constant 80 : i32
    %mul3A_7 = arith.muli %add3A, %mul3A_6 : i32
    %run_scoped3A_8 = arith.constant 1 : i32
    "tpu.region"() ({
      %run_scoped3A_240 = tpu.sem_alloc : memref<!tpu.dma_semaphore, #tpu.memory_space<semaphore_mem>>
      %dma_start3A_241 = arith.constant 0 : i32
      %dma_start3A_242 = tpu.memref_slice %arg3[%run_scoped3A_8, %mul3A_7, %dma_start3A_241] : memref<2x2560x125xi32, #tpu.memory_space<hbm>> -> memref<1x80x125xi32, #tpu.memory_space<hbm>>
      %dma_start3A_243 = tpu.memref_squeeze %dma_start3A_242 : memref<1x80x125xi32, #tpu.memory_space<hbm>> -> memref<80x125xi32, #tpu.memory_space<hbm>>
      %dma_start3A_244 = arith.constant 0 : i32
      %dma_start3A_245 = tpu.memref_slice %arg3[%run_scoped3A_8, %mul3A_7, %dma_start3A_244] : memref<2x2560x125xi32, #tpu.memory_space<hbm>> -> memref<1x80x125xi32, #tpu.memory_space<hbm>>
      %dma_start3A_246 = tpu.memref_squeeze %dma_start3A_245 : memref<1x80x125xi32, #tpu.memory_space<hbm>> -> memref<80x125xi32, #tpu.memory_space<hbm>>
      tpu.enqueue_dma source(%dma_start3A_246 : memref<80x125xi32, #tpu.memory_space<hbm>>) target(%arg7 : memref<80x125xi32, #tpu.memory_space<vmem>>) target_semaphore(%run_scoped3A_240 : memref<!tpu.dma_semaphore, #tpu.memory_space<semaphore_mem>>)
      %dma_wait3A_247 = arith.constant 0 : i32
      %dma_wait3A_248 = tpu.memref_slice %arg3[%run_scoped3A_8, %mul3A_7, %dma_wait3A_247] : memref<2x2560x125xi32, #tpu.memory_space<hbm>> -> memref<1x80x125xi32, #tpu.memory_space<hbm>>
      %dma_wait3A_249 = tpu.memref_squeeze %dma_wait3A_248 : memref<1x80x125xi32, #tpu.memory_space<hbm>> -> memref<80x125xi32, #tpu.memory_space<hbm>>
      %dma_wait3A_250 = arith.constant 0 : i32
      %dma_wait3A_251 = tpu.memref_slice %arg3[%run_scoped3A_8, %mul3A_7, %dma_wait3A_250] : memref<2x2560x125xi32, #tpu.memory_space<hbm>> -> memref<1x80x125xi32, #tpu.memory_space<hbm>>
      %dma_wait3A_252 = tpu.memref_squeeze %dma_wait3A_251 : memref<1x80x125xi32, #tpu.memory_space<hbm>> -> memref<80x125xi32, #tpu.memory_space<hbm>>
      tpu.wait_dma2 semaphore(%run_scoped3A_240 : memref<!tpu.dma_semaphore, #tpu.memory_space<semaphore_mem>>) src(%dma_wait3A_252 : memref<80x125xi32, #tpu.memory_space<hbm>>) dst(%arg7 : memref<80x125xi32, #tpu.memory_space<vmem>>)
      tpu.yield
    }) : () -> ()
    %dma_start3A_9 = arith.constant 0 : i32
    %dma_start3A_10 = arith.constant 0 : i32
    %dma_start3A_11 = tpu.memref_slice %arg6[%dma_start3A_9, %dma_start3A_10] : memref<80x125xi32, #tpu.memory_space<vmem>> -> memref<1x125xi32, #tpu.memory_space<vmem>>
    %dma_start3A_12 = tpu.memref_squeeze %dma_start3A_11 : memref<1x125xi32, #tpu.memory_space<vmem>> -> memref<125xi32, #tpu.memory_space<vmem>>
    %dma_start3A_13 = arith.constant 0 : i32
    %dma_start3A_14 = arith.constant 0 : i32
    %dma_start3A_15 = tpu.memref_slice %arg2[%dma_start3A_13, %dma_start3A_14] : memref<10000x64xf32, #tpu.memory_space<hbm>> -> memref<10000x64xf32, #tpu.memory_space<hbm>>
    tpu.enqueue_indirect_dma source(%dma_start3A_15 : memref<10000x64xf32, #tpu.memory_space<hbm>>) target(%arg8 : memref<125x64xf32, #tpu.memory_space<vmem>>) offsets(%dma_start3A_12 : memref<125xi32, #tpu.memory_space<vmem>>) semaphore(%arg16 : memref<!tpu.dma_semaphore, #tpu.memory_space<semaphore_mem>>)
    %dma_start3A_16 = arith.constant 1 : i32
    %dma_start3A_17 = arith.constant 0 : i32
    %dma_start3A_18 = tpu.memref_slice %arg6[%dma_start3A_16, %dma_start3A_17] : memref<80x125xi32, #tpu.memory_space<vmem>> -> memref<1x125xi32, #tpu.memory_space<vmem>>
    %dma_start3A_19 = tpu.memref_squeeze %dma_start3A_18 : memref<1x125xi32, #tpu.memory_space<vmem>> -> memref<125xi32, #tpu.memory_space<vmem>>
    %dma_start3A_20 = arith.constant 0 : i32
    %dma_start3A_21 = arith.constant 0 : i32
    %dma_start3A_22 = tpu.memref_slice %arg2[%dma_start3A_20, %dma_start3A_21] : memref<10000x64xf32, #tpu.memory_space<hbm>> -> memref<10000x64xf32, #tpu.memory_space<hbm>>
    tpu.enqueue_indirect_dma source(%dma_start3A_22 : memref<10000x64xf32, #tpu.memory_space<hbm>>) target(%arg9 : memref<125x64xf32, #tpu.memory_space<vmem>>) offsets(%dma_start3A_19 : memref<125xi32, #tpu.memory_space<vmem>>) semaphore(%arg17 : memref<!tpu.dma_semaphore, #tpu.memory_space<semaphore_mem>>)
    %dma_start3A_23 = arith.constant 2 : i32
    %dma_start3A_24 = arith.constant 0 : i32
    %dma_start3A_25 = tpu.memref_slice %arg6[%dma_start3A_23, %dma_start3A_24] : memref<80x125xi32, #tpu.memory_space<vmem>> -> memref<1x125xi32, #tpu.memory_space<vmem>>
    %dma_start3A_26 = tpu.memref_squeeze %dma_start3A_25 : memref<1x125xi32, #tpu.memory_space<vmem>> -> memref<125xi32, #tpu.memory_space<vmem>>
    %dma_start3A_27 = arith.constant 0 : i32
    %dma_start3A_28 = arith.constant 0 : i32
    %dma_start3A_29 = tpu.memref_slice %arg2[%dma_start3A_27, %dma_start3A_28] : memref<10000x64xf32, #tpu.memory_space<hbm>> -> memref<10000x64xf32, #tpu.memory_space<hbm>>
    tpu.enqueue_indirect_dma source(%dma_start3A_29 : memref<10000x64xf32, #tpu.memory_space<hbm>>) target(%arg10 : memref<125x64xf32, #tpu.memory_space<vmem>>) offsets(%dma_start3A_26 : memref<125xi32, #tpu.memory_space<vmem>>) semaphore(%arg18 : memref<!tpu.dma_semaphore, #tpu.memory_space<semaphore_mem>>)
    %dma_start3A_30 = arith.constant 3 : i32
    %dma_start3A_31 = arith.constant 0 : i32
    %dma_start3A_32 = tpu.memref_slice %arg6[%dma_start3A_30, %dma_start3A_31] : memref<80x125xi32, #tpu.memory_space<vmem>> -> memref<1x125xi32, #tpu.memory_space<vmem>>
    %dma_start3A_33 = tpu.memref_squeeze %dma_start3A_32 : memref<1x125xi32, #tpu.memory_space<vmem>> -> memref<125xi32, #tpu.memory_space<vmem>>
    %dma_start3A_34 = arith.constant 0 : i32
    %dma_start3A_35 = arith.constant 0 : i32
    %dma_start3A_36 = tpu.memref_slice %arg2[%dma_start3A_34, %dma_start3A_35] : memref<10000x64xf32, #tpu.memory_space<hbm>> -> memref<10000x64xf32, #tpu.memory_space<hbm>>
    tpu.enqueue_indirect_dma source(%dma_start3A_36 : memref<10000x64xf32, #tpu.memory_space<hbm>>) target(%arg11 : memref<125x64xf32, #tpu.memory_space<vmem>>) offsets(%dma_start3A_33 : memref<125xi32, #tpu.memory_space<vmem>>) semaphore(%arg19 : memref<!tpu.dma_semaphore, #tpu.memory_space<semaphore_mem>>)
    %dma_start3A_37 = arith.constant 4 : i32
    %dma_start3A_38 = arith.constant 0 : i32
    %dma_start3A_39 = tpu.memref_slice %arg6[%dma_start3A_37, %dma_start3A_38] : memref<80x125xi32, #tpu.memory_space<vmem>> -> memref<1x125xi32, #tpu.memory_space<vmem>>
    %dma_start3A_40 = tpu.memref_squeeze %dma_start3A_39 : memref<1x125xi32, #tpu.memory_space<vmem>> -> memref<125xi32, #tpu.memory_space<vmem>>
    %dma_start3A_41 = arith.constant 0 : i32
    %dma_start3A_42 = arith.constant 0 : i32
    %dma_start3A_43 = tpu.memref_slice %arg2[%dma_start3A_41, %dma_start3A_42] : memref<10000x64xf32, #tpu.memory_space<hbm>> -> memref<10000x64xf32, #tpu.memory_space<hbm>>
    tpu.enqueue_indirect_dma source(%dma_start3A_43 : memref<10000x64xf32, #tpu.memory_space<hbm>>) target(%arg12 : memref<125x64xf32, #tpu.memory_space<vmem>>) offsets(%dma_start3A_40 : memref<125xi32, #tpu.memory_space<vmem>>) semaphore(%arg20 : memref<!tpu.dma_semaphore, #tpu.memory_space<semaphore_mem>>)
    %dma_start3A_44 = arith.constant 5 : i32
    %dma_start3A_45 = arith.constant 0 : i32
    %dma_start3A_46 = tpu.memref_slice %arg6[%dma_start3A_44, %dma_start3A_45] : memref<80x125xi32, #tpu.memory_space<vmem>> -> memref<1x125xi32, #tpu.memory_space<vmem>>
    %dma_start3A_47 = tpu.memref_squeeze %dma_start3A_46 : memref<1x125xi32, #tpu.memory_space<vmem>> -> memref<125xi32, #tpu.memory_space<vmem>>
    %dma_start3A_48 = arith.constant 0 : i32
    %dma_start3A_49 = arith.constant 0 : i32
    %dma_start3A_50 = tpu.memref_slice %arg2[%dma_start3A_48, %dma_start3A_49] : memref<10000x64xf32, #tpu.memory_space<hbm>> -> memref<10000x64xf32, #tpu.memory_space<hbm>>
    tpu.enqueue_indirect_dma source(%dma_start3A_50 : memref<10000x64xf32, #tpu.memory_space<hbm>>) target(%arg13 : memref<125x64xf32, #tpu.memory_space<vmem>>) offsets(%dma_start3A_47 : memref<125xi32, #tpu.memory_space<vmem>>) semaphore(%arg21 : memref<!tpu.dma_semaphore, #tpu.memory_space<semaphore_mem>>)
    %dma_start3A_51 = arith.constant 6 : i32
    %dma_start3A_52 = arith.constant 0 : i32
    %dma_start3A_53 = tpu.memref_slice %arg6[%dma_start3A_51, %dma_start3A_52] : memref<80x125xi32, #tpu.memory_space<vmem>> -> memref<1x125xi32, #tpu.memory_space<vmem>>
    %dma_start3A_54 = tpu.memref_squeeze %dma_start3A_53 : memref<1x125xi32, #tpu.memory_space<vmem>> -> memref<125xi32, #tpu.memory_space<vmem>>
    %dma_start3A_55 = arith.constant 0 : i32
    %dma_start3A_56 = arith.constant 0 : i32
    %dma_start3A_57 = tpu.memref_slice %arg2[%dma_start3A_55, %dma_start3A_56] : memref<10000x64xf32, #tpu.memory_space<hbm>> -> memref<10000x64xf32, #tpu.memory_space<hbm>>
    tpu.enqueue_indirect_dma source(%dma_start3A_57 : memref<10000x64xf32, #tpu.memory_space<hbm>>) target(%arg14 : memref<125x64xf32, #tpu.memory_space<vmem>>) offsets(%dma_start3A_54 : memref<125xi32, #tpu.memory_space<vmem>>) semaphore(%arg22 : memref<!tpu.dma_semaphore, #tpu.memory_space<semaphore_mem>>)
    %dma_start3A_58 = arith.constant 7 : i32
    %dma_start3A_59 = arith.constant 0 : i32
    %dma_start3A_60 = tpu.memref_slice %arg6[%dma_start3A_58, %dma_start3A_59] : memref<80x125xi32, #tpu.memory_space<vmem>> -> memref<1x125xi32, #tpu.memory_space<vmem>>
    %dma_start3A_61 = tpu.memref_squeeze %dma_start3A_60 : memref<1x125xi32, #tpu.memory_space<vmem>> -> memref<125xi32, #tpu.memory_space<vmem>>
    %dma_start3A_62 = arith.constant 0 : i32
    %dma_start3A_63 = arith.constant 0 : i32
    %dma_start3A_64 = tpu.memref_slice %arg2[%dma_start3A_62, %dma_start3A_63] : memref<10000x64xf32, #tpu.memory_space<hbm>> -> memref<10000x64xf32, #tpu.memory_space<hbm>>
    tpu.enqueue_indirect_dma source(%dma_start3A_64 : memref<10000x64xf32, #tpu.memory_space<hbm>>) target(%arg15 : memref<125x64xf32, #tpu.memory_space<vmem>>) offsets(%dma_start3A_61 : memref<125xi32, #tpu.memory_space<vmem>>) semaphore(%arg23 : memref<!tpu.dma_semaphore, #tpu.memory_space<semaphore_mem>>)
    %dma_wait3A = arith.constant 0 : i32
    %dma_wait3A_65 = tpu.memref_slice %arg32[%mul3A_2, %dma_wait3A] : memref<10112x64xf32, #tpu.memory_space<vmem_shared>> -> memref<632x64xf32, #tpu.memory_space<vmem_shared>>
    tpu.wait_dma2 semaphore(%arg31 : memref<!tpu.dma_semaphore, #tpu.memory_space<semaphore_mem>>) src(%arg4 : memref<632x64xf32, #tpu.memory_space<hbm>>) dst(%dma_wait3A_65 : memref<632x64xf32, #tpu.memory_space<vmem_shared>>)
    %barrier3A = arith.constant 0 : index
    tpu.barrier barrier_id(%barrier3A)
    %dma_wait3A_66 = arith.constant 0 : i32
    %dma_wait3A_67 = arith.constant 0 : i32
    %dma_wait3A_68 = tpu.memref_slice %arg6[%dma_wait3A_66, %dma_wait3A_67] : memref<80x125xi32, #tpu.memory_space<vmem>> -> memref<1x125xi32, #tpu.memory_space<vmem>>
    %dma_wait3A_69 = tpu.memref_squeeze %dma_wait3A_68 : memref<1x125xi32, #tpu.memory_space<vmem>> -> memref<125xi32, #tpu.memory_space<vmem>>
    %dma_wait3A_70 = arith.constant 0 : i32
    %dma_wait3A_71 = arith.constant 0 : i32
    %dma_wait3A_72 = tpu.memref_slice %arg2[%dma_wait3A_70, %dma_wait3A_71] : memref<10000x64xf32, #tpu.memory_space<hbm>> -> memref<10000x64xf32, #tpu.memory_space<hbm>>
    tpu.wait_indirect_dma semaphore(%arg16 : memref<!tpu.dma_semaphore, #tpu.memory_space<semaphore_mem>>) src(%dma_wait3A_72 : memref<10000x64xf32, #tpu.memory_space<hbm>>) dst(%arg8 : memref<125x64xf32, #tpu.memory_space<vmem>>)
    %dma_start3A_73 = arith.constant 0 : i32
    %dma_start3A_74 = arith.constant 0 : i32
    %dma_start3A_75 = tpu.memref_slice %arg7[%dma_start3A_73, %dma_start3A_74] : memref<80x125xi32, #tpu.memory_space<vmem>> -> memref<1x125xi32, #tpu.memory_space<vmem>>
    %dma_start3A_76 = tpu.memref_squeeze %dma_start3A_75 : memref<1x125xi32, #tpu.memory_space<vmem>> -> memref<125xi32, #tpu.memory_space<vmem>>
    %dma_start3A_77 = arith.constant 0 : i32
    %dma_start3A_78 = arith.constant 0 : i32
    %dma_start3A_79 = tpu.memref_slice %arg32[%dma_start3A_77, %dma_start3A_78] : memref<10112x64xf32, #tpu.memory_space<vmem_shared>> -> memref<10112x64xf32, #tpu.memory_space<vmem_shared>>
    tpu.enqueue_indirect_dma source(%arg8 : memref<125x64xf32, #tpu.memory_space<vmem>>) target(%dma_start3A_79 : memref<10112x64xf32, #tpu.memory_space<vmem_shared>>) offsets(%dma_start3A_76 : memref<125xi32, #tpu.memory_space<vmem>>) semaphore(%arg24 : memref<!tpu.dma_semaphore, #tpu.memory_space<semaphore_mem>>) {add = true}
    %dma_wait3A_80 = arith.constant 1 : i32
    %dma_wait3A_81 = arith.constant 0 : i32
    %dma_wait3A_82 = tpu.memref_slice %arg6[%dma_wait3A_80, %dma_wait3A_81] : memref<80x125xi32, #tpu.memory_space<vmem>> -> memref<1x125xi32, #tpu.memory_space<vmem>>
    %dma_wait3A_83 = tpu.memref_squeeze %dma_wait3A_82 : memref<1x125xi32, #tpu.memory_space<vmem>> -> memref<125xi32, #tpu.memory_space<vmem>>
    %dma_wait3A_84 = arith.constant 0 : i32
    %dma_wait3A_85 = arith.constant 0 : i32
    %dma_wait3A_86 = tpu.memref_slice %arg2[%dma_wait3A_84, %dma_wait3A_85] : memref<10000x64xf32, #tpu.memory_space<hbm>> -> memref<10000x64xf32, #tpu.memory_space<hbm>>
    tpu.wait_indirect_dma semaphore(%arg17 : memref<!tpu.dma_semaphore, #tpu.memory_space<semaphore_mem>>) src(%dma_wait3A_86 : memref<10000x64xf32, #tpu.memory_space<hbm>>) dst(%arg9 : memref<125x64xf32, #tpu.memory_space<vmem>>)
    %dma_start3A_87 = arith.constant 1 : i32
    %dma_start3A_88 = arith.constant 0 : i32
    %dma_start3A_89 = tpu.memref_slice %arg7[%dma_start3A_87, %dma_start3A_88] : memref<80x125xi32, #tpu.memory_space<vmem>> -> memref<1x125xi32, #tpu.memory_space<vmem>>
    %dma_start3A_90 = tpu.memref_squeeze %dma_start3A_89 : memref<1x125xi32, #tpu.memory_space<vmem>> -> memref<125xi32, #tpu.memory_space<vmem>>
    %dma_start3A_91 = arith.constant 0 : i32
    %dma_start3A_92 = arith.constant 0 : i32
    %dma_start3A_93 = tpu.memref_slice %arg32[%dma_start3A_91, %dma_start3A_92] : memref<10112x64xf32, #tpu.memory_space<vmem_shared>> -> memref<10112x64xf32, #tpu.memory_space<vmem_shared>>
    tpu.enqueue_indirect_dma source(%arg9 : memref<125x64xf32, #tpu.memory_space<vmem>>) target(%dma_start3A_93 : memref<10112x64xf32, #tpu.memory_space<vmem_shared>>) offsets(%dma_start3A_90 : memref<125xi32, #tpu.memory_space<vmem>>) semaphore(%arg25 : memref<!tpu.dma_semaphore, #tpu.memory_space<semaphore_mem>>) {add = true}
    %dma_wait3A_94 = arith.constant 2 : i32
    %dma_wait3A_95 = arith.constant 0 : i32
    %dma_wait3A_96 = tpu.memref_slice %arg6[%dma_wait3A_94, %dma_wait3A_95] : memref<80x125xi32, #tpu.memory_space<vmem>> -> memref<1x125xi32, #tpu.memory_space<vmem>>
    %dma_wait3A_97 = tpu.memref_squeeze %dma_wait3A_96 : memref<1x125xi32, #tpu.memory_space<vmem>> -> memref<125xi32, #tpu.memory_space<vmem>>
    %dma_wait3A_98 = arith.constant 0 : i32
    %dma_wait3A_99 = arith.constant 0 : i32
    %dma_wait3A_100 = tpu.memref_slice %arg2[%dma_wait3A_98, %dma_wait3A_99] : memref<10000x64xf32, #tpu.memory_space<hbm>> -> memref<10000x64xf32, #tpu.memory_space<hbm>>
    tpu.wait_indirect_dma semaphore(%arg18 : memref<!tpu.dma_semaphore, #tpu.memory_space<semaphore_mem>>) src(%dma_wait3A_100 : memref<10000x64xf32, #tpu.memory_space<hbm>>) dst(%arg10 : memref<125x64xf32, #tpu.memory_space<vmem>>)
    %dma_start3A_101 = arith.constant 2 : i32
    %dma_start3A_102 = arith.constant 0 : i32
    %dma_start3A_103 = tpu.memref_slice %arg7[%dma_start3A_101, %dma_start3A_102] : memref<80x125xi32, #tpu.memory_space<vmem>> -> memref<1x125xi32, #tpu.memory_space<vmem>>
    %dma_start3A_104 = tpu.memref_squeeze %dma_start3A_103 : memref<1x125xi32, #tpu.memory_space<vmem>> -> memref<125xi32, #tpu.memory_space<vmem>>
    %dma_start3A_105 = arith.constant 0 : i32
    %dma_start3A_106 = arith.constant 0 : i32
    %dma_start3A_107 = tpu.memref_slice %arg32[%dma_start3A_105, %dma_start3A_106] : memref<10112x64xf32, #tpu.memory_space<vmem_shared>> -> memref<10112x64xf32, #tpu.memory_space<vmem_shared>>
    tpu.enqueue_indirect_dma source(%arg10 : memref<125x64xf32, #tpu.memory_space<vmem>>) target(%dma_start3A_107 : memref<10112x64xf32, #tpu.memory_space<vmem_shared>>) offsets(%dma_start3A_104 : memref<125xi32, #tpu.memory_space<vmem>>) semaphore(%arg26 : memref<!tpu.dma_semaphore, #tpu.memory_space<semaphore_mem>>) {add = true}
    %dma_wait3A_108 = arith.constant 3 : i32
    %dma_wait3A_109 = arith.constant 0 : i32
    %dma_wait3A_110 = tpu.memref_slice %arg6[%dma_wait3A_108, %dma_wait3A_109] : memref<80x125xi32, #tpu.memory_space<vmem>> -> memref<1x125xi32, #tpu.memory_space<vmem>>
    %dma_wait3A_111 = tpu.memref_squeeze %dma_wait3A_110 : memref<1x125xi32, #tpu.memory_space<vmem>> -> memref<125xi32, #tpu.memory_space<vmem>>
    %dma_wait3A_112 = arith.constant 0 : i32
    %dma_wait3A_113 = arith.constant 0 : i32
    %dma_wait3A_114 = tpu.memref_slice %arg2[%dma_wait3A_112, %dma_wait3A_113] : memref<10000x64xf32, #tpu.memory_space<hbm>> -> memref<10000x64xf32, #tpu.memory_space<hbm>>
    tpu.wait_indirect_dma semaphore(%arg19 : memref<!tpu.dma_semaphore, #tpu.memory_space<semaphore_mem>>) src(%dma_wait3A_114 : memref<10000x64xf32, #tpu.memory_space<hbm>>) dst(%arg11 : memref<125x64xf32, #tpu.memory_space<vmem>>)
    %dma_start3A_115 = arith.constant 3 : i32
    %dma_start3A_116 = arith.constant 0 : i32
    %dma_start3A_117 = tpu.memref_slice %arg7[%dma_start3A_115, %dma_start3A_116] : memref<80x125xi32, #tpu.memory_space<vmem>> -> memref<1x125xi32, #tpu.memory_space<vmem>>
    %dma_start3A_118 = tpu.memref_squeeze %dma_start3A_117 : memref<1x125xi32, #tpu.memory_space<vmem>> -> memref<125xi32, #tpu.memory_space<vmem>>
    %dma_start3A_119 = arith.constant 0 : i32
    %dma_start3A_120 = arith.constant 0 : i32
    %dma_start3A_121 = tpu.memref_slice %arg32[%dma_start3A_119, %dma_start3A_120] : memref<10112x64xf32, #tpu.memory_space<vmem_shared>> -> memref<10112x64xf32, #tpu.memory_space<vmem_shared>>
    tpu.enqueue_indirect_dma source(%arg11 : memref<125x64xf32, #tpu.memory_space<vmem>>) target(%dma_start3A_121 : memref<10112x64xf32, #tpu.memory_space<vmem_shared>>) offsets(%dma_start3A_118 : memref<125xi32, #tpu.memory_space<vmem>>) semaphore(%arg27 : memref<!tpu.dma_semaphore, #tpu.memory_space<semaphore_mem>>) {add = true}
    %scan3A = arith.constant 0 : i32
    %scan3A_122 = arith.constant 0 : i32
    %scan3A_123 = arith.constant 9 : i32
    %scan3A_124 = arith.addi %scan3A_122, %scan3A_123 : i32
    %scan3A_125 = arith.constant 1 : i32
    scf.for %scan3A_240 = %scan3A_122 to %scan3A_124 step %scan3A_125  : i32 {
      %mul3A_241 = arith.constant 8 : i32
      %mul3A_242 = arith.muli %mul3A_241, %scan3A_240 : i32
      %add3A_243 = arith.constant 4 : i32
      %add3A_244 = arith.addi %add3A_243, %mul3A_242 : i32
      %add3A_245 = arith.constant 0 : i32
      %add3A_246 = arith.addi %add3A_244, %add3A_245 : i32
      %sub3A = arith.constant 4 : i32
      %sub3A_247 = arith.subi %add3A_246, %sub3A : i32
      %dma_wait3A_248 = arith.constant 0 : i32
      %dma_wait3A_249 = tpu.memref_slice %arg7[%sub3A_247, %dma_wait3A_248] : memref<80x125xi32, #tpu.memory_space<vmem>> -> memref<1x125xi32, #tpu.memory_space<vmem>>
      %dma_wait3A_250 = tpu.memref_squeeze %dma_wait3A_249 : memref<1x125xi32, #tpu.memory_space<vmem>> -> memref<125xi32, #tpu.memory_space<vmem>>
      %dma_wait3A_251 = arith.constant 0 : i32
      %dma_wait3A_252 = arith.constant 0 : i32
      %dma_wait3A_253 = tpu.memref_slice %arg32[%dma_wait3A_251, %dma_wait3A_252] : memref<10112x64xf32, #tpu.memory_space<vmem_shared>> -> memref<10112x64xf32, #tpu.memory_space<vmem_shared>>
      tpu.wait_indirect_dma semaphore(%arg24 : memref<!tpu.dma_semaphore, #tpu.memory_space<semaphore_mem>>) src(%arg8 : memref<125x64xf32, #tpu.memory_space<vmem>>) dst(%dma_wait3A_253 : memref<10112x64xf32, #tpu.memory_space<vmem_shared>>)
      %add3A_254 = arith.constant 4 : i32
      %add3A_255 = arith.addi %add3A_246, %add3A_254 : i32
      %dma_start3A_256 = arith.constant 0 : i32
      %dma_start3A_257 = tpu.memref_slice %arg6[%add3A_255, %dma_start3A_256] : memref<80x125xi32, #tpu.memory_space<vmem>> -> memref<1x125xi32, #tpu.memory_space<vmem>>
      %dma_start3A_258 = tpu.memref_squeeze %dma_start3A_257 : memref<1x125xi32, #tpu.memory_space<vmem>> -> memref<125xi32, #tpu.memory_space<vmem>>
      %dma_start3A_259 = arith.constant 0 : i32
      %dma_start3A_260 = arith.constant 0 : i32
      %dma_start3A_261 = tpu.memref_slice %arg2[%dma_start3A_259, %dma_start3A_260] : memref<10000x64xf32, #tpu.memory_space<hbm>> -> memref<10000x64xf32, #tpu.memory_space<hbm>>
      tpu.enqueue_indirect_dma source(%dma_start3A_261 : memref<10000x64xf32, #tpu.memory_space<hbm>>) target(%arg8 : memref<125x64xf32, #tpu.memory_space<vmem>>) offsets(%dma_start3A_258 : memref<125xi32, #tpu.memory_space<vmem>>) semaphore(%arg16 : memref<!tpu.dma_semaphore, #tpu.memory_space<semaphore_mem>>)
      %dma_wait3A_262 = arith.constant 0 : i32
      %dma_wait3A_263 = tpu.memref_slice %arg6[%add3A_246, %dma_wait3A_262] : memref<80x125xi32, #tpu.memory_space<vmem>> -> memref<1x125xi32, #tpu.memory_space<vmem>>
      %dma_wait3A_264 = tpu.memref_squeeze %dma_wait3A_263 : memref<1x125xi32, #tpu.memory_space<vmem>> -> memref<125xi32, #tpu.memory_space<vmem>>
      %dma_wait3A_265 = arith.constant 0 : i32
      %dma_wait3A_266 = arith.constant 0 : i32
      %dma_wait3A_267 = tpu.memref_slice %arg2[%dma_wait3A_265, %dma_wait3A_266] : memref<10000x64xf32, #tpu.memory_space<hbm>> -> memref<10000x64xf32, #tpu.memory_space<hbm>>
      tpu.wait_indirect_dma semaphore(%arg20 : memref<!tpu.dma_semaphore, #tpu.memory_space<semaphore_mem>>) src(%dma_wait3A_267 : memref<10000x64xf32, #tpu.memory_space<hbm>>) dst(%arg12 : memref<125x64xf32, #tpu.memory_space<vmem>>)
      %dma_start3A_268 = arith.constant 0 : i32
      %dma_start3A_269 = tpu.memref_slice %arg7[%add3A_246, %dma_start3A_268] : memref<80x125xi32, #tpu.memory_space<vmem>> -> memref<1x125xi32, #tpu.memory_space<vmem>>
      %dma_start3A_270 = tpu.memref_squeeze %dma_start3A_269 : memref<1x125xi32, #tpu.memory_space<vmem>> -> memref<125xi32, #tpu.memory_space<vmem>>
      %dma_start3A_271 = arith.constant 0 : i32
      %dma_start3A_272 = arith.constant 0 : i32
      %dma_start3A_273 = tpu.memref_slice %arg32[%dma_start3A_271, %dma_start3A_272] : memref<10112x64xf32, #tpu.memory_space<vmem_shared>> -> memref<10112x64xf32, #tpu.memory_space<vmem_shared>>
      tpu.enqueue_indirect_dma source(%arg12 : memref<125x64xf32, #tpu.memory_space<vmem>>) target(%dma_start3A_273 : memref<10112x64xf32, #tpu.memory_space<vmem_shared>>) offsets(%dma_start3A_270 : memref<125xi32, #tpu.memory_space<vmem>>) semaphore(%arg28 : memref<!tpu.dma_semaphore, #tpu.memory_space<semaphore_mem>>) {add = true}
      %add3A_274 = arith.constant 1 : i32
      %add3A_275 = arith.addi %add3A_244, %add3A_274 : i32
      %sub3A_276 = arith.constant 4 : i32
      %sub3A_277 = arith.subi %add3A_275, %sub3A_276 : i32
      %dma_wait3A_278 = arith.constant 0 : i32
      %dma_wait3A_279 = tpu.memref_slice %arg7[%sub3A_277, %dma_wait3A_278] : memref<80x125xi32, #tpu.memory_space<vmem>> -> memref<1x125xi32, #tpu.memory_space<vmem>>
      %dma_wait3A_280 = tpu.memref_squeeze %dma_wait3A_279 : memref<1x125xi32, #tpu.memory_space<vmem>> -> memref<125xi32, #tpu.memory_space<vmem>>
      %dma_wait3A_281 = arith.constant 0 : i32
      %dma_wait3A_282 = arith.constant 0 : i32
      %dma_wait3A_283 = tpu.memref_slice %arg32[%dma_wait3A_281, %dma_wait3A_282] : memref<10112x64xf32, #tpu.memory_space<vmem_shared>> -> memref<10112x64xf32, #tpu.memory_space<vmem_shared>>
      tpu.wait_indirect_dma semaphore(%arg25 : memref<!tpu.dma_semaphore, #tpu.memory_space<semaphore_mem>>) src(%arg9 : memref<125x64xf32, #tpu.memory_space<vmem>>) dst(%dma_wait3A_283 : memref<10112x64xf32, #tpu.memory_space<vmem_shared>>)
      %add3A_284 = arith.constant 4 : i32
      %add3A_285 = arith.addi %add3A_275, %add3A_284 : i32
      %dma_start3A_286 = arith.constant 0 : i32
      %dma_start3A_287 = tpu.memref_slice %arg6[%add3A_285, %dma_start3A_286] : memref<80x125xi32, #tpu.memory_space<vmem>> -> memref<1x125xi32, #tpu.memory_space<vmem>>
      %dma_start3A_288 = tpu.memref_squeeze %dma_start3A_287 : memref<1x125xi32, #tpu.memory_space<vmem>> -> memref<125xi32, #tpu.memory_space<vmem>>
      %dma_start3A_289 = arith.constant 0 : i32
      %dma_start3A_290 = arith.constant 0 : i32
      %dma_start3A_291 = tpu.memref_slice %arg2[%dma_start3A_289, %dma_start3A_290] : memref<10000x64xf32, #tpu.memory_space<hbm>> -> memref<10000x64xf32, #tpu.memory_space<hbm>>
      tpu.enqueue_indirect_dma source(%dma_start3A_291 : memref<10000x64xf32, #tpu.memory_space<hbm>>) target(%arg9 : memref<125x64xf32, #tpu.memory_space<vmem>>) offsets(%dma_start3A_288 : memref<125xi32, #tpu.memory_space<vmem>>) semaphore(%arg17 : memref<!tpu.dma_semaphore, #tpu.memory_space<semaphore_mem>>)
      %dma_wait3A_292 = arith.constant 0 : i32
      %dma_wait3A_293 = tpu.memref_slice %arg6[%add3A_275, %dma_wait3A_292] : memref<80x125xi32, #tpu.memory_space<vmem>> -> memref<1x125xi32, #tpu.memory_space<vmem>>
      %dma_wait3A_294 = tpu.memref_squeeze %dma_wait3A_293 : memref<1x125xi32, #tpu.memory_space<vmem>> -> memref<125xi32, #tpu.memory_space<vmem>>
      %dma_wait3A_295 = arith.constant 0 : i32
      %dma_wait3A_296 = arith.constant 0 : i32
      %dma_wait3A_297 = tpu.memref_slice %arg2[%dma_wait3A_295, %dma_wait3A_296] : memref<10000x64xf32, #tpu.memory_space<hbm>> -> memref<10000x64xf32, #tpu.memory_space<hbm>>
      tpu.wait_indirect_dma semaphore(%arg21 : memref<!tpu.dma_semaphore, #tpu.memory_space<semaphore_mem>>) src(%dma_wait3A_297 : memref<10000x64xf32, #tpu.memory_space<hbm>>) dst(%arg13 : memref<125x64xf32, #tpu.memory_space<vmem>>)
      %dma_start3A_298 = arith.constant 0 : i32
      %dma_start3A_299 = tpu.memref_slice %arg7[%add3A_275, %dma_start3A_298] : memref<80x125xi32, #tpu.memory_space<vmem>> -> memref<1x125xi32, #tpu.memory_space<vmem>>
      %dma_start3A_300 = tpu.memref_squeeze %dma_start3A_299 : memref<1x125xi32, #tpu.memory_space<vmem>> -> memref<125xi32, #tpu.memory_space<vmem>>
      %dma_start3A_301 = arith.constant 0 : i32
      %dma_start3A_302 = arith.constant 0 : i32
      %dma_start3A_303 = tpu.memref_slice %arg32[%dma_start3A_301, %dma_start3A_302] : memref<10112x64xf32, #tpu.memory_space<vmem_shared>> -> memref<10112x64xf32, #tpu.memory_space<vmem_shared>>
      tpu.enqueue_indirect_dma source(%arg13 : memref<125x64xf32, #tpu.memory_space<vmem>>) target(%dma_start3A_303 : memref<10112x64xf32, #tpu.memory_space<vmem_shared>>) offsets(%dma_start3A_300 : memref<125xi32, #tpu.memory_space<vmem>>) semaphore(%arg29 : memref<!tpu.dma_semaphore, #tpu.memory_space<semaphore_mem>>) {add = true}
      %add3A_304 = arith.constant 2 : i32
      %add3A_305 = arith.addi %add3A_244, %add3A_304 : i32
      %sub3A_306 = arith.constant 4 : i32
      %sub3A_307 = arith.subi %add3A_305, %sub3A_306 : i32
      %dma_wait3A_308 = arith.constant 0 : i32
      %dma_wait3A_309 = tpu.memref_slice %arg7[%sub3A_307, %dma_wait3A_308] : memref<80x125xi32, #tpu.memory_space<vmem>> -> memref<1x125xi32, #tpu.memory_space<vmem>>
      %dma_wait3A_310 = tpu.memref_squeeze %dma_wait3A_309 : memref<1x125xi32, #tpu.memory_space<vmem>> -> memref<125xi32, #tpu.memory_space<vmem>>
      %dma_wait3A_311 = arith.constant 0 : i32
      %dma_wait3A_312 = arith.constant 0 : i32
      %dma_wait3A_313 = tpu.memref_slice %arg32[%dma_wait3A_311, %dma_wait3A_312] : memref<10112x64xf32, #tpu.memory_space<vmem_shared>> -> memref<10112x64xf32, #tpu.memory_space<vmem_shared>>
      tpu.wait_indirect_dma semaphore(%arg26 : memref<!tpu.dma_semaphore, #tpu.memory_space<semaphore_mem>>) src(%arg10 : memref<125x64xf32, #tpu.memory_space<vmem>>) dst(%dma_wait3A_313 : memref<10112x64xf32, #tpu.memory_space<vmem_shared>>)
      %add3A_314 = arith.constant 4 : i32
      %add3A_315 = arith.addi %add3A_305, %add3A_314 : i32
      %dma_start3A_316 = arith.constant 0 : i32
      %dma_start3A_317 = tpu.memref_slice %arg6[%add3A_315, %dma_start3A_316] : memref<80x125xi32, #tpu.memory_space<vmem>> -> memref<1x125xi32, #tpu.memory_space<vmem>>
      %dma_start3A_318 = tpu.memref_squeeze %dma_start3A_317 : memref<1x125xi32, #tpu.memory_space<vmem>> -> memref<125xi32, #tpu.memory_space<vmem>>
      %dma_start3A_319 = arith.constant 0 : i32
      %dma_start3A_320 = arith.constant 0 : i32
      %dma_start3A_321 = tpu.memref_slice %arg2[%dma_start3A_319, %dma_start3A_320] : memref<10000x64xf32, #tpu.memory_space<hbm>> -> memref<10000x64xf32, #tpu.memory_space<hbm>>
      tpu.enqueue_indirect_dma source(%dma_start3A_321 : memref<10000x64xf32, #tpu.memory_space<hbm>>) target(%arg10 : memref<125x64xf32, #tpu.memory_space<vmem>>) offsets(%dma_start3A_318 : memref<125xi32, #tpu.memory_space<vmem>>) semaphore(%arg18 : memref<!tpu.dma_semaphore, #tpu.memory_space<semaphore_mem>>)
      %dma_wait3A_322 = arith.constant 0 : i32
      %dma_wait3A_323 = tpu.memref_slice %arg6[%add3A_305, %dma_wait3A_322] : memref<80x125xi32, #tpu.memory_space<vmem>> -> memref<1x125xi32, #tpu.memory_space<vmem>>
      %dma_wait3A_324 = tpu.memref_squeeze %dma_wait3A_323 : memref<1x125xi32, #tpu.memory_space<vmem>> -> memref<125xi32, #tpu.memory_space<vmem>>
      %dma_wait3A_325 = arith.constant 0 : i32
      %dma_wait3A_326 = arith.constant 0 : i32
      %dma_wait3A_327 = tpu.memref_slice %arg2[%dma_wait3A_325, %dma_wait3A_326] : memref<10000x64xf32, #tpu.memory_space<hbm>> -> memref<10000x64xf32, #tpu.memory_space<hbm>>
      tpu.wait_indirect_dma semaphore(%arg22 : memref<!tpu.dma_semaphore, #tpu.memory_space<semaphore_mem>>) src(%dma_wait3A_327 : memref<10000x64xf32, #tpu.memory_space<hbm>>) dst(%arg14 : memref<125x64xf32, #tpu.memory_space<vmem>>)
      %dma_start3A_328 = arith.constant 0 : i32
      %dma_start3A_329 = tpu.memref_slice %arg7[%add3A_305, %dma_start3A_328] : memref<80x125xi32, #tpu.memory_space<vmem>> -> memref<1x125xi32, #tpu.memory_space<vmem>>
      %dma_start3A_330 = tpu.memref_squeeze %dma_start3A_329 : memref<1x125xi32, #tpu.memory_space<vmem>> -> memref<125xi32, #tpu.memory_space<vmem>>
      %dma_start3A_331 = arith.constant 0 : i32
      %dma_start3A_332 = arith.constant 0 : i32
      %dma_start3A_333 = tpu.memref_slice %arg32[%dma_start3A_331, %dma_start3A_332] : memref<10112x64xf32, #tpu.memory_space<vmem_shared>> -> memref<10112x64xf32, #tpu.memory_space<vmem_shared>>
      tpu.enqueue_indirect_dma source(%arg14 : memref<125x64xf32, #tpu.memory_space<vmem>>) target(%dma_start3A_333 : memref<10112x64xf32, #tpu.memory_space<vmem_shared>>) offsets(%dma_start3A_330 : memref<125xi32, #tpu.memory_space<vmem>>) semaphore(%arg30 : memref<!tpu.dma_semaphore, #tpu.memory_space<semaphore_mem>>) {add = true}
      %add3A_334 = arith.constant 3 : i32
      %add3A_335 = arith.addi %add3A_244, %add3A_334 : i32
      %sub3A_336 = arith.constant 4 : i32
      %sub3A_337 = arith.subi %add3A_335, %sub3A_336 : i32
      %dma_wait3A_338 = arith.constant 0 : i32
      %dma_wait3A_339 = tpu.memref_slice %arg7[%sub3A_337, %dma_wait3A_338] : memref<80x125xi32, #tpu.memory_space<vmem>> -> memref<1x125xi32, #tpu.memory_space<vmem>>
      %dma_wait3A_340 = tpu.memref_squeeze %dma_wait3A_339 : memref<1x125xi32, #tpu.memory_space<vmem>> -> memref<125xi32, #tpu.memory_space<vmem>>
      %dma_wait3A_341 = arith.constant 0 : i32
      %dma_wait3A_342 = arith.constant 0 : i32
      %dma_wait3A_343 = tpu.memref_slice %arg32[%dma_wait3A_341, %dma_wait3A_342] : memref<10112x64xf32, #tpu.memory_space<vmem_shared>> -> memref<10112x64xf32, #tpu.memory_space<vmem_shared>>
      tpu.wait_indirect_dma semaphore(%arg27 : memref<!tpu.dma_semaphore, #tpu.memory_space<semaphore_mem>>) src(%arg11 : memref<125x64xf32, #tpu.memory_space<vmem>>) dst(%dma_wait3A_343 : memref<10112x64xf32, #tpu.memory_space<vmem_shared>>)
      %add3A_344 = arith.constant 4 : i32
      %add3A_345 = arith.addi %add3A_335, %add3A_344 : i32
      %dma_start3A_346 = arith.constant 0 : i32
      %dma_start3A_347 = tpu.memref_slice %arg6[%add3A_345, %dma_start3A_346] : memref<80x125xi32, #tpu.memory_space<vmem>> -> memref<1x125xi32, #tpu.memory_space<vmem>>
      %dma_start3A_348 = tpu.memref_squeeze %dma_start3A_347 : memref<1x125xi32, #tpu.memory_space<vmem>> -> memref<125xi32, #tpu.memory_space<vmem>>
      %dma_start3A_349 = arith.constant 0 : i32
      %dma_start3A_350 = arith.constant 0 : i32
      %dma_start3A_351 = tpu.memref_slice %arg2[%dma_start3A_349, %dma_start3A_350] : memref<10000x64xf32, #tpu.memory_space<hbm>> -> memref<10000x64xf32, #tpu.memory_space<hbm>>
      tpu.enqueue_indirect_dma source(%dma_start3A_351 : memref<10000x64xf32, #tpu.memory_space<hbm>>) target(%arg11 : memref<125x64xf32, #tpu.memory_space<vmem>>) offsets(%dma_start3A_348 : memref<125xi32, #tpu.memory_space<vmem>>) semaphore(%arg19 : memref<!tpu.dma_semaphore, #tpu.memory_space<semaphore_mem>>)
      %dma_wait3A_352 = arith.constant 0 : i32
      %dma_wait3A_353 = tpu.memref_slice %arg6[%add3A_335, %dma_wait3A_352] : memref<80x125xi32, #tpu.memory_space<vmem>> -> memref<1x125xi32, #tpu.memory_space<vmem>>
      %dma_wait3A_354 = tpu.memref_squeeze %dma_wait3A_353 : memref<1x125xi32, #tpu.memory_space<vmem>> -> memref<125xi32, #tpu.memory_space<vmem>>
      %dma_wait3A_355 = arith.constant 0 : i32
      %dma_wait3A_356 = arith.constant 0 : i32
      %dma_wait3A_357 = tpu.memref_slice %arg2[%dma_wait3A_355, %dma_wait3A_356] : memref<10000x64xf32, #tpu.memory_space<hbm>> -> memref<10000x64xf32, #tpu.memory_space<hbm>>
      tpu.wait_indirect_dma semaphore(%arg23 : memref<!tpu.dma_semaphore, #tpu.memory_space<semaphore_mem>>) src(%dma_wait3A_357 : memref<10000x64xf32, #tpu.memory_space<hbm>>) dst(%arg15 : memref<125x64xf32, #tpu.memory_space<vmem>>)
      %dma_start3A_358 = arith.constant 0 : i32
      %dma_start3A_359 = tpu.memref_slice %arg7[%add3A_335, %dma_start3A_358] : memref<80x125xi32, #tpu.memory_space<vmem>> -> memref<1x125xi32, #tpu.memory_space<vmem>>
      %dma_start3A_360 = tpu.memref_squeeze %dma_start3A_359 : memref<1x125xi32, #tpu.memory_space<vmem>> -> memref<125xi32, #tpu.memory_space<vmem>>
      %dma_start3A_361 = arith.constant 0 : i32
      %dma_start3A_362 = arith.constant 0 : i32
      %dma_start3A_363 = tpu.memref_slice %arg32[%dma_start3A_361, %dma_start3A_362] : memref<10112x64xf32, #tpu.memory_space<vmem_shared>> -> memref<10112x64xf32, #tpu.memory_space<vmem_shared>>
      tpu.enqueue_indirect_dma source(%arg15 : memref<125x64xf32, #tpu.memory_space<vmem>>) target(%dma_start3A_363 : memref<10112x64xf32, #tpu.memory_space<vmem_shared>>) offsets(%dma_start3A_360 : memref<125xi32, #tpu.memory_space<vmem>>) semaphore(%arg31 : memref<!tpu.dma_semaphore, #tpu.memory_space<semaphore_mem>>) {add = true}
      %add3A_364 = arith.constant 4 : i32
      %add3A_365 = arith.addi %add3A_244, %add3A_364 : i32
      %sub3A_366 = arith.constant 4 : i32
      %sub3A_367 = arith.subi %add3A_365, %sub3A_366 : i32
      %dma_wait3A_368 = arith.constant 0 : i32
      %dma_wait3A_369 = tpu.memref_slice %arg7[%sub3A_367, %dma_wait3A_368] : memref<80x125xi32, #tpu.memory_space<vmem>> -> memref<1x125xi32, #tpu.memory_space<vmem>>
      %dma_wait3A_370 = tpu.memref_squeeze %dma_wait3A_369 : memref<1x125xi32, #tpu.memory_space<vmem>> -> memref<125xi32, #tpu.memory_space<vmem>>
      %dma_wait3A_371 = arith.constant 0 : i32
      %dma_wait3A_372 = arith.constant 0 : i32
      %dma_wait3A_373 = tpu.memref_slice %arg32[%dma_wait3A_371, %dma_wait3A_372] : memref<10112x64xf32, #tpu.memory_space<vmem_shared>> -> memref<10112x64xf32, #tpu.memory_space<vmem_shared>>
      tpu.wait_indirect_dma semaphore(%arg28 : memref<!tpu.dma_semaphore, #tpu.memory_space<semaphore_mem>>) src(%arg12 : memref<125x64xf32, #tpu.memory_space<vmem>>) dst(%dma_wait3A_373 : memref<10112x64xf32, #tpu.memory_space<vmem_shared>>)
      %add3A_374 = arith.constant 4 : i32
      %add3A_375 = arith.addi %add3A_365, %add3A_374 : i32
      %dma_start3A_376 = arith.constant 0 : i32
      %dma_start3A_377 = tpu.memref_slice %arg6[%add3A_375, %dma_start3A_376] : memref<80x125xi32, #tpu.memory_space<vmem>> -> memref<1x125xi32, #tpu.memory_space<vmem>>
      %dma_start3A_378 = tpu.memref_squeeze %dma_start3A_377 : memref<1x125xi32, #tpu.memory_space<vmem>> -> memref<125xi32, #tpu.memory_space<vmem>>
      %dma_start3A_379 = arith.constant 0 : i32
      %dma_start3A_380 = arith.constant 0 : i32
      %dma_start3A_381 = tpu.memref_slice %arg2[%dma_start3A_379, %dma_start3A_380] : memref<10000x64xf32, #tpu.memory_space<hbm>> -> memref<10000x64xf32, #tpu.memory_space<hbm>>
      tpu.enqueue_indirect_dma source(%dma_start3A_381 : memref<10000x64xf32, #tpu.memory_space<hbm>>) target(%arg12 : memref<125x64xf32, #tpu.memory_space<vmem>>) offsets(%dma_start3A_378 : memref<125xi32, #tpu.memory_space<vmem>>) semaphore(%arg20 : memref<!tpu.dma_semaphore, #tpu.memory_space<semaphore_mem>>)
      %dma_wait3A_382 = arith.constant 0 : i32
      %dma_wait3A_383 = tpu.memref_slice %arg6[%add3A_365, %dma_wait3A_382] : memref<80x125xi32, #tpu.memory_space<vmem>> -> memref<1x125xi32, #tpu.memory_space<vmem>>
      %dma_wait3A_384 = tpu.memref_squeeze %dma_wait3A_383 : memref<1x125xi32, #tpu.memory_space<vmem>> -> memref<125xi32, #tpu.memory_space<vmem>>
      %dma_wait3A_385 = arith.constant 0 : i32
      %dma_wait3A_386 = arith.constant 0 : i32
      %dma_wait3A_387 = tpu.memref_slice %arg2[%dma_wait3A_385, %dma_wait3A_386] : memref<10000x64xf32, #tpu.memory_space<hbm>> -> memref<10000x64xf32, #tpu.memory_space<hbm>>
      tpu.wait_indirect_dma semaphore(%arg16 : memref<!tpu.dma_semaphore, #tpu.memory_space<semaphore_mem>>) src(%dma_wait3A_387 : memref<10000x64xf32, #tpu.memory_space<hbm>>) dst(%arg8 : memref<125x64xf32, #tpu.memory_space<vmem>>)
      %dma_start3A_388 = arith.constant 0 : i32
      %dma_start3A_389 = tpu.memref_slice %arg7[%add3A_365, %dma_start3A_388] : memref<80x125xi32, #tpu.memory_space<vmem>> -> memref<1x125xi32, #tpu.memory_space<vmem>>
      %dma_start3A_390 = tpu.memref_squeeze %dma_start3A_389 : memref<1x125xi32, #tpu.memory_space<vmem>> -> memref<125xi32, #tpu.memory_space<vmem>>
      %dma_start3A_391 = arith.constant 0 : i32
      %dma_start3A_392 = arith.constant 0 : i32
      %dma_start3A_393 = tpu.memref_slice %arg32[%dma_start3A_391, %dma_start3A_392] : memref<10112x64xf32, #tpu.memory_space<vmem_shared>> -> memref<10112x64xf32, #tpu.memory_space<vmem_shared>>
      tpu.enqueue_indirect_dma source(%arg8 : memref<125x64xf32, #tpu.memory_space<vmem>>) target(%dma_start3A_393 : memref<10112x64xf32, #tpu.memory_space<vmem_shared>>) offsets(%dma_start3A_390 : memref<125xi32, #tpu.memory_space<vmem>>) semaphore(%arg24 : memref<!tpu.dma_semaphore, #tpu.memory_space<semaphore_mem>>) {add = true}
      %add3A_394 = arith.constant 5 : i32
      %add3A_395 = arith.addi %add3A_244, %add3A_394 : i32
      %sub3A_396 = arith.constant 4 : i32
      %sub3A_397 = arith.subi %add3A_395, %sub3A_396 : i32
      %dma_wait3A_398 = arith.constant 0 : i32
      %dma_wait3A_399 = tpu.memref_slice %arg7[%sub3A_397, %dma_wait3A_398] : memref<80x125xi32, #tpu.memory_space<vmem>> -> memref<1x125xi32, #tpu.memory_space<vmem>>
      %dma_wait3A_400 = tpu.memref_squeeze %dma_wait3A_399 : memref<1x125xi32, #tpu.memory_space<vmem>> -> memref<125xi32, #tpu.memory_space<vmem>>
      %dma_wait3A_401 = arith.constant 0 : i32
      %dma_wait3A_402 = arith.constant 0 : i32
      %dma_wait3A_403 = tpu.memref_slice %arg32[%dma_wait3A_401, %dma_wait3A_402] : memref<10112x64xf32, #tpu.memory_space<vmem_shared>> -> memref<10112x64xf32, #tpu.memory_space<vmem_shared>>
      tpu.wait_indirect_dma semaphore(%arg29 : memref<!tpu.dma_semaphore, #tpu.memory_space<semaphore_mem>>) src(%arg13 : memref<125x64xf32, #tpu.memory_space<vmem>>) dst(%dma_wait3A_403 : memref<10112x64xf32, #tpu.memory_space<vmem_shared>>)
      %add3A_404 = arith.constant 4 : i32
      %add3A_405 = arith.addi %add3A_395, %add3A_404 : i32
      %dma_start3A_406 = arith.constant 0 : i32
      %dma_start3A_407 = tpu.memref_slice %arg6[%add3A_405, %dma_start3A_406] : memref<80x125xi32, #tpu.memory_space<vmem>> -> memref<1x125xi32, #tpu.memory_space<vmem>>
      %dma_start3A_408 = tpu.memref_squeeze %dma_start3A_407 : memref<1x125xi32, #tpu.memory_space<vmem>> -> memref<125xi32, #tpu.memory_space<vmem>>
      %dma_start3A_409 = arith.constant 0 : i32
      %dma_start3A_410 = arith.constant 0 : i32
      %dma_start3A_411 = tpu.memref_slice %arg2[%dma_start3A_409, %dma_start3A_410] : memref<10000x64xf32, #tpu.memory_space<hbm>> -> memref<10000x64xf32, #tpu.memory_space<hbm>>
      tpu.enqueue_indirect_dma source(%dma_start3A_411 : memref<10000x64xf32, #tpu.memory_space<hbm>>) target(%arg13 : memref<125x64xf32, #tpu.memory_space<vmem>>) offsets(%dma_start3A_408 : memref<125xi32, #tpu.memory_space<vmem>>) semaphore(%arg21 : memref<!tpu.dma_semaphore, #tpu.memory_space<semaphore_mem>>)
      %dma_wait3A_412 = arith.constant 0 : i32
      %dma_wait3A_413 = tpu.memref_slice %arg6[%add3A_395, %dma_wait3A_412] : memref<80x125xi32, #tpu.memory_space<vmem>> -> memref<1x125xi32, #tpu.memory_space<vmem>>
      %dma_wait3A_414 = tpu.memref_squeeze %dma_wait3A_413 : memref<1x125xi32, #tpu.memory_space<vmem>> -> memref<125xi32, #tpu.memory_space<vmem>>
      %dma_wait3A_415 = arith.constant 0 : i32
      %dma_wait3A_416 = arith.constant 0 : i32
      %dma_wait3A_417 = tpu.memref_slice %arg2[%dma_wait3A_415, %dma_wait3A_416] : memref<10000x64xf32, #tpu.memory_space<hbm>> -> memref<10000x64xf32, #tpu.memory_space<hbm>>
      tpu.wait_indirect_dma semaphore(%arg17 : memref<!tpu.dma_semaphore, #tpu.memory_space<semaphore_mem>>) src(%dma_wait3A_417 : memref<10000x64xf32, #tpu.memory_space<hbm>>) dst(%arg9 : memref<125x64xf32, #tpu.memory_space<vmem>>)
      %dma_start3A_418 = arith.constant 0 : i32
      %dma_start3A_419 = tpu.memref_slice %arg7[%add3A_395, %dma_start3A_418] : memref<80x125xi32, #tpu.memory_space<vmem>> -> memref<1x125xi32, #tpu.memory_space<vmem>>
      %dma_start3A_420 = tpu.memref_squeeze %dma_start3A_419 : memref<1x125xi32, #tpu.memory_space<vmem>> -> memref<125xi32, #tpu.memory_space<vmem>>
      %dma_start3A_421 = arith.constant 0 : i32
      %dma_start3A_422 = arith.constant 0 : i32
      %dma_start3A_423 = tpu.memref_slice %arg32[%dma_start3A_421, %dma_start3A_422] : memref<10112x64xf32, #tpu.memory_space<vmem_shared>> -> memref<10112x64xf32, #tpu.memory_space<vmem_shared>>
      tpu.enqueue_indirect_dma source(%arg9 : memref<125x64xf32, #tpu.memory_space<vmem>>) target(%dma_start3A_423 : memref<10112x64xf32, #tpu.memory_space<vmem_shared>>) offsets(%dma_start3A_420 : memref<125xi32, #tpu.memory_space<vmem>>) semaphore(%arg25 : memref<!tpu.dma_semaphore, #tpu.memory_space<semaphore_mem>>) {add = true}
      %add3A_424 = arith.constant 6 : i32
      %add3A_425 = arith.addi %add3A_244, %add3A_424 : i32
      %sub3A_426 = arith.constant 4 : i32
      %sub3A_427 = arith.subi %add3A_425, %sub3A_426 : i32
      %dma_wait3A_428 = arith.constant 0 : i32
      %dma_wait3A_429 = tpu.memref_slice %arg7[%sub3A_427, %dma_wait3A_428] : memref<80x125xi32, #tpu.memory_space<vmem>> -> memref<1x125xi32, #tpu.memory_space<vmem>>
      %dma_wait3A_430 = tpu.memref_squeeze %dma_wait3A_429 : memref<1x125xi32, #tpu.memory_space<vmem>> -> memref<125xi32, #tpu.memory_space<vmem>>
      %dma_wait3A_431 = arith.constant 0 : i32
      %dma_wait3A_432 = arith.constant 0 : i32
      %dma_wait3A_433 = tpu.memref_slice %arg32[%dma_wait3A_431, %dma_wait3A_432] : memref<10112x64xf32, #tpu.memory_space<vmem_shared>> -> memref<10112x64xf32, #tpu.memory_space<vmem_shared>>
      tpu.wait_indirect_dma semaphore(%arg30 : memref<!tpu.dma_semaphore, #tpu.memory_space<semaphore_mem>>) src(%arg14 : memref<125x64xf32, #tpu.memory_space<vmem>>) dst(%dma_wait3A_433 : memref<10112x64xf32, #tpu.memory_space<vmem_shared>>)
      %add3A_434 = arith.constant 4 : i32
      %add3A_435 = arith.addi %add3A_425, %add3A_434 : i32
      %dma_start3A_436 = arith.constant 0 : i32
      %dma_start3A_437 = tpu.memref_slice %arg6[%add3A_435, %dma_start3A_436] : memref<80x125xi32, #tpu.memory_space<vmem>> -> memref<1x125xi32, #tpu.memory_space<vmem>>
      %dma_start3A_438 = tpu.memref_squeeze %dma_start3A_437 : memref<1x125xi32, #tpu.memory_space<vmem>> -> memref<125xi32, #tpu.memory_space<vmem>>
      %dma_start3A_439 = arith.constant 0 : i32
      %dma_start3A_440 = arith.constant 0 : i32
      %dma_start3A_441 = tpu.memref_slice %arg2[%dma_start3A_439, %dma_start3A_440] : memref<10000x64xf32, #tpu.memory_space<hbm>> -> memref<10000x64xf32, #tpu.memory_space<hbm>>
      tpu.enqueue_indirect_dma source(%dma_start3A_441 : memref<10000x64xf32, #tpu.memory_space<hbm>>) target(%arg14 : memref<125x64xf32, #tpu.memory_space<vmem>>) offsets(%dma_start3A_438 : memref<125xi32, #tpu.memory_space<vmem>>) semaphore(%arg22 : memref<!tpu.dma_semaphore, #tpu.memory_space<semaphore_mem>>)
      %dma_wait3A_442 = arith.constant 0 : i32
      %dma_wait3A_443 = tpu.memref_slice %arg6[%add3A_425, %dma_wait3A_442] : memref<80x125xi32, #tpu.memory_space<vmem>> -> memref<1x125xi32, #tpu.memory_space<vmem>>
      %dma_wait3A_444 = tpu.memref_squeeze %dma_wait3A_443 : memref<1x125xi32, #tpu.memory_space<vmem>> -> memref<125xi32, #tpu.memory_space<vmem>>
      %dma_wait3A_445 = arith.constant 0 : i32
      %dma_wait3A_446 = arith.constant 0 : i32
      %dma_wait3A_447 = tpu.memref_slice %arg2[%dma_wait3A_445, %dma_wait3A_446] : memref<10000x64xf32, #tpu.memory_space<hbm>> -> memref<10000x64xf32, #tpu.memory_space<hbm>>
      tpu.wait_indirect_dma semaphore(%arg18 : memref<!tpu.dma_semaphore, #tpu.memory_space<semaphore_mem>>) src(%dma_wait3A_447 : memref<10000x64xf32, #tpu.memory_space<hbm>>) dst(%arg10 : memref<125x64xf32, #tpu.memory_space<vmem>>)
      %dma_start3A_448 = arith.constant 0 : i32
      %dma_start3A_449 = tpu.memref_slice %arg7[%add3A_425, %dma_start3A_448] : memref<80x125xi32, #tpu.memory_space<vmem>> -> memref<1x125xi32, #tpu.memory_space<vmem>>
      %dma_start3A_450 = tpu.memref_squeeze %dma_start3A_449 : memref<1x125xi32, #tpu.memory_space<vmem>> -> memref<125xi32, #tpu.memory_space<vmem>>
      %dma_start3A_451 = arith.constant 0 : i32
      %dma_start3A_452 = arith.constant 0 : i32
      %dma_start3A_453 = tpu.memref_slice %arg32[%dma_start3A_451, %dma_start3A_452] : memref<10112x64xf32, #tpu.memory_space<vmem_shared>> -> memref<10112x64xf32, #tpu.memory_space<vmem_shared>>
      tpu.enqueue_indirect_dma source(%arg10 : memref<125x64xf32, #tpu.memory_space<vmem>>) target(%dma_start3A_453 : memref<10112x64xf32, #tpu.memory_space<vmem_shared>>) offsets(%dma_start3A_450 : memref<125xi32, #tpu.memory_space<vmem>>) semaphore(%arg26 : memref<!tpu.dma_semaphore, #tpu.memory_space<semaphore_mem>>) {add = true}
      %add3A_454 = arith.constant 7 : i32
      %add3A_455 = arith.addi %add3A_244, %add3A_454 : i32
      %sub3A_456 = arith.constant 4 : i32
      %sub3A_457 = arith.subi %add3A_455, %sub3A_456 : i32
      %dma_wait3A_458 = arith.constant 0 : i32
      %dma_wait3A_459 = tpu.memref_slice %arg7[%sub3A_457, %dma_wait3A_458] : memref<80x125xi32, #tpu.memory_space<vmem>> -> memref<1x125xi32, #tpu.memory_space<vmem>>
      %dma_wait3A_460 = tpu.memref_squeeze %dma_wait3A_459 : memref<1x125xi32, #tpu.memory_space<vmem>> -> memref<125xi32, #tpu.memory_space<vmem>>
      %dma_wait3A_461 = arith.constant 0 : i32
      %dma_wait3A_462 = arith.constant 0 : i32
      %dma_wait3A_463 = tpu.memref_slice %arg32[%dma_wait3A_461, %dma_wait3A_462] : memref<10112x64xf32, #tpu.memory_space<vmem_shared>> -> memref<10112x64xf32, #tpu.memory_space<vmem_shared>>
      tpu.wait_indirect_dma semaphore(%arg31 : memref<!tpu.dma_semaphore, #tpu.memory_space<semaphore_mem>>) src(%arg15 : memref<125x64xf32, #tpu.memory_space<vmem>>) dst(%dma_wait3A_463 : memref<10112x64xf32, #tpu.memory_space<vmem_shared>>)
      %add3A_464 = arith.constant 4 : i32
      %add3A_465 = arith.addi %add3A_455, %add3A_464 : i32
      %dma_start3A_466 = arith.constant 0 : i32
      %dma_start3A_467 = tpu.memref_slice %arg6[%add3A_465, %dma_start3A_466] : memref<80x125xi32, #tpu.memory_space<vmem>> -> memref<1x125xi32, #tpu.memory_space<vmem>>
      %dma_start3A_468 = tpu.memref_squeeze %dma_start3A_467 : memref<1x125xi32, #tpu.memory_space<vmem>> -> memref<125xi32, #tpu.memory_space<vmem>>
      %dma_start3A_469 = arith.constant 0 : i32
      %dma_start3A_470 = arith.constant 0 : i32
      %dma_start3A_471 = tpu.memref_slice %arg2[%dma_start3A_469, %dma_start3A_470] : memref<10000x64xf32, #tpu.memory_space<hbm>> -> memref<10000x64xf32, #tpu.memory_space<hbm>>
      tpu.enqueue_indirect_dma source(%dma_start3A_471 : memref<10000x64xf32, #tpu.memory_space<hbm>>) target(%arg15 : memref<125x64xf32, #tpu.memory_space<vmem>>) offsets(%dma_start3A_468 : memref<125xi32, #tpu.memory_space<vmem>>) semaphore(%arg23 : memref<!tpu.dma_semaphore, #tpu.memory_space<semaphore_mem>>)
      %dma_wait3A_472 = arith.constant 0 : i32
      %dma_wait3A_473 = tpu.memref_slice %arg6[%add3A_455, %dma_wait3A_472] : memref<80x125xi32, #tpu.memory_space<vmem>> -> memref<1x125xi32, #tpu.memory_space<vmem>>
      %dma_wait3A_474 = tpu.memref_squeeze %dma_wait3A_473 : memref<1x125xi32, #tpu.memory_space<vmem>> -> memref<125xi32, #tpu.memory_space<vmem>>
      %dma_wait3A_475 = arith.constant 0 : i32
      %dma_wait3A_476 = arith.constant 0 : i32
      %dma_wait3A_477 = tpu.memref_slice %arg2[%dma_wait3A_475, %dma_wait3A_476] : memref<10000x64xf32, #tpu.memory_space<hbm>> -> memref<10000x64xf32, #tpu.memory_space<hbm>>
      tpu.wait_indirect_dma semaphore(%arg19 : memref<!tpu.dma_semaphore, #tpu.memory_space<semaphore_mem>>) src(%dma_wait3A_477 : memref<10000x64xf32, #tpu.memory_space<hbm>>) dst(%arg11 : memref<125x64xf32, #tpu.memory_space<vmem>>)
      %dma_start3A_478 = arith.constant 0 : i32
      %dma_start3A_479 = tpu.memref_slice %arg7[%add3A_455, %dma_start3A_478] : memref<80x125xi32, #tpu.memory_space<vmem>> -> memref<1x125xi32, #tpu.memory_space<vmem>>
      %dma_start3A_480 = tpu.memref_squeeze %dma_start3A_479 : memref<1x125xi32, #tpu.memory_space<vmem>> -> memref<125xi32, #tpu.memory_space<vmem>>
      %dma_start3A_481 = arith.constant 0 : i32
      %dma_start3A_482 = arith.constant 0 : i32
      %dma_start3A_483 = tpu.memref_slice %arg32[%dma_start3A_481, %dma_start3A_482] : memref<10112x64xf32, #tpu.memory_space<vmem_shared>> -> memref<10112x64xf32, #tpu.memory_space<vmem_shared>>
      tpu.enqueue_indirect_dma source(%arg11 : memref<125x64xf32, #tpu.memory_space<vmem>>) target(%dma_start3A_483 : memref<10112x64xf32, #tpu.memory_space<vmem_shared>>) offsets(%dma_start3A_480 : memref<125xi32, #tpu.memory_space<vmem>>) semaphore(%arg27 : memref<!tpu.dma_semaphore, #tpu.memory_space<semaphore_mem>>) {add = true}
    }
    %scan3A_126 = arith.constant 9 : i32
    %dma_wait3A_127 = arith.constant 76 : i32
    %dma_wait3A_128 = arith.constant 0 : i32
    %dma_wait3A_129 = tpu.memref_slice %arg6[%dma_wait3A_127, %dma_wait3A_128] : memref<80x125xi32, #tpu.memory_space<vmem>> -> memref<1x125xi32, #tpu.memory_space<vmem>>
    %dma_wait3A_130 = tpu.memref_squeeze %dma_wait3A_129 : memref<1x125xi32, #tpu.memory_space<vmem>> -> memref<125xi32, #tpu.memory_space<vmem>>
    %dma_wait3A_131 = arith.constant 0 : i32
    %dma_wait3A_132 = arith.constant 0 : i32
    %dma_wait3A_133 = tpu.memref_slice %arg2[%dma_wait3A_131, %dma_wait3A_132] : memref<10000x64xf32, #tpu.memory_space<hbm>> -> memref<10000x64xf32, #tpu.memory_space<hbm>>
    tpu.wait_indirect_dma semaphore(%arg20 : memref<!tpu.dma_semaphore, #tpu.memory_space<semaphore_mem>>) src(%dma_wait3A_133 : memref<10000x64xf32, #tpu.memory_space<hbm>>) dst(%arg12 : memref<125x64xf32, #tpu.memory_space<vmem>>)
    %dma_start3A_134 = arith.constant 76 : i32
    %dma_start3A_135 = arith.constant 0 : i32
    %dma_start3A_136 = tpu.memref_slice %arg7[%dma_start3A_134, %dma_start3A_135] : memref<80x125xi32, #tpu.memory_space<vmem>> -> memref<1x125xi32, #tpu.memory_space<vmem>>
    %dma_start3A_137 = tpu.memref_squeeze %dma_start3A_136 : memref<1x125xi32, #tpu.memory_space<vmem>> -> memref<125xi32, #tpu.memory_space<vmem>>
    %dma_start3A_138 = arith.constant 0 : i32
    %dma_start3A_139 = arith.constant 0 : i32
    %dma_start3A_140 = tpu.memref_slice %arg32[%dma_start3A_138, %dma_start3A_139] : memref<10112x64xf32, #tpu.memory_space<vmem_shared>> -> memref<10112x64xf32, #tpu.memory_space<vmem_shared>>
    tpu.enqueue_indirect_dma source(%arg12 : memref<125x64xf32, #tpu.memory_space<vmem>>) target(%dma_start3A_140 : memref<10112x64xf32, #tpu.memory_space<vmem_shared>>) offsets(%dma_start3A_137 : memref<125xi32, #tpu.memory_space<vmem>>) semaphore(%arg28 : memref<!tpu.dma_semaphore, #tpu.memory_space<semaphore_mem>>) {add = true}
    %dma_wait3A_141 = arith.constant 77 : i32
    %dma_wait3A_142 = arith.constant 0 : i32
    %dma_wait3A_143 = tpu.memref_slice %arg6[%dma_wait3A_141, %dma_wait3A_142] : memref<80x125xi32, #tpu.memory_space<vmem>> -> memref<1x125xi32, #tpu.memory_space<vmem>>
    %dma_wait3A_144 = tpu.memref_squeeze %dma_wait3A_143 : memref<1x125xi32, #tpu.memory_space<vmem>> -> memref<125xi32, #tpu.memory_space<vmem>>
    %dma_wait3A_145 = arith.constant 0 : i32
    %dma_wait3A_146 = arith.constant 0 : i32
    %dma_wait3A_147 = tpu.memref_slice %arg2[%dma_wait3A_145, %dma_wait3A_146] : memref<10000x64xf32, #tpu.memory_space<hbm>> -> memref<10000x64xf32, #tpu.memory_space<hbm>>
    tpu.wait_indirect_dma semaphore(%arg21 : memref<!tpu.dma_semaphore, #tpu.memory_space<semaphore_mem>>) src(%dma_wait3A_147 : memref<10000x64xf32, #tpu.memory_space<hbm>>) dst(%arg13 : memref<125x64xf32, #tpu.memory_space<vmem>>)
    %dma_start3A_148 = arith.constant 77 : i32
    %dma_start3A_149 = arith.constant 0 : i32
    %dma_start3A_150 = tpu.memref_slice %arg7[%dma_start3A_148, %dma_start3A_149] : memref<80x125xi32, #tpu.memory_space<vmem>> -> memref<1x125xi32, #tpu.memory_space<vmem>>
    %dma_start3A_151 = tpu.memref_squeeze %dma_start3A_150 : memref<1x125xi32, #tpu.memory_space<vmem>> -> memref<125xi32, #tpu.memory_space<vmem>>
    %dma_start3A_152 = arith.constant 0 : i32
    %dma_start3A_153 = arith.constant 0 : i32
    %dma_start3A_154 = tpu.memref_slice %arg32[%dma_start3A_152, %dma_start3A_153] : memref<10112x64xf32, #tpu.memory_space<vmem_shared>> -> memref<10112x64xf32, #tpu.memory_space<vmem_shared>>
    tpu.enqueue_indirect_dma source(%arg13 : memref<125x64xf32, #tpu.memory_space<vmem>>) target(%dma_start3A_154 : memref<10112x64xf32, #tpu.memory_space<vmem_shared>>) offsets(%dma_start3A_151 : memref<125xi32, #tpu.memory_space<vmem>>) semaphore(%arg29 : memref<!tpu.dma_semaphore, #tpu.memory_space<semaphore_mem>>) {add = true}
    %dma_wait3A_155 = arith.constant 78 : i32
    %dma_wait3A_156 = arith.constant 0 : i32
    %dma_wait3A_157 = tpu.memref_slice %arg6[%dma_wait3A_155, %dma_wait3A_156] : memref<80x125xi32, #tpu.memory_space<vmem>> -> memref<1x125xi32, #tpu.memory_space<vmem>>
    %dma_wait3A_158 = tpu.memref_squeeze %dma_wait3A_157 : memref<1x125xi32, #tpu.memory_space<vmem>> -> memref<125xi32, #tpu.memory_space<vmem>>
    %dma_wait3A_159 = arith.constant 0 : i32
    %dma_wait3A_160 = arith.constant 0 : i32
    %dma_wait3A_161 = tpu.memref_slice %arg2[%dma_wait3A_159, %dma_wait3A_160] : memref<10000x64xf32, #tpu.memory_space<hbm>> -> memref<10000x64xf32, #tpu.memory_space<hbm>>
    tpu.wait_indirect_dma semaphore(%arg22 : memref<!tpu.dma_semaphore, #tpu.memory_space<semaphore_mem>>) src(%dma_wait3A_161 : memref<10000x64xf32, #tpu.memory_space<hbm>>) dst(%arg14 : memref<125x64xf32, #tpu.memory_space<vmem>>)
    %dma_start3A_162 = arith.constant 78 : i32
    %dma_start3A_163 = arith.constant 0 : i32
    %dma_start3A_164 = tpu.memref_slice %arg7[%dma_start3A_162, %dma_start3A_163] : memref<80x125xi32, #tpu.memory_space<vmem>> -> memref<1x125xi32, #tpu.memory_space<vmem>>
    %dma_start3A_165 = tpu.memref_squeeze %dma_start3A_164 : memref<1x125xi32, #tpu.memory_space<vmem>> -> memref<125xi32, #tpu.memory_space<vmem>>
    %dma_start3A_166 = arith.constant 0 : i32
    %dma_start3A_167 = arith.constant 0 : i32
    %dma_start3A_168 = tpu.memref_slice %arg32[%dma_start3A_166, %dma_start3A_167] : memref<10112x64xf32, #tpu.memory_space<vmem_shared>> -> memref<10112x64xf32, #tpu.memory_space<vmem_shared>>
    tpu.enqueue_indirect_dma source(%arg14 : memref<125x64xf32, #tpu.memory_space<vmem>>) target(%dma_start3A_168 : memref<10112x64xf32, #tpu.memory_space<vmem_shared>>) offsets(%dma_start3A_165 : memref<125xi32, #tpu.memory_space<vmem>>) semaphore(%arg30 : memref<!tpu.dma_semaphore, #tpu.memory_space<semaphore_mem>>) {add = true}
    %dma_wait3A_169 = arith.constant 79 : i32
    %dma_wait3A_170 = arith.constant 0 : i32
    %dma_wait3A_171 = tpu.memref_slice %arg6[%dma_wait3A_169, %dma_wait3A_170] : memref<80x125xi32, #tpu.memory_space<vmem>> -> memref<1x125xi32, #tpu.memory_space<vmem>>
    %dma_wait3A_172 = tpu.memref_squeeze %dma_wait3A_171 : memref<1x125xi32, #tpu.memory_space<vmem>> -> memref<125xi32, #tpu.memory_space<vmem>>
    %dma_wait3A_173 = arith.constant 0 : i32
    %dma_wait3A_174 = arith.constant 0 : i32
    %dma_wait3A_175 = tpu.memref_slice %arg2[%dma_wait3A_173, %dma_wait3A_174] : memref<10000x64xf32, #tpu.memory_space<hbm>> -> memref<10000x64xf32, #tpu.memory_space<hbm>>
    tpu.wait_indirect_dma semaphore(%arg23 : memref<!tpu.dma_semaphore, #tpu.memory_space<semaphore_mem>>) src(%dma_wait3A_175 : memref<10000x64xf32, #tpu.memory_space<hbm>>) dst(%arg15 : memref<125x64xf32, #tpu.memory_space<vmem>>)
    %dma_start3A_176 = arith.constant 79 : i32
    %dma_start3A_177 = arith.constant 0 : i32
    %dma_start3A_178 = tpu.memref_slice %arg7[%dma_start3A_176, %dma_start3A_177] : memref<80x125xi32, #tpu.memory_space<vmem>> -> memref<1x125xi32, #tpu.memory_space<vmem>>
    %dma_start3A_179 = tpu.memref_squeeze %dma_start3A_178 : memref<1x125xi32, #tpu.memory_space<vmem>> -> memref<125xi32, #tpu.memory_space<vmem>>
    %dma_start3A_180 = arith.constant 0 : i32
    %dma_start3A_181 = arith.constant 0 : i32
    %dma_start3A_182 = tpu.memref_slice %arg32[%dma_start3A_180, %dma_start3A_181] : memref<10112x64xf32, #tpu.memory_space<vmem_shared>> -> memref<10112x64xf32, #tpu.memory_space<vmem_shared>>
    tpu.enqueue_indirect_dma source(%arg15 : memref<125x64xf32, #tpu.memory_space<vmem>>) target(%dma_start3A_182 : memref<10112x64xf32, #tpu.memory_space<vmem_shared>>) offsets(%dma_start3A_179 : memref<125xi32, #tpu.memory_space<vmem>>) semaphore(%arg31 : memref<!tpu.dma_semaphore, #tpu.memory_space<semaphore_mem>>) {add = true}
    %dma_wait3A_183 = arith.constant 72 : i32
    %dma_wait3A_184 = arith.constant 0 : i32
    %dma_wait3A_185 = tpu.memref_slice %arg7[%dma_wait3A_183, %dma_wait3A_184] : memref<80x125xi32, #tpu.memory_space<vmem>> -> memref<1x125xi32, #tpu.memory_space<vmem>>
    %dma_wait3A_186 = tpu.memref_squeeze %dma_wait3A_185 : memref<1x125xi32, #tpu.memory_space<vmem>> -> memref<125xi32, #tpu.memory_space<vmem>>
    %dma_wait3A_187 = arith.constant 0 : i32
    %dma_wait3A_188 = arith.constant 0 : i32
    %dma_wait3A_189 = tpu.memref_slice %arg32[%dma_wait3A_187, %dma_wait3A_188] : memref<10112x64xf32, #tpu.memory_space<vmem_shared>> -> memref<10112x64xf32, #tpu.memory_space<vmem_shared>>
    tpu.wait_indirect_dma semaphore(%arg24 : memref<!tpu.dma_semaphore, #tpu.memory_space<semaphore_mem>>) src(%arg8 : memref<125x64xf32, #tpu.memory_space<vmem>>) dst(%dma_wait3A_189 : memref<10112x64xf32, #tpu.memory_space<vmem_shared>>)
    %dma_wait3A_190 = arith.constant 73 : i32
    %dma_wait3A_191 = arith.constant 0 : i32
    %dma_wait3A_192 = tpu.memref_slice %arg7[%dma_wait3A_190, %dma_wait3A_191] : memref<80x125xi32, #tpu.memory_space<vmem>> -> memref<1x125xi32, #tpu.memory_space<vmem>>
    %dma_wait3A_193 = tpu.memref_squeeze %dma_wait3A_192 : memref<1x125xi32, #tpu.memory_space<vmem>> -> memref<125xi32, #tpu.memory_space<vmem>>
    %dma_wait3A_194 = arith.constant 0 : i32
    %dma_wait3A_195 = arith.constant 0 : i32
    %dma_wait3A_196 = tpu.memref_slice %arg32[%dma_wait3A_194, %dma_wait3A_195] : memref<10112x64xf32, #tpu.memory_space<vmem_shared>> -> memref<10112x64xf32, #tpu.memory_space<vmem_shared>>
    tpu.wait_indirect_dma semaphore(%arg25 : memref<!tpu.dma_semaphore, #tpu.memory_space<semaphore_mem>>) src(%arg9 : memref<125x64xf32, #tpu.memory_space<vmem>>) dst(%dma_wait3A_196 : memref<10112x64xf32, #tpu.memory_space<vmem_shared>>)
    %dma_wait3A_197 = arith.constant 74 : i32
    %dma_wait3A_198 = arith.constant 0 : i32
    %dma_wait3A_199 = tpu.memref_slice %arg7[%dma_wait3A_197, %dma_wait3A_198] : memref<80x125xi32, #tpu.memory_space<vmem>> -> memref<1x125xi32, #tpu.memory_space<vmem>>
    %dma_wait3A_200 = tpu.memref_squeeze %dma_wait3A_199 : memref<1x125xi32, #tpu.memory_space<vmem>> -> memref<125xi32, #tpu.memory_space<vmem>>
    %dma_wait3A_201 = arith.constant 0 : i32
    %dma_wait3A_202 = arith.constant 0 : i32
    %dma_wait3A_203 = tpu.memref_slice %arg32[%dma_wait3A_201, %dma_wait3A_202] : memref<10112x64xf32, #tpu.memory_space<vmem_shared>> -> memref<10112x64xf32, #tpu.memory_space<vmem_shared>>
    tpu.wait_indirect_dma semaphore(%arg26 : memref<!tpu.dma_semaphore, #tpu.memory_space<semaphore_mem>>) src(%arg10 : memref<125x64xf32, #tpu.memory_space<vmem>>) dst(%dma_wait3A_203 : memref<10112x64xf32, #tpu.memory_space<vmem_shared>>)
    %dma_wait3A_204 = arith.constant 75 : i32
    %dma_wait3A_205 = arith.constant 0 : i32
    %dma_wait3A_206 = tpu.memref_slice %arg7[%dma_wait3A_204, %dma_wait3A_205] : memref<80x125xi32, #tpu.memory_space<vmem>> -> memref<1x125xi32, #tpu.memory_space<vmem>>
    %dma_wait3A_207 = tpu.memref_squeeze %dma_wait3A_206 : memref<1x125xi32, #tpu.memory_space<vmem>> -> memref<125xi32, #tpu.memory_space<vmem>>
    %dma_wait3A_208 = arith.constant 0 : i32
    %dma_wait3A_209 = arith.constant 0 : i32
    %dma_wait3A_210 = tpu.memref_slice %arg32[%dma_wait3A_208, %dma_wait3A_209] : memref<10112x64xf32, #tpu.memory_space<vmem_shared>> -> memref<10112x64xf32, #tpu.memory_space<vmem_shared>>
    tpu.wait_indirect_dma semaphore(%arg27 : memref<!tpu.dma_semaphore, #tpu.memory_space<semaphore_mem>>) src(%arg11 : memref<125x64xf32, #tpu.memory_space<vmem>>) dst(%dma_wait3A_210 : memref<10112x64xf32, #tpu.memory_space<vmem_shared>>)
    %dma_wait3A_211 = arith.constant 76 : i32
    %dma_wait3A_212 = arith.constant 0 : i32
    %dma_wait3A_213 = tpu.memref_slice %arg7[%dma_wait3A_211, %dma_wait3A_212] : memref<80x125xi32, #tpu.memory_space<vmem>> -> memref<1x125xi32, #tpu.memory_space<vmem>>
    %dma_wait3A_214 = tpu.memref_squeeze %dma_wait3A_213 : memref<1x125xi32, #tpu.memory_space<vmem>> -> memref<125xi32, #tpu.memory_space<vmem>>
    %dma_wait3A_215 = arith.constant 0 : i32
    %dma_wait3A_216 = arith.constant 0 : i32
    %dma_wait3A_217 = tpu.memref_slice %arg32[%dma_wait3A_215, %dma_wait3A_216] : memref<10112x64xf32, #tpu.memory_space<vmem_shared>> -> memref<10112x64xf32, #tpu.memory_space<vmem_shared>>
    tpu.wait_indirect_dma semaphore(%arg28 : memref<!tpu.dma_semaphore, #tpu.memory_space<semaphore_mem>>) src(%arg12 : memref<125x64xf32, #tpu.memory_space<vmem>>) dst(%dma_wait3A_217 : memref<10112x64xf32, #tpu.memory_space<vmem_shared>>)
    %dma_wait3A_218 = arith.constant 77 : i32
    %dma_wait3A_219 = arith.constant 0 : i32
    %dma_wait3A_220 = tpu.memref_slice %arg7[%dma_wait3A_218, %dma_wait3A_219] : memref<80x125xi32, #tpu.memory_space<vmem>> -> memref<1x125xi32, #tpu.memory_space<vmem>>
    %dma_wait3A_221 = tpu.memref_squeeze %dma_wait3A_220 : memref<1x125xi32, #tpu.memory_space<vmem>> -> memref<125xi32, #tpu.memory_space<vmem>>
    %dma_wait3A_222 = arith.constant 0 : i32
    %dma_wait3A_223 = arith.constant 0 : i32
    %dma_wait3A_224 = tpu.memref_slice %arg32[%dma_wait3A_222, %dma_wait3A_223] : memref<10112x64xf32, #tpu.memory_space<vmem_shared>> -> memref<10112x64xf32, #tpu.memory_space<vmem_shared>>
    tpu.wait_indirect_dma semaphore(%arg29 : memref<!tpu.dma_semaphore, #tpu.memory_space<semaphore_mem>>) src(%arg13 : memref<125x64xf32, #tpu.memory_space<vmem>>) dst(%dma_wait3A_224 : memref<10112x64xf32, #tpu.memory_space<vmem_shared>>)
    %dma_wait3A_225 = arith.constant 78 : i32
    %dma_wait3A_226 = arith.constant 0 : i32
    %dma_wait3A_227 = tpu.memref_slice %arg7[%dma_wait3A_225, %dma_wait3A_226] : memref<80x125xi32, #tpu.memory_space<vmem>> -> memref<1x125xi32, #tpu.memory_space<vmem>>
    %dma_wait3A_228 = tpu.memref_squeeze %dma_wait3A_227 : memref<1x125xi32, #tpu.memory_space<vmem>> -> memref<125xi32, #tpu.memory_space<vmem>>
    %dma_wait3A_229 = arith.constant 0 : i32
    %dma_wait3A_230 = arith.constant 0 : i32
    %dma_wait3A_231 = tpu.memref_slice %arg32[%dma_wait3A_229, %dma_wait3A_230] : memref<10112x64xf32, #tpu.memory_space<vmem_shared>> -> memref<10112x64xf32, #tpu.memory_space<vmem_shared>>
    tpu.wait_indirect_dma semaphore(%arg30 : memref<!tpu.dma_semaphore, #tpu.memory_space<semaphore_mem>>) src(%arg14 : memref<125x64xf32, #tpu.memory_space<vmem>>) dst(%dma_wait3A_231 : memref<10112x64xf32, #tpu.memory_space<vmem_shared>>)
    %dma_wait3A_232 = arith.constant 79 : i32
    %dma_wait3A_233 = arith.constant 0 : i32
    %dma_wait3A_234 = tpu.memref_slice %arg7[%dma_wait3A_232, %dma_wait3A_233] : memref<80x125xi32, #tpu.memory_space<vmem>> -> memref<1x125xi32, #tpu.memory_space<vmem>>
    %dma_wait3A_235 = tpu.memref_squeeze %dma_wait3A_234 : memref<1x125xi32, #tpu.memory_space<vmem>> -> memref<125xi32, #tpu.memory_space<vmem>>
    %dma_wait3A_236 = arith.constant 0 : i32
    %dma_wait3A_237 = arith.constant 0 : i32
    %dma_wait3A_238 = tpu.memref_slice %arg32[%dma_wait3A_236, %dma_wait3A_237] : memref<10112x64xf32, #tpu.memory_space<vmem_shared>> -> memref<10112x64xf32, #tpu.memory_space<vmem_shared>>
    tpu.wait_indirect_dma semaphore(%arg31 : memref<!tpu.dma_semaphore, #tpu.memory_space<semaphore_mem>>) src(%arg15 : memref<125x64xf32, #tpu.memory_space<vmem>>) dst(%dma_wait3A_238 : memref<10112x64xf32, #tpu.memory_space<vmem_shared>>)
    %barrier3A_239 = arith.constant 0 : index
    tpu.barrier barrier_id(%barrier3A_239)
    "tpu.region"() ({
      %run_scoped3A_240 = tpu.sem_alloc : memref<!tpu.dma_semaphore, #tpu.memory_space<semaphore_mem>>
      %dma_start3A_241 = arith.constant 0 : i32
      %dma_start3A_242 = tpu.memref_slice %arg5[%arg0, %mul3A_2, %dma_start3A_241] : memref<2x10112x64xf32, #tpu.memory_space<hbm>> -> memref<1x632x64xf32, #tpu.memory_space<hbm>>
      %dma_start3A_243 = tpu.memref_squeeze %dma_start3A_242 : memref<1x632x64xf32, #tpu.memory_space<hbm>> -> memref<632x64xf32, #tpu.memory_space<hbm>>
      %dma_start3A_244 = arith.constant 0 : i32
      %dma_start3A_245 = tpu.memref_slice %arg32[%mul3A_2, %dma_start3A_244] : memref<10112x64xf32, #tpu.memory_space<vmem_shared>> -> memref<632x64xf32, #tpu.memory_space<vmem_shared>>
      tpu.enqueue_dma source(%dma_start3A_245 : memref<632x64xf32, #tpu.memory_space<vmem_shared>>) target(%dma_start3A_243 : memref<632x64xf32, #tpu.memory_space<hbm>>) target_semaphore(%run_scoped3A_240 : memref<!tpu.dma_semaphore, #tpu.memory_space<semaphore_mem>>)
      %dma_wait3A_246 = arith.constant 0 : i32
      %dma_wait3A_247 = tpu.memref_slice %arg5[%arg0, %mul3A_2, %dma_wait3A_246] : memref<2x10112x64xf32, #tpu.memory_space<hbm>> -> memref<1x632x64xf32, #tpu.memory_space<hbm>>
      %dma_wait3A_248 = tpu.memref_squeeze %dma_wait3A_247 : memref<1x632x64xf32, #tpu.memory_space<hbm>> -> memref<632x64xf32, #tpu.memory_space<hbm>>
      %dma_wait3A_249 = arith.constant 0 : i32
      %dma_wait3A_250 = tpu.memref_slice %arg32[%mul3A_2, %dma_wait3A_249] : memref<10112x64xf32, #tpu.memory_space<vmem_shared>> -> memref<632x64xf32, #tpu.memory_space<vmem_shared>>
      tpu.wait_dma2 semaphore(%run_scoped3A_240 : memref<!tpu.dma_semaphore, #tpu.memory_space<semaphore_mem>>) src(%dma_wait3A_250 : memref<632x64xf32, #tpu.memory_space<vmem_shared>>) dst(%dma_wait3A_248 : memref<632x64xf32, #tpu.memory_space<hbm>>)
      tpu.yield
    }) : () -> ()
    return
  }
}

#map = affine_map<(d0, d1) -> (0, 0)>
#map1 = affine_map<(d0, d1) -> (0, 0, 0)>
module attributes {stable_mosaic.version = 14 : i64} {
  func.func @agg_kernel(%arg0: i32, %arg1: i32, %arg2: memref<10000x64xf32, #tpu.memory_space<hbm>>, %arg3: memref<2x2560x125xi32, #tpu.memory_space<hbm>>, %arg4: memref<632x64xf32, #tpu.memory_space<hbm>>, %arg5: memref<2x10112x64xf32, #tpu.memory_space<hbm>>, %arg6: memref<80x125xi32, #tpu.memory_space<vmem>>, %arg7: memref<80x125xi32, #tpu.memory_space<vmem>>, %arg8: memref<125x64xf32, #tpu.memory_space<vmem>>, %arg9: memref<125x64xf32, #tpu.memory_space<vmem>>, %arg10: memref<125x64xf32, #tpu.memory_space<vmem>>, %arg11: memref<125x64xf32, #tpu.memory_space<vmem>>, %arg12: memref<125x64xf32, #tpu.memory_space<vmem>>, %arg13: memref<125x64xf32, #tpu.memory_space<vmem>>, %arg14: memref<125x64xf32, #tpu.memory_space<vmem>>, %arg15: memref<125x64xf32, #tpu.memory_space<vmem>>, %arg16: memref<!tpu.dma_semaphore, #tpu.memory_space<semaphore_mem>>, %arg17: memref<!tpu.dma_semaphore, #tpu.memory_space<semaphore_mem>>, %arg18: memref<!tpu.dma_semaphore, #tpu.memory_space<semaphore_mem>>, %arg19: memref<!tpu.dma_semaphore, #tpu.memory_space<semaphore_mem>>, %arg20: memref<!tpu.dma_semaphore, #tpu.memory_space<semaphore_mem>>, %arg21: memref<!tpu.dma_semaphore, #tpu.memory_space<semaphore_mem>>, %arg22: memref<!tpu.dma_semaphore, #tpu.memory_space<semaphore_mem>>, %arg23: memref<!tpu.dma_semaphore, #tpu.memory_space<semaphore_mem>>, %arg24: memref<!tpu.dma_semaphore, #tpu.memory_space<semaphore_mem>>, %arg25: memref<!tpu.dma_semaphore, #tpu.memory_space<semaphore_mem>>, %arg26: memref<!tpu.dma_semaphore, #tpu.memory_space<semaphore_mem>>, %arg27: memref<!tpu.dma_semaphore, #tpu.memory_space<semaphore_mem>>, %arg28: memref<!tpu.dma_semaphore, #tpu.memory_space<semaphore_mem>>, %arg29: memref<!tpu.dma_semaphore, #tpu.memory_space<semaphore_mem>>, %arg30: memref<!tpu.dma_semaphore, #tpu.memory_space<semaphore_mem>>, %arg31: memref<!tpu.dma_semaphore, #tpu.memory_space<semaphore_mem>>, %arg32: memref<10112x64xf32, #tpu.memory_space<vmem_shared>>) attributes {dimension_semantics = [#tpu.dimension_semantics<core_parallel>, #tpu.dimension_semantics<subcore_parallel>], iteration_bounds = array<i64: 2, 16>, scalar_prefetch = 0 : i64, scratch_operands = 27 : i64, tpu.core_type = #tpu.core_type<sc_vector_subcore>, window_params = [{transform_indices = #map}, {transform_indices = #map1}, {transform_indices = #map}, {transform_indices = #map1}]} {
    %mul3A = arith.constant 2 : i32
    %mul3A_0 = arith.muli %arg1, %mul3A : i32
    %add3A = arith.addi %mul3A_0, %arg0 : i32
    %mul3A_1 = arith.constant 632 : i32
    %mul3A_2 = arith.muli %arg1, %mul3A_1 : i32
    %dma_start3A = arith.constant 0 : i32
    %dma_start3A_3 = tpu.memref_slice %arg32[%mul3A_2, %dma_start3A] : memref<10112x64xf32, #tpu.memory_space<vmem_shared>> -> memref<632x64xf32, #tpu.memory_space<vmem_shared>>
    tpu.enqueue_dma source(%arg4 : memref<632x64xf32, #tpu.memory_space<hbm>>) target(%dma_start3A_3 : memref<632x64xf32, #tpu.memory_space<vmem_shared>>) target_semaphore(%arg31 : memref<!tpu.dma_semaphore, #tpu.memory_space<semaphore_mem>>)
    %mul3A_4 = arith.constant 80 : i32
    %mul3A_5 = arith.muli %add3A, %mul3A_4 : i32
    %run_scoped3A = arith.constant 0 : i32
    "tpu.region"() ({
      %run_scoped3A_240 = tpu.sem_alloc : memref<!tpu.dma_semaphore, #tpu.memory_space<semaphore_mem>>
      %dma_start3A_241 = arith.constant 0 : i32
      %dma_start3A_242 = tpu.memref_slice %arg3[%run_scoped3A, %mul3A_5, %dma_start3A_241] : memref<2x2560x125xi32, #tpu.memory_space<hbm>> -> memref<1x80x125xi32, #tpu.memory_space<hbm>>
      %dma_start3A_243 = tpu.memref_squeeze %dma_start3A_242 : memref<1x80x125xi32, #tpu.memory_space<hbm>> -> memref<80x125xi32, #tpu.memory_space<hbm>>
      %dma_start3A_244 = arith.constant 0 : i32
      %dma_start3A_245 = tpu.memref_slice %arg3[%run_scoped3A, %mul3A_5, %dma_start3A_244] : memref<2x2560x125xi32, #tpu.memory_space<hbm>> -> memref<1x80x125xi32, #tpu.memory_space<hbm>>
      %dma_start3A_246 = tpu.memref_squeeze %dma_start3A_245 : memref<1x80x125xi32, #tpu.memory_space<hbm>> -> memref<80x125xi32, #tpu.memory_space<hbm>>
      tpu.enqueue_dma source(%dma_start3A_246 : memref<80x125xi32, #tpu.memory_space<hbm>>) target(%arg6 : memref<80x125xi32, #tpu.memory_space<vmem>>) target_semaphore(%run_scoped3A_240 : memref<!tpu.dma_semaphore, #tpu.memory_space<semaphore_mem>>)
      %dma_wait3A_247 = arith.constant 0 : i32
      %dma_wait3A_248 = tpu.memref_slice %arg3[%run_scoped3A, %mul3A_5, %dma_wait3A_247] : memref<2x2560x125xi32, #tpu.memory_space<hbm>> -> memref<1x80x125xi32, #tpu.memory_space<hbm>>
      %dma_wait3A_249 = tpu.memref_squeeze %dma_wait3A_248 : memref<1x80x125xi32, #tpu.memory_space<hbm>> -> memref<80x125xi32, #tpu.memory_space<hbm>>
      %dma_wait3A_250 = arith.constant 0 : i32
      %dma_wait3A_251 = tpu.memref_slice %arg3[%run_scoped3A, %mul3A_5, %dma_wait3A_250] : memref<2x2560x125xi32, #tpu.memory_space<hbm>> -> memref<1x80x125xi32, #tpu.memory_space<hbm>>
      %dma_wait3A_252 = tpu.memref_squeeze %dma_wait3A_251 : memref<1x80x125xi32, #tpu.memory_space<hbm>> -> memref<80x125xi32, #tpu.memory_space<hbm>>
      tpu.wait_dma2 semaphore(%run_scoped3A_240 : memref<!tpu.dma_semaphore, #tpu.memory_space<semaphore_mem>>) src(%dma_wait3A_252 : memref<80x125xi32, #tpu.memory_space<hbm>>) dst(%arg6 : memref<80x125xi32, #tpu.memory_space<vmem>>)
      tpu.yield
    }) : () -> ()
    %mul3A_6 = arith.constant 80 : i32
    %mul3A_7 = arith.muli %add3A, %mul3A_6 : i32
    %run_scoped3A_8 = arith.constant 1 : i32
    "tpu.region"() ({
      %run_scoped3A_240 = tpu.sem_alloc : memref<!tpu.dma_semaphore, #tpu.memory_space<semaphore_mem>>
      %dma_start3A_241 = arith.constant 0 : i32
      %dma_start3A_242 = tpu.memref_slice %arg3[%run_scoped3A_8, %mul3A_7, %dma_start3A_241] : memref<2x2560x125xi32, #tpu.memory_space<hbm>> -> memref<1x80x125xi32, #tpu.memory_space<hbm>>
      %dma_start3A_243 = tpu.memref_squeeze %dma_start3A_242 : memref<1x80x125xi32, #tpu.memory_space<hbm>> -> memref<80x125xi32, #tpu.memory_space<hbm>>
      %dma_start3A_244 = arith.constant 0 : i32
      %dma_start3A_245 = tpu.memref_slice %arg3[%run_scoped3A_8, %mul3A_7, %dma_start3A_244] : memref<2x2560x125xi32, #tpu.memory_space<hbm>> -> memref<1x80x125xi32, #tpu.memory_space<hbm>>
      %dma_start3A_246 = tpu.memref_squeeze %dma_start3A_245 : memref<1x80x125xi32, #tpu.memory_space<hbm>> -> memref<80x125xi32, #tpu.memory_space<hbm>>
      tpu.enqueue_dma source(%dma_start3A_246 : memref<80x125xi32, #tpu.memory_space<hbm>>) target(%arg7 : memref<80x125xi32, #tpu.memory_space<vmem>>) target_semaphore(%run_scoped3A_240 : memref<!tpu.dma_semaphore, #tpu.memory_space<semaphore_mem>>)
      %dma_wait3A_247 = arith.constant 0 : i32
      %dma_wait3A_248 = tpu.memref_slice %arg3[%run_scoped3A_8, %mul3A_7, %dma_wait3A_247] : memref<2x2560x125xi32, #tpu.memory_space<hbm>> -> memref<1x80x125xi32, #tpu.memory_space<hbm>>
      %dma_wait3A_249 = tpu.memref_squeeze %dma_wait3A_248 : memref<1x80x125xi32, #tpu.memory_space<hbm>> -> memref<80x125xi32, #tpu.memory_space<hbm>>
      %dma_wait3A_250 = arith.constant 0 : i32
      %dma_wait3A_251 = tpu.memref_slice %arg3[%run_scoped3A_8, %mul3A_7, %dma_wait3A_250] : memref<2x2560x125xi32, #tpu.memory_space<hbm>> -> memref<1x80x125xi32, #tpu.memory_space<hbm>>
      %dma_wait3A_252 = tpu.memref_squeeze %dma_wait3A_251 : memref<1x80x125xi32, #tpu.memory_space<hbm>> -> memref<80x125xi32, #tpu.memory_space<hbm>>
      tpu.wait_dma2 semaphore(%run_scoped3A_240 : memref<!tpu.dma_semaphore, #tpu.memory_space<semaphore_mem>>) src(%dma_wait3A_252 : memref<80x125xi32, #tpu.memory_space<hbm>>) dst(%arg7 : memref<80x125xi32, #tpu.memory_space<vmem>>)
      tpu.yield
    }) : () -> ()
    %dma_start3A_9 = arith.constant 0 : i32
    %dma_start3A_10 = arith.constant 0 : i32
    %dma_start3A_11 = tpu.memref_slice %arg6[%dma_start3A_9, %dma_start3A_10] : memref<80x125xi32, #tpu.memory_space<vmem>> -> memref<1x125xi32, #tpu.memory_space<vmem>>
    %dma_start3A_12 = tpu.memref_squeeze %dma_start3A_11 : memref<1x125xi32, #tpu.memory_space<vmem>> -> memref<125xi32, #tpu.memory_space<vmem>>
    %dma_start3A_13 = arith.constant 0 : i32
    %dma_start3A_14 = arith.constant 0 : i32
    %dma_start3A_15 = tpu.memref_slice %arg2[%dma_start3A_13, %dma_start3A_14] : memref<10000x64xf32, #tpu.memory_space<hbm>> -> memref<10000x64xf32, #tpu.memory_space<hbm>>
    tpu.enqueue_indirect_dma source(%dma_start3A_15 : memref<10000x64xf32, #tpu.memory_space<hbm>>) target(%arg8 : memref<125x64xf32, #tpu.memory_space<vmem>>) offsets(%dma_start3A_12 : memref<125xi32, #tpu.memory_space<vmem>>) semaphore(%arg16 : memref<!tpu.dma_semaphore, #tpu.memory_space<semaphore_mem>>)
    %dma_start3A_16 = arith.constant 1 : i32
    %dma_start3A_17 = arith.constant 0 : i32
    %dma_start3A_18 = tpu.memref_slice %arg6[%dma_start3A_16, %dma_start3A_17] : memref<80x125xi32, #tpu.memory_space<vmem>> -> memref<1x125xi32, #tpu.memory_space<vmem>>
    %dma_start3A_19 = tpu.memref_squeeze %dma_start3A_18 : memref<1x125xi32, #tpu.memory_space<vmem>> -> memref<125xi32, #tpu.memory_space<vmem>>
    %dma_start3A_20 = arith.constant 0 : i32
    %dma_start3A_21 = arith.constant 0 : i32
    %dma_start3A_22 = tpu.memref_slice %arg2[%dma_start3A_20, %dma_start3A_21] : memref<10000x64xf32, #tpu.memory_space<hbm>> -> memref<10000x64xf32, #tpu.memory_space<hbm>>
    tpu.enqueue_indirect_dma source(%dma_start3A_22 : memref<10000x64xf32, #tpu.memory_space<hbm>>) target(%arg9 : memref<125x64xf32, #tpu.memory_space<vmem>>) offsets(%dma_start3A_19 : memref<125xi32, #tpu.memory_space<vmem>>) semaphore(%arg17 : memref<!tpu.dma_semaphore, #tpu.memory_space<semaphore_mem>>)
    %dma_start3A_23 = arith.constant 2 : i32
    %dma_start3A_24 = arith.constant 0 : i32
    %dma_start3A_25 = tpu.memref_slice %arg6[%dma_start3A_23, %dma_start3A_24] : memref<80x125xi32, #tpu.memory_space<vmem>> -> memref<1x125xi32, #tpu.memory_space<vmem>>
    %dma_start3A_26 = tpu.memref_squeeze %dma_start3A_25 : memref<1x125xi32, #tpu.memory_space<vmem>> -> memref<125xi32, #tpu.memory_space<vmem>>
    %dma_start3A_27 = arith.constant 0 : i32
    %dma_start3A_28 = arith.constant 0 : i32
    %dma_start3A_29 = tpu.memref_slice %arg2[%dma_start3A_27, %dma_start3A_28] : memref<10000x64xf32, #tpu.memory_space<hbm>> -> memref<10000x64xf32, #tpu.memory_space<hbm>>
    tpu.enqueue_indirect_dma source(%dma_start3A_29 : memref<10000x64xf32, #tpu.memory_space<hbm>>) target(%arg10 : memref<125x64xf32, #tpu.memory_space<vmem>>) offsets(%dma_start3A_26 : memref<125xi32, #tpu.memory_space<vmem>>) semaphore(%arg18 : memref<!tpu.dma_semaphore, #tpu.memory_space<semaphore_mem>>)
    %dma_start3A_30 = arith.constant 3 : i32
    %dma_start3A_31 = arith.constant 0 : i32
    %dma_start3A_32 = tpu.memref_slice %arg6[%dma_start3A_30, %dma_start3A_31] : memref<80x125xi32, #tpu.memory_space<vmem>> -> memref<1x125xi32, #tpu.memory_space<vmem>>
    %dma_start3A_33 = tpu.memref_squeeze %dma_start3A_32 : memref<1x125xi32, #tpu.memory_space<vmem>> -> memref<125xi32, #tpu.memory_space<vmem>>
    %dma_start3A_34 = arith.constant 0 : i32
    %dma_start3A_35 = arith.constant 0 : i32
    %dma_start3A_36 = tpu.memref_slice %arg2[%dma_start3A_34, %dma_start3A_35] : memref<10000x64xf32, #tpu.memory_space<hbm>> -> memref<10000x64xf32, #tpu.memory_space<hbm>>
    tpu.enqueue_indirect_dma source(%dma_start3A_36 : memref<10000x64xf32, #tpu.memory_space<hbm>>) target(%arg11 : memref<125x64xf32, #tpu.memory_space<vmem>>) offsets(%dma_start3A_33 : memref<125xi32, #tpu.memory_space<vmem>>) semaphore(%arg19 : memref<!tpu.dma_semaphore, #tpu.memory_space<semaphore_mem>>)
    %dma_start3A_37 = arith.constant 4 : i32
    %dma_start3A_38 = arith.constant 0 : i32
    %dma_start3A_39 = tpu.memref_slice %arg6[%dma_start3A_37, %dma_start3A_38] : memref<80x125xi32, #tpu.memory_space<vmem>> -> memref<1x125xi32, #tpu.memory_space<vmem>>
    %dma_start3A_40 = tpu.memref_squeeze %dma_start3A_39 : memref<1x125xi32, #tpu.memory_space<vmem>> -> memref<125xi32, #tpu.memory_space<vmem>>
    %dma_start3A_41 = arith.constant 0 : i32
    %dma_start3A_42 = arith.constant 0 : i32
    %dma_start3A_43 = tpu.memref_slice %arg2[%dma_start3A_41, %dma_start3A_42] : memref<10000x64xf32, #tpu.memory_space<hbm>> -> memref<10000x64xf32, #tpu.memory_space<hbm>>
    tpu.enqueue_indirect_dma source(%dma_start3A_43 : memref<10000x64xf32, #tpu.memory_space<hbm>>) target(%arg12 : memref<125x64xf32, #tpu.memory_space<vmem>>) offsets(%dma_start3A_40 : memref<125xi32, #tpu.memory_space<vmem>>) semaphore(%arg20 : memref<!tpu.dma_semaphore, #tpu.memory_space<semaphore_mem>>)
    %dma_start3A_44 = arith.constant 5 : i32
    %dma_start3A_45 = arith.constant 0 : i32
    %dma_start3A_46 = tpu.memref_slice %arg6[%dma_start3A_44, %dma_start3A_45] : memref<80x125xi32, #tpu.memory_space<vmem>> -> memref<1x125xi32, #tpu.memory_space<vmem>>
    %dma_start3A_47 = tpu.memref_squeeze %dma_start3A_46 : memref<1x125xi32, #tpu.memory_space<vmem>> -> memref<125xi32, #tpu.memory_space<vmem>>
    %dma_start3A_48 = arith.constant 0 : i32
    %dma_start3A_49 = arith.constant 0 : i32
    %dma_start3A_50 = tpu.memref_slice %arg2[%dma_start3A_48, %dma_start3A_49] : memref<10000x64xf32, #tpu.memory_space<hbm>> -> memref<10000x64xf32, #tpu.memory_space<hbm>>
    tpu.enqueue_indirect_dma source(%dma_start3A_50 : memref<10000x64xf32, #tpu.memory_space<hbm>>) target(%arg13 : memref<125x64xf32, #tpu.memory_space<vmem>>) offsets(%dma_start3A_47 : memref<125xi32, #tpu.memory_space<vmem>>) semaphore(%arg21 : memref<!tpu.dma_semaphore, #tpu.memory_space<semaphore_mem>>)
    %dma_start3A_51 = arith.constant 6 : i32
    %dma_start3A_52 = arith.constant 0 : i32
    %dma_start3A_53 = tpu.memref_slice %arg6[%dma_start3A_51, %dma_start3A_52] : memref<80x125xi32, #tpu.memory_space<vmem>> -> memref<1x125xi32, #tpu.memory_space<vmem>>
    %dma_start3A_54 = tpu.memref_squeeze %dma_start3A_53 : memref<1x125xi32, #tpu.memory_space<vmem>> -> memref<125xi32, #tpu.memory_space<vmem>>
    %dma_start3A_55 = arith.constant 0 : i32
    %dma_start3A_56 = arith.constant 0 : i32
    %dma_start3A_57 = tpu.memref_slice %arg2[%dma_start3A_55, %dma_start3A_56] : memref<10000x64xf32, #tpu.memory_space<hbm>> -> memref<10000x64xf32, #tpu.memory_space<hbm>>
    tpu.enqueue_indirect_dma source(%dma_start3A_57 : memref<10000x64xf32, #tpu.memory_space<hbm>>) target(%arg14 : memref<125x64xf32, #tpu.memory_space<vmem>>) offsets(%dma_start3A_54 : memref<125xi32, #tpu.memory_space<vmem>>) semaphore(%arg22 : memref<!tpu.dma_semaphore, #tpu.memory_space<semaphore_mem>>)
    %dma_start3A_58 = arith.constant 7 : i32
    %dma_start3A_59 = arith.constant 0 : i32
    %dma_start3A_60 = tpu.memref_slice %arg6[%dma_start3A_58, %dma_start3A_59] : memref<80x125xi32, #tpu.memory_space<vmem>> -> memref<1x125xi32, #tpu.memory_space<vmem>>
    %dma_start3A_61 = tpu.memref_squeeze %dma_start3A_60 : memref<1x125xi32, #tpu.memory_space<vmem>> -> memref<125xi32, #tpu.memory_space<vmem>>
    %dma_start3A_62 = arith.constant 0 : i32
    %dma_start3A_63 = arith.constant 0 : i32
    %dma_start3A_64 = tpu.memref_slice %arg2[%dma_start3A_62, %dma_start3A_63] : memref<10000x64xf32, #tpu.memory_space<hbm>> -> memref<10000x64xf32, #tpu.memory_space<hbm>>
    tpu.enqueue_indirect_dma source(%dma_start3A_64 : memref<10000x64xf32, #tpu.memory_space<hbm>>) target(%arg15 : memref<125x64xf32, #tpu.memory_space<vmem>>) offsets(%dma_start3A_61 : memref<125xi32, #tpu.memory_space<vmem>>) semaphore(%arg23 : memref<!tpu.dma_semaphore, #tpu.memory_space<semaphore_mem>>)
    %dma_wait3A = arith.constant 0 : i32
    %dma_wait3A_65 = tpu.memref_slice %arg32[%mul3A_2, %dma_wait3A] : memref<10112x64xf32, #tpu.memory_space<vmem_shared>> -> memref<632x64xf32, #tpu.memory_space<vmem_shared>>
    tpu.wait_dma2 semaphore(%arg31 : memref<!tpu.dma_semaphore, #tpu.memory_space<semaphore_mem>>) src(%arg4 : memref<632x64xf32, #tpu.memory_space<hbm>>) dst(%dma_wait3A_65 : memref<632x64xf32, #tpu.memory_space<vmem_shared>>)
    %barrier3A = arith.constant 0 : index
    tpu.barrier barrier_id(%barrier3A)
    %dma_wait3A_66 = arith.constant 0 : i32
    %dma_wait3A_67 = arith.constant 0 : i32
    %dma_wait3A_68 = tpu.memref_slice %arg6[%dma_wait3A_66, %dma_wait3A_67] : memref<80x125xi32, #tpu.memory_space<vmem>> -> memref<1x125xi32, #tpu.memory_space<vmem>>
    %dma_wait3A_69 = tpu.memref_squeeze %dma_wait3A_68 : memref<1x125xi32, #tpu.memory_space<vmem>> -> memref<125xi32, #tpu.memory_space<vmem>>
    %dma_wait3A_70 = arith.constant 0 : i32
    %dma_wait3A_71 = arith.constant 0 : i32
    %dma_wait3A_72 = tpu.memref_slice %arg2[%dma_wait3A_70, %dma_wait3A_71] : memref<10000x64xf32, #tpu.memory_space<hbm>> -> memref<10000x64xf32, #tpu.memory_space<hbm>>
    tpu.wait_indirect_dma semaphore(%arg16 : memref<!tpu.dma_semaphore, #tpu.memory_space<semaphore_mem>>) src(%dma_wait3A_72 : memref<10000x64xf32, #tpu.memory_space<hbm>>) dst(%arg8 : memref<125x64xf32, #tpu.memory_space<vmem>>)
    %dma_start3A_73 = arith.constant 0 : i32
    %dma_start3A_74 = arith.constant 0 : i32
    %dma_start3A_75 = tpu.memref_slice %arg7[%dma_start3A_73, %dma_start3A_74] : memref<80x125xi32, #tpu.memory_space<vmem>> -> memref<1x125xi32, #tpu.memory_space<vmem>>
    %dma_start3A_76 = tpu.memref_squeeze %dma_start3A_75 : memref<1x125xi32, #tpu.memory_space<vmem>> -> memref<125xi32, #tpu.memory_space<vmem>>
    %dma_start3A_77 = arith.constant 0 : i32
    %dma_start3A_78 = arith.constant 0 : i32
    %dma_start3A_79 = tpu.memref_slice %arg32[%dma_start3A_77, %dma_start3A_78] : memref<10112x64xf32, #tpu.memory_space<vmem_shared>> -> memref<10112x64xf32, #tpu.memory_space<vmem_shared>>
    tpu.enqueue_indirect_dma source(%arg8 : memref<125x64xf32, #tpu.memory_space<vmem>>) target(%dma_start3A_79 : memref<10112x64xf32, #tpu.memory_space<vmem_shared>>) offsets(%dma_start3A_76 : memref<125xi32, #tpu.memory_space<vmem>>) semaphore(%arg24 : memref<!tpu.dma_semaphore, #tpu.memory_space<semaphore_mem>>) {add = true}
    %dma_wait3A_80 = arith.constant 1 : i32
    %dma_wait3A_81 = arith.constant 0 : i32
    %dma_wait3A_82 = tpu.memref_slice %arg6[%dma_wait3A_80, %dma_wait3A_81] : memref<80x125xi32, #tpu.memory_space<vmem>> -> memref<1x125xi32, #tpu.memory_space<vmem>>
    %dma_wait3A_83 = tpu.memref_squeeze %dma_wait3A_82 : memref<1x125xi32, #tpu.memory_space<vmem>> -> memref<125xi32, #tpu.memory_space<vmem>>
    %dma_wait3A_84 = arith.constant 0 : i32
    %dma_wait3A_85 = arith.constant 0 : i32
    %dma_wait3A_86 = tpu.memref_slice %arg2[%dma_wait3A_84, %dma_wait3A_85] : memref<10000x64xf32, #tpu.memory_space<hbm>> -> memref<10000x64xf32, #tpu.memory_space<hbm>>
    tpu.wait_indirect_dma semaphore(%arg17 : memref<!tpu.dma_semaphore, #tpu.memory_space<semaphore_mem>>) src(%dma_wait3A_86 : memref<10000x64xf32, #tpu.memory_space<hbm>>) dst(%arg9 : memref<125x64xf32, #tpu.memory_space<vmem>>)
    %dma_start3A_87 = arith.constant 1 : i32
    %dma_start3A_88 = arith.constant 0 : i32
    %dma_start3A_89 = tpu.memref_slice %arg7[%dma_start3A_87, %dma_start3A_88] : memref<80x125xi32, #tpu.memory_space<vmem>> -> memref<1x125xi32, #tpu.memory_space<vmem>>
    %dma_start3A_90 = tpu.memref_squeeze %dma_start3A_89 : memref<1x125xi32, #tpu.memory_space<vmem>> -> memref<125xi32, #tpu.memory_space<vmem>>
    %dma_start3A_91 = arith.constant 0 : i32
    %dma_start3A_92 = arith.constant 0 : i32
    %dma_start3A_93 = tpu.memref_slice %arg32[%dma_start3A_91, %dma_start3A_92] : memref<10112x64xf32, #tpu.memory_space<vmem_shared>> -> memref<10112x64xf32, #tpu.memory_space<vmem_shared>>
    tpu.enqueue_indirect_dma source(%arg9 : memref<125x64xf32, #tpu.memory_space<vmem>>) target(%dma_start3A_93 : memref<10112x64xf32, #tpu.memory_space<vmem_shared>>) offsets(%dma_start3A_90 : memref<125xi32, #tpu.memory_space<vmem>>) semaphore(%arg25 : memref<!tpu.dma_semaphore, #tpu.memory_space<semaphore_mem>>) {add = true}
    %dma_wait3A_94 = arith.constant 2 : i32
    %dma_wait3A_95 = arith.constant 0 : i32
    %dma_wait3A_96 = tpu.memref_slice %arg6[%dma_wait3A_94, %dma_wait3A_95] : memref<80x125xi32, #tpu.memory_space<vmem>> -> memref<1x125xi32, #tpu.memory_space<vmem>>
    %dma_wait3A_97 = tpu.memref_squeeze %dma_wait3A_96 : memref<1x125xi32, #tpu.memory_space<vmem>> -> memref<125xi32, #tpu.memory_space<vmem>>
    %dma_wait3A_98 = arith.constant 0 : i32
    %dma_wait3A_99 = arith.constant 0 : i32
    %dma_wait3A_100 = tpu.memref_slice %arg2[%dma_wait3A_98, %dma_wait3A_99] : memref<10000x64xf32, #tpu.memory_space<hbm>> -> memref<10000x64xf32, #tpu.memory_space<hbm>>
    tpu.wait_indirect_dma semaphore(%arg18 : memref<!tpu.dma_semaphore, #tpu.memory_space<semaphore_mem>>) src(%dma_wait3A_100 : memref<10000x64xf32, #tpu.memory_space<hbm>>) dst(%arg10 : memref<125x64xf32, #tpu.memory_space<vmem>>)
    %dma_start3A_101 = arith.constant 2 : i32
    %dma_start3A_102 = arith.constant 0 : i32
    %dma_start3A_103 = tpu.memref_slice %arg7[%dma_start3A_101, %dma_start3A_102] : memref<80x125xi32, #tpu.memory_space<vmem>> -> memref<1x125xi32, #tpu.memory_space<vmem>>
    %dma_start3A_104 = tpu.memref_squeeze %dma_start3A_103 : memref<1x125xi32, #tpu.memory_space<vmem>> -> memref<125xi32, #tpu.memory_space<vmem>>
    %dma_start3A_105 = arith.constant 0 : i32
    %dma_start3A_106 = arith.constant 0 : i32
    %dma_start3A_107 = tpu.memref_slice %arg32[%dma_start3A_105, %dma_start3A_106] : memref<10112x64xf32, #tpu.memory_space<vmem_shared>> -> memref<10112x64xf32, #tpu.memory_space<vmem_shared>>
    tpu.enqueue_indirect_dma source(%arg10 : memref<125x64xf32, #tpu.memory_space<vmem>>) target(%dma_start3A_107 : memref<10112x64xf32, #tpu.memory_space<vmem_shared>>) offsets(%dma_start3A_104 : memref<125xi32, #tpu.memory_space<vmem>>) semaphore(%arg26 : memref<!tpu.dma_semaphore, #tpu.memory_space<semaphore_mem>>) {add = true}
    %dma_wait3A_108 = arith.constant 3 : i32
    %dma_wait3A_109 = arith.constant 0 : i32
    %dma_wait3A_110 = tpu.memref_slice %arg6[%dma_wait3A_108, %dma_wait3A_109] : memref<80x125xi32, #tpu.memory_space<vmem>> -> memref<1x125xi32, #tpu.memory_space<vmem>>
    %dma_wait3A_111 = tpu.memref_squeeze %dma_wait3A_110 : memref<1x125xi32, #tpu.memory_space<vmem>> -> memref<125xi32, #tpu.memory_space<vmem>>
    %dma_wait3A_112 = arith.constant 0 : i32
    %dma_wait3A_113 = arith.constant 0 : i32
    %dma_wait3A_114 = tpu.memref_slice %arg2[%dma_wait3A_112, %dma_wait3A_113] : memref<10000x64xf32, #tpu.memory_space<hbm>> -> memref<10000x64xf32, #tpu.memory_space<hbm>>
    tpu.wait_indirect_dma semaphore(%arg19 : memref<!tpu.dma_semaphore, #tpu.memory_space<semaphore_mem>>) src(%dma_wait3A_114 : memref<10000x64xf32, #tpu.memory_space<hbm>>) dst(%arg11 : memref<125x64xf32, #tpu.memory_space<vmem>>)
    %dma_start3A_115 = arith.constant 3 : i32
    %dma_start3A_116 = arith.constant 0 : i32
    %dma_start3A_117 = tpu.memref_slice %arg7[%dma_start3A_115, %dma_start3A_116] : memref<80x125xi32, #tpu.memory_space<vmem>> -> memref<1x125xi32, #tpu.memory_space<vmem>>
    %dma_start3A_118 = tpu.memref_squeeze %dma_start3A_117 : memref<1x125xi32, #tpu.memory_space<vmem>> -> memref<125xi32, #tpu.memory_space<vmem>>
    %dma_start3A_119 = arith.constant 0 : i32
    %dma_start3A_120 = arith.constant 0 : i32
    %dma_start3A_121 = tpu.memref_slice %arg32[%dma_start3A_119, %dma_start3A_120] : memref<10112x64xf32, #tpu.memory_space<vmem_shared>> -> memref<10112x64xf32, #tpu.memory_space<vmem_shared>>
    tpu.enqueue_indirect_dma source(%arg11 : memref<125x64xf32, #tpu.memory_space<vmem>>) target(%dma_start3A_121 : memref<10112x64xf32, #tpu.memory_space<vmem_shared>>) offsets(%dma_start3A_118 : memref<125xi32, #tpu.memory_space<vmem>>) semaphore(%arg27 : memref<!tpu.dma_semaphore, #tpu.memory_space<semaphore_mem>>) {add = true}
    %scan3A = arith.constant 0 : i32
    %scan3A_122 = arith.constant 0 : i32
    %scan3A_123 = arith.constant 9 : i32
    %scan3A_124 = arith.addi %scan3A_122, %scan3A_123 : i32
    %scan3A_125 = arith.constant 1 : i32
    scf.for %scan3A_240 = %scan3A_122 to %scan3A_124 step %scan3A_125  : i32 {
      %mul3A_241 = arith.constant 8 : i32
      %mul3A_242 = arith.muli %mul3A_241, %scan3A_240 : i32
      %add3A_243 = arith.constant 4 : i32
      %add3A_244 = arith.addi %add3A_243, %mul3A_242 : i32
      %add3A_245 = arith.constant 0 : i32
      %add3A_246 = arith.addi %add3A_244, %add3A_245 : i32
      %sub3A = arith.constant 4 : i32
      %sub3A_247 = arith.subi %add3A_246, %sub3A : i32
      %dma_wait3A_248 = arith.constant 0 : i32
      %dma_wait3A_249 = tpu.memref_slice %arg7[%sub3A_247, %dma_wait3A_248] : memref<80x125xi32, #tpu.memory_space<vmem>> -> memref<1x125xi32, #tpu.memory_space<vmem>>
      %dma_wait3A_250 = tpu.memref_squeeze %dma_wait3A_249 : memref<1x125xi32, #tpu.memory_space<vmem>> -> memref<125xi32, #tpu.memory_space<vmem>>
      %dma_wait3A_251 = arith.constant 0 : i32
      %dma_wait3A_252 = arith.constant 0 : i32
      %dma_wait3A_253 = tpu.memref_slice %arg32[%dma_wait3A_251, %dma_wait3A_252] : memref<10112x64xf32, #tpu.memory_space<vmem_shared>> -> memref<10112x64xf32, #tpu.memory_space<vmem_shared>>
      tpu.wait_indirect_dma semaphore(%arg24 : memref<!tpu.dma_semaphore, #tpu.memory_space<semaphore_mem>>) src(%arg8 : memref<125x64xf32, #tpu.memory_space<vmem>>) dst(%dma_wait3A_253 : memref<10112x64xf32, #tpu.memory_space<vmem_shared>>)
      %add3A_254 = arith.constant 4 : i32
      %add3A_255 = arith.addi %add3A_246, %add3A_254 : i32
      %dma_start3A_256 = arith.constant 0 : i32
      %dma_start3A_257 = tpu.memref_slice %arg6[%add3A_255, %dma_start3A_256] : memref<80x125xi32, #tpu.memory_space<vmem>> -> memref<1x125xi32, #tpu.memory_space<vmem>>
      %dma_start3A_258 = tpu.memref_squeeze %dma_start3A_257 : memref<1x125xi32, #tpu.memory_space<vmem>> -> memref<125xi32, #tpu.memory_space<vmem>>
      %dma_start3A_259 = arith.constant 0 : i32
      %dma_start3A_260 = arith.constant 0 : i32
      %dma_start3A_261 = tpu.memref_slice %arg2[%dma_start3A_259, %dma_start3A_260] : memref<10000x64xf32, #tpu.memory_space<hbm>> -> memref<10000x64xf32, #tpu.memory_space<hbm>>
      tpu.enqueue_indirect_dma source(%dma_start3A_261 : memref<10000x64xf32, #tpu.memory_space<hbm>>) target(%arg8 : memref<125x64xf32, #tpu.memory_space<vmem>>) offsets(%dma_start3A_258 : memref<125xi32, #tpu.memory_space<vmem>>) semaphore(%arg16 : memref<!tpu.dma_semaphore, #tpu.memory_space<semaphore_mem>>)
      %dma_wait3A_262 = arith.constant 0 : i32
      %dma_wait3A_263 = tpu.memref_slice %arg6[%add3A_246, %dma_wait3A_262] : memref<80x125xi32, #tpu.memory_space<vmem>> -> memref<1x125xi32, #tpu.memory_space<vmem>>
      %dma_wait3A_264 = tpu.memref_squeeze %dma_wait3A_263 : memref<1x125xi32, #tpu.memory_space<vmem>> -> memref<125xi32, #tpu.memory_space<vmem>>
      %dma_wait3A_265 = arith.constant 0 : i32
      %dma_wait3A_266 = arith.constant 0 : i32
      %dma_wait3A_267 = tpu.memref_slice %arg2[%dma_wait3A_265, %dma_wait3A_266] : memref<10000x64xf32, #tpu.memory_space<hbm>> -> memref<10000x64xf32, #tpu.memory_space<hbm>>
      tpu.wait_indirect_dma semaphore(%arg20 : memref<!tpu.dma_semaphore, #tpu.memory_space<semaphore_mem>>) src(%dma_wait3A_267 : memref<10000x64xf32, #tpu.memory_space<hbm>>) dst(%arg12 : memref<125x64xf32, #tpu.memory_space<vmem>>)
      %dma_start3A_268 = arith.constant 0 : i32
      %dma_start3A_269 = tpu.memref_slice %arg7[%add3A_246, %dma_start3A_268] : memref<80x125xi32, #tpu.memory_space<vmem>> -> memref<1x125xi32, #tpu.memory_space<vmem>>
      %dma_start3A_270 = tpu.memref_squeeze %dma_start3A_269 : memref<1x125xi32, #tpu.memory_space<vmem>> -> memref<125xi32, #tpu.memory_space<vmem>>
      %dma_start3A_271 = arith.constant 0 : i32
      %dma_start3A_272 = arith.constant 0 : i32
      %dma_start3A_273 = tpu.memref_slice %arg32[%dma_start3A_271, %dma_start3A_272] : memref<10112x64xf32, #tpu.memory_space<vmem_shared>> -> memref<10112x64xf32, #tpu.memory_space<vmem_shared>>
      tpu.enqueue_indirect_dma source(%arg12 : memref<125x64xf32, #tpu.memory_space<vmem>>) target(%dma_start3A_273 : memref<10112x64xf32, #tpu.memory_space<vmem_shared>>) offsets(%dma_start3A_270 : memref<125xi32, #tpu.memory_space<vmem>>) semaphore(%arg28 : memref<!tpu.dma_semaphore, #tpu.memory_space<semaphore_mem>>) {add = true}
      %add3A_274 = arith.constant 1 : i32
      %add3A_275 = arith.addi %add3A_244, %add3A_274 : i32
      %sub3A_276 = arith.constant 4 : i32
      %sub3A_277 = arith.subi %add3A_275, %sub3A_276 : i32
      %dma_wait3A_278 = arith.constant 0 : i32
      %dma_wait3A_279 = tpu.memref_slice %arg7[%sub3A_277, %dma_wait3A_278] : memref<80x125xi32, #tpu.memory_space<vmem>> -> memref<1x125xi32, #tpu.memory_space<vmem>>
      %dma_wait3A_280 = tpu.memref_squeeze %dma_wait3A_279 : memref<1x125xi32, #tpu.memory_space<vmem>> -> memref<125xi32, #tpu.memory_space<vmem>>
      %dma_wait3A_281 = arith.constant 0 : i32
      %dma_wait3A_282 = arith.constant 0 : i32
      %dma_wait3A_283 = tpu.memref_slice %arg32[%dma_wait3A_281, %dma_wait3A_282] : memref<10112x64xf32, #tpu.memory_space<vmem_shared>> -> memref<10112x64xf32, #tpu.memory_space<vmem_shared>>
      tpu.wait_indirect_dma semaphore(%arg25 : memref<!tpu.dma_semaphore, #tpu.memory_space<semaphore_mem>>) src(%arg9 : memref<125x64xf32, #tpu.memory_space<vmem>>) dst(%dma_wait3A_283 : memref<10112x64xf32, #tpu.memory_space<vmem_shared>>)
      %add3A_284 = arith.constant 4 : i32
      %add3A_285 = arith.addi %add3A_275, %add3A_284 : i32
      %dma_start3A_286 = arith.constant 0 : i32
      %dma_start3A_287 = tpu.memref_slice %arg6[%add3A_285, %dma_start3A_286] : memref<80x125xi32, #tpu.memory_space<vmem>> -> memref<1x125xi32, #tpu.memory_space<vmem>>
      %dma_start3A_288 = tpu.memref_squeeze %dma_start3A_287 : memref<1x125xi32, #tpu.memory_space<vmem>> -> memref<125xi32, #tpu.memory_space<vmem>>
      %dma_start3A_289 = arith.constant 0 : i32
      %dma_start3A_290 = arith.constant 0 : i32
      %dma_start3A_291 = tpu.memref_slice %arg2[%dma_start3A_289, %dma_start3A_290] : memref<10000x64xf32, #tpu.memory_space<hbm>> -> memref<10000x64xf32, #tpu.memory_space<hbm>>
      tpu.enqueue_indirect_dma source(%dma_start3A_291 : memref<10000x64xf32, #tpu.memory_space<hbm>>) target(%arg9 : memref<125x64xf32, #tpu.memory_space<vmem>>) offsets(%dma_start3A_288 : memref<125xi32, #tpu.memory_space<vmem>>) semaphore(%arg17 : memref<!tpu.dma_semaphore, #tpu.memory_space<semaphore_mem>>)
      %dma_wait3A_292 = arith.constant 0 : i32
      %dma_wait3A_293 = tpu.memref_slice %arg6[%add3A_275, %dma_wait3A_292] : memref<80x125xi32, #tpu.memory_space<vmem>> -> memref<1x125xi32, #tpu.memory_space<vmem>>
      %dma_wait3A_294 = tpu.memref_squeeze %dma_wait3A_293 : memref<1x125xi32, #tpu.memory_space<vmem>> -> memref<125xi32, #tpu.memory_space<vmem>>
      %dma_wait3A_295 = arith.constant 0 : i32
      %dma_wait3A_296 = arith.constant 0 : i32
      %dma_wait3A_297 = tpu.memref_slice %arg2[%dma_wait3A_295, %dma_wait3A_296] : memref<10000x64xf32, #tpu.memory_space<hbm>> -> memref<10000x64xf32, #tpu.memory_space<hbm>>
      tpu.wait_indirect_dma semaphore(%arg21 : memref<!tpu.dma_semaphore, #tpu.memory_space<semaphore_mem>>) src(%dma_wait3A_297 : memref<10000x64xf32, #tpu.memory_space<hbm>>) dst(%arg13 : memref<125x64xf32, #tpu.memory_space<vmem>>)
      %dma_start3A_298 = arith.constant 0 : i32
      %dma_start3A_299 = tpu.memref_slice %arg7[%add3A_275, %dma_start3A_298] : memref<80x125xi32, #tpu.memory_space<vmem>> -> memref<1x125xi32, #tpu.memory_space<vmem>>
      %dma_start3A_300 = tpu.memref_squeeze %dma_start3A_299 : memref<1x125xi32, #tpu.memory_space<vmem>> -> memref<125xi32, #tpu.memory_space<vmem>>
      %dma_start3A_301 = arith.constant 0 : i32
      %dma_start3A_302 = arith.constant 0 : i32
      %dma_start3A_303 = tpu.memref_slice %arg32[%dma_start3A_301, %dma_start3A_302] : memref<10112x64xf32, #tpu.memory_space<vmem_shared>> -> memref<10112x64xf32, #tpu.memory_space<vmem_shared>>
      tpu.enqueue_indirect_dma source(%arg13 : memref<125x64xf32, #tpu.memory_space<vmem>>) target(%dma_start3A_303 : memref<10112x64xf32, #tpu.memory_space<vmem_shared>>) offsets(%dma_start3A_300 : memref<125xi32, #tpu.memory_space<vmem>>) semaphore(%arg29 : memref<!tpu.dma_semaphore, #tpu.memory_space<semaphore_mem>>) {add = true}
      %add3A_304 = arith.constant 2 : i32
      %add3A_305 = arith.addi %add3A_244, %add3A_304 : i32
      %sub3A_306 = arith.constant 4 : i32
      %sub3A_307 = arith.subi %add3A_305, %sub3A_306 : i32
      %dma_wait3A_308 = arith.constant 0 : i32
      %dma_wait3A_309 = tpu.memref_slice %arg7[%sub3A_307, %dma_wait3A_308] : memref<80x125xi32, #tpu.memory_space<vmem>> -> memref<1x125xi32, #tpu.memory_space<vmem>>
      %dma_wait3A_310 = tpu.memref_squeeze %dma_wait3A_309 : memref<1x125xi32, #tpu.memory_space<vmem>> -> memref<125xi32, #tpu.memory_space<vmem>>
      %dma_wait3A_311 = arith.constant 0 : i32
      %dma_wait3A_312 = arith.constant 0 : i32
      %dma_wait3A_313 = tpu.memref_slice %arg32[%dma_wait3A_311, %dma_wait3A_312] : memref<10112x64xf32, #tpu.memory_space<vmem_shared>> -> memref<10112x64xf32, #tpu.memory_space<vmem_shared>>
      tpu.wait_indirect_dma semaphore(%arg26 : memref<!tpu.dma_semaphore, #tpu.memory_space<semaphore_mem>>) src(%arg10 : memref<125x64xf32, #tpu.memory_space<vmem>>) dst(%dma_wait3A_313 : memref<10112x64xf32, #tpu.memory_space<vmem_shared>>)
      %add3A_314 = arith.constant 4 : i32
      %add3A_315 = arith.addi %add3A_305, %add3A_314 : i32
      %dma_start3A_316 = arith.constant 0 : i32
      %dma_start3A_317 = tpu.memref_slice %arg6[%add3A_315, %dma_start3A_316] : memref<80x125xi32, #tpu.memory_space<vmem>> -> memref<1x125xi32, #tpu.memory_space<vmem>>
      %dma_start3A_318 = tpu.memref_squeeze %dma_start3A_317 : memref<1x125xi32, #tpu.memory_space<vmem>> -> memref<125xi32, #tpu.memory_space<vmem>>
      %dma_start3A_319 = arith.constant 0 : i32
      %dma_start3A_320 = arith.constant 0 : i32
      %dma_start3A_321 = tpu.memref_slice %arg2[%dma_start3A_319, %dma_start3A_320] : memref<10000x64xf32, #tpu.memory_space<hbm>> -> memref<10000x64xf32, #tpu.memory_space<hbm>>
      tpu.enqueue_indirect_dma source(%dma_start3A_321 : memref<10000x64xf32, #tpu.memory_space<hbm>>) target(%arg10 : memref<125x64xf32, #tpu.memory_space<vmem>>) offsets(%dma_start3A_318 : memref<125xi32, #tpu.memory_space<vmem>>) semaphore(%arg18 : memref<!tpu.dma_semaphore, #tpu.memory_space<semaphore_mem>>)
      %dma_wait3A_322 = arith.constant 0 : i32
      %dma_wait3A_323 = tpu.memref_slice %arg6[%add3A_305, %dma_wait3A_322] : memref<80x125xi32, #tpu.memory_space<vmem>> -> memref<1x125xi32, #tpu.memory_space<vmem>>
      %dma_wait3A_324 = tpu.memref_squeeze %dma_wait3A_323 : memref<1x125xi32, #tpu.memory_space<vmem>> -> memref<125xi32, #tpu.memory_space<vmem>>
      %dma_wait3A_325 = arith.constant 0 : i32
      %dma_wait3A_326 = arith.constant 0 : i32
      %dma_wait3A_327 = tpu.memref_slice %arg2[%dma_wait3A_325, %dma_wait3A_326] : memref<10000x64xf32, #tpu.memory_space<hbm>> -> memref<10000x64xf32, #tpu.memory_space<hbm>>
      tpu.wait_indirect_dma semaphore(%arg22 : memref<!tpu.dma_semaphore, #tpu.memory_space<semaphore_mem>>) src(%dma_wait3A_327 : memref<10000x64xf32, #tpu.memory_space<hbm>>) dst(%arg14 : memref<125x64xf32, #tpu.memory_space<vmem>>)
      %dma_start3A_328 = arith.constant 0 : i32
      %dma_start3A_329 = tpu.memref_slice %arg7[%add3A_305, %dma_start3A_328] : memref<80x125xi32, #tpu.memory_space<vmem>> -> memref<1x125xi32, #tpu.memory_space<vmem>>
      %dma_start3A_330 = tpu.memref_squeeze %dma_start3A_329 : memref<1x125xi32, #tpu.memory_space<vmem>> -> memref<125xi32, #tpu.memory_space<vmem>>
      %dma_start3A_331 = arith.constant 0 : i32
      %dma_start3A_332 = arith.constant 0 : i32
      %dma_start3A_333 = tpu.memref_slice %arg32[%dma_start3A_331, %dma_start3A_332] : memref<10112x64xf32, #tpu.memory_space<vmem_shared>> -> memref<10112x64xf32, #tpu.memory_space<vmem_shared>>
      tpu.enqueue_indirect_dma source(%arg14 : memref<125x64xf32, #tpu.memory_space<vmem>>) target(%dma_start3A_333 : memref<10112x64xf32, #tpu.memory_space<vmem_shared>>) offsets(%dma_start3A_330 : memref<125xi32, #tpu.memory_space<vmem>>) semaphore(%arg30 : memref<!tpu.dma_semaphore, #tpu.memory_space<semaphore_mem>>) {add = true}
      %add3A_334 = arith.constant 3 : i32
      %add3A_335 = arith.addi %add3A_244, %add3A_334 : i32
      %sub3A_336 = arith.constant 4 : i32
      %sub3A_337 = arith.subi %add3A_335, %sub3A_336 : i32
      %dma_wait3A_338 = arith.constant 0 : i32
      %dma_wait3A_339 = tpu.memref_slice %arg7[%sub3A_337, %dma_wait3A_338] : memref<80x125xi32, #tpu.memory_space<vmem>> -> memref<1x125xi32, #tpu.memory_space<vmem>>
      %dma_wait3A_340 = tpu.memref_squeeze %dma_wait3A_339 : memref<1x125xi32, #tpu.memory_space<vmem>> -> memref<125xi32, #tpu.memory_space<vmem>>
      %dma_wait3A_341 = arith.constant 0 : i32
      %dma_wait3A_342 = arith.constant 0 : i32
      %dma_wait3A_343 = tpu.memref_slice %arg32[%dma_wait3A_341, %dma_wait3A_342] : memref<10112x64xf32, #tpu.memory_space<vmem_shared>> -> memref<10112x64xf32, #tpu.memory_space<vmem_shared>>
      tpu.wait_indirect_dma semaphore(%arg27 : memref<!tpu.dma_semaphore, #tpu.memory_space<semaphore_mem>>) src(%arg11 : memref<125x64xf32, #tpu.memory_space<vmem>>) dst(%dma_wait3A_343 : memref<10112x64xf32, #tpu.memory_space<vmem_shared>>)
      %add3A_344 = arith.constant 4 : i32
      %add3A_345 = arith.addi %add3A_335, %add3A_344 : i32
      %dma_start3A_346 = arith.constant 0 : i32
      %dma_start3A_347 = tpu.memref_slice %arg6[%add3A_345, %dma_start3A_346] : memref<80x125xi32, #tpu.memory_space<vmem>> -> memref<1x125xi32, #tpu.memory_space<vmem>>
      %dma_start3A_348 = tpu.memref_squeeze %dma_start3A_347 : memref<1x125xi32, #tpu.memory_space<vmem>> -> memref<125xi32, #tpu.memory_space<vmem>>
      %dma_start3A_349 = arith.constant 0 : i32
      %dma_start3A_350 = arith.constant 0 : i32
      %dma_start3A_351 = tpu.memref_slice %arg2[%dma_start3A_349, %dma_start3A_350] : memref<10000x64xf32, #tpu.memory_space<hbm>> -> memref<10000x64xf32, #tpu.memory_space<hbm>>
      tpu.enqueue_indirect_dma source(%dma_start3A_351 : memref<10000x64xf32, #tpu.memory_space<hbm>>) target(%arg11 : memref<125x64xf32, #tpu.memory_space<vmem>>) offsets(%dma_start3A_348 : memref<125xi32, #tpu.memory_space<vmem>>) semaphore(%arg19 : memref<!tpu.dma_semaphore, #tpu.memory_space<semaphore_mem>>)
      %dma_wait3A_352 = arith.constant 0 : i32
      %dma_wait3A_353 = tpu.memref_slice %arg6[%add3A_335, %dma_wait3A_352] : memref<80x125xi32, #tpu.memory_space<vmem>> -> memref<1x125xi32, #tpu.memory_space<vmem>>
      %dma_wait3A_354 = tpu.memref_squeeze %dma_wait3A_353 : memref<1x125xi32, #tpu.memory_space<vmem>> -> memref<125xi32, #tpu.memory_space<vmem>>
      %dma_wait3A_355 = arith.constant 0 : i32
      %dma_wait3A_356 = arith.constant 0 : i32
      %dma_wait3A_357 = tpu.memref_slice %arg2[%dma_wait3A_355, %dma_wait3A_356] : memref<10000x64xf32, #tpu.memory_space<hbm>> -> memref<10000x64xf32, #tpu.memory_space<hbm>>
      tpu.wait_indirect_dma semaphore(%arg23 : memref<!tpu.dma_semaphore, #tpu.memory_space<semaphore_mem>>) src(%dma_wait3A_357 : memref<10000x64xf32, #tpu.memory_space<hbm>>) dst(%arg15 : memref<125x64xf32, #tpu.memory_space<vmem>>)
      %dma_start3A_358 = arith.constant 0 : i32
      %dma_start3A_359 = tpu.memref_slice %arg7[%add3A_335, %dma_start3A_358] : memref<80x125xi32, #tpu.memory_space<vmem>> -> memref<1x125xi32, #tpu.memory_space<vmem>>
      %dma_start3A_360 = tpu.memref_squeeze %dma_start3A_359 : memref<1x125xi32, #tpu.memory_space<vmem>> -> memref<125xi32, #tpu.memory_space<vmem>>
      %dma_start3A_361 = arith.constant 0 : i32
      %dma_start3A_362 = arith.constant 0 : i32
      %dma_start3A_363 = tpu.memref_slice %arg32[%dma_start3A_361, %dma_start3A_362] : memref<10112x64xf32, #tpu.memory_space<vmem_shared>> -> memref<10112x64xf32, #tpu.memory_space<vmem_shared>>
      tpu.enqueue_indirect_dma source(%arg15 : memref<125x64xf32, #tpu.memory_space<vmem>>) target(%dma_start3A_363 : memref<10112x64xf32, #tpu.memory_space<vmem_shared>>) offsets(%dma_start3A_360 : memref<125xi32, #tpu.memory_space<vmem>>) semaphore(%arg31 : memref<!tpu.dma_semaphore, #tpu.memory_space<semaphore_mem>>) {add = true}
      %add3A_364 = arith.constant 4 : i32
      %add3A_365 = arith.addi %add3A_244, %add3A_364 : i32
      %sub3A_366 = arith.constant 4 : i32
      %sub3A_367 = arith.subi %add3A_365, %sub3A_366 : i32
      %dma_wait3A_368 = arith.constant 0 : i32
      %dma_wait3A_369 = tpu.memref_slice %arg7[%sub3A_367, %dma_wait3A_368] : memref<80x125xi32, #tpu.memory_space<vmem>> -> memref<1x125xi32, #tpu.memory_space<vmem>>
      %dma_wait3A_370 = tpu.memref_squeeze %dma_wait3A_369 : memref<1x125xi32, #tpu.memory_space<vmem>> -> memref<125xi32, #tpu.memory_space<vmem>>
      %dma_wait3A_371 = arith.constant 0 : i32
      %dma_wait3A_372 = arith.constant 0 : i32
      %dma_wait3A_373 = tpu.memref_slice %arg32[%dma_wait3A_371, %dma_wait3A_372] : memref<10112x64xf32, #tpu.memory_space<vmem_shared>> -> memref<10112x64xf32, #tpu.memory_space<vmem_shared>>
      tpu.wait_indirect_dma semaphore(%arg28 : memref<!tpu.dma_semaphore, #tpu.memory_space<semaphore_mem>>) src(%arg12 : memref<125x64xf32, #tpu.memory_space<vmem>>) dst(%dma_wait3A_373 : memref<10112x64xf32, #tpu.memory_space<vmem_shared>>)
      %add3A_374 = arith.constant 4 : i32
      %add3A_375 = arith.addi %add3A_365, %add3A_374 : i32
      %dma_start3A_376 = arith.constant 0 : i32
      %dma_start3A_377 = tpu.memref_slice %arg6[%add3A_375, %dma_start3A_376] : memref<80x125xi32, #tpu.memory_space<vmem>> -> memref<1x125xi32, #tpu.memory_space<vmem>>
      %dma_start3A_378 = tpu.memref_squeeze %dma_start3A_377 : memref<1x125xi32, #tpu.memory_space<vmem>> -> memref<125xi32, #tpu.memory_space<vmem>>
      %dma_start3A_379 = arith.constant 0 : i32
      %dma_start3A_380 = arith.constant 0 : i32
      %dma_start3A_381 = tpu.memref_slice %arg2[%dma_start3A_379, %dma_start3A_380] : memref<10000x64xf32, #tpu.memory_space<hbm>> -> memref<10000x64xf32, #tpu.memory_space<hbm>>
      tpu.enqueue_indirect_dma source(%dma_start3A_381 : memref<10000x64xf32, #tpu.memory_space<hbm>>) target(%arg12 : memref<125x64xf32, #tpu.memory_space<vmem>>) offsets(%dma_start3A_378 : memref<125xi32, #tpu.memory_space<vmem>>) semaphore(%arg20 : memref<!tpu.dma_semaphore, #tpu.memory_space<semaphore_mem>>)
      %dma_wait3A_382 = arith.constant 0 : i32
      %dma_wait3A_383 = tpu.memref_slice %arg6[%add3A_365, %dma_wait3A_382] : memref<80x125xi32, #tpu.memory_space<vmem>> -> memref<1x125xi32, #tpu.memory_space<vmem>>
      %dma_wait3A_384 = tpu.memref_squeeze %dma_wait3A_383 : memref<1x125xi32, #tpu.memory_space<vmem>> -> memref<125xi32, #tpu.memory_space<vmem>>
      %dma_wait3A_385 = arith.constant 0 : i32
      %dma_wait3A_386 = arith.constant 0 : i32
      %dma_wait3A_387 = tpu.memref_slice %arg2[%dma_wait3A_385, %dma_wait3A_386] : memref<10000x64xf32, #tpu.memory_space<hbm>> -> memref<10000x64xf32, #tpu.memory_space<hbm>>
      tpu.wait_indirect_dma semaphore(%arg16 : memref<!tpu.dma_semaphore, #tpu.memory_space<semaphore_mem>>) src(%dma_wait3A_387 : memref<10000x64xf32, #tpu.memory_space<hbm>>) dst(%arg8 : memref<125x64xf32, #tpu.memory_space<vmem>>)
      %dma_start3A_388 = arith.constant 0 : i32
      %dma_start3A_389 = tpu.memref_slice %arg7[%add3A_365, %dma_start3A_388] : memref<80x125xi32, #tpu.memory_space<vmem>> -> memref<1x125xi32, #tpu.memory_space<vmem>>
      %dma_start3A_390 = tpu.memref_squeeze %dma_start3A_389 : memref<1x125xi32, #tpu.memory_space<vmem>> -> memref<125xi32, #tpu.memory_space<vmem>>
      %dma_start3A_391 = arith.constant 0 : i32
      %dma_start3A_392 = arith.constant 0 : i32
      %dma_start3A_393 = tpu.memref_slice %arg32[%dma_start3A_391, %dma_start3A_392] : memref<10112x64xf32, #tpu.memory_space<vmem_shared>> -> memref<10112x64xf32, #tpu.memory_space<vmem_shared>>
      tpu.enqueue_indirect_dma source(%arg8 : memref<125x64xf32, #tpu.memory_space<vmem>>) target(%dma_start3A_393 : memref<10112x64xf32, #tpu.memory_space<vmem_shared>>) offsets(%dma_start3A_390 : memref<125xi32, #tpu.memory_space<vmem>>) semaphore(%arg24 : memref<!tpu.dma_semaphore, #tpu.memory_space<semaphore_mem>>) {add = true}
      %add3A_394 = arith.constant 5 : i32
      %add3A_395 = arith.addi %add3A_244, %add3A_394 : i32
      %sub3A_396 = arith.constant 4 : i32
      %sub3A_397 = arith.subi %add3A_395, %sub3A_396 : i32
      %dma_wait3A_398 = arith.constant 0 : i32
      %dma_wait3A_399 = tpu.memref_slice %arg7[%sub3A_397, %dma_wait3A_398] : memref<80x125xi32, #tpu.memory_space<vmem>> -> memref<1x125xi32, #tpu.memory_space<vmem>>
      %dma_wait3A_400 = tpu.memref_squeeze %dma_wait3A_399 : memref<1x125xi32, #tpu.memory_space<vmem>> -> memref<125xi32, #tpu.memory_space<vmem>>
      %dma_wait3A_401 = arith.constant 0 : i32
      %dma_wait3A_402 = arith.constant 0 : i32
      %dma_wait3A_403 = tpu.memref_slice %arg32[%dma_wait3A_401, %dma_wait3A_402] : memref<10112x64xf32, #tpu.memory_space<vmem_shared>> -> memref<10112x64xf32, #tpu.memory_space<vmem_shared>>
      tpu.wait_indirect_dma semaphore(%arg29 : memref<!tpu.dma_semaphore, #tpu.memory_space<semaphore_mem>>) src(%arg13 : memref<125x64xf32, #tpu.memory_space<vmem>>) dst(%dma_wait3A_403 : memref<10112x64xf32, #tpu.memory_space<vmem_shared>>)
      %add3A_404 = arith.constant 4 : i32
      %add3A_405 = arith.addi %add3A_395, %add3A_404 : i32
      %dma_start3A_406 = arith.constant 0 : i32
      %dma_start3A_407 = tpu.memref_slice %arg6[%add3A_405, %dma_start3A_406] : memref<80x125xi32, #tpu.memory_space<vmem>> -> memref<1x125xi32, #tpu.memory_space<vmem>>
      %dma_start3A_408 = tpu.memref_squeeze %dma_start3A_407 : memref<1x125xi32, #tpu.memory_space<vmem>> -> memref<125xi32, #tpu.memory_space<vmem>>
      %dma_start3A_409 = arith.constant 0 : i32
      %dma_start3A_410 = arith.constant 0 : i32
      %dma_start3A_411 = tpu.memref_slice %arg2[%dma_start3A_409, %dma_start3A_410] : memref<10000x64xf32, #tpu.memory_space<hbm>> -> memref<10000x64xf32, #tpu.memory_space<hbm>>
      tpu.enqueue_indirect_dma source(%dma_start3A_411 : memref<10000x64xf32, #tpu.memory_space<hbm>>) target(%arg13 : memref<125x64xf32, #tpu.memory_space<vmem>>) offsets(%dma_start3A_408 : memref<125xi32, #tpu.memory_space<vmem>>) semaphore(%arg21 : memref<!tpu.dma_semaphore, #tpu.memory_space<semaphore_mem>>)
      %dma_wait3A_412 = arith.constant 0 : i32
      %dma_wait3A_413 = tpu.memref_slice %arg6[%add3A_395, %dma_wait3A_412] : memref<80x125xi32, #tpu.memory_space<vmem>> -> memref<1x125xi32, #tpu.memory_space<vmem>>
      %dma_wait3A_414 = tpu.memref_squeeze %dma_wait3A_413 : memref<1x125xi32, #tpu.memory_space<vmem>> -> memref<125xi32, #tpu.memory_space<vmem>>
      %dma_wait3A_415 = arith.constant 0 : i32
      %dma_wait3A_416 = arith.constant 0 : i32
      %dma_wait3A_417 = tpu.memref_slice %arg2[%dma_wait3A_415, %dma_wait3A_416] : memref<10000x64xf32, #tpu.memory_space<hbm>> -> memref<10000x64xf32, #tpu.memory_space<hbm>>
      tpu.wait_indirect_dma semaphore(%arg17 : memref<!tpu.dma_semaphore, #tpu.memory_space<semaphore_mem>>) src(%dma_wait3A_417 : memref<10000x64xf32, #tpu.memory_space<hbm>>) dst(%arg9 : memref<125x64xf32, #tpu.memory_space<vmem>>)
      %dma_start3A_418 = arith.constant 0 : i32
      %dma_start3A_419 = tpu.memref_slice %arg7[%add3A_395, %dma_start3A_418] : memref<80x125xi32, #tpu.memory_space<vmem>> -> memref<1x125xi32, #tpu.memory_space<vmem>>
      %dma_start3A_420 = tpu.memref_squeeze %dma_start3A_419 : memref<1x125xi32, #tpu.memory_space<vmem>> -> memref<125xi32, #tpu.memory_space<vmem>>
      %dma_start3A_421 = arith.constant 0 : i32
      %dma_start3A_422 = arith.constant 0 : i32
      %dma_start3A_423 = tpu.memref_slice %arg32[%dma_start3A_421, %dma_start3A_422] : memref<10112x64xf32, #tpu.memory_space<vmem_shared>> -> memref<10112x64xf32, #tpu.memory_space<vmem_shared>>
      tpu.enqueue_indirect_dma source(%arg9 : memref<125x64xf32, #tpu.memory_space<vmem>>) target(%dma_start3A_423 : memref<10112x64xf32, #tpu.memory_space<vmem_shared>>) offsets(%dma_start3A_420 : memref<125xi32, #tpu.memory_space<vmem>>) semaphore(%arg25 : memref<!tpu.dma_semaphore, #tpu.memory_space<semaphore_mem>>) {add = true}
      %add3A_424 = arith.constant 6 : i32
      %add3A_425 = arith.addi %add3A_244, %add3A_424 : i32
      %sub3A_426 = arith.constant 4 : i32
      %sub3A_427 = arith.subi %add3A_425, %sub3A_426 : i32
      %dma_wait3A_428 = arith.constant 0 : i32
      %dma_wait3A_429 = tpu.memref_slice %arg7[%sub3A_427, %dma_wait3A_428] : memref<80x125xi32, #tpu.memory_space<vmem>> -> memref<1x125xi32, #tpu.memory_space<vmem>>
      %dma_wait3A_430 = tpu.memref_squeeze %dma_wait3A_429 : memref<1x125xi32, #tpu.memory_space<vmem>> -> memref<125xi32, #tpu.memory_space<vmem>>
      %dma_wait3A_431 = arith.constant 0 : i32
      %dma_wait3A_432 = arith.constant 0 : i32
      %dma_wait3A_433 = tpu.memref_slice %arg32[%dma_wait3A_431, %dma_wait3A_432] : memref<10112x64xf32, #tpu.memory_space<vmem_shared>> -> memref<10112x64xf32, #tpu.memory_space<vmem_shared>>
      tpu.wait_indirect_dma semaphore(%arg30 : memref<!tpu.dma_semaphore, #tpu.memory_space<semaphore_mem>>) src(%arg14 : memref<125x64xf32, #tpu.memory_space<vmem>>) dst(%dma_wait3A_433 : memref<10112x64xf32, #tpu.memory_space<vmem_shared>>)
      %add3A_434 = arith.constant 4 : i32
      %add3A_435 = arith.addi %add3A_425, %add3A_434 : i32
      %dma_start3A_436 = arith.constant 0 : i32
      %dma_start3A_437 = tpu.memref_slice %arg6[%add3A_435, %dma_start3A_436] : memref<80x125xi32, #tpu.memory_space<vmem>> -> memref<1x125xi32, #tpu.memory_space<vmem>>
      %dma_start3A_438 = tpu.memref_squeeze %dma_start3A_437 : memref<1x125xi32, #tpu.memory_space<vmem>> -> memref<125xi32, #tpu.memory_space<vmem>>
      %dma_start3A_439 = arith.constant 0 : i32
      %dma_start3A_440 = arith.constant 0 : i32
      %dma_start3A_441 = tpu.memref_slice %arg2[%dma_start3A_439, %dma_start3A_440] : memref<10000x64xf32, #tpu.memory_space<hbm>> -> memref<10000x64xf32, #tpu.memory_space<hbm>>
      tpu.enqueue_indirect_dma source(%dma_start3A_441 : memref<10000x64xf32, #tpu.memory_space<hbm>>) target(%arg14 : memref<125x64xf32, #tpu.memory_space<vmem>>) offsets(%dma_start3A_438 : memref<125xi32, #tpu.memory_space<vmem>>) semaphore(%arg22 : memref<!tpu.dma_semaphore, #tpu.memory_space<semaphore_mem>>)
      %dma_wait3A_442 = arith.constant 0 : i32
      %dma_wait3A_443 = tpu.memref_slice %arg6[%add3A_425, %dma_wait3A_442] : memref<80x125xi32, #tpu.memory_space<vmem>> -> memref<1x125xi32, #tpu.memory_space<vmem>>
      %dma_wait3A_444 = tpu.memref_squeeze %dma_wait3A_443 : memref<1x125xi32, #tpu.memory_space<vmem>> -> memref<125xi32, #tpu.memory_space<vmem>>
      %dma_wait3A_445 = arith.constant 0 : i32
      %dma_wait3A_446 = arith.constant 0 : i32
      %dma_wait3A_447 = tpu.memref_slice %arg2[%dma_wait3A_445, %dma_wait3A_446] : memref<10000x64xf32, #tpu.memory_space<hbm>> -> memref<10000x64xf32, #tpu.memory_space<hbm>>
      tpu.wait_indirect_dma semaphore(%arg18 : memref<!tpu.dma_semaphore, #tpu.memory_space<semaphore_mem>>) src(%dma_wait3A_447 : memref<10000x64xf32, #tpu.memory_space<hbm>>) dst(%arg10 : memref<125x64xf32, #tpu.memory_space<vmem>>)
      %dma_start3A_448 = arith.constant 0 : i32
      %dma_start3A_449 = tpu.memref_slice %arg7[%add3A_425, %dma_start3A_448] : memref<80x125xi32, #tpu.memory_space<vmem>> -> memref<1x125xi32, #tpu.memory_space<vmem>>
      %dma_start3A_450 = tpu.memref_squeeze %dma_start3A_449 : memref<1x125xi32, #tpu.memory_space<vmem>> -> memref<125xi32, #tpu.memory_space<vmem>>
      %dma_start3A_451 = arith.constant 0 : i32
      %dma_start3A_452 = arith.constant 0 : i32
      %dma_start3A_453 = tpu.memref_slice %arg32[%dma_start3A_451, %dma_start3A_452] : memref<10112x64xf32, #tpu.memory_space<vmem_shared>> -> memref<10112x64xf32, #tpu.memory_space<vmem_shared>>
      tpu.enqueue_indirect_dma source(%arg10 : memref<125x64xf32, #tpu.memory_space<vmem>>) target(%dma_start3A_453 : memref<10112x64xf32, #tpu.memory_space<vmem_shared>>) offsets(%dma_start3A_450 : memref<125xi32, #tpu.memory_space<vmem>>) semaphore(%arg26 : memref<!tpu.dma_semaphore, #tpu.memory_space<semaphore_mem>>) {add = true}
      %add3A_454 = arith.constant 7 : i32
      %add3A_455 = arith.addi %add3A_244, %add3A_454 : i32
      %sub3A_456 = arith.constant 4 : i32
      %sub3A_457 = arith.subi %add3A_455, %sub3A_456 : i32
      %dma_wait3A_458 = arith.constant 0 : i32
      %dma_wait3A_459 = tpu.memref_slice %arg7[%sub3A_457, %dma_wait3A_458] : memref<80x125xi32, #tpu.memory_space<vmem>> -> memref<1x125xi32, #tpu.memory_space<vmem>>
      %dma_wait3A_460 = tpu.memref_squeeze %dma_wait3A_459 : memref<1x125xi32, #tpu.memory_space<vmem>> -> memref<125xi32, #tpu.memory_space<vmem>>
      %dma_wait3A_461 = arith.constant 0 : i32
      %dma_wait3A_462 = arith.constant 0 : i32
      %dma_wait3A_463 = tpu.memref_slice %arg32[%dma_wait3A_461, %dma_wait3A_462] : memref<10112x64xf32, #tpu.memory_space<vmem_shared>> -> memref<10112x64xf32, #tpu.memory_space<vmem_shared>>
      tpu.wait_indirect_dma semaphore(%arg31 : memref<!tpu.dma_semaphore, #tpu.memory_space<semaphore_mem>>) src(%arg15 : memref<125x64xf32, #tpu.memory_space<vmem>>) dst(%dma_wait3A_463 : memref<10112x64xf32, #tpu.memory_space<vmem_shared>>)
      %add3A_464 = arith.constant 4 : i32
      %add3A_465 = arith.addi %add3A_455, %add3A_464 : i32
      %dma_start3A_466 = arith.constant 0 : i32
      %dma_start3A_467 = tpu.memref_slice %arg6[%add3A_465, %dma_start3A_466] : memref<80x125xi32, #tpu.memory_space<vmem>> -> memref<1x125xi32, #tpu.memory_space<vmem>>
      %dma_start3A_468 = tpu.memref_squeeze %dma_start3A_467 : memref<1x125xi32, #tpu.memory_space<vmem>> -> memref<125xi32, #tpu.memory_space<vmem>>
      %dma_start3A_469 = arith.constant 0 : i32
      %dma_start3A_470 = arith.constant 0 : i32
      %dma_start3A_471 = tpu.memref_slice %arg2[%dma_start3A_469, %dma_start3A_470] : memref<10000x64xf32, #tpu.memory_space<hbm>> -> memref<10000x64xf32, #tpu.memory_space<hbm>>
      tpu.enqueue_indirect_dma source(%dma_start3A_471 : memref<10000x64xf32, #tpu.memory_space<hbm>>) target(%arg15 : memref<125x64xf32, #tpu.memory_space<vmem>>) offsets(%dma_start3A_468 : memref<125xi32, #tpu.memory_space<vmem>>) semaphore(%arg23 : memref<!tpu.dma_semaphore, #tpu.memory_space<semaphore_mem>>)
      %dma_wait3A_472 = arith.constant 0 : i32
      %dma_wait3A_473 = tpu.memref_slice %arg6[%add3A_455, %dma_wait3A_472] : memref<80x125xi32, #tpu.memory_space<vmem>> -> memref<1x125xi32, #tpu.memory_space<vmem>>
      %dma_wait3A_474 = tpu.memref_squeeze %dma_wait3A_473 : memref<1x125xi32, #tpu.memory_space<vmem>> -> memref<125xi32, #tpu.memory_space<vmem>>
      %dma_wait3A_475 = arith.constant 0 : i32
      %dma_wait3A_476 = arith.constant 0 : i32
      %dma_wait3A_477 = tpu.memref_slice %arg2[%dma_wait3A_475, %dma_wait3A_476] : memref<10000x64xf32, #tpu.memory_space<hbm>> -> memref<10000x64xf32, #tpu.memory_space<hbm>>
      tpu.wait_indirect_dma semaphore(%arg19 : memref<!tpu.dma_semaphore, #tpu.memory_space<semaphore_mem>>) src(%dma_wait3A_477 : memref<10000x64xf32, #tpu.memory_space<hbm>>) dst(%arg11 : memref<125x64xf32, #tpu.memory_space<vmem>>)
      %dma_start3A_478 = arith.constant 0 : i32
      %dma_start3A_479 = tpu.memref_slice %arg7[%add3A_455, %dma_start3A_478] : memref<80x125xi32, #tpu.memory_space<vmem>> -> memref<1x125xi32, #tpu.memory_space<vmem>>
      %dma_start3A_480 = tpu.memref_squeeze %dma_start3A_479 : memref<1x125xi32, #tpu.memory_space<vmem>> -> memref<125xi32, #tpu.memory_space<vmem>>
      %dma_start3A_481 = arith.constant 0 : i32
      %dma_start3A_482 = arith.constant 0 : i32
      %dma_start3A_483 = tpu.memref_slice %arg32[%dma_start3A_481, %dma_start3A_482] : memref<10112x64xf32, #tpu.memory_space<vmem_shared>> -> memref<10112x64xf32, #tpu.memory_space<vmem_shared>>
      tpu.enqueue_indirect_dma source(%arg11 : memref<125x64xf32, #tpu.memory_space<vmem>>) target(%dma_start3A_483 : memref<10112x64xf32, #tpu.memory_space<vmem_shared>>) offsets(%dma_start3A_480 : memref<125xi32, #tpu.memory_space<vmem>>) semaphore(%arg27 : memref<!tpu.dma_semaphore, #tpu.memory_space<semaphore_mem>>) {add = true}
    }
    %scan3A_126 = arith.constant 9 : i32
    %dma_wait3A_127 = arith.constant 76 : i32
    %dma_wait3A_128 = arith.constant 0 : i32
    %dma_wait3A_129 = tpu.memref_slice %arg6[%dma_wait3A_127, %dma_wait3A_128] : memref<80x125xi32, #tpu.memory_space<vmem>> -> memref<1x125xi32, #tpu.memory_space<vmem>>
    %dma_wait3A_130 = tpu.memref_squeeze %dma_wait3A_129 : memref<1x125xi32, #tpu.memory_space<vmem>> -> memref<125xi32, #tpu.memory_space<vmem>>
    %dma_wait3A_131 = arith.constant 0 : i32
    %dma_wait3A_132 = arith.constant 0 : i32
    %dma_wait3A_133 = tpu.memref_slice %arg2[%dma_wait3A_131, %dma_wait3A_132] : memref<10000x64xf32, #tpu.memory_space<hbm>> -> memref<10000x64xf32, #tpu.memory_space<hbm>>
    tpu.wait_indirect_dma semaphore(%arg20 : memref<!tpu.dma_semaphore, #tpu.memory_space<semaphore_mem>>) src(%dma_wait3A_133 : memref<10000x64xf32, #tpu.memory_space<hbm>>) dst(%arg12 : memref<125x64xf32, #tpu.memory_space<vmem>>)
    %dma_start3A_134 = arith.constant 76 : i32
    %dma_start3A_135 = arith.constant 0 : i32
    %dma_start3A_136 = tpu.memref_slice %arg7[%dma_start3A_134, %dma_start3A_135] : memref<80x125xi32, #tpu.memory_space<vmem>> -> memref<1x125xi32, #tpu.memory_space<vmem>>
    %dma_start3A_137 = tpu.memref_squeeze %dma_start3A_136 : memref<1x125xi32, #tpu.memory_space<vmem>> -> memref<125xi32, #tpu.memory_space<vmem>>
    %dma_start3A_138 = arith.constant 0 : i32
    %dma_start3A_139 = arith.constant 0 : i32
    %dma_start3A_140 = tpu.memref_slice %arg32[%dma_start3A_138, %dma_start3A_139] : memref<10112x64xf32, #tpu.memory_space<vmem_shared>> -> memref<10112x64xf32, #tpu.memory_space<vmem_shared>>
    tpu.enqueue_indirect_dma source(%arg12 : memref<125x64xf32, #tpu.memory_space<vmem>>) target(%dma_start3A_140 : memref<10112x64xf32, #tpu.memory_space<vmem_shared>>) offsets(%dma_start3A_137 : memref<125xi32, #tpu.memory_space<vmem>>) semaphore(%arg28 : memref<!tpu.dma_semaphore, #tpu.memory_space<semaphore_mem>>) {add = true}
    %dma_wait3A_141 = arith.constant 77 : i32
    %dma_wait3A_142 = arith.constant 0 : i32
    %dma_wait3A_143 = tpu.memref_slice %arg6[%dma_wait3A_141, %dma_wait3A_142] : memref<80x125xi32, #tpu.memory_space<vmem>> -> memref<1x125xi32, #tpu.memory_space<vmem>>
    %dma_wait3A_144 = tpu.memref_squeeze %dma_wait3A_143 : memref<1x125xi32, #tpu.memory_space<vmem>> -> memref<125xi32, #tpu.memory_space<vmem>>
    %dma_wait3A_145 = arith.constant 0 : i32
    %dma_wait3A_146 = arith.constant 0 : i32
    %dma_wait3A_147 = tpu.memref_slice %arg2[%dma_wait3A_145, %dma_wait3A_146] : memref<10000x64xf32, #tpu.memory_space<hbm>> -> memref<10000x64xf32, #tpu.memory_space<hbm>>
    tpu.wait_indirect_dma semaphore(%arg21 : memref<!tpu.dma_semaphore, #tpu.memory_space<semaphore_mem>>) src(%dma_wait3A_147 : memref<10000x64xf32, #tpu.memory_space<hbm>>) dst(%arg13 : memref<125x64xf32, #tpu.memory_space<vmem>>)
    %dma_start3A_148 = arith.constant 77 : i32
    %dma_start3A_149 = arith.constant 0 : i32
    %dma_start3A_150 = tpu.memref_slice %arg7[%dma_start3A_148, %dma_start3A_149] : memref<80x125xi32, #tpu.memory_space<vmem>> -> memref<1x125xi32, #tpu.memory_space<vmem>>
    %dma_start3A_151 = tpu.memref_squeeze %dma_start3A_150 : memref<1x125xi32, #tpu.memory_space<vmem>> -> memref<125xi32, #tpu.memory_space<vmem>>
    %dma_start3A_152 = arith.constant 0 : i32
    %dma_start3A_153 = arith.constant 0 : i32
    %dma_start3A_154 = tpu.memref_slice %arg32[%dma_start3A_152, %dma_start3A_153] : memref<10112x64xf32, #tpu.memory_space<vmem_shared>> -> memref<10112x64xf32, #tpu.memory_space<vmem_shared>>
    tpu.enqueue_indirect_dma source(%arg13 : memref<125x64xf32, #tpu.memory_space<vmem>>) target(%dma_start3A_154 : memref<10112x64xf32, #tpu.memory_space<vmem_shared>>) offsets(%dma_start3A_151 : memref<125xi32, #tpu.memory_space<vmem>>) semaphore(%arg29 : memref<!tpu.dma_semaphore, #tpu.memory_space<semaphore_mem>>) {add = true}
    %dma_wait3A_155 = arith.constant 78 : i32
    %dma_wait3A_156 = arith.constant 0 : i32
    %dma_wait3A_157 = tpu.memref_slice %arg6[%dma_wait3A_155, %dma_wait3A_156] : memref<80x125xi32, #tpu.memory_space<vmem>> -> memref<1x125xi32, #tpu.memory_space<vmem>>
    %dma_wait3A_158 = tpu.memref_squeeze %dma_wait3A_157 : memref<1x125xi32, #tpu.memory_space<vmem>> -> memref<125xi32, #tpu.memory_space<vmem>>
    %dma_wait3A_159 = arith.constant 0 : i32
    %dma_wait3A_160 = arith.constant 0 : i32
    %dma_wait3A_161 = tpu.memref_slice %arg2[%dma_wait3A_159, %dma_wait3A_160] : memref<10000x64xf32, #tpu.memory_space<hbm>> -> memref<10000x64xf32, #tpu.memory_space<hbm>>
    tpu.wait_indirect_dma semaphore(%arg22 : memref<!tpu.dma_semaphore, #tpu.memory_space<semaphore_mem>>) src(%dma_wait3A_161 : memref<10000x64xf32, #tpu.memory_space<hbm>>) dst(%arg14 : memref<125x64xf32, #tpu.memory_space<vmem>>)
    %dma_start3A_162 = arith.constant 78 : i32
    %dma_start3A_163 = arith.constant 0 : i32
    %dma_start3A_164 = tpu.memref_slice %arg7[%dma_start3A_162, %dma_start3A_163] : memref<80x125xi32, #tpu.memory_space<vmem>> -> memref<1x125xi32, #tpu.memory_space<vmem>>
    %dma_start3A_165 = tpu.memref_squeeze %dma_start3A_164 : memref<1x125xi32, #tpu.memory_space<vmem>> -> memref<125xi32, #tpu.memory_space<vmem>>
    %dma_start3A_166 = arith.constant 0 : i32
    %dma_start3A_167 = arith.constant 0 : i32
    %dma_start3A_168 = tpu.memref_slice %arg32[%dma_start3A_166, %dma_start3A_167] : memref<10112x64xf32, #tpu.memory_space<vmem_shared>> -> memref<10112x64xf32, #tpu.memory_space<vmem_shared>>
    tpu.enqueue_indirect_dma source(%arg14 : memref<125x64xf32, #tpu.memory_space<vmem>>) target(%dma_start3A_168 : memref<10112x64xf32, #tpu.memory_space<vmem_shared>>) offsets(%dma_start3A_165 : memref<125xi32, #tpu.memory_space<vmem>>) semaphore(%arg30 : memref<!tpu.dma_semaphore, #tpu.memory_space<semaphore_mem>>) {add = true}
    %dma_wait3A_169 = arith.constant 79 : i32
    %dma_wait3A_170 = arith.constant 0 : i32
    %dma_wait3A_171 = tpu.memref_slice %arg6[%dma_wait3A_169, %dma_wait3A_170] : memref<80x125xi32, #tpu.memory_space<vmem>> -> memref<1x125xi32, #tpu.memory_space<vmem>>
    %dma_wait3A_172 = tpu.memref_squeeze %dma_wait3A_171 : memref<1x125xi32, #tpu.memory_space<vmem>> -> memref<125xi32, #tpu.memory_space<vmem>>
    %dma_wait3A_173 = arith.constant 0 : i32
    %dma_wait3A_174 = arith.constant 0 : i32
    %dma_wait3A_175 = tpu.memref_slice %arg2[%dma_wait3A_173, %dma_wait3A_174] : memref<10000x64xf32, #tpu.memory_space<hbm>> -> memref<10000x64xf32, #tpu.memory_space<hbm>>
    tpu.wait_indirect_dma semaphore(%arg23 : memref<!tpu.dma_semaphore, #tpu.memory_space<semaphore_mem>>) src(%dma_wait3A_175 : memref<10000x64xf32, #tpu.memory_space<hbm>>) dst(%arg15 : memref<125x64xf32, #tpu.memory_space<vmem>>)
    %dma_start3A_176 = arith.constant 79 : i32
    %dma_start3A_177 = arith.constant 0 : i32
    %dma_start3A_178 = tpu.memref_slice %arg7[%dma_start3A_176, %dma_start3A_177] : memref<80x125xi32, #tpu.memory_space<vmem>> -> memref<1x125xi32, #tpu.memory_space<vmem>>
    %dma_start3A_179 = tpu.memref_squeeze %dma_start3A_178 : memref<1x125xi32, #tpu.memory_space<vmem>> -> memref<125xi32, #tpu.memory_space<vmem>>
    %dma_start3A_180 = arith.constant 0 : i32
    %dma_start3A_181 = arith.constant 0 : i32
    %dma_start3A_182 = tpu.memref_slice %arg32[%dma_start3A_180, %dma_start3A_181] : memref<10112x64xf32, #tpu.memory_space<vmem_shared>> -> memref<10112x64xf32, #tpu.memory_space<vmem_shared>>
    tpu.enqueue_indirect_dma source(%arg15 : memref<125x64xf32, #tpu.memory_space<vmem>>) target(%dma_start3A_182 : memref<10112x64xf32, #tpu.memory_space<vmem_shared>>) offsets(%dma_start3A_179 : memref<125xi32, #tpu.memory_space<vmem>>) semaphore(%arg31 : memref<!tpu.dma_semaphore, #tpu.memory_space<semaphore_mem>>) {add = true}
    %dma_wait3A_183 = arith.constant 72 : i32
    %dma_wait3A_184 = arith.constant 0 : i32
    %dma_wait3A_185 = tpu.memref_slice %arg7[%dma_wait3A_183, %dma_wait3A_184] : memref<80x125xi32, #tpu.memory_space<vmem>> -> memref<1x125xi32, #tpu.memory_space<vmem>>
    %dma_wait3A_186 = tpu.memref_squeeze %dma_wait3A_185 : memref<1x125xi32, #tpu.memory_space<vmem>> -> memref<125xi32, #tpu.memory_space<vmem>>
    %dma_wait3A_187 = arith.constant 0 : i32
    %dma_wait3A_188 = arith.constant 0 : i32
    %dma_wait3A_189 = tpu.memref_slice %arg32[%dma_wait3A_187, %dma_wait3A_188] : memref<10112x64xf32, #tpu.memory_space<vmem_shared>> -> memref<10112x64xf32, #tpu.memory_space<vmem_shared>>
    tpu.wait_indirect_dma semaphore(%arg24 : memref<!tpu.dma_semaphore, #tpu.memory_space<semaphore_mem>>) src(%arg8 : memref<125x64xf32, #tpu.memory_space<vmem>>) dst(%dma_wait3A_189 : memref<10112x64xf32, #tpu.memory_space<vmem_shared>>)
    %dma_wait3A_190 = arith.constant 73 : i32
    %dma_wait3A_191 = arith.constant 0 : i32
    %dma_wait3A_192 = tpu.memref_slice %arg7[%dma_wait3A_190, %dma_wait3A_191] : memref<80x125xi32, #tpu.memory_space<vmem>> -> memref<1x125xi32, #tpu.memory_space<vmem>>
    %dma_wait3A_193 = tpu.memref_squeeze %dma_wait3A_192 : memref<1x125xi32, #tpu.memory_space<vmem>> -> memref<125xi32, #tpu.memory_space<vmem>>
    %dma_wait3A_194 = arith.constant 0 : i32
    %dma_wait3A_195 = arith.constant 0 : i32
    %dma_wait3A_196 = tpu.memref_slice %arg32[%dma_wait3A_194, %dma_wait3A_195] : memref<10112x64xf32, #tpu.memory_space<vmem_shared>> -> memref<10112x64xf32, #tpu.memory_space<vmem_shared>>
    tpu.wait_indirect_dma semaphore(%arg25 : memref<!tpu.dma_semaphore, #tpu.memory_space<semaphore_mem>>) src(%arg9 : memref<125x64xf32, #tpu.memory_space<vmem>>) dst(%dma_wait3A_196 : memref<10112x64xf32, #tpu.memory_space<vmem_shared>>)
    %dma_wait3A_197 = arith.constant 74 : i32
    %dma_wait3A_198 = arith.constant 0 : i32
    %dma_wait3A_199 = tpu.memref_slice %arg7[%dma_wait3A_197, %dma_wait3A_198] : memref<80x125xi32, #tpu.memory_space<vmem>> -> memref<1x125xi32, #tpu.memory_space<vmem>>
    %dma_wait3A_200 = tpu.memref_squeeze %dma_wait3A_199 : memref<1x125xi32, #tpu.memory_space<vmem>> -> memref<125xi32, #tpu.memory_space<vmem>>
    %dma_wait3A_201 = arith.constant 0 : i32
    %dma_wait3A_202 = arith.constant 0 : i32
    %dma_wait3A_203 = tpu.memref_slice %arg32[%dma_wait3A_201, %dma_wait3A_202] : memref<10112x64xf32, #tpu.memory_space<vmem_shared>> -> memref<10112x64xf32, #tpu.memory_space<vmem_shared>>
    tpu.wait_indirect_dma semaphore(%arg26 : memref<!tpu.dma_semaphore, #tpu.memory_space<semaphore_mem>>) src(%arg10 : memref<125x64xf32, #tpu.memory_space<vmem>>) dst(%dma_wait3A_203 : memref<10112x64xf32, #tpu.memory_space<vmem_shared>>)
    %dma_wait3A_204 = arith.constant 75 : i32
    %dma_wait3A_205 = arith.constant 0 : i32
    %dma_wait3A_206 = tpu.memref_slice %arg7[%dma_wait3A_204, %dma_wait3A_205] : memref<80x125xi32, #tpu.memory_space<vmem>> -> memref<1x125xi32, #tpu.memory_space<vmem>>
    %dma_wait3A_207 = tpu.memref_squeeze %dma_wait3A_206 : memref<1x125xi32, #tpu.memory_space<vmem>> -> memref<125xi32, #tpu.memory_space<vmem>>
    %dma_wait3A_208 = arith.constant 0 : i32
    %dma_wait3A_209 = arith.constant 0 : i32
    %dma_wait3A_210 = tpu.memref_slice %arg32[%dma_wait3A_208, %dma_wait3A_209] : memref<10112x64xf32, #tpu.memory_space<vmem_shared>> -> memref<10112x64xf32, #tpu.memory_space<vmem_shared>>
    tpu.wait_indirect_dma semaphore(%arg27 : memref<!tpu.dma_semaphore, #tpu.memory_space<semaphore_mem>>) src(%arg11 : memref<125x64xf32, #tpu.memory_space<vmem>>) dst(%dma_wait3A_210 : memref<10112x64xf32, #tpu.memory_space<vmem_shared>>)
    %dma_wait3A_211 = arith.constant 76 : i32
    %dma_wait3A_212 = arith.constant 0 : i32
    %dma_wait3A_213 = tpu.memref_slice %arg7[%dma_wait3A_211, %dma_wait3A_212] : memref<80x125xi32, #tpu.memory_space<vmem>> -> memref<1x125xi32, #tpu.memory_space<vmem>>
    %dma_wait3A_214 = tpu.memref_squeeze %dma_wait3A_213 : memref<1x125xi32, #tpu.memory_space<vmem>> -> memref<125xi32, #tpu.memory_space<vmem>>
    %dma_wait3A_215 = arith.constant 0 : i32
    %dma_wait3A_216 = arith.constant 0 : i32
    %dma_wait3A_217 = tpu.memref_slice %arg32[%dma_wait3A_215, %dma_wait3A_216] : memref<10112x64xf32, #tpu.memory_space<vmem_shared>> -> memref<10112x64xf32, #tpu.memory_space<vmem_shared>>
    tpu.wait_indirect_dma semaphore(%arg28 : memref<!tpu.dma_semaphore, #tpu.memory_space<semaphore_mem>>) src(%arg12 : memref<125x64xf32, #tpu.memory_space<vmem>>) dst(%dma_wait3A_217 : memref<10112x64xf32, #tpu.memory_space<vmem_shared>>)
    %dma_wait3A_218 = arith.constant 77 : i32
    %dma_wait3A_219 = arith.constant 0 : i32
    %dma_wait3A_220 = tpu.memref_slice %arg7[%dma_wait3A_218, %dma_wait3A_219] : memref<80x125xi32, #tpu.memory_space<vmem>> -> memref<1x125xi32, #tpu.memory_space<vmem>>
    %dma_wait3A_221 = tpu.memref_squeeze %dma_wait3A_220 : memref<1x125xi32, #tpu.memory_space<vmem>> -> memref<125xi32, #tpu.memory_space<vmem>>
    %dma_wait3A_222 = arith.constant 0 : i32
    %dma_wait3A_223 = arith.constant 0 : i32
    %dma_wait3A_224 = tpu.memref_slice %arg32[%dma_wait3A_222, %dma_wait3A_223] : memref<10112x64xf32, #tpu.memory_space<vmem_shared>> -> memref<10112x64xf32, #tpu.memory_space<vmem_shared>>
    tpu.wait_indirect_dma semaphore(%arg29 : memref<!tpu.dma_semaphore, #tpu.memory_space<semaphore_mem>>) src(%arg13 : memref<125x64xf32, #tpu.memory_space<vmem>>) dst(%dma_wait3A_224 : memref<10112x64xf32, #tpu.memory_space<vmem_shared>>)
    %dma_wait3A_225 = arith.constant 78 : i32
    %dma_wait3A_226 = arith.constant 0 : i32
    %dma_wait3A_227 = tpu.memref_slice %arg7[%dma_wait3A_225, %dma_wait3A_226] : memref<80x125xi32, #tpu.memory_space<vmem>> -> memref<1x125xi32, #tpu.memory_space<vmem>>
    %dma_wait3A_228 = tpu.memref_squeeze %dma_wait3A_227 : memref<1x125xi32, #tpu.memory_space<vmem>> -> memref<125xi32, #tpu.memory_space<vmem>>
    %dma_wait3A_229 = arith.constant 0 : i32
    %dma_wait3A_230 = arith.constant 0 : i32
    %dma_wait3A_231 = tpu.memref_slice %arg32[%dma_wait3A_229, %dma_wait3A_230] : memref<10112x64xf32, #tpu.memory_space<vmem_shared>> -> memref<10112x64xf32, #tpu.memory_space<vmem_shared>>
    tpu.wait_indirect_dma semaphore(%arg30 : memref<!tpu.dma_semaphore, #tpu.memory_space<semaphore_mem>>) src(%arg14 : memref<125x64xf32, #tpu.memory_space<vmem>>) dst(%dma_wait3A_231 : memref<10112x64xf32, #tpu.memory_space<vmem_shared>>)
    %dma_wait3A_232 = arith.constant 79 : i32
    %dma_wait3A_233 = arith.constant 0 : i32
    %dma_wait3A_234 = tpu.memref_slice %arg7[%dma_wait3A_232, %dma_wait3A_233] : memref<80x125xi32, #tpu.memory_space<vmem>> -> memref<1x125xi32, #tpu.memory_space<vmem>>
    %dma_wait3A_235 = tpu.memref_squeeze %dma_wait3A_234 : memref<1x125xi32, #tpu.memory_space<vmem>> -> memref<125xi32, #tpu.memory_space<vmem>>
    %dma_wait3A_236 = arith.constant 0 : i32
    %dma_wait3A_237 = arith.constant 0 : i32
    %dma_wait3A_238 = tpu.memref_slice %arg32[%dma_wait3A_236, %dma_wait3A_237] : memref<10112x64xf32, #tpu.memory_space<vmem_shared>> -> memref<10112x64xf32, #tpu.memory_space<vmem_shared>>
    tpu.wait_indirect_dma semaphore(%arg31 : memref<!tpu.dma_semaphore, #tpu.memory_space<semaphore_mem>>) src(%arg15 : memref<125x64xf32, #tpu.memory_space<vmem>>) dst(%dma_wait3A_238 : memref<10112x64xf32, #tpu.memory_space<vmem_shared>>)
    %barrier3A_239 = arith.constant 0 : index
    tpu.barrier barrier_id(%barrier3A_239)
    "tpu.region"() ({
      %run_scoped3A_240 = tpu.sem_alloc : memref<!tpu.dma_semaphore, #tpu.memory_space<semaphore_mem>>
      %dma_start3A_241 = arith.constant 0 : i32
      %dma_start3A_242 = tpu.memref_slice %arg5[%arg0, %mul3A_2, %dma_start3A_241] : memref<2x10112x64xf32, #tpu.memory_space<hbm>> -> memref<1x632x64xf32, #tpu.memory_space<hbm>>
      %dma_start3A_243 = tpu.memref_squeeze %dma_start3A_242 : memref<1x632x64xf32, #tpu.memory_space<hbm>> -> memref<632x64xf32, #tpu.memory_space<hbm>>
      %dma_start3A_244 = arith.constant 0 : i32
      %dma_start3A_245 = tpu.memref_slice %arg32[%mul3A_2, %dma_start3A_244] : memref<10112x64xf32, #tpu.memory_space<vmem_shared>> -> memref<632x64xf32, #tpu.memory_space<vmem_shared>>
      tpu.enqueue_dma source(%dma_start3A_245 : memref<632x64xf32, #tpu.memory_space<vmem_shared>>) target(%dma_start3A_243 : memref<632x64xf32, #tpu.memory_space<hbm>>) target_semaphore(%run_scoped3A_240 : memref<!tpu.dma_semaphore, #tpu.memory_space<semaphore_mem>>)
      %dma_wait3A_246 = arith.constant 0 : i32
      %dma_wait3A_247 = tpu.memref_slice %arg5[%arg0, %mul3A_2, %dma_wait3A_246] : memref<2x10112x64xf32, #tpu.memory_space<hbm>> -> memref<1x632x64xf32, #tpu.memory_space<hbm>>
      %dma_wait3A_248 = tpu.memref_squeeze %dma_wait3A_247 : memref<1x632x64xf32, #tpu.memory_space<hbm>> -> memref<632x64xf32, #tpu.memory_space<hbm>>
      %dma_wait3A_249 = arith.constant 0 : i32
      %dma_wait3A_250 = tpu.memref_slice %arg32[%mul3A_2, %dma_wait3A_249] : memref<10112x64xf32, #tpu.memory_space<vmem_shared>> -> memref<632x64xf32, #tpu.memory_space<vmem_shared>>
      tpu.wait_dma2 semaphore(%run_scoped3A_240 : memref<!tpu.dma_semaphore, #tpu.memory_space<semaphore_mem>>) src(%dma_wait3A_250 : memref<632x64xf32, #tpu.memory_space<vmem_shared>>) dst(%dma_wait3A_248 : memref<632x64xf32, #tpu.memory_space<hbm>>)
      tpu.yield
    }) : () -> ()
    return
  }
}

module attributes {stable_mosaic.version = 14 : i64} {
  func.func @_first_body(%arg0: memref<5000x256xf32, #tpu.memory_space<vmem>>, %arg1: memref<128x64xf32, #tpu.memory_space<vmem>>, %arg2: memref<64x128xf32, #tpu.memory_space<vmem>>, %arg3: memref<256x128xf32, #tpu.memory_space<vmem>>, %arg4: memref<1x128xf32, #tpu.memory_space<vmem>>, %arg5: memref<1x128xf32, #tpu.memory_space<vmem>>, %arg6: memref<1x128xf32, #tpu.memory_space<vmem>>, %arg7: memref<128x128xf32, #tpu.memory_space<vmem>>, %arg8: memref<1x128xf32, #tpu.memory_space<vmem>>, %arg9: memref<1x128xf32, #tpu.memory_space<vmem>>, %arg10: memref<1x128xf32, #tpu.memory_space<vmem>>, %arg11: memref<5000x128xf32, #tpu.memory_space<vmem>>) attributes {dimension_semantics = [], scalar_prefetch = 0 : i64, scratch_operands = 0 : i64, tpu.core_type = #tpu.core_type<tc>} {
    %get3A = arith.constant 0 : index
    %get3A_0 = arith.constant 0 : index
    %get3A_1 = vector.load %arg0[%get3A, %get3A_0] : memref<5000x256xf32, #tpu.memory_space<vmem>>, vector<5000x256xf32>
    %get3A_2 = arith.constant 0 : index
    %get3A_3 = arith.constant 0 : index
    %get3A_4 = vector.load %arg3[%get3A_2, %get3A_3] : memref<256x128xf32, #tpu.memory_space<vmem>>, vector<256x128xf32>
    %dot_general3A = arith.constant dense<0.000000e+00> : vector<5000x128xf32>
    %dot_general3A_5 = tpu.matmul %get3A_1, %get3A_4, %dot_general3A {dimension_numbers = #tpu.dot_dimension_numbers<[1], [0], [0], [1], [0, 0, 1, 1], [], []>, transpose_lhs_hint = false} : vector<5000x256xf32>, vector<256x128xf32>, vector<5000x128xf32> -> vector<5000x128xf32>
    %get3A_6 = arith.constant 0 : index
    %get3A_7 = arith.constant 0 : index
    %get3A_8 = vector.load %arg4[%get3A_6, %get3A_7] : memref<1x128xf32, #tpu.memory_space<vmem>>, vector<1x128xf32>
    %add3A = vector.broadcast %get3A_8 : vector<1x128xf32> to vector<5000x128xf32>
    %add3A_9 = arith.addf %dot_general3A_5, %add3A : vector<5000x128xf32>
    %get3A_10 = arith.constant 0 : index
    %get3A_11 = arith.constant 0 : index
    %get3A_12 = vector.load %arg5[%get3A_10, %get3A_11] : memref<1x128xf32, #tpu.memory_space<vmem>>, vector<1x128xf32>
    %get3A_13 = arith.constant 0 : index
    %get3A_14 = arith.constant 0 : index
    %get3A_15 = vector.load %arg6[%get3A_13, %get3A_14] : memref<1x128xf32, #tpu.memory_space<vmem>>, vector<1x128xf32>
    %reduce_sum3A = arith.constant dense<0.000000e+00> : vector<128xf32>
    %reduce_sum3A_16 = vector.multi_reduction <add>, %add3A_9, %reduce_sum3A [0] : vector<5000x128xf32> to vector<128xf32>
    %broadcast_in_dim3A = vector.shape_cast %reduce_sum3A_16 : vector<128xf32> to vector<1x128xf32>
    %div3A = arith.constant 5.000000e+03 : f32
    %div3A_17 = vector.broadcast %div3A : f32 to vector<1x128xf32>
    %div3A_18 = arith.divf %broadcast_in_dim3A, %div3A_17 : vector<1x128xf32>
    %get3A_19 = arith.constant 0 : index
    %get3A_20 = arith.constant 0 : index
    %get3A_21 = vector.load %arg1[%get3A_19, %get3A_20] : memref<128x64xf32, #tpu.memory_space<vmem>>, vector<128x64xf32>
    %dot_general3A_22 = arith.constant dense<0.000000e+00> : vector<1x64xf32>
    %dot_general3A_23 = tpu.matmul %div3A_18, %get3A_21, %dot_general3A_22 {dimension_numbers = #tpu.dot_dimension_numbers<[1], [0], [0], [1], [0, 0, 1, 1], [], []>, precision = #tpu.contract_precision<fp32>, transpose_lhs_hint = false} : vector<1x128xf32>, vector<128x64xf32>, vector<1x64xf32> -> vector<1x64xf32>
    %mul3A = arith.constant 5.000000e-01 : f32
    %mul3A_24 = vector.broadcast %mul3A : f32 to vector<1x64xf32>
    %mul3A_25 = arith.mulf %dot_general3A_23, %mul3A_24 : vector<1x64xf32>
    %get3A_26 = arith.constant 0 : index
    %get3A_27 = arith.constant 0 : index
    %get3A_28 = vector.load %arg2[%get3A_26, %get3A_27] : memref<64x128xf32, #tpu.memory_space<vmem>>, vector<64x128xf32>
    %dot_general3A_29 = arith.constant dense<0.000000e+00> : vector<1x128xf32>
    %dot_general3A_30 = tpu.matmul %mul3A_25, %get3A_28, %dot_general3A_29 {dimension_numbers = #tpu.dot_dimension_numbers<[1], [0], [0], [1], [0, 0, 1, 1], [], []>, precision = #tpu.contract_precision<fp32>, transpose_lhs_hint = false} : vector<1x64xf32>, vector<64x128xf32>, vector<1x128xf32> -> vector<1x128xf32>
    %sub3A = vector.broadcast %dot_general3A_30 : vector<1x128xf32> to vector<5000x128xf32>
    %sub3A_31 = arith.subf %add3A_9, %sub3A : vector<5000x128xf32>
    %mul3A_32 = arith.mulf %sub3A_31, %sub3A_31 : vector<5000x128xf32>
    %reduce_sum3A_33 = arith.constant dense<0.000000e+00> : vector<128xf32>
    %reduce_sum3A_34 = vector.multi_reduction <add>, %mul3A_32, %reduce_sum3A_33 [0] : vector<5000x128xf32> to vector<128xf32>
    %broadcast_in_dim3A_35 = vector.shape_cast %reduce_sum3A_34 : vector<128xf32> to vector<1x128xf32>
    %div3A_36 = arith.constant 5.000000e+03 : f32
    %div3A_37 = vector.broadcast %div3A_36 : f32 to vector<1x128xf32>
    %div3A_38 = arith.divf %broadcast_in_dim3A_35, %div3A_37 : vector<1x128xf32>
    %get3A_39 = arith.constant 0 : index
    %get3A_40 = arith.constant 0 : index
    %get3A_41 = vector.load %arg1[%get3A_39, %get3A_40] : memref<128x64xf32, #tpu.memory_space<vmem>>, vector<128x64xf32>
    %dot_general3A_42 = arith.constant dense<0.000000e+00> : vector<1x64xf32>
    %dot_general3A_43 = tpu.matmul %div3A_38, %get3A_41, %dot_general3A_42 {dimension_numbers = #tpu.dot_dimension_numbers<[1], [0], [0], [1], [0, 0, 1, 1], [], []>, precision = #tpu.contract_precision<fp32>, transpose_lhs_hint = false} : vector<1x128xf32>, vector<128x64xf32>, vector<1x64xf32> -> vector<1x64xf32>
    %mul3A_44 = arith.constant 5.000000e-01 : f32
    %mul3A_45 = vector.broadcast %mul3A_44 : f32 to vector<1x64xf32>
    %mul3A_46 = arith.mulf %dot_general3A_43, %mul3A_45 : vector<1x64xf32>
    %get3A_47 = arith.constant 0 : index
    %get3A_48 = arith.constant 0 : index
    %get3A_49 = vector.load %arg2[%get3A_47, %get3A_48] : memref<64x128xf32, #tpu.memory_space<vmem>>, vector<64x128xf32>
    %dot_general3A_50 = arith.constant dense<0.000000e+00> : vector<1x128xf32>
    %dot_general3A_51 = tpu.matmul %mul3A_46, %get3A_49, %dot_general3A_50 {dimension_numbers = #tpu.dot_dimension_numbers<[1], [0], [0], [1], [0, 0, 1, 1], [], []>, precision = #tpu.contract_precision<fp32>, transpose_lhs_hint = false} : vector<1x64xf32>, vector<64x128xf32>, vector<1x128xf32> -> vector<1x128xf32>
    %add3A_52 = arith.constant 9.99999974E-6 : f32
    %add3A_53 = vector.broadcast %add3A_52 : f32 to vector<1x128xf32>
    %add3A_54 = arith.addf %dot_general3A_51, %add3A_53 : vector<1x128xf32>
    %rsqrt3A = math.rsqrt %add3A_54 : vector<1x128xf32>
    %mul3A_55 = vector.broadcast %rsqrt3A : vector<1x128xf32> to vector<5000x128xf32>
    %mul3A_56 = arith.mulf %sub3A_31, %mul3A_55 : vector<5000x128xf32>
    %mul3A_57 = vector.broadcast %get3A_12 : vector<1x128xf32> to vector<5000x128xf32>
    %mul3A_58 = arith.mulf %mul3A_56, %mul3A_57 : vector<5000x128xf32>
    %add3A_59 = vector.broadcast %get3A_15 : vector<1x128xf32> to vector<5000x128xf32>
    %add3A_60 = arith.addf %mul3A_58, %add3A_59 : vector<5000x128xf32>
    %max3A = arith.constant 0.000000e+00 : f32
    %max3A_61 = vector.broadcast %max3A : f32 to vector<5000x128xf32>
    %max3A_62 = arith.maximumf %add3A_60, %max3A_61 : vector<5000x128xf32>
    %get3A_63 = arith.constant 0 : index
    %get3A_64 = arith.constant 0 : index
    %get3A_65 = vector.load %arg7[%get3A_63, %get3A_64] : memref<128x128xf32, #tpu.memory_space<vmem>>, vector<128x128xf32>
    %dot_general3A_66 = arith.constant dense<0.000000e+00> : vector<5000x128xf32>
    %dot_general3A_67 = tpu.matmul %max3A_62, %get3A_65, %dot_general3A_66 {dimension_numbers = #tpu.dot_dimension_numbers<[1], [0], [0], [1], [0, 0, 1, 1], [], []>, transpose_lhs_hint = false} : vector<5000x128xf32>, vector<128x128xf32>, vector<5000x128xf32> -> vector<5000x128xf32>
    %get3A_68 = arith.constant 0 : index
    %get3A_69 = arith.constant 0 : index
    %get3A_70 = vector.load %arg8[%get3A_68, %get3A_69] : memref<1x128xf32, #tpu.memory_space<vmem>>, vector<1x128xf32>
    %add3A_71 = vector.broadcast %get3A_70 : vector<1x128xf32> to vector<5000x128xf32>
    %add3A_72 = arith.addf %dot_general3A_67, %add3A_71 : vector<5000x128xf32>
    %get3A_73 = arith.constant 0 : index
    %get3A_74 = arith.constant 0 : index
    %get3A_75 = vector.load %arg9[%get3A_73, %get3A_74] : memref<1x128xf32, #tpu.memory_space<vmem>>, vector<1x128xf32>
    %get3A_76 = arith.constant 0 : index
    %get3A_77 = arith.constant 0 : index
    %get3A_78 = vector.load %arg10[%get3A_76, %get3A_77] : memref<1x128xf32, #tpu.memory_space<vmem>>, vector<1x128xf32>
    %reduce_sum3A_79 = arith.constant dense<0.000000e+00> : vector<128xf32>
    %reduce_sum3A_80 = vector.multi_reduction <add>, %add3A_72, %reduce_sum3A_79 [0] : vector<5000x128xf32> to vector<128xf32>
    %broadcast_in_dim3A_81 = vector.shape_cast %reduce_sum3A_80 : vector<128xf32> to vector<1x128xf32>
    %div3A_82 = arith.constant 5.000000e+03 : f32
    %div3A_83 = vector.broadcast %div3A_82 : f32 to vector<1x128xf32>
    %div3A_84 = arith.divf %broadcast_in_dim3A_81, %div3A_83 : vector<1x128xf32>
    %get3A_85 = arith.constant 0 : index
    %get3A_86 = arith.constant 0 : index
    %get3A_87 = vector.load %arg1[%get3A_85, %get3A_86] : memref<128x64xf32, #tpu.memory_space<vmem>>, vector<128x64xf32>
    %dot_general3A_88 = arith.constant dense<0.000000e+00> : vector<1x64xf32>
    %dot_general3A_89 = tpu.matmul %div3A_84, %get3A_87, %dot_general3A_88 {dimension_numbers = #tpu.dot_dimension_numbers<[1], [0], [0], [1], [0, 0, 1, 1], [], []>, precision = #tpu.contract_precision<fp32>, transpose_lhs_hint = false} : vector<1x128xf32>, vector<128x64xf32>, vector<1x64xf32> -> vector<1x64xf32>
    %mul3A_90 = arith.constant 5.000000e-01 : f32
    %mul3A_91 = vector.broadcast %mul3A_90 : f32 to vector<1x64xf32>
    %mul3A_92 = arith.mulf %dot_general3A_89, %mul3A_91 : vector<1x64xf32>
    %get3A_93 = arith.constant 0 : index
    %get3A_94 = arith.constant 0 : index
    %get3A_95 = vector.load %arg2[%get3A_93, %get3A_94] : memref<64x128xf32, #tpu.memory_space<vmem>>, vector<64x128xf32>
    %dot_general3A_96 = arith.constant dense<0.000000e+00> : vector<1x128xf32>
    %dot_general3A_97 = tpu.matmul %mul3A_92, %get3A_95, %dot_general3A_96 {dimension_numbers = #tpu.dot_dimension_numbers<[1], [0], [0], [1], [0, 0, 1, 1], [], []>, precision = #tpu.contract_precision<fp32>, transpose_lhs_hint = false} : vector<1x64xf32>, vector<64x128xf32>, vector<1x128xf32> -> vector<1x128xf32>
    %sub3A_98 = vector.broadcast %dot_general3A_97 : vector<1x128xf32> to vector<5000x128xf32>
    %sub3A_99 = arith.subf %add3A_72, %sub3A_98 : vector<5000x128xf32>
    %mul3A_100 = arith.mulf %sub3A_99, %sub3A_99 : vector<5000x128xf32>
    %reduce_sum3A_101 = arith.constant dense<0.000000e+00> : vector<128xf32>
    %reduce_sum3A_102 = vector.multi_reduction <add>, %mul3A_100, %reduce_sum3A_101 [0] : vector<5000x128xf32> to vector<128xf32>
    %broadcast_in_dim3A_103 = vector.shape_cast %reduce_sum3A_102 : vector<128xf32> to vector<1x128xf32>
    %div3A_104 = arith.constant 5.000000e+03 : f32
    %div3A_105 = vector.broadcast %div3A_104 : f32 to vector<1x128xf32>
    %div3A_106 = arith.divf %broadcast_in_dim3A_103, %div3A_105 : vector<1x128xf32>
    %get3A_107 = arith.constant 0 : index
    %get3A_108 = arith.constant 0 : index
    %get3A_109 = vector.load %arg1[%get3A_107, %get3A_108] : memref<128x64xf32, #tpu.memory_space<vmem>>, vector<128x64xf32>
    %dot_general3A_110 = arith.constant dense<0.000000e+00> : vector<1x64xf32>
    %dot_general3A_111 = tpu.matmul %div3A_106, %get3A_109, %dot_general3A_110 {dimension_numbers = #tpu.dot_dimension_numbers<[1], [0], [0], [1], [0, 0, 1, 1], [], []>, precision = #tpu.contract_precision<fp32>, transpose_lhs_hint = false} : vector<1x128xf32>, vector<128x64xf32>, vector<1x64xf32> -> vector<1x64xf32>
    %mul3A_112 = arith.constant 5.000000e-01 : f32
    %mul3A_113 = vector.broadcast %mul3A_112 : f32 to vector<1x64xf32>
    %mul3A_114 = arith.mulf %dot_general3A_111, %mul3A_113 : vector<1x64xf32>
    %get3A_115 = arith.constant 0 : index
    %get3A_116 = arith.constant 0 : index
    %get3A_117 = vector.load %arg2[%get3A_115, %get3A_116] : memref<64x128xf32, #tpu.memory_space<vmem>>, vector<64x128xf32>
    %dot_general3A_118 = arith.constant dense<0.000000e+00> : vector<1x128xf32>
    %dot_general3A_119 = tpu.matmul %mul3A_114, %get3A_117, %dot_general3A_118 {dimension_numbers = #tpu.dot_dimension_numbers<[1], [0], [0], [1], [0, 0, 1, 1], [], []>, precision = #tpu.contract_precision<fp32>, transpose_lhs_hint = false} : vector<1x64xf32>, vector<64x128xf32>, vector<1x128xf32> -> vector<1x128xf32>
    %add3A_120 = arith.constant 9.99999974E-6 : f32
    %add3A_121 = vector.broadcast %add3A_120 : f32 to vector<1x128xf32>
    %add3A_122 = arith.addf %dot_general3A_119, %add3A_121 : vector<1x128xf32>
    %rsqrt3A_123 = math.rsqrt %add3A_122 : vector<1x128xf32>
    %mul3A_124 = vector.broadcast %rsqrt3A_123 : vector<1x128xf32> to vector<5000x128xf32>
    %mul3A_125 = arith.mulf %sub3A_99, %mul3A_124 : vector<5000x128xf32>
    %mul3A_126 = vector.broadcast %get3A_75 : vector<1x128xf32> to vector<5000x128xf32>
    %mul3A_127 = arith.mulf %mul3A_125, %mul3A_126 : vector<5000x128xf32>
    %add3A_128 = vector.broadcast %get3A_78 : vector<1x128xf32> to vector<5000x128xf32>
    %add3A_129 = arith.addf %mul3A_127, %add3A_128 : vector<5000x128xf32>
    %max3A_130 = arith.constant 0.000000e+00 : f32
    %max3A_131 = vector.broadcast %max3A_130 : f32 to vector<5000x128xf32>
    %max3A_132 = arith.maximumf %add3A_129, %max3A_131 : vector<5000x128xf32>
    %swap3A = arith.constant 0 : index
    %swap3A_133 = arith.constant 0 : index
    %swap3A_134 = vector.load %arg11[%swap3A, %swap3A_133] : memref<5000x128xf32, #tpu.memory_space<vmem>>, vector<5000x128xf32>
    tpu.vector_store %arg11[%swap3A, %swap3A_133], %max3A_132 {strides = array<i32>} : memref<5000x128xf32, #tpu.memory_space<vmem>>, vector<5000x128xf32>,
    return
  }
}

module attributes {stable_mosaic.version = 14 : i64} {
  func.func @_layer_body(%arg0: memref<5000x128xf32, #tpu.memory_space<vmem>>, %arg1: memref<2x5056x128xf32, #tpu.memory_space<vmem>>, %arg2: memref<1x1xf32, #tpu.memory_space<vmem>>, %arg3: memref<128x64xf32, #tpu.memory_space<vmem>>, %arg4: memref<64x128xf32, #tpu.memory_space<vmem>>, %arg5: memref<128x128xf32, #tpu.memory_space<vmem>>, %arg6: memref<1x128xf32, #tpu.memory_space<vmem>>, %arg7: memref<1x128xf32, #tpu.memory_space<vmem>>, %arg8: memref<1x128xf32, #tpu.memory_space<vmem>>, %arg9: memref<128x128xf32, #tpu.memory_space<vmem>>, %arg10: memref<1x128xf32, #tpu.memory_space<vmem>>, %arg11: memref<1x128xf32, #tpu.memory_space<vmem>>, %arg12: memref<1x128xf32, #tpu.memory_space<vmem>>, %arg13: memref<5000x128xf32, #tpu.memory_space<vmem>>) attributes {dimension_semantics = [], scalar_prefetch = 0 : i64, scratch_operands = 0 : i64, tpu.core_type = #tpu.core_type<tc>} {
    %get3A = arith.constant 0 : index
    %get3A_0 = arith.constant 0 : index
    %get3A_1 = vector.load %arg0[%get3A, %get3A_0] : memref<5000x128xf32, #tpu.memory_space<vmem>>, vector<5000x128xf32>
    %get3A_2 = arith.constant 0 : index
    %get3A_3 = arith.constant 0 : index
    %get3A_4 = vector.load %arg2[%get3A_2, %get3A_3] : memref<1x1xf32, #tpu.memory_space<vmem>>, vector<1x1xf32>
    %add3A = arith.constant 1.000000e+00 : f32
    %add3A_5 = vector.broadcast %add3A : f32 to vector<1x1xf32>
    %add3A_6 = arith.addf %add3A_5, %get3A_4 : vector<1x1xf32>
    %mul3A = vector.broadcast %add3A_6 : vector<1x1xf32> to vector<5000x128xf32>
    %mul3A_7 = arith.mulf %get3A_1, %mul3A : vector<5000x128xf32>
    %get3A_8 = arith.constant 0 : index
    %get3A_9 = arith.constant 0 : index
    %get3A_10 = arith.constant 0 : index
    %get3A_11 = vector.load %arg1[%get3A_8, %get3A_9, %get3A_10] : memref<2x5056x128xf32, #tpu.memory_space<vmem>>, vector<1x5000x128xf32>
    %get3A_12 = vector.shape_cast %get3A_11 : vector<1x5000x128xf32> to vector<5000x128xf32>
    %add3A_13 = arith.addf %mul3A_7, %get3A_12 : vector<5000x128xf32>
    %get3A_14 = arith.constant 1 : index
    %get3A_15 = arith.constant 0 : index
    %get3A_16 = arith.constant 0 : index
    %get3A_17 = vector.load %arg1[%get3A_14, %get3A_15, %get3A_16] : memref<2x5056x128xf32, #tpu.memory_space<vmem>>, vector<1x5000x128xf32>
    %get3A_18 = vector.shape_cast %get3A_17 : vector<1x5000x128xf32> to vector<5000x128xf32>
    %add3A_19 = arith.addf %add3A_13, %get3A_18 : vector<5000x128xf32>
    %get3A_20 = arith.constant 0 : index
    %get3A_21 = arith.constant 0 : index
    %get3A_22 = vector.load %arg5[%get3A_20, %get3A_21] : memref<128x128xf32, #tpu.memory_space<vmem>>, vector<128x128xf32>
    %dot_general3A = arith.constant dense<0.000000e+00> : vector<5000x128xf32>
    %dot_general3A_23 = tpu.matmul %add3A_19, %get3A_22, %dot_general3A {dimension_numbers = #tpu.dot_dimension_numbers<[1], [0], [0], [1], [0, 0, 1, 1], [], []>, transpose_lhs_hint = false} : vector<5000x128xf32>, vector<128x128xf32>, vector<5000x128xf32> -> vector<5000x128xf32>
    %get3A_24 = arith.constant 0 : index
    %get3A_25 = arith.constant 0 : index
    %get3A_26 = vector.load %arg6[%get3A_24, %get3A_25] : memref<1x128xf32, #tpu.memory_space<vmem>>, vector<1x128xf32>
    %add3A_27 = vector.broadcast %get3A_26 : vector<1x128xf32> to vector<5000x128xf32>
    %add3A_28 = arith.addf %dot_general3A_23, %add3A_27 : vector<5000x128xf32>
    %get3A_29 = arith.constant 0 : index
    %get3A_30 = arith.constant 0 : index
    %get3A_31 = vector.load %arg7[%get3A_29, %get3A_30] : memref<1x128xf32, #tpu.memory_space<vmem>>, vector<1x128xf32>
    %get3A_32 = arith.constant 0 : index
    %get3A_33 = arith.constant 0 : index
    %get3A_34 = vector.load %arg8[%get3A_32, %get3A_33] : memref<1x128xf32, #tpu.memory_space<vmem>>, vector<1x128xf32>
    %reduce_sum3A = arith.constant dense<0.000000e+00> : vector<128xf32>
    %reduce_sum3A_35 = vector.multi_reduction <add>, %add3A_28, %reduce_sum3A [0] : vector<5000x128xf32> to vector<128xf32>
    %broadcast_in_dim3A = vector.shape_cast %reduce_sum3A_35 : vector<128xf32> to vector<1x128xf32>
    %div3A = arith.constant 5.000000e+03 : f32
    %div3A_36 = vector.broadcast %div3A : f32 to vector<1x128xf32>
    %div3A_37 = arith.divf %broadcast_in_dim3A, %div3A_36 : vector<1x128xf32>
    %get3A_38 = arith.constant 0 : index
    %get3A_39 = arith.constant 0 : index
    %get3A_40 = vector.load %arg3[%get3A_38, %get3A_39] : memref<128x64xf32, #tpu.memory_space<vmem>>, vector<128x64xf32>
    %dot_general3A_41 = arith.constant dense<0.000000e+00> : vector<1x64xf32>
    %dot_general3A_42 = tpu.matmul %div3A_37, %get3A_40, %dot_general3A_41 {dimension_numbers = #tpu.dot_dimension_numbers<[1], [0], [0], [1], [0, 0, 1, 1], [], []>, precision = #tpu.contract_precision<fp32>, transpose_lhs_hint = false} : vector<1x128xf32>, vector<128x64xf32>, vector<1x64xf32> -> vector<1x64xf32>
    %mul3A_43 = arith.constant 5.000000e-01 : f32
    %mul3A_44 = vector.broadcast %mul3A_43 : f32 to vector<1x64xf32>
    %mul3A_45 = arith.mulf %dot_general3A_42, %mul3A_44 : vector<1x64xf32>
    %get3A_46 = arith.constant 0 : index
    %get3A_47 = arith.constant 0 : index
    %get3A_48 = vector.load %arg4[%get3A_46, %get3A_47] : memref<64x128xf32, #tpu.memory_space<vmem>>, vector<64x128xf32>
    %dot_general3A_49 = arith.constant dense<0.000000e+00> : vector<1x128xf32>
    %dot_general3A_50 = tpu.matmul %mul3A_45, %get3A_48, %dot_general3A_49 {dimension_numbers = #tpu.dot_dimension_numbers<[1], [0], [0], [1], [0, 0, 1, 1], [], []>, precision = #tpu.contract_precision<fp32>, transpose_lhs_hint = false} : vector<1x64xf32>, vector<64x128xf32>, vector<1x128xf32> -> vector<1x128xf32>
    %sub3A = vector.broadcast %dot_general3A_50 : vector<1x128xf32> to vector<5000x128xf32>
    %sub3A_51 = arith.subf %add3A_28, %sub3A : vector<5000x128xf32>
    %mul3A_52 = arith.mulf %sub3A_51, %sub3A_51 : vector<5000x128xf32>
    %reduce_sum3A_53 = arith.constant dense<0.000000e+00> : vector<128xf32>
    %reduce_sum3A_54 = vector.multi_reduction <add>, %mul3A_52, %reduce_sum3A_53 [0] : vector<5000x128xf32> to vector<128xf32>
    %broadcast_in_dim3A_55 = vector.shape_cast %reduce_sum3A_54 : vector<128xf32> to vector<1x128xf32>
    %div3A_56 = arith.constant 5.000000e+03 : f32
    %div3A_57 = vector.broadcast %div3A_56 : f32 to vector<1x128xf32>
    %div3A_58 = arith.divf %broadcast_in_dim3A_55, %div3A_57 : vector<1x128xf32>
    %get3A_59 = arith.constant 0 : index
    %get3A_60 = arith.constant 0 : index
    %get3A_61 = vector.load %arg3[%get3A_59, %get3A_60] : memref<128x64xf32, #tpu.memory_space<vmem>>, vector<128x64xf32>
    %dot_general3A_62 = arith.constant dense<0.000000e+00> : vector<1x64xf32>
    %dot_general3A_63 = tpu.matmul %div3A_58, %get3A_61, %dot_general3A_62 {dimension_numbers = #tpu.dot_dimension_numbers<[1], [0], [0], [1], [0, 0, 1, 1], [], []>, precision = #tpu.contract_precision<fp32>, transpose_lhs_hint = false} : vector<1x128xf32>, vector<128x64xf32>, vector<1x64xf32> -> vector<1x64xf32>
    %mul3A_64 = arith.constant 5.000000e-01 : f32
    %mul3A_65 = vector.broadcast %mul3A_64 : f32 to vector<1x64xf32>
    %mul3A_66 = arith.mulf %dot_general3A_63, %mul3A_65 : vector<1x64xf32>
    %get3A_67 = arith.constant 0 : index
    %get3A_68 = arith.constant 0 : index
    %get3A_69 = vector.load %arg4[%get3A_67, %get3A_68] : memref<64x128xf32, #tpu.memory_space<vmem>>, vector<64x128xf32>
    %dot_general3A_70 = arith.constant dense<0.000000e+00> : vector<1x128xf32>
    %dot_general3A_71 = tpu.matmul %mul3A_66, %get3A_69, %dot_general3A_70 {dimension_numbers = #tpu.dot_dimension_numbers<[1], [0], [0], [1], [0, 0, 1, 1], [], []>, precision = #tpu.contract_precision<fp32>, transpose_lhs_hint = false} : vector<1x64xf32>, vector<64x128xf32>, vector<1x128xf32> -> vector<1x128xf32>
    %add3A_72 = arith.constant 9.99999974E-6 : f32
    %add3A_73 = vector.broadcast %add3A_72 : f32 to vector<1x128xf32>
    %add3A_74 = arith.addf %dot_general3A_71, %add3A_73 : vector<1x128xf32>
    %rsqrt3A = math.rsqrt %add3A_74 : vector<1x128xf32>
    %mul3A_75 = vector.broadcast %rsqrt3A : vector<1x128xf32> to vector<5000x128xf32>
    %mul3A_76 = arith.mulf %sub3A_51, %mul3A_75 : vector<5000x128xf32>
    %mul3A_77 = vector.broadcast %get3A_31 : vector<1x128xf32> to vector<5000x128xf32>
    %mul3A_78 = arith.mulf %mul3A_76, %mul3A_77 : vector<5000x128xf32>
    %add3A_79 = vector.broadcast %get3A_34 : vector<1x128xf32> to vector<5000x128xf32>
    %add3A_80 = arith.addf %mul3A_78, %add3A_79 : vector<5000x128xf32>
    %max3A = arith.constant 0.000000e+00 : f32
    %max3A_81 = vector.broadcast %max3A : f32 to vector<5000x128xf32>
    %max3A_82 = arith.maximumf %add3A_80, %max3A_81 : vector<5000x128xf32>
    %get3A_83 = arith.constant 0 : index
    %get3A_84 = arith.constant 0 : index
    %get3A_85 = vector.load %arg9[%get3A_83, %get3A_84] : memref<128x128xf32, #tpu.memory_space<vmem>>, vector<128x128xf32>
    %dot_general3A_86 = arith.constant dense<0.000000e+00> : vector<5000x128xf32>
    %dot_general3A_87 = tpu.matmul %max3A_82, %get3A_85, %dot_general3A_86 {dimension_numbers = #tpu.dot_dimension_numbers<[1], [0], [0], [1], [0, 0, 1, 1], [], []>, transpose_lhs_hint = false} : vector<5000x128xf32>, vector<128x128xf32>, vector<5000x128xf32> -> vector<5000x128xf32>
    %get3A_88 = arith.constant 0 : index
    %get3A_89 = arith.constant 0 : index
    %get3A_90 = vector.load %arg10[%get3A_88, %get3A_89] : memref<1x128xf32, #tpu.memory_space<vmem>>, vector<1x128xf32>
    %add3A_91 = vector.broadcast %get3A_90 : vector<1x128xf32> to vector<5000x128xf32>
    %add3A_92 = arith.addf %dot_general3A_87, %add3A_91 : vector<5000x128xf32>
    %get3A_93 = arith.constant 0 : index
    %get3A_94 = arith.constant 0 : index
    %get3A_95 = vector.load %arg11[%get3A_93, %get3A_94] : memref<1x128xf32, #tpu.memory_space<vmem>>, vector<1x128xf32>
    %get3A_96 = arith.constant 0 : index
    %get3A_97 = arith.constant 0 : index
    %get3A_98 = vector.load %arg12[%get3A_96, %get3A_97] : memref<1x128xf32, #tpu.memory_space<vmem>>, vector<1x128xf32>
    %reduce_sum3A_99 = arith.constant dense<0.000000e+00> : vector<128xf32>
    %reduce_sum3A_100 = vector.multi_reduction <add>, %add3A_92, %reduce_sum3A_99 [0] : vector<5000x128xf32> to vector<128xf32>
    %broadcast_in_dim3A_101 = vector.shape_cast %reduce_sum3A_100 : vector<128xf32> to vector<1x128xf32>
    %div3A_102 = arith.constant 5.000000e+03 : f32
    %div3A_103 = vector.broadcast %div3A_102 : f32 to vector<1x128xf32>
    %div3A_104 = arith.divf %broadcast_in_dim3A_101, %div3A_103 : vector<1x128xf32>
    %get3A_105 = arith.constant 0 : index
    %get3A_106 = arith.constant 0 : index
    %get3A_107 = vector.load %arg3[%get3A_105, %get3A_106] : memref<128x64xf32, #tpu.memory_space<vmem>>, vector<128x64xf32>
    %dot_general3A_108 = arith.constant dense<0.000000e+00> : vector<1x64xf32>
    %dot_general3A_109 = tpu.matmul %div3A_104, %get3A_107, %dot_general3A_108 {dimension_numbers = #tpu.dot_dimension_numbers<[1], [0], [0], [1], [0, 0, 1, 1], [], []>, precision = #tpu.contract_precision<fp32>, transpose_lhs_hint = false} : vector<1x128xf32>, vector<128x64xf32>, vector<1x64xf32> -> vector<1x64xf32>
    %mul3A_110 = arith.constant 5.000000e-01 : f32
    %mul3A_111 = vector.broadcast %mul3A_110 : f32 to vector<1x64xf32>
    %mul3A_112 = arith.mulf %dot_general3A_109, %mul3A_111 : vector<1x64xf32>
    %get3A_113 = arith.constant 0 : index
    %get3A_114 = arith.constant 0 : index
    %get3A_115 = vector.load %arg4[%get3A_113, %get3A_114] : memref<64x128xf32, #tpu.memory_space<vmem>>, vector<64x128xf32>
    %dot_general3A_116 = arith.constant dense<0.000000e+00> : vector<1x128xf32>
    %dot_general3A_117 = tpu.matmul %mul3A_112, %get3A_115, %dot_general3A_116 {dimension_numbers = #tpu.dot_dimension_numbers<[1], [0], [0], [1], [0, 0, 1, 1], [], []>, precision = #tpu.contract_precision<fp32>, transpose_lhs_hint = false} : vector<1x64xf32>, vector<64x128xf32>, vector<1x128xf32> -> vector<1x128xf32>
    %sub3A_118 = vector.broadcast %dot_general3A_117 : vector<1x128xf32> to vector<5000x128xf32>
    %sub3A_119 = arith.subf %add3A_92, %sub3A_118 : vector<5000x128xf32>
    %mul3A_120 = arith.mulf %sub3A_119, %sub3A_119 : vector<5000x128xf32>
    %reduce_sum3A_121 = arith.constant dense<0.000000e+00> : vector<128xf32>
    %reduce_sum3A_122 = vector.multi_reduction <add>, %mul3A_120, %reduce_sum3A_121 [0] : vector<5000x128xf32> to vector<128xf32>
    %broadcast_in_dim3A_123 = vector.shape_cast %reduce_sum3A_122 : vector<128xf32> to vector<1x128xf32>
    %div3A_124 = arith.constant 5.000000e+03 : f32
    %div3A_125 = vector.broadcast %div3A_124 : f32 to vector<1x128xf32>
    %div3A_126 = arith.divf %broadcast_in_dim3A_123, %div3A_125 : vector<1x128xf32>
    %get3A_127 = arith.constant 0 : index
    %get3A_128 = arith.constant 0 : index
    %get3A_129 = vector.load %arg3[%get3A_127, %get3A_128] : memref<128x64xf32, #tpu.memory_space<vmem>>, vector<128x64xf32>
    %dot_general3A_130 = arith.constant dense<0.000000e+00> : vector<1x64xf32>
    %dot_general3A_131 = tpu.matmul %div3A_126, %get3A_129, %dot_general3A_130 {dimension_numbers = #tpu.dot_dimension_numbers<[1], [0], [0], [1], [0, 0, 1, 1], [], []>, precision = #tpu.contract_precision<fp32>, transpose_lhs_hint = false} : vector<1x128xf32>, vector<128x64xf32>, vector<1x64xf32> -> vector<1x64xf32>
    %mul3A_132 = arith.constant 5.000000e-01 : f32
    %mul3A_133 = vector.broadcast %mul3A_132 : f32 to vector<1x64xf32>
    %mul3A_134 = arith.mulf %dot_general3A_131, %mul3A_133 : vector<1x64xf32>
    %get3A_135 = arith.constant 0 : index
    %get3A_136 = arith.constant 0 : index
    %get3A_137 = vector.load %arg4[%get3A_135, %get3A_136] : memref<64x128xf32, #tpu.memory_space<vmem>>, vector<64x128xf32>
    %dot_general3A_138 = arith.constant dense<0.000000e+00> : vector<1x128xf32>
    %dot_general3A_139 = tpu.matmul %mul3A_134, %get3A_137, %dot_general3A_138 {dimension_numbers = #tpu.dot_dimension_numbers<[1], [0], [0], [1], [0, 0, 1, 1], [], []>, precision = #tpu.contract_precision<fp32>, transpose_lhs_hint = false} : vector<1x64xf32>, vector<64x128xf32>, vector<1x128xf32> -> vector<1x128xf32>
    %add3A_140 = arith.constant 9.99999974E-6 : f32
    %add3A_141 = vector.broadcast %add3A_140 : f32 to vector<1x128xf32>
    %add3A_142 = arith.addf %dot_general3A_139, %add3A_141 : vector<1x128xf32>
    %rsqrt3A_143 = math.rsqrt %add3A_142 : vector<1x128xf32>
    %mul3A_144 = vector.broadcast %rsqrt3A_143 : vector<1x128xf32> to vector<5000x128xf32>
    %mul3A_145 = arith.mulf %sub3A_119, %mul3A_144 : vector<5000x128xf32>
    %mul3A_146 = vector.broadcast %get3A_95 : vector<1x128xf32> to vector<5000x128xf32>
    %mul3A_147 = arith.mulf %mul3A_145, %mul3A_146 : vector<5000x128xf32>
    %add3A_148 = vector.broadcast %get3A_98 : vector<1x128xf32> to vector<5000x128xf32>
    %add3A_149 = arith.addf %mul3A_147, %add3A_148 : vector<5000x128xf32>
    %max3A_150 = arith.constant 0.000000e+00 : f32
    %max3A_151 = vector.broadcast %max3A_150 : f32 to vector<5000x128xf32>
    %max3A_152 = arith.maximumf %add3A_149, %max3A_151 : vector<5000x128xf32>
    %swap3A = arith.constant 0 : index
    %swap3A_153 = arith.constant 0 : index
    %swap3A_154 = vector.load %arg13[%swap3A, %swap3A_153] : memref<5000x128xf32, #tpu.memory_space<vmem>>, vector<5000x128xf32>
    tpu.vector_store %arg13[%swap3A, %swap3A_153], %max3A_152 {strides = array<i32>} : memref<5000x128xf32, #tpu.memory_space<vmem>>, vector<5000x128xf32>,
    return
  }
}

module attributes {stable_mosaic.version = 14 : i64} {
  func.func @_poolpre_body(%arg0: memref<1x5000xi32, #tpu.memory_space<vmem>>, %arg1: memref<1x5000xi32, #tpu.memory_space<vmem>>, %arg2: memref<128x64xf32, #tpu.memory_space<vmem>>, %arg3: memref<128x64xf32, #tpu.memory_space<vmem>>, %arg4: memref<5000x128xf32, #tpu.memory_space<vmem>>, %arg5: memref<5000x128xf32, #tpu.memory_space<vmem>>, %arg6: memref<5000x128xf32, #tpu.memory_space<vmem>>, %arg7: memref<3x64x64xf32, #tpu.memory_space<vmem>>, %arg8: memref<1x64xf32, #tpu.memory_space<vmem>>, %arg9: memref<64x64xf32, #tpu.memory_space<vmem>>) attributes {dimension_semantics = [], scalar_prefetch = 0 : i64, scratch_operands = 0 : i64, tpu.core_type = #tpu.core_type<tc>} {
    %iota3A = tpu.iota {dimensions = array<i32: 0>} : vector<64x5000xi32>
    %get3A = arith.constant 0 : index
    %get3A_0 = arith.constant 0 : index
    %get3A_1 = vector.load %arg0[%get3A, %get3A_0] : memref<1x5000xi32, #tpu.memory_space<vmem>>, vector<1x5000xi32>
    %eq3A = vector.broadcast %get3A_1 : vector<1x5000xi32> to vector<64x5000xi32>
    %eq3A_2 = arith.cmpi eq, %iota3A, %eq3A : vector<64x5000xi32>
    %convert_element_type3A = arith.extui %eq3A_2 : vector<64x5000xi1> to vector<64x5000xi32>
    %convert_element_type3A_3 = arith.sitofp %convert_element_type3A : vector<64x5000xi32> to vector<64x5000xf32>
    %iota3A_4 = tpu.iota {dimensions = array<i32: 0>} : vector<64x5000xi32>
    %get3A_5 = arith.constant 0 : index
    %get3A_6 = arith.constant 0 : index
    %get3A_7 = vector.load %arg1[%get3A_5, %get3A_6] : memref<1x5000xi32, #tpu.memory_space<vmem>>, vector<1x5000xi32>
    %eq3A_8 = vector.broadcast %get3A_7 : vector<1x5000xi32> to vector<64x5000xi32>
    %eq3A_9 = arith.cmpi eq, %iota3A_4, %eq3A_8 : vector<64x5000xi32>
    %convert_element_type3A_10 = arith.extui %eq3A_9 : vector<64x5000xi1> to vector<64x5000xi32>
    %convert_element_type3A_11 = arith.sitofp %convert_element_type3A_10 : vector<64x5000xi32> to vector<64x5000xf32>
    %reduce_sum3A = arith.constant dense<0.000000e+00> : vector<64xf32>
    %reduce_sum3A_12 = vector.multi_reduction <add>, %convert_element_type3A_3, %reduce_sum3A [1] : vector<64x5000xf32> to vector<64xf32>
    %broadcast_in_dim3A = vector.shape_cast %reduce_sum3A_12 : vector<64xf32> to vector<64x1xf32>
    %reduce_sum3A_13 = arith.constant dense<0.000000e+00> : vector<64xf32>
    %reduce_sum3A_14 = vector.multi_reduction <add>, %convert_element_type3A_11, %reduce_sum3A_13 [1] : vector<64x5000xf32> to vector<64xf32>
    %broadcast_in_dim3A_15 = vector.shape_cast %reduce_sum3A_14 : vector<64xf32> to vector<64x1xf32>
    %add3A = arith.addf %broadcast_in_dim3A, %broadcast_in_dim3A_15 : vector<64x1xf32>
    %max3A = arith.constant 1.000000e+00 : f32
    %max3A_16 = vector.broadcast %max3A : f32 to vector<64x1xf32>
    %max3A_17 = arith.maximumf %add3A, %max3A_16 : vector<64x1xf32>
    %div3A = arith.constant 1.000000e+00 : f32
    %div3A_18 = vector.broadcast %div3A : f32 to vector<64x1xf32>
    %div3A_19 = arith.divf %div3A_18, %max3A_17 : vector<64x1xf32>
    %get3A_20 = arith.constant 0 : index
    %get3A_21 = arith.constant 0 : index
    %get3A_22 = vector.load %arg8[%get3A_20, %get3A_21] : memref<1x64xf32, #tpu.memory_space<vmem>>, vector<1x64xf32>
    %get3A_23 = arith.constant 0 : index
    %get3A_24 = arith.constant 0 : index
    %get3A_25 = vector.load %arg4[%get3A_23, %get3A_24] : memref<5000x128xf32, #tpu.memory_space<vmem>>, vector<5000x128xf32>
    %dot_general3A = arith.constant dense<0.000000e+00> : vector<64x128xf32>
    %dot_general3A_26 = tpu.matmul %convert_element_type3A_3, %get3A_25, %dot_general3A {dimension_numbers = #tpu.dot_dimension_numbers<[1], [0], [0], [1], [0, 0, 1, 1], [], []>, transpose_lhs_hint = false} : vector<64x5000xf32>, vector<5000x128xf32>, vector<64x128xf32> -> vector<64x128xf32>
    %get3A_27 = arith.constant 0 : index
    %get3A_28 = arith.constant 0 : index
    %get3A_29 = vector.load %arg2[%get3A_27, %get3A_28] : memref<128x64xf32, #tpu.memory_space<vmem>>, vector<128x64xf32>
    %dot_general3A_30 = arith.constant dense<0.000000e+00> : vector<64x64xf32>
    %dot_general3A_31 = tpu.matmul %dot_general3A_26, %get3A_29, %dot_general3A_30 {dimension_numbers = #tpu.dot_dimension_numbers<[1], [0], [0], [1], [0, 0, 1, 1], [], []>, transpose_lhs_hint = false} : vector<64x128xf32>, vector<128x64xf32>, vector<64x64xf32> -> vector<64x64xf32>
    %dot_general3A_32 = arith.constant dense<0.000000e+00> : vector<64x128xf32>
    %dot_general3A_33 = tpu.matmul %convert_element_type3A_11, %get3A_25, %dot_general3A_32 {dimension_numbers = #tpu.dot_dimension_numbers<[1], [0], [0], [1], [0, 0, 1, 1], [], []>, transpose_lhs_hint = false} : vector<64x5000xf32>, vector<5000x128xf32>, vector<64x128xf32> -> vector<64x128xf32>
    %get3A_34 = arith.constant 0 : index
    %get3A_35 = arith.constant 0 : index
    %get3A_36 = vector.load %arg3[%get3A_34, %get3A_35] : memref<128x64xf32, #tpu.memory_space<vmem>>, vector<128x64xf32>
    %dot_general3A_37 = arith.constant dense<0.000000e+00> : vector<64x64xf32>
    %dot_general3A_38 = tpu.matmul %dot_general3A_33, %get3A_36, %dot_general3A_37 {dimension_numbers = #tpu.dot_dimension_numbers<[1], [0], [0], [1], [0, 0, 1, 1], [], []>, transpose_lhs_hint = false} : vector<64x128xf32>, vector<128x64xf32>, vector<64x64xf32> -> vector<64x64xf32>
    %add3A_39 = arith.addf %dot_general3A_31, %dot_general3A_38 : vector<64x64xf32>
    %mul3A = vector.broadcast %div3A_19 : vector<64x1xf32> to vector<64x64xf32>
    %mul3A_40 = arith.mulf %add3A_39, %mul3A : vector<64x64xf32>
    %get3A_41 = arith.constant 0 : index
    %get3A_42 = arith.constant 0 : index
    %get3A_43 = arith.constant 0 : index
    %get3A_44 = vector.load %arg7[%get3A_41, %get3A_42, %get3A_43] : memref<3x64x64xf32, #tpu.memory_space<vmem>>, vector<1x64x64xf32>
    %get3A_45 = vector.shape_cast %get3A_44 : vector<1x64x64xf32> to vector<64x64xf32>
    %dot_general3A_46 = arith.constant dense<0.000000e+00> : vector<64x64xf32>
    %dot_general3A_47 = tpu.matmul %mul3A_40, %get3A_45, %dot_general3A_46 {dimension_numbers = #tpu.dot_dimension_numbers<[1], [0], [0], [1], [0, 0, 1, 1], [], []>, transpose_lhs_hint = false} : vector<64x64xf32>, vector<64x64xf32>, vector<64x64xf32> -> vector<64x64xf32>
    %add3A_48 = vector.broadcast %get3A_22 : vector<1x64xf32> to vector<64x64xf32>
    %add3A_49 = arith.addf %add3A_48, %dot_general3A_47 : vector<64x64xf32>
    %get3A_50 = arith.constant 0 : index
    %get3A_51 = arith.constant 0 : index
    %get3A_52 = vector.load %arg5[%get3A_50, %get3A_51] : memref<5000x128xf32, #tpu.memory_space<vmem>>, vector<5000x128xf32>
    %dot_general3A_53 = arith.constant dense<0.000000e+00> : vector<64x128xf32>
    %dot_general3A_54 = tpu.matmul %convert_element_type3A_3, %get3A_52, %dot_general3A_53 {dimension_numbers = #tpu.dot_dimension_numbers<[1], [0], [0], [1], [0, 0, 1, 1], [], []>, transpose_lhs_hint = false} : vector<64x5000xf32>, vector<5000x128xf32>, vector<64x128xf32> -> vector<64x128xf32>
    %get3A_55 = arith.constant 0 : index
    %get3A_56 = arith.constant 0 : index
    %get3A_57 = vector.load %arg2[%get3A_55, %get3A_56] : memref<128x64xf32, #tpu.memory_space<vmem>>, vector<128x64xf32>
    %dot_general3A_58 = arith.constant dense<0.000000e+00> : vector<64x64xf32>
    %dot_general3A_59 = tpu.matmul %dot_general3A_54, %get3A_57, %dot_general3A_58 {dimension_numbers = #tpu.dot_dimension_numbers<[1], [0], [0], [1], [0, 0, 1, 1], [], []>, transpose_lhs_hint = false} : vector<64x128xf32>, vector<128x64xf32>, vector<64x64xf32> -> vector<64x64xf32>
    %dot_general3A_60 = arith.constant dense<0.000000e+00> : vector<64x128xf32>
    %dot_general3A_61 = tpu.matmul %convert_element_type3A_11, %get3A_52, %dot_general3A_60 {dimension_numbers = #tpu.dot_dimension_numbers<[1], [0], [0], [1], [0, 0, 1, 1], [], []>, transpose_lhs_hint = false} : vector<64x5000xf32>, vector<5000x128xf32>, vector<64x128xf32> -> vector<64x128xf32>
    %get3A_62 = arith.constant 0 : index
    %get3A_63 = arith.constant 0 : index
    %get3A_64 = vector.load %arg3[%get3A_62, %get3A_63] : memref<128x64xf32, #tpu.memory_space<vmem>>, vector<128x64xf32>
    %dot_general3A_65 = arith.constant dense<0.000000e+00> : vector<64x64xf32>
    %dot_general3A_66 = tpu.matmul %dot_general3A_61, %get3A_64, %dot_general3A_65 {dimension_numbers = #tpu.dot_dimension_numbers<[1], [0], [0], [1], [0, 0, 1, 1], [], []>, transpose_lhs_hint = false} : vector<64x128xf32>, vector<128x64xf32>, vector<64x64xf32> -> vector<64x64xf32>
    %add3A_67 = arith.addf %dot_general3A_59, %dot_general3A_66 : vector<64x64xf32>
    %mul3A_68 = vector.broadcast %div3A_19 : vector<64x1xf32> to vector<64x64xf32>
    %mul3A_69 = arith.mulf %add3A_67, %mul3A_68 : vector<64x64xf32>
    %get3A_70 = arith.constant 1 : index
    %get3A_71 = arith.constant 0 : index
    %get3A_72 = arith.constant 0 : index
    %get3A_73 = vector.load %arg7[%get3A_70, %get3A_71, %get3A_72] : memref<3x64x64xf32, #tpu.memory_space<vmem>>, vector<1x64x64xf32>
    %get3A_74 = vector.shape_cast %get3A_73 : vector<1x64x64xf32> to vector<64x64xf32>
    %dot_general3A_75 = arith.constant dense<0.000000e+00> : vector<64x64xf32>
    %dot_general3A_76 = tpu.matmul %mul3A_69, %get3A_74, %dot_general3A_75 {dimension_numbers = #tpu.dot_dimension_numbers<[1], [0], [0], [1], [0, 0, 1, 1], [], []>, transpose_lhs_hint = false} : vector<64x64xf32>, vector<64x64xf32>, vector<64x64xf32> -> vector<64x64xf32>
    %add3A_77 = arith.addf %add3A_49, %dot_general3A_76 : vector<64x64xf32>
    %get3A_78 = arith.constant 0 : index
    %get3A_79 = arith.constant 0 : index
    %get3A_80 = vector.load %arg6[%get3A_78, %get3A_79] : memref<5000x128xf32, #tpu.memory_space<vmem>>, vector<5000x128xf32>
    %dot_general3A_81 = arith.constant dense<0.000000e+00> : vector<64x128xf32>
    %dot_general3A_82 = tpu.matmul %convert_element_type3A_3, %get3A_80, %dot_general3A_81 {dimension_numbers = #tpu.dot_dimension_numbers<[1], [0], [0], [1], [0, 0, 1, 1], [], []>, transpose_lhs_hint = false} : vector<64x5000xf32>, vector<5000x128xf32>, vector<64x128xf32> -> vector<64x128xf32>
    %get3A_83 = arith.constant 0 : index
    %get3A_84 = arith.constant 0 : index
    %get3A_85 = vector.load %arg2[%get3A_83, %get3A_84] : memref<128x64xf32, #tpu.memory_space<vmem>>, vector<128x64xf32>
    %dot_general3A_86 = arith.constant dense<0.000000e+00> : vector<64x64xf32>
    %dot_general3A_87 = tpu.matmul %dot_general3A_82, %get3A_85, %dot_general3A_86 {dimension_numbers = #tpu.dot_dimension_numbers<[1], [0], [0], [1], [0, 0, 1, 1], [], []>, transpose_lhs_hint = false} : vector<64x128xf32>, vector<128x64xf32>, vector<64x64xf32> -> vector<64x64xf32>
    %dot_general3A_88 = arith.constant dense<0.000000e+00> : vector<64x128xf32>
    %dot_general3A_89 = tpu.matmul %convert_element_type3A_11, %get3A_80, %dot_general3A_88 {dimension_numbers = #tpu.dot_dimension_numbers<[1], [0], [0], [1], [0, 0, 1, 1], [], []>, transpose_lhs_hint = false} : vector<64x5000xf32>, vector<5000x128xf32>, vector<64x128xf32> -> vector<64x128xf32>
    %get3A_90 = arith.constant 0 : index
    %get3A_91 = arith.constant 0 : index
    %get3A_92 = vector.load %arg3[%get3A_90, %get3A_91] : memref<128x64xf32, #tpu.memory_space<vmem>>, vector<128x64xf32>
    %dot_general3A_93 = arith.constant dense<0.000000e+00> : vector<64x64xf32>
    %dot_general3A_94 = tpu.matmul %dot_general3A_89, %get3A_92, %dot_general3A_93 {dimension_numbers = #tpu.dot_dimension_numbers<[1], [0], [0], [1], [0, 0, 1, 1], [], []>, transpose_lhs_hint = false} : vector<64x128xf32>, vector<128x64xf32>, vector<64x64xf32> -> vector<64x64xf32>
    %add3A_95 = arith.addf %dot_general3A_87, %dot_general3A_94 : vector<64x64xf32>
    %mul3A_96 = vector.broadcast %div3A_19 : vector<64x1xf32> to vector<64x64xf32>
    %mul3A_97 = arith.mulf %add3A_95, %mul3A_96 : vector<64x64xf32>
    %get3A_98 = arith.constant 2 : index
    %get3A_99 = arith.constant 0 : index
    %get3A_100 = arith.constant 0 : index
    %get3A_101 = vector.load %arg7[%get3A_98, %get3A_99, %get3A_100] : memref<3x64x64xf32, #tpu.memory_space<vmem>>, vector<1x64x64xf32>
    %get3A_102 = vector.shape_cast %get3A_101 : vector<1x64x64xf32> to vector<64x64xf32>
    %dot_general3A_103 = arith.constant dense<0.000000e+00> : vector<64x64xf32>
    %dot_general3A_104 = tpu.matmul %mul3A_97, %get3A_102, %dot_general3A_103 {dimension_numbers = #tpu.dot_dimension_numbers<[1], [0], [0], [1], [0, 0, 1, 1], [], []>, transpose_lhs_hint = false} : vector<64x64xf32>, vector<64x64xf32>, vector<64x64xf32> -> vector<64x64xf32>
    %add3A_105 = arith.addf %add3A_77, %dot_general3A_104 : vector<64x64xf32>
    %swap3A = arith.constant 0 : index
    %swap3A_106 = arith.constant 0 : index
    %swap3A_107 = vector.load %arg9[%swap3A, %swap3A_106] : memref<64x64xf32, #tpu.memory_space<vmem>>, vector<64x64xf32>
    tpu.vector_store %arg9[%swap3A, %swap3A_106], %add3A_105 {strides = array<i32>} : memref<64x64xf32, #tpu.memory_space<vmem>>, vector<64x64xf32>,
    return
  }
}

module attributes {stable_mosaic.version = 14 : i64} {
  func.func @_poolfin_body(%arg0: memref<1x5000xi32, #tpu.memory_space<vmem>>, %arg1: memref<1x5000xi32, #tpu.memory_space<vmem>>, %arg2: memref<128x64xf32, #tpu.memory_space<vmem>>, %arg3: memref<128x64xf32, #tpu.memory_space<vmem>>, %arg4: memref<5000x128xf32, #tpu.memory_space<vmem>>, %arg5: memref<64x64xf32, #tpu.memory_space<vmem>>, %arg6: memref<64x64xf32, #tpu.memory_space<vmem>>, %arg7: memref<64x64xf32, #tpu.memory_space<vmem>>) attributes {dimension_semantics = [], scalar_prefetch = 0 : i64, scratch_operands = 0 : i64, tpu.core_type = #tpu.core_type<tc>} {
    %iota3A = tpu.iota {dimensions = array<i32: 0>} : vector<64x5000xi32>
    %get3A = arith.constant 0 : index
    %get3A_0 = arith.constant 0 : index
    %get3A_1 = vector.load %arg0[%get3A, %get3A_0] : memref<1x5000xi32, #tpu.memory_space<vmem>>, vector<1x5000xi32>
    %eq3A = vector.broadcast %get3A_1 : vector<1x5000xi32> to vector<64x5000xi32>
    %eq3A_2 = arith.cmpi eq, %iota3A, %eq3A : vector<64x5000xi32>
    %convert_element_type3A = arith.extui %eq3A_2 : vector<64x5000xi1> to vector<64x5000xi32>
    %convert_element_type3A_3 = arith.sitofp %convert_element_type3A : vector<64x5000xi32> to vector<64x5000xf32>
    %iota3A_4 = tpu.iota {dimensions = array<i32: 0>} : vector<64x5000xi32>
    %get3A_5 = arith.constant 0 : index
    %get3A_6 = arith.constant 0 : index
    %get3A_7 = vector.load %arg1[%get3A_5, %get3A_6] : memref<1x5000xi32, #tpu.memory_space<vmem>>, vector<1x5000xi32>
    %eq3A_8 = vector.broadcast %get3A_7 : vector<1x5000xi32> to vector<64x5000xi32>
    %eq3A_9 = arith.cmpi eq, %iota3A_4, %eq3A_8 : vector<64x5000xi32>
    %convert_element_type3A_10 = arith.extui %eq3A_9 : vector<64x5000xi1> to vector<64x5000xi32>
    %convert_element_type3A_11 = arith.sitofp %convert_element_type3A_10 : vector<64x5000xi32> to vector<64x5000xf32>
    %reduce_sum3A = arith.constant dense<0.000000e+00> : vector<64xf32>
    %reduce_sum3A_12 = vector.multi_reduction <add>, %convert_element_type3A_3, %reduce_sum3A [1] : vector<64x5000xf32> to vector<64xf32>
    %broadcast_in_dim3A = vector.shape_cast %reduce_sum3A_12 : vector<64xf32> to vector<64x1xf32>
    %reduce_sum3A_13 = arith.constant dense<0.000000e+00> : vector<64xf32>
    %reduce_sum3A_14 = vector.multi_reduction <add>, %convert_element_type3A_11, %reduce_sum3A_13 [1] : vector<64x5000xf32> to vector<64xf32>
    %broadcast_in_dim3A_15 = vector.shape_cast %reduce_sum3A_14 : vector<64xf32> to vector<64x1xf32>
    %add3A = arith.addf %broadcast_in_dim3A, %broadcast_in_dim3A_15 : vector<64x1xf32>
    %max3A = arith.constant 1.000000e+00 : f32
    %max3A_16 = vector.broadcast %max3A : f32 to vector<64x1xf32>
    %max3A_17 = arith.maximumf %add3A, %max3A_16 : vector<64x1xf32>
    %div3A = arith.constant 1.000000e+00 : f32
    %div3A_18 = vector.broadcast %div3A : f32 to vector<64x1xf32>
    %div3A_19 = arith.divf %div3A_18, %max3A_17 : vector<64x1xf32>
    %get3A_20 = arith.constant 0 : index
    %get3A_21 = arith.constant 0 : index
    %get3A_22 = vector.load %arg4[%get3A_20, %get3A_21] : memref<5000x128xf32, #tpu.memory_space<vmem>>, vector<5000x128xf32>
    %dot_general3A = arith.constant dense<0.000000e+00> : vector<64x128xf32>
    %dot_general3A_23 = tpu.matmul %convert_element_type3A_3, %get3A_22, %dot_general3A {dimension_numbers = #tpu.dot_dimension_numbers<[1], [0], [0], [1], [0, 0, 1, 1], [], []>, transpose_lhs_hint = false} : vector<64x5000xf32>, vector<5000x128xf32>, vector<64x128xf32> -> vector<64x128xf32>
    %get3A_24 = arith.constant 0 : index
    %get3A_25 = arith.constant 0 : index
    %get3A_26 = vector.load %arg2[%get3A_24, %get3A_25] : memref<128x64xf32, #tpu.memory_space<vmem>>, vector<128x64xf32>
    %dot_general3A_27 = arith.constant dense<0.000000e+00> : vector<64x64xf32>
    %dot_general3A_28 = tpu.matmul %dot_general3A_23, %get3A_26, %dot_general3A_27 {dimension_numbers = #tpu.dot_dimension_numbers<[1], [0], [0], [1], [0, 0, 1, 1], [], []>, transpose_lhs_hint = false} : vector<64x128xf32>, vector<128x64xf32>, vector<64x64xf32> -> vector<64x64xf32>
    %dot_general3A_29 = arith.constant dense<0.000000e+00> : vector<64x128xf32>
    %dot_general3A_30 = tpu.matmul %convert_element_type3A_11, %get3A_22, %dot_general3A_29 {dimension_numbers = #tpu.dot_dimension_numbers<[1], [0], [0], [1], [0, 0, 1, 1], [], []>, transpose_lhs_hint = false} : vector<64x5000xf32>, vector<5000x128xf32>, vector<64x128xf32> -> vector<64x128xf32>
    %get3A_31 = arith.constant 0 : index
    %get3A_32 = arith.constant 0 : index
    %get3A_33 = vector.load %arg3[%get3A_31, %get3A_32] : memref<128x64xf32, #tpu.memory_space<vmem>>, vector<128x64xf32>
    %dot_general3A_34 = arith.constant dense<0.000000e+00> : vector<64x64xf32>
    %dot_general3A_35 = tpu.matmul %dot_general3A_30, %get3A_33, %dot_general3A_34 {dimension_numbers = #tpu.dot_dimension_numbers<[1], [0], [0], [1], [0, 0, 1, 1], [], []>, transpose_lhs_hint = false} : vector<64x128xf32>, vector<128x64xf32>, vector<64x64xf32> -> vector<64x64xf32>
    %add3A_36 = arith.addf %dot_general3A_28, %dot_general3A_35 : vector<64x64xf32>
    %mul3A = vector.broadcast %div3A_19 : vector<64x1xf32> to vector<64x64xf32>
    %mul3A_37 = arith.mulf %add3A_36, %mul3A : vector<64x64xf32>
    %get3A_38 = arith.constant 0 : index
    %get3A_39 = arith.constant 0 : index
    %get3A_40 = vector.load %arg6[%get3A_38, %get3A_39] : memref<64x64xf32, #tpu.memory_space<vmem>>, vector<64x64xf32>
    %get3A_41 = arith.constant 0 : index
    %get3A_42 = arith.constant 0 : index
    %get3A_43 = vector.load %arg5[%get3A_41, %get3A_42] : memref<64x64xf32, #tpu.memory_space<vmem>>, vector<64x64xf32>
    %dot_general3A_44 = arith.constant dense<0.000000e+00> : vector<64x64xf32>
    %dot_general3A_45 = tpu.matmul %mul3A_37, %get3A_43, %dot_general3A_44 {dimension_numbers = #tpu.dot_dimension_numbers<[1], [0], [0], [1], [0, 0, 1, 1], [], []>, transpose_lhs_hint = false} : vector<64x64xf32>, vector<64x64xf32>, vector<64x64xf32> -> vector<64x64xf32>
    %add3A_46 = arith.addf %get3A_40, %dot_general3A_45 : vector<64x64xf32>
    %swap3A = arith.constant 0 : index
    %swap3A_47 = arith.constant 0 : index
    %swap3A_48 = vector.load %arg7[%swap3A, %swap3A_47] : memref<64x64xf32, #tpu.memory_space<vmem>>, vector<64x64xf32>
    tpu.vector_store %arg7[%swap3A, %swap3A_47], %add3A_46 {strides = array<i32>} : memref<64x64xf32, #tpu.memory_space<vmem>>, vector<64x64xf32>,
    return
  }
}

</mosaic_0001>

<sc_bundles>
// kernel: kernel.11.cloned.1.call-start
scs
__scs_entry_jumppad:
0x0: {  	(pc) =	sbr.rel $0x88, $3  }
0x1: {  	(tag) =	ssettag $0x0;
	lr =	simm.s32 $0x1  }
0x2: {  	[smem:$0x3F75] =	sst lr;
	_ =	strace $0xD0000000  }
0x3: {  	_ = 	snop  }
0x4: {  	_ = 	snop  }
0x5: {  	_ = 	snop  }
0x6: {  	_ = 	snop  }
0x7: {  	_ = 	snop  }
__scs_overlays_trampoline_lowered:
0x8: {  	[smem:$0x3F84] =	sst s0  }
0x9: {  	[smem:$0x3F85] =	sst s1  }
0xa: {  	[smem:$0x3F86] =	sst s2  }
0xb: {  	[smem:$0x3F87] =	sst s3  }
0xc: {  	[smem:$0x3F88] =	sst s4  }
0xd: {  	[smem:$0x3F89] =	sst s5  }
0xe: {  	[smem:$0x3F8A] =	sst s6  }
0xf: {  	[smem:$0x3F8B] =	sst s7  }
0x10: {  	[smem:$0x3F8C] =	sst s8  }
0x11: {  	[smem:$0x3F8D] =	sst s9;
	s0 =	simm.s32 @!p0 $0x0  }
0x12: {  	s1 =	sld [smem:$0x3F73];
	s0 =	simm.s32 @p0 $0x1  }
0x13: {  	[smem:$0x3F8E] =	sst s0;
	s0 =	simm.s32 @!p1 $0x0  }
0x14: {  	s2 =	sld [smem:$0x3F72];
	s0 =	simm.s32 @p1 $0x1  }
0x15: {  	[smem:$0x3F8F] =	sst s0;
	s0 =	simm.s32 @!p2 $0x0  }
0x16: {  	s3 =	sld [smem:$0x3FDB];
	s0 =	simm.s32 @p2 $0x1  }
0x17: {  	s4 =	simm.s32 $0x1BF5;
	[smem:$0x3F91] =	sst s0  }
0x18: {  	s0 =	sld [smem:$0x3F74];
	_ =	swait.ge [sflag:s4], $0x0  }
0x19: {  	s7 =	sld [smem:$0x3F75]  }
0x1a: {  	s8 =	sadd.s32 $0xFFFFE003, lr  }
0x1b: {  	s9 =	sadd.s32 $0xFFFFFEF7, lr;
	s5 =	simm.s32 $0xFFFFFFFF;
	p2 =	slt.u32 s8, $0xFFFFF086  }
0x1c: {  	p1 =	slt.u32 s9, $0xF7A;
	s5 =	simm.s32 @!p2 $0x0  }
0x1d: {  	s5 =	simm.s32 @p1 $0x1;
	p0 =	seq.s32 s7, s2  }
0x1e: {  	s7 =	smul.u32 @!p0 $0xF7A, s2;
	p2 =	seq.s32 @!p0 s5, $0x0  }
0x1f: {  	s9 =	smul.u32 $0xF7A, s1;
	s8 =	simm.s32 @!p0 $0x1BF5;
	p2 =	por !p2, p0  }
0x20: {  	[sflag:s8] =	ssyncset.s32 @!p0 $0xFFFFF086;
	s6 =	sadd.s32 @!p0 s3, s7;
	s7 =	simm.s32 @!p0 $0x108  }
0x21: {  	s3 =	sadd.s32 s3, s9;
	s6 =	sadd.s32 @!p0 $0x88, s6;
	s7 =	simm.s32 @p2 $0x1082  }
0x22: {  	[simem:s7], [sflag:s8] =	dma.local @!p0 [hbm:s6], $0xF7A  }
0x23: {  	s9 =	sor.u32 $0xD0000000, s2;
	s6 =	simm.s32 $0x108;
	_ =	swait.ge @!p0 [sflag:s8], $0x0  }
0x24: {  	s3 =	sadd.s32 $0x88, s3;
	s6 =	simm.s32 @!p1 $0x1082;
	[sflag:s4] =	ssyncset.s32 $0xFFFFF086  }
0x25: {  	[simem:s6], [sflag:s4] =	dma.local [hbm:s3], $0xF7A  }
0x26: {  	[smem:$0x3F75] =	sst s1;
	(tag) =	ssettag s2;
	_ =	strace s9  }
0x27: {  	s1 =	sld [smem:$0x3F85]  }
0x28: {  	s2 =	sld [smem:$0x3F86]  }
0x29: {  	s4 =	sld [smem:$0x3F88]  }
0x2a: {  	p0 =	seq.s32 s5, $0x0;
	s5 =	sld [smem:$0x3F89]  }
0x2b: {  	s6 =	sld [smem:$0x3F8A]  }
0x2c: {  	s7 =	sld [smem:$0x3F8B]  }
0x2d: {  	s3 =	simm.s32 $0x108;
	s8 =	sld [smem:$0x3F8C]  }
0x2e: {  	s3 =	simm.s32 @!p0 $0x1082;
	s9 =	sld [smem:$0x3F8D]  }
0x2f: {  	lr =	sadd.s32 s0, s3;
	s0 =	sld [smem:$0x3F84]  }
0x30: {  	s3 =	sld [smem:$0x3F87]  }
0x31: {  	[smem:$0x3F90] =	sst s10  }
0x32: {  	s10 =	sld [smem:$0x3F8E];
	_ =	sdelay $0x3  }
0x33: {  	p0 =	seq.s32 s10, $0x1;
	s10 =	sld [smem:$0x3F90];
	_ =	sdelay $0x3  }
0x34: {  	[smem:$0x3F90] =	sst s10  }
0x35: {  	s10 =	sld [smem:$0x3F8F];
	_ =	sdelay $0x3  }
0x36: {  	p1 =	seq.s32 s10, $0x1;
	s10 =	sld [smem:$0x3F90];
	_ =	sdelay $0x3  }
0x37: {  	[smem:$0x3F90] =	sst s10  }
0x38: {  	s10 =	sld [smem:$0x3F91]  }
0x39: {  	_ = 	snop;
	(pc) =	sbr.ind lr, $3  }
0x3a: {  	_ = 	snop  }
0x3b: {  	_ = 	snop  }
0x3c: {  	p2 =	seq.s32 s10, $0x1;
	s10 =	sld [smem:$0x3F90]  }
0x3d: {  	_ =	shalt  }
0x3e: {  	_ =	shalt  }
0x3f: {  	_ =	shalt  }
0x40: {  	_ =	shalt  }
0x41: {  	_ =	shalt  }
0x42: {  	_ =	shalt  }
0x43: {  	_ =	shalt  }
0x44: {  	_ =	shalt  }
0x45: {  	_ =	shalt  }
0x46: {  	_ =	shalt  }
0x47: {  	_ =	shalt  }
0x48: {  	_ =	shalt  }
0x49: {  	_ =	shalt  }
0x4a: {  	_ =	shalt  }
0x4b: {  	_ =	shalt  }
0x4c: {  	_ =	shalt  }
0x4d: {  	_ =	shalt  }
0x4e: {  	_ =	shalt  }
0x4f: {  	_ =	shalt  }
0x50: {  	_ =	shalt  }
0x51: {  	_ =	shalt  }
0x52: {  	_ =	shalt  }
0x53: {  	_ =	shalt  }
0x54: {  	_ =	shalt  }
0x55: {  	_ =	shalt  }
0x56: {  	_ =	shalt  }
0x57: {  	_ =	shalt  }
0x58: {  	_ =	shalt  }
0x59: {  	_ =	shalt  }
0x5a: {  	_ =	shalt  }
0x5b: {  	_ =	shalt  }
0x5c: {  	_ =	shalt  }
0x5d: {  	_ =	shalt  }
0x5e: {  	_ =	shalt  }
0x5f: {  	_ =	shalt  }
0x60: {  	_ =	shalt  }
0x61: {  	_ =	shalt  }
0x62: {  	_ =	shalt  }
0x63: {  	_ =	shalt  }
0x64: {  	_ =	shalt  }
0x65: {  	_ =	shalt  }
0x66: {  	_ =	shalt  }
0x67: {  	_ =	shalt  }
0x68: {  	_ =	shalt  }
0x69: {  	_ =	shalt  }
0x6a: {  	_ =	shalt  }
0x6b: {  	_ =	shalt  }
0x6c: {  	_ =	shalt  }
0x6d: {  	_ =	shalt  }
0x6e: {  	_ =	shalt  }
0x6f: {  	_ =	shalt  }
0x70: {  	_ =	shalt  }
0x71: {  	_ =	shalt  }
0x72: {  	_ =	shalt  }
0x73: {  	_ =	shalt  }
0x74: {  	_ =	shalt  }
0x75: {  	_ =	shalt  }
0x76: {  	_ =	shalt  }
0x77: {  	_ =	shalt  }
0x78: {  	_ =	shalt  }
0x79: {  	_ =	shalt  }
0x7a: {  	_ =	shalt  }
0x7b: {  	_ =	shalt  }
0x7c: {  	_ =	shalt  }
0x7d: {  	_ =	shalt  }
0x7e: {  	_ =	shalt  }
0x7f: {  	_ =	shalt  }
0x80: {  	_ =	shalt  }
0x81: {  	_ =	shalt  }
0x82: {  	_ =	shalt  }
0x83: {  	_ =	shalt  }
0x84: {  	_ =	shalt  }
0x85: {  	_ =	shalt  }
0x86: {  	_ =	shalt  }
0x87: {  	_ =	shalt  }
.Lfunc_end0:
.L_simem_size_0:
called_computation_lowered:
.L_overlay_start_0:
0x88: {  	s2 =	sld [smem:$0x3FD9]  }
0x89: {  	s3 =	sld [smem:$0x3FFE];
	_ =	sdelay $0x1  }
0x8a: {  	s1 =	srdreg.scid  }
0x8b: {  	s0 =	sand.u32 $0x1, s1  }
0x8c: {  	s16 =	sshll.u32 s0, $0xA;
	s2 =	sadd.s32 s3, s2  }
0x8d: {  	s2 =	sadd.s32 s2, s16  }
0x8e: {  	[smem:$0x3F9C] =	sst s2  }
0x8f: {  	_ = 	snop  }
0x90: {  	(tm) =	ssettm $0x1  }
0x91: {  	s17 =	sld [smem:$0x3FFB];
	_ =	sdelay $0x3  }
0x92: {  	_ =	strace s17  }
0x93: {  	s2 =	sld [smem:$0x3FFC];
	_ =	sdelay $0x3  }
0x94: {  	_ =	strace s2  }
0x95: {  	s2 =	sld [smem:$0x3FFD];
	_ =	sdelay $0x3  }
0x96: {  	_ =	strace s2  }
0x97: {  	_ =	strace $0x8FFFFFFF  }
0x98: {  	s18 =	sld [smem:$0x3FDB];
	_ =	sdelay $0x1  }
0x99: {  	s19 =	simm.s32 $_scs_section_size  }
0x9a: {  	s4 =	simm.s32 $_size__tile_overlayer_lowered;
	s5 =	simm.s32 $_tile_overlayer_lowered  }
0x9b: {  	s22 =	simm.s32 $0x1BFF;
	s21 =	sshll.u32 s5, $0x1;
	s2 =	sadd.s32 s19, s18  }
0x9c: {  	s6 =	simm.s32 $0x0;
	s20 =	sshll.u32 s4, $0x1;
	s4 =	sadd.s32 s21, s2  }
0x9d: {  	[timem:s6], [sflag:s22] =	dma.local [hbm:s4], s20  }
0x9e: {  	_ =	swait.ge [sflag:s22], s20  }
0x9f: {  	s3 =	ssub.s32 $0x0, s20;
	[sflag:s22] =	ssyncset.done $0x0  }
0xa0: {  	[sflag:s22] =	ssyncadd.s32 s3;
	_ =	sdelay $0x1  }
0xa1: {  	s23 =	simm.s32 $0x1B8B  }
0xa2: {  	_ =	swait.ge [sflag:s23], $0x1  }
0xa3: {  	[sflag:s23] =	ssyncset.done $0x0  }
0xa4: {  	s25 =	simm.s32 $0x1B8E;
	s24 =	sld [smem:$0x3FFE];
	[sflag:s23] =	ssyncadd.s32 $0xFFFFFFFF  }
0xa5: {  	s26 =	simm.s32 $execute0_lowered;
	[smem:$0x3FD2] =	sst s25  }
0xa6: {  	s4 =	sshll.u32 s26, $0x1;
	_ =	strace $0x80000046;
	[dreg:$0x1] =	wrdreg $0xFFFFFFFF  }
0xa7: {  	s28 =	simm.s32 $_size_execute0_lowered;
	s2 =	sadd.s32 s2, s4;
	[dreg:$0x0] =	wrdreg $0x0  }
0xa8: {  	s4 =	sshll.u32 s28, $0x1;
	[dreg:$0x2] =	wrdreg s2  }
0xa9: {  	[dreg:$0x3] =	wrdreg s4  }
0xaa: {  	[dreg:$0x4] =	wrdreg $0xC0  }
0xab: {  	_ =	task [dreg:s6], $0x5FFFF  }
0xac: {  	[dreg:$0x1] =	wrdreg $0xFFFFFFFF  }
0xad: {  	[dreg:$0x0] =	wrdreg $0x60  }
0xae: {  	[dreg:$0x2] =	wrdreg s24  }
0xaf: {  	[dreg:$0x3] =	wrdreg $0x14A000  }
0xb0: {  	[dreg:$0x4] =	wrdreg $0x9  }
0xb1: {  	_ =	task.clear_ibuf [dreg:s6], $0x5FFFF;
	_ =	strace $0x90000046  }
0xb2: {  	s29 =	simm.s32 $0x9;
	_ =	strace $0x80000048  }
0xb3: {  	_ =	swait.ge [sflag:s29], $0x1  }
0xb4: {  	[sflag:s29] =	ssyncadd.s32 $0xFFFFFFFF  }
0xb5: {  	_ =	strace $0x90000048  }
0xb6: {  	_ =	sfence  }
0xb7: {  	s30 =	sld [smem:$0x0];
	_ =	sdelay $0x2  }
0xb8: {  	s31 =	sshll.u32 s1, $0xD;
	s1 =	sshrl.u32 s1, $0x2  }
0xb9: {  	s3 =	sand.u32 $0x4000, s31;
	s1 =	sadd.s32 s1, s30  }
0xba: {  	s0 =	sor.u32 s3, s0;
	s1 =	sshll.u32 s1, $0x11  }
0xbb: {  	s0 =	sor.u32 s1, s0  }
0xbc: {  	s0 =	sadd.s32 $0x8F2B, s0  }
0xbd: {  	[sflag:s0] =	ssyncadd.remote.s32 $0x1  }
0xbe: {  	_ =	sfence.sel $0xFFFF  }
0xbf: {  	[dreg:$0x0] =	wrdreg $0xFFFFFFFF;
	(pc) =	sbr.abs _section_cstart, $3  }
0xc0: {  	[dreg:$0x1] =	wrdreg $0xFFFFFFFF  }
0xc1: {  	_ =	task.clear_ibuf [dreg:s6], $0x2FFFF;
	_ =	strace $0x9FFFFFFF  }
0xc2: {  	(tm) =	ssettm $0x7FFFFFFF  }
0xc3: {  	_ =	shalt  }
tec
execute0_lowered:
.L_overlay_start_1:
0x0: {  	(tag) =	ssettag $0x1  }
0x1: {  	s0 =	srdreg.scid;
	s3 =	rddreg [dreg:$0x0]  }
0x2: {  	s7 =	stileid.u32;
	s2 =	rddreg [dreg:$0x1];
	s4 =	simm.s32 $0x0  }
0x3: {  	s15 =	simm.s32 $0x7D;
	s16 =	simm.s32 $0x5000;
	s18 =	simm.s32 $0x6F40  }
0x4: {  	s20 =	simm.s32 $0x8E80;
	s22 =	simm.s32 $0xADC0;
	s29 =	simm.s32 $0x10B80  }
0x5: {  	s31 =	simm.s32 $0x12AC0;
	s17 =	simm.s32 $0x2;
	s21 =	simm.s32 $0x3  }
0x6: {  	s30 =	simm.s32 $0x9;
	s19 =	simm.s32 $0x5;
	s28 =	simm.s32 $0x6  }
0x7: {  	s14 =	simm.s32 $0x8;
	s9 =	simm.s32 $0xD;
	s10 =	simm.s32 $0xE  }
0x8: {  	s11 =	simm.s32 $0xF;
	s12 =	simm.s32 $0x0;
	s0 =	sand.u32 $0x1, s0  }
0x9: {  	s1 =	sshll.u32 s7, $0x1;
	s5 =	smul.u32 $0x9E00, s7;
	[smem:$0x7FF] =	sst s4  }
0xa: {  	s4 =	sadd.s32 $0x1CE00, s3;
	s8 =	sadd.s32 $0x30800, s3;
	s24 =	sshll.u32 s7, $0x6  }
0xb: {  	s7 =	simm.s32 $0x7;
	s1 =	sor.u32 s0, s1;
	s6 =	smul.u32 $0x9E000, s0  }
0xc: {  	_ =	strace $0x80000047;
	s0 =	ssub.s32 $0x2, s0;
	[dreg:$0x3] =	wrdreg s8  }
0xd: {  	[dreg:$0x4] =	wrdreg s24;
	s1 =	smul.u32 $0x2800, s1;
	s23 =	sshrl.u32 s0, $0x1  }
0xe: {  	s6 =	sadd.s32 s5, s6;
	s0 =	ssub.s32 s0, s23;
	s5 =	sadd.s32 s5, s2  }
0xf: {  	s1 =	sshrl.u32 s1, $0x3;
	s6 =	sshrl.u32 s6, $0x3;
	s0 =	smax.u32 s0, $0x1  }
0x10: {  	s13 =	sshrl.u32 s5, $0x3;
	s1 =	sadd.s32 s1, s3;
	[dreg:$0x9] =	wrdreg s0  }
0x11: {  	s3 =	sadd.s32 s6, s3;
	s6 =	sor.u32 $0x1C10, s24;
	[dreg:$0xa] =	wrdreg s13  }
0x12: {  	s8 =	simm.s32 $0xC;
	[dreg:$0x5] =	wrdreg s6;
	s25 =	sadd.s32 $0x8E00, s1  }
0x13: {  	s23 =	simm.s32 $0xA;
	s1 =	sadd.s32 $0x12E00, s1;
	[dreg:$0x6] =	wrdreg s25  }
0x14: {  	s5 =	simm.s32 $0xB;
	s26 =	sadd.s32 $0x31C00, s3;
	[dreg:$0x7] =	wrdreg s1  }
0x15: {  	s24 =	simm.s32 $0xCD00;
	s0 =	simm.s32 $0x1;
	[dreg:$0x8] =	wrdreg s26  }
0x16: {  	s26 =	simm.s32 $0xEC40;
	s1 =	simm.s32 $0x10;
	s25 =	simm.s32 $0x4  }
.LBB2_1:
0x17: {  	[dreg:$0xb] =	wrdreg s12  }
0x18: {  	s3 =	rddreg [dreg:$0x3]  }
0x19: {  	s12 =	rddreg [dreg:$0x5]  }
0x1a: {  	[spmem:s13], [sflag:s12] =	dma.local [hbm:s3], $0x13C0  }
0x1b: {  	s6 =	simm.s32 $0x11;
	s3 =	simm.s32 $0x0;
	s12 =	rddreg [dreg:$0x6]  }
0x1c: {  	[tilespmem:s3], [sflag:$0x11] =	stream.linear.gather [hbm4b:s12+s3], $0x2800, $0x38;
	[tilespmem:$0x1E800] =	vst v63  }
0x1d: {  	_ =	swait.ge [sflag:s6], $0x2800  }
0x1e: {  	[sflag:s6] =	ssyncset.done $0x0  }
0x1f: {  	s13 =	simm.s32 $0x2800;
	s12 =	rddreg [dreg:$0x7];
	[sflag:s6] =	ssyncadd.s32 $0xFFFFD800  }
0x20: {  	[tilespmem:s13], [sflag:$0x11] =	stream.linear.gather [hbm4b:s12+s3], $0x2800, $0x38;
	[tilespmem:$0x1E800] =	vst v63  }
0x21: {  	_ =	swait.ge [sflag:s6], $0x2800  }
0x22: {  	[sflag:s6] =	ssyncset.done $0x0  }
0x23: {  	[sflag:s6] =	ssyncadd.s32 $0xFFFFD800  }
0x24: {  	[tilespmem:s16], [sflag:$0x1] =	stream.indirect.gather [hbm4b:s4+s15], $0x40, s3, s15, $0xb8;
	[tilespmem:$0x1E800] =	vst v63  }
0x25: {  	s12 =	simm.s32 $0x80  }
0x26: {  	[tilespmem:s18], [sflag:$0x2] =	stream.indirect.gather [hbm4b:s4+s15], $0x40, s12, s15, $0xb8;
	[tilespmem:$0x1E800] =	vst v63  }
0x27: {  	s6 =	simm.s32 $0x100  }
0x28: {  	[tilespmem:s20], [sflag:$0x3] =	stream.indirect.gather [hbm4b:s4+s15], $0x40, s6, s15, $0xb8;
	[tilespmem:$0x1E800] =	vst v63  }
0x29: {  	s12 =	simm.s32 $0x180  }
0x2a: {  	[tilespmem:s22], [sflag:$0x4] =	stream.indirect.gather [hbm4b:s4+s15], $0x40, s12, s15, $0xb8;
	[tilespmem:$0x1E800] =	vst v63  }
0x2b: {  	s6 =	simm.s32 $0x200  }
0x2c: {  	[tilespmem:s24], [sflag:$0x5] =	stream.indirect.gather [hbm4b:s4+s15], $0x40, s6, s15, $0xb8;
	[tilespmem:$0x1E800] =	vst v63  }
0x2d: {  	s12 =	simm.s32 $0x280  }
0x2e: {  	[tilespmem:s26], [sflag:$0x6] =	stream.indirect.gather [hbm4b:s4+s15], $0x40, s12, s15, $0xb8;
	[tilespmem:$0x1E800] =	vst v63  }
0x2f: {  	s6 =	simm.s32 $0x300  }
0x30: {  	[tilespmem:s29], [sflag:$0x7] =	stream.indirect.gather [hbm4b:s4+s15], $0x40, s6, s15, $0xb8;
	[tilespmem:$0x1E800] =	vst v63  }
0x31: {  	s12 =	simm.s32 $0x380  }
0x32: {  	[tilespmem:s31], [sflag:$0x8] =	stream.indirect.gather [hbm4b:s4+s15], $0x40, s12, s15, $0xb8;
	[tilespmem:$0x1E800] =	vst v63  }
0x33: {  	_ =	swait.ge [sflag:s1], $0x13C0  }
0x34: {  	[sflag:s1] =	ssyncset.done $0x0  }
0x35: {  	[sflag:s1] =	ssyncadd.s32 $0xFFFFEC40  }
0x36: {  	[bflag:$0x0] =	sbarrier.arrive $0xFFFF  }
0x37: {  	_ =	swait.ge [sflag:s0], $0x1F40  }
0x38: {  	[sflag:s0] =	ssyncset.done $0x0  }
0x39: {  	[sflag:s0] =	ssyncadd.s32 $0xFFFFE0C0  }
0x3a: {  	[spmem:s2] =	stream.indirect.scatter.add.f32 [tilespmem:s16], [sflag:$0x9], $0x40, s13, s15, $0xb8;
	[tilespmem:$0x1E800] =	vst v63  }
0x3b: {  	_ =	swait.ge [sflag:s17], $0x1F40  }
0x3c: {  	[sflag:s17] =	ssyncset.done $0x0  }
0x3d: {  	s6 =	simm.s32 $0x2880;
	[sflag:s17] =	ssyncadd.s32 $0xFFFFE0C0  }
0x3e: {  	[spmem:s2] =	stream.indirect.scatter.add.f32 [tilespmem:s18], [sflag:$0xA], $0x40, s6, s15, $0xb8;
	[tilespmem:$0x1E800] =	vst v63  }
0x3f: {  	_ =	swait.ge [sflag:s21], $0x1F40  }
0x40: {  	[sflag:s21] =	ssyncset.done $0x0  }
0x41: {  	s12 =	simm.s32 $0x2900;
	[sflag:s21] =	ssyncadd.s32 $0xFFFFE0C0  }
0x42: {  	[spmem:s2] =	stream.indirect.scatter.add.f32 [tilespmem:s20], [sflag:$0xB], $0x40, s12, s15, $0xb8;
	[tilespmem:$0x1E800] =	vst v63  }
0x43: {  	_ =	swait.ge [sflag:s25], $0x1F40  }
0x44: {  	[sflag:s25] =	ssyncset.done $0x0  }
0x45: {  	s13 =	simm.s32 $0x2980;
	[sflag:s25] =	ssyncadd.s32 $0xFFFFE0C0  }
0x46: {  	[spmem:s2] =	stream.indirect.scatter.add.f32 [tilespmem:s22], [sflag:$0xC], $0x40, s13, s15, $0xb8;
	[tilespmem:$0x1E800] =	vst v63  }
0x47: {  	_ =	swait.ge [sflag:s30], $0x1F40  }
0x48: {  	[sflag:s30] =	ssyncset.done $0x0  }
0x49: {  	s6 =	simm.s32 $0x400;
	[sflag:s30] =	ssyncadd.s32 $0xFFFFE0C0  }
0x4a: {  	[tilespmem:s16], [sflag:$0x1] =	stream.indirect.gather [hbm4b:s4+s15], $0x40, s6, s15, $0xb8;
	[tilespmem:$0x1E800] =	vst v63  }
0x4b: {  	_ =	swait.ge [sflag:s19], $0x1F40  }
0x4c: {  	[sflag:s19] =	ssyncset.done $0x0  }
0x4d: {  	s12 =	simm.s32 $0x2A00;
	[sflag:s19] =	ssyncadd.s32 $0xFFFFE0C0  }
0x4e: {  	[spmem:s2] =	stream.indirect.scatter.add.f32 [tilespmem:s24], [sflag:$0xD], $0x40, s12, s15, $0xb8;
	[tilespmem:$0x1E800] =	vst v63  }
0x4f: {  	_ =	swait.ge [sflag:s23], $0x1F40  }
0x50: {  	[sflag:s23] =	ssyncset.done $0x0  }
0x51: {  	s13 =	simm.s32 $0x480;
	[sflag:s23] =	ssyncadd.s32 $0xFFFFE0C0  }
0x52: {  	[tilespmem:s18], [sflag:$0x2] =	stream.indirect.gather [hbm4b:s4+s15], $0x40, s13, s15, $0xb8;
	[tilespmem:$0x1E800] =	vst v63  }
0x53: {  	_ =	swait.ge [sflag:s28], $0x1F40  }
0x54: {  	[sflag:s28] =	ssyncset.done $0x0  }
0x55: {  	s6 =	simm.s32 $0x2A80;
	[sflag:s28] =	ssyncadd.s32 $0xFFFFE0C0  }
0x56: {  	[spmem:s2] =	stream.indirect.scatter.add.f32 [tilespmem:s26], [sflag:$0xE], $0x40, s6, s15, $0xb8;
	[tilespmem:$0x1E800] =	vst v63  }
0x57: {  	_ =	swait.ge [sflag:s5], $0x1F40  }
0x58: {  	[sflag:s5] =	ssyncset.done $0x0  }
0x59: {  	s12 =	simm.s32 $0x500;
	[sflag:s5] =	ssyncadd.s32 $0xFFFFE0C0  }
0x5a: {  	[tilespmem:s20], [sflag:$0x3] =	stream.indirect.gather [hbm4b:s4+s15], $0x40, s12, s15, $0xb8;
	[tilespmem:$0x1E800] =	vst v63  }
0x5b: {  	_ =	swait.ge [sflag:s7], $0x1F40  }
0x5c: {  	[sflag:s7] =	ssyncset.done $0x0  }
0x5d: {  	s13 =	simm.s32 $0x2B00;
	[sflag:s7] =	ssyncadd.s32 $0xFFFFE0C0  }
0x5e: {  	[spmem:s2] =	stream.indirect.scatter.add.f32 [tilespmem:s29], [sflag:$0xF], $0x40, s13, s15, $0xb8;
	[tilespmem:$0x1E800] =	vst v63  }
0x5f: {  	_ =	swait.ge [sflag:s8], $0x1F40  }
0x60: {  	[sflag:s8] =	ssyncset.done $0x0  }
0x61: {  	s6 =	simm.s32 $0x580;
	[sflag:s8] =	ssyncadd.s32 $0xFFFFE0C0  }
0x62: {  	[tilespmem:s22], [sflag:$0x4] =	stream.indirect.gather [hbm4b:s4+s15], $0x40, s6, s15, $0xb8;
	[tilespmem:$0x1E800] =	vst v63  }
0x63: {  	_ =	swait.ge [sflag:s14], $0x1F40  }
0x64: {  	[sflag:s14] =	ssyncset.done $0x0  }
0x65: {  	s12 =	simm.s32 $0x2B80;
	[sflag:s14] =	ssyncadd.s32 $0xFFFFE0C0  }
0x66: {  	[spmem:s2] =	stream.indirect.scatter.add.f32 [tilespmem:s31], [sflag:$0x10], $0x40, s12, s15, $0xb8;
	[tilespmem:$0x1E800] =	vst v63  }
0x67: {  	_ =	swait.ge [sflag:s9], $0x1F40  }
0x68: {  	[sflag:s9] =	ssyncset.done $0x0  }
0x69: {  	s13 =	simm.s32 $0x600;
	[sflag:s9] =	ssyncadd.s32 $0xFFFFE0C0  }
0x6a: {  	[tilespmem:s24], [sflag:$0x5] =	stream.indirect.gather [hbm4b:s4+s15], $0x40, s13, s15, $0xb8;
	[tilespmem:$0x1E800] =	vst v63  }
0x6b: {  	_ =	swait.ge [sflag:s0], $0x1F40  }
0x6c: {  	[sflag:s0] =	ssyncset.done $0x0  }
0x6d: {  	s6 =	simm.s32 $0x2C00;
	[sflag:s0] =	ssyncadd.s32 $0xFFFFE0C0  }
0x6e: {  	[spmem:s2] =	stream.indirect.scatter.add.f32 [tilespmem:s16], [sflag:$0x9], $0x40, s6, s15, $0xb8;
	[tilespmem:$0x1E800] =	vst v63  }
0x6f: {  	_ =	swait.ge [sflag:s10], $0x1F40  }
0x70: {  	[sflag:s10] =	ssyncset.done $0x0  }
0x71: {  	s12 =	simm.s32 $0x680;
	[sflag:s10] =	ssyncadd.s32 $0xFFFFE0C0  }
0x72: {  	[tilespmem:s26], [sflag:$0x6] =	stream.indirect.gather [hbm4b:s4+s15], $0x40, s12, s15, $0xb8;
	[tilespmem:$0x1E800] =	vst v63  }
0x73: {  	_ =	swait.ge [sflag:s17], $0x1F40  }
0x74: {  	[sflag:s17] =	ssyncset.done $0x0  }
0x75: {  	s13 =	simm.s32 $0x2C80;
	[sflag:s17] =	ssyncadd.s32 $0xFFFFE0C0  }
0x76: {  	[spmem:s2] =	stream.indirect.scatter.add.f32 [tilespmem:s18], [sflag:$0xA], $0x40, s13, s15, $0xb8;
	[tilespmem:$0x1E800] =	vst v63  }
0x77: {  	_ =	swait.ge [sflag:s11], $0x1F40  }
0x78: {  	[sflag:s11] =	ssyncset.done $0x0  }
0x79: {  	s6 =	simm.s32 $0x700;
	[sflag:s11] =	ssyncadd.s32 $0xFFFFE0C0  }
0x7a: {  	[tilespmem:s29], [sflag:$0x7] =	stream.indirect.gather [hbm4b:s4+s15], $0x40, s6, s15, $0xb8;
	[tilespmem:$0x1E800] =	vst v63  }
0x7b: {  	_ =	swait.ge [sflag:s21], $0x1F40  }
0x7c: {  	[sflag:s21] =	ssyncset.done $0x0  }
0x7d: {  	s12 =	simm.s32 $0x2D00;
	[sflag:s21] =	ssyncadd.s32 $0xFFFFE0C0  }
0x7e: {  	[spmem:s2] =	stream.indirect.scatter.add.f32 [tilespmem:s20], [sflag:$0xB], $0x40, s12, s15, $0xb8;
	[tilespmem:$0x1E800] =	vst v63  }
0x7f: {  	_ =	swait.ge [sflag:s1], $0x1F40  }
0x80: {  	[sflag:s1] =	ssyncset.done $0x0  }
0x81: {  	s13 =	simm.s32 $0x780;
	[sflag:s1] =	ssyncadd.s32 $0xFFFFE0C0  }
0x82: {  	[tilespmem:s31], [sflag:$0x8] =	stream.indirect.gather [hbm4b:s4+s15], $0x40, s13, s15, $0xb8;
	[tilespmem:$0x1E800] =	vst v63  }
0x83: {  	_ =	swait.ge [sflag:s25], $0x1F40  }
0x84: {  	[sflag:s25] =	ssyncset.done $0x0  }
0x85: {  	s3 =	simm.s32 $0x1000;
	s12 =	simm.s32 $0x2D80;
	[sflag:s25] =	ssyncadd.s32 $0xFFFFE0C0  }
.LBB2_2:
0x86: {  	[spmem:s2] =	stream.indirect.scatter.add.f32 [tilespmem:s22], [sflag:$0xC], $0x40, s12, s15, $0xb8;
	[tilespmem:$0x1E800] =	vst v63  }
0x87: {  	s12 =	smov.u32 s3  }
0x88: {  	p0 =	sne.s32 s3, $0x8000;
	s3 =	sadd.s32 $0x1000, s3;
	_ =	swait.ge [sflag:s30], $0x1F40  }
0x89: {  	s12 =	sshra.s32 s12, $0x2;
	[sflag:s30] =	ssyncset.done $0x0  }
0x8a: {  	s13 =	sadd.s32 $0x400, s12;
	[sflag:s30] =	ssyncadd.s32 $0xFFFFE0C0  }
0x8b: {  	[tilespmem:s16], [sflag:$0x1] =	stream.indirect.gather [hbm4b:s4+s15], $0x40, s13, s15, $0xb8;
	[tilespmem:$0x1E800] =	vst v63  }
0x8c: {  	_ =	swait.ge [sflag:s19], $0x1F40  }
0x8d: {  	[sflag:s19] =	ssyncset.done $0x0  }
0x8e: {  	s13 =	sadd.s32 $0x2A00, s12;
	[sflag:s19] =	ssyncadd.s32 $0xFFFFE0C0  }
0x8f: {  	[spmem:s2] =	stream.indirect.scatter.add.f32 [tilespmem:s24], [sflag:$0xD], $0x40, s13, s15, $0xb8;
	[tilespmem:$0x1E800] =	vst v63  }
0x90: {  	_ =	swait.ge [sflag:s23], $0x1F40  }
0x91: {  	[sflag:s23] =	ssyncset.done $0x0  }
0x92: {  	s13 =	sadd.s32 $0x480, s12;
	[sflag:s23] =	ssyncadd.s32 $0xFFFFE0C0  }
0x93: {  	[tilespmem:s18], [sflag:$0x2] =	stream.indirect.gather [hbm4b:s4+s15], $0x40, s13, s15, $0xb8;
	[tilespmem:$0x1E800] =	vst v63  }
0x94: {  	_ =	swait.ge [sflag:s28], $0x1F40  }
0x95: {  	[sflag:s28] =	ssyncset.done $0x0  }
0x96: {  	s13 =	sadd.s32 $0x2A80, s12;
	[sflag:s28] =	ssyncadd.s32 $0xFFFFE0C0  }
0x97: {  	[spmem:s2] =	stream.indirect.scatter.add.f32 [tilespmem:s26], [sflag:$0xE], $0x40, s13, s15, $0xb8;
	[tilespmem:$0x1E800] =	vst v63  }
0x98: {  	_ =	swait.ge [sflag:s5], $0x1F40  }
0x99: {  	[sflag:s5] =	ssyncset.done $0x0  }
0x9a: {  	s13 =	sadd.s32 $0x500, s12;
	[sflag:s5] =	ssyncadd.s32 $0xFFFFE0C0  }
0x9b: {  	[tilespmem:s20], [sflag:$0x3] =	stream.indirect.gather [hbm4b:s4+s15], $0x40, s13, s15, $0xb8;
	[tilespmem:$0x1E800] =	vst v63  }
0x9c: {  	_ =	swait.ge [sflag:s7], $0x1F40  }
0x9d: {  	[sflag:s7] =	ssyncset.done $0x0  }
0x9e: {  	s13 =	sadd.s32 $0x2B00, s12;
	[sflag:s7] =	ssyncadd.s32 $0xFFFFE0C0  }
0x9f: {  	[spmem:s2] =	stream.indirect.scatter.add.f32 [tilespmem:s29], [sflag:$0xF], $0x40, s13, s15, $0xb8;
	[tilespmem:$0x1E800] =	vst v63  }
0xa0: {  	_ =	swait.ge [sflag:s8], $0x1F40  }
0xa1: {  	[sflag:s8] =	ssyncset.done $0x0  }
0xa2: {  	s13 =	sadd.s32 $0x580, s12;
	[sflag:s8] =	ssyncadd.s32 $0xFFFFE0C0  }
0xa3: {  	[tilespmem:s22], [sflag:$0x4] =	stream.indirect.gather [hbm4b:s4+s15], $0x40, s13, s15, $0xb8;
	[tilespmem:$0x1E800] =	vst v63  }
0xa4: {  	_ =	swait.ge [sflag:s14], $0x1F40  }
0xa5: {  	[sflag:s14] =	ssyncset.done $0x0  }
0xa6: {  	s13 =	sadd.s32 $0x2B80, s12;
	[sflag:s14] =	ssyncadd.s32 $0xFFFFE0C0  }
0xa7: {  	[spmem:s2] =	stream.indirect.scatter.add.f32 [tilespmem:s31], [sflag:$0x10], $0x40, s13, s15, $0xb8;
	[tilespmem:$0x1E800] =	vst v63  }
0xa8: {  	_ =	swait.ge [sflag:s9], $0x1F40  }
0xa9: {  	[sflag:s9] =	ssyncset.done $0x0  }
0xaa: {  	s13 =	sadd.s32 $0x600, s12;
	[sflag:s9] =	ssyncadd.s32 $0xFFFFE0C0  }
0xab: {  	[tilespmem:s24], [sflag:$0x5] =	stream.indirect.gather [hbm4b:s4+s15], $0x40, s13, s15, $0xb8;
	[tilespmem:$0x1E800] =	vst v63  }
0xac: {  	_ =	swait.ge [sflag:s0], $0x1F40  }
0xad: {  	[sflag:s0] =	ssyncset.done $0x0  }
0xae: {  	s13 =	sadd.s32 $0x2C00, s12;
	[sflag:s0] =	ssyncadd.s32 $0xFFFFE0C0  }
0xaf: {  	[spmem:s2] =	stream.indirect.scatter.add.f32 [tilespmem:s16], [sflag:$0x9], $0x40, s13, s15, $0xb8;
	[tilespmem:$0x1E800] =	vst v63  }
0xb0: {  	_ =	swait.ge [sflag:s10], $0x1F40  }
0xb1: {  	[sflag:s10] =	ssyncset.done $0x0  }
0xb2: {  	s13 =	sadd.s32 $0x680, s12;
	[sflag:s10] =	ssyncadd.s32 $0xFFFFE0C0  }
0xb3: {  	[tilespmem:s26], [sflag:$0x6] =	stream.indirect.gather [hbm4b:s4+s15], $0x40, s13, s15, $0xb8;
	[tilespmem:$0x1E800] =	vst v63  }
0xb4: {  	_ =	swait.ge [sflag:s17], $0x1F40  }
0xb5: {  	[sflag:s17] =	ssyncset.done $0x0  }
0xb6: {  	s13 =	sadd.s32 $0x2C80, s12;
	[sflag:s17] =	ssyncadd.s32 $0xFFFFE0C0  }
0xb7: {  	[spmem:s2] =	stream.indirect.scatter.add.f32 [tilespmem:s18], [sflag:$0xA], $0x40, s13, s15, $0xb8;
	[tilespmem:$0x1E800] =	vst v63  }
0xb8: {  	_ =	swait.ge [sflag:s11], $0x1F40  }
0xb9: {  	[sflag:s11] =	ssyncset.done $0x0  }
0xba: {  	s13 =	sadd.s32 $0x700, s12;
	[sflag:s11] =	ssyncadd.s32 $0xFFFFE0C0  }
0xbb: {  	[tilespmem:s29], [sflag:$0x7] =	stream.indirect.gather [hbm4b:s4+s15], $0x40, s13, s15, $0xb8;
	[tilespmem:$0x1E800] =	vst v63  }
0xbc: {  	_ =	swait.ge [sflag:s21], $0x1F40  }
0xbd: {  	[sflag:s21] =	ssyncset.done $0x0  }
0xbe: {  	s13 =	sadd.s32 $0x2D00, s12;
	[sflag:s21] =	ssyncadd.s32 $0xFFFFE0C0  }
0xbf: {  	[spmem:s2] =	stream.indirect.scatter.add.f32 [tilespmem:s20], [sflag:$0xB], $0x40, s13, s15, $0xb8;
	[tilespmem:$0x1E800] =	vst v63  }
0xc0: {  	_ =	swait.ge [sflag:s1], $0x1F40  }
0xc1: {  	[sflag:s1] =	ssyncset.done $0x0  }
.Ltmp0:
0xc2: {  	s13 =	sadd.s32 $0x780, s12;
	[sflag:s1] =	ssyncadd.s32 $0xFFFFE0C0;
	(pc) =	sbr.rel @p0 .LBB2_2-.Ltmp0, $4  }
0xc3: {  	[tilespmem:s31], [sflag:$0x8] =	stream.indirect.gather [hbm4b:s4+s15], $0x40, s13, s15, $0xb8;
	[tilespmem:$0x1E800] =	vst v63  }
0xc4: {  	_ =	swait.ge [sflag:s25], $0x1F40  }
0xc5: {  	[sflag:s25] =	ssyncset.done $0x0  }
0xc6: {  	s12 =	sadd.s32 $0x2D80, s12;
	[sflag:s25] =	ssyncadd.s32 $0xFFFFE0C0  }
0xc7: {  	[spmem:s2] =	stream.indirect.scatter.add.f32 [tilespmem:s22], [sflag:$0xC], $0x40, s12, s15, $0xb8;
	[tilespmem:$0x1E800] =	vst v63  }
0xc8: {  	_ =	swait.ge [sflag:s19], $0x1F40  }
0xc9: {  	[sflag:s19] =	ssyncset.done $0x0  }
0xca: {  	s3 =	simm.s32 $0x4E00;
	[sflag:s19] =	ssyncadd.s32 $0xFFFFE0C0  }
0xcb: {  	[spmem:s2] =	stream.indirect.scatter.add.f32 [tilespmem:s24], [sflag:$0xD], $0x40, s3, s15, $0xb8;
	[tilespmem:$0x1E800] =	vst v63  }
0xcc: {  	_ =	swait.ge [sflag:s28], $0x1F40  }
0xcd: {  	[sflag:s28] =	ssyncset.done $0x0  }
0xce: {  	s13 =	simm.s32 $0x4E80;
	[sflag:s28] =	ssyncadd.s32 $0xFFFFE0C0  }
0xcf: {  	[spmem:s2] =	stream.indirect.scatter.add.f32 [tilespmem:s26], [sflag:$0xE], $0x40, s13, s15, $0xb8;
	[tilespmem:$0x1E800] =	vst v63  }
0xd0: {  	_ =	swait.ge [sflag:s7], $0x1F40  }
0xd1: {  	[sflag:s7] =	ssyncset.done $0x0  }
0xd2: {  	s6 =	simm.s32 $0x4F00;
	[sflag:s7] =	ssyncadd.s32 $0xFFFFE0C0  }
0xd3: {  	[spmem:s2] =	stream.indirect.scatter.add.f32 [tilespmem:s29], [sflag:$0xF], $0x40, s6, s15, $0xb8;
	[tilespmem:$0x1E800] =	vst v63  }
0xd4: {  	_ =	swait.ge [sflag:s14], $0x1F40  }
0xd5: {  	[sflag:s14] =	ssyncset.done $0x0  }
0xd6: {  	s12 =	simm.s32 $0x4F80;
	[sflag:s14] =	ssyncadd.s32 $0xFFFFE0C0  }
0xd7: {  	[spmem:s2] =	stream.indirect.scatter.add.f32 [tilespmem:s31], [sflag:$0x10], $0x40, s12, s15, $0xb8;
	[tilespmem:$0x1E800] =	vst v63  }
0xd8: {  	_ =	swait.ge [sflag:s30], $0x1F40  }
0xd9: {  	[sflag:s30] =	ssyncset.done $0x0  }
0xda: {  	[sflag:s30] =	ssyncadd.s32 $0xFFFFE0C0  }
0xdb: {  	_ =	swait.ge [sflag:s23], $0x1F40  }
0xdc: {  	[sflag:s23] =	ssyncset.done $0x0  }
0xdd: {  	[sflag:s23] =	ssyncadd.s32 $0xFFFFE0C0  }
0xde: {  	_ =	swait.ge [sflag:s5], $0x1F40  }
0xdf: {  	[sflag:s5] =	ssyncset.done $0x0  }
0xe0: {  	[sflag:s5] =	ssyncadd.s32 $0xFFFFE0C0  }
0xe1: {  	_ =	swait.ge [sflag:s8], $0x1F40  }
0xe2: {  	[sflag:s8] =	ssyncset.done $0x0  }
0xe3: {  	[sflag:s8] =	ssyncadd.s32 $0xFFFFE0C0  }
0xe4: {  	_ =	swait.ge [sflag:s9], $0x1F40  }
0xe5: {  	[sflag:s9] =	ssyncset.done $0x0  }
0xe6: {  	[sflag:s9] =	ssyncadd.s32 $0xFFFFE0C0  }
0xe7: {  	_ =	swait.ge [sflag:s10], $0x1F40  }
0xe8: {  	[sflag:s10] =	ssyncset.done $0x0  }
0xe9: {  	[sflag:s10] =	ssyncadd.s32 $0xFFFFE0C0  }
0xea: {  	_ =	swait.ge [sflag:s11], $0x1F40  }
0xeb: {  	[sflag:s11] =	ssyncset.done $0x0  }
0xec: {  	[sflag:s11] =	ssyncadd.s32 $0xFFFFE0C0  }
0xed: {  	_ =	swait.ge [sflag:s1], $0x1F40  }
0xee: {  	[sflag:s1] =	ssyncset.done $0x0  }
0xef: {  	[sflag:s1] =	ssyncadd.s32 $0xFFFFE0C0  }
0xf0: {  	[bflag:$0x0] =	sbarrier.arrive $0xFFFF  }
0xf1: {  	s13 =	rddreg [dreg:$0x4]  }
0xf2: {  	s6 =	rddreg [dreg:$0x8]  }
0xf3: {  	s3 =	sor.u32 $0x1C11, s13;
	s13 =	rddreg [dreg:$0xa]  }
0xf4: {  	[hbm:s6], [sflag:s3] =	dma.local [spmem:s13], $0x13C0  }
0xf5: {  	s6 =	simm.s32 $0x11  }
0xf6: {  	_ =	swait.ge [sflag:s6], $0x13C0  }
0xf7: {  	s3 =	rddreg [dreg:$0xb]  }
0xf8: {  	s12 =	sadd.s32 $0x1, s3;
	s3 =	rddreg [dreg:$0x9]  }
0xf9: {  	p0 =	sne.s32 s12, s3  }
.Ltmp1:
0xfa: {  	_ = 	snop;
	(pc) =	sbr.rel @p0 .LBB2_1-.Ltmp1, $3  }
0xfb: {  	_ =	sdelay $0x1  }
0xfc: {  	[sflag:s6] =	ssyncset.done $0x0  }
0xfd: {  	[sflag:s6] =	ssyncadd.s32 $0xFFFFEC40  }
0xfe: {  	_ =	sfence.sel $0x180000  }
0xff: {  	[bflag:$0x0] =	sbarrier.arrive $0xFFFF  }
0x100: {  	_ =	strace $0x90000047  }
0x101: {  	s0 =	stileid.u32;
	[bflag:$0x2] =	sbarrier.arrive $0xFFFF  }
0x102: {  	p0 =	sne.s32 s0, $0x0;
	s0 =	rddreg [dreg:$0x2]  }
0x103: {  	s0 =	sadd.s32 @!p0 $0x100000, s0  }
0x104: {  	[sflag:s0] =	ssyncadd.tile.s32 @!p0 $0x1;
	_ =	shalt  }
.Lfunc_end2:
_tile_overlayer_lowered:
.L_overlay_start_2:
0x105: {  	(tag) =	ssettag $0x2  }
0x106: {  	s0 =	rddreg [dreg:$0x0];
	s2 =	stileid.u32  }
0x107: {  	s1 =	rddreg [dreg:$0x1];
	p0 =	sne.s32 s2, $0x0  }
0x108: {  	s3 =	rddreg [dreg:$0x2];
	[bflag:$0x3] =	sbarrier.arrive $0xFFFF;
	s2 =	simm.s32 @!p0 $0x1C11  }
0x109: {  	[timem:s3], [sflag:s2] =	dma.local @!p0 [hbm:s0], s1  }
0x10a: {  	s0 =	simm.s32 @!p0 $0x11  }
0x10b: {  	_ =	swait.ge @!p0 [sflag:s0], s1  }
0x10c: {  	s1 =	ssub.s32 @!p0 $0x0, s1;
	[sflag:s0] =	ssyncset.done @!p0 $0x0  }
0x10d: {  	[sflag:s0] =	ssyncadd.s32 @!p0 s1  }
0x10e: {  	[bflag:$0x3] =	sbarrier.arrive $0xFFFF  }
0x10f: {  	_ =	shalt  }

// kernel: kernel.14.cloned.1.call-start
scs
__scs_entry_jumppad:
0x0: {  	(pc) =	sbr.rel $0x88, $3  }
0x1: {  	(tag) =	ssettag $0x0;
	lr =	simm.s32 $0x1  }
0x2: {  	[smem:$0x3F75] =	sst lr;
	_ =	strace $0xD0000000  }
0x3: {  	_ = 	snop  }
0x4: {  	_ = 	snop  }
0x5: {  	_ = 	snop  }
0x6: {  	_ = 	snop  }
0x7: {  	_ = 	snop  }
__scs_overlays_trampoline_lowered:
0x8: {  	[smem:$0x3F84] =	sst s0  }
0x9: {  	[smem:$0x3F85] =	sst s1  }
0xa: {  	[smem:$0x3F86] =	sst s2  }
0xb: {  	[smem:$0x3F87] =	sst s3  }
0xc: {  	[smem:$0x3F88] =	sst s4  }
0xd: {  	[smem:$0x3F89] =	sst s5  }
0xe: {  	[smem:$0x3F8A] =	sst s6  }
0xf: {  	[smem:$0x3F8B] =	sst s7  }
0x10: {  	[smem:$0x3F8C] =	sst s8  }
0x11: {  	[smem:$0x3F8D] =	sst s9;
	s0 =	simm.s32 @!p0 $0x0  }
0x12: {  	s1 =	sld [smem:$0x3F73];
	s0 =	simm.s32 @p0 $0x1  }
0x13: {  	[smem:$0x3F8E] =	sst s0;
	s0 =	simm.s32 @!p1 $0x0  }
0x14: {  	s2 =	sld [smem:$0x3F72];
	s0 =	simm.s32 @p1 $0x1  }
0x15: {  	[smem:$0x3F8F] =	sst s0;
	s0 =	simm.s32 @!p2 $0x0  }
0x16: {  	s3 =	sld [smem:$0x3FDB];
	s0 =	simm.s32 @p2 $0x1  }
0x17: {  	s4 =	simm.s32 $0x1BF5;
	[smem:$0x3F91] =	sst s0  }
0x18: {  	s0 =	sld [smem:$0x3F74];
	_ =	swait.ge [sflag:s4], $0x0  }
0x19: {  	s7 =	sld [smem:$0x3F75]  }
0x1a: {  	s8 =	sadd.s32 $0xFFFFE003, lr  }
0x1b: {  	s9 =	sadd.s32 $0xFFFFFEF7, lr;
	s5 =	simm.s32 $0xFFFFFFFF;
	p2 =	slt.u32 s8, $0xFFFFF086  }
0x1c: {  	p1 =	slt.u32 s9, $0xF7A;
	s5 =	simm.s32 @!p2 $0x0  }
0x1d: {  	s5 =	simm.s32 @p1 $0x1;
	p0 =	seq.s32 s7, s2  }
0x1e: {  	s7 =	smul.u32 @!p0 $0xF7A, s2;
	p2 =	seq.s32 @!p0 s5, $0x0  }
0x1f: {  	s9 =	smul.u32 $0xF7A, s1;
	s8 =	simm.s32 @!p0 $0x1BF5;
	p2 =	por !p2, p0  }
0x20: {  	[sflag:s8] =	ssyncset.s32 @!p0 $0xFFFFF086;
	s6 =	sadd.s32 @!p0 s3, s7;
	s7 =	simm.s32 @!p0 $0x108  }
0x21: {  	s3 =	sadd.s32 s3, s9;
	s6 =	sadd.s32 @!p0 $0x88, s6;
	s7 =	simm.s32 @p2 $0x1082  }
0x22: {  	[simem:s7], [sflag:s8] =	dma.local @!p0 [hbm:s6], $0xF7A  }
0x23: {  	s9 =	sor.u32 $0xD0000000, s2;
	s6 =	simm.s32 $0x108;
	_ =	swait.ge @!p0 [sflag:s8], $0x0  }
0x24: {  	s3 =	sadd.s32 $0x88, s3;
	s6 =	simm.s32 @!p1 $0x1082;
	[sflag:s4] =	ssyncset.s32 $0xFFFFF086  }
0x25: {  	[simem:s6], [sflag:s4] =	dma.local [hbm:s3], $0xF7A  }
0x26: {  	[smem:$0x3F75] =	sst s1;
	(tag) =	ssettag s2;
	_ =	strace s9  }
0x27: {  	s1 =	sld [smem:$0x3F85]  }
0x28: {  	s2 =	sld [smem:$0x3F86]  }
0x29: {  	s4 =	sld [smem:$0x3F88]  }
0x2a: {  	p0 =	seq.s32 s5, $0x0;
	s5 =	sld [smem:$0x3F89]  }
0x2b: {  	s6 =	sld [smem:$0x3F8A]  }
0x2c: {  	s7 =	sld [smem:$0x3F8B]  }
0x2d: {  	s3 =	simm.s32 $0x108;
	s8 =	sld [smem:$0x3F8C]  }
0x2e: {  	s3 =	simm.s32 @!p0 $0x1082;
	s9 =	sld [smem:$0x3F8D]  }
0x2f: {  	lr =	sadd.s32 s0, s3;
	s0 =	sld [smem:$0x3F84]  }
0x30: {  	s3 =	sld [smem:$0x3F87]  }
0x31: {  	[smem:$0x3F90] =	sst s10  }
0x32: {  	s10 =	sld [smem:$0x3F8E];
	_ =	sdelay $0x3  }
0x33: {  	p0 =	seq.s32 s10, $0x1;
	s10 =	sld [smem:$0x3F90];
	_ =	sdelay $0x3  }
0x34: {  	[smem:$0x3F90] =	sst s10  }
0x35: {  	s10 =	sld [smem:$0x3F8F];
	_ =	sdelay $0x3  }
0x36: {  	p1 =	seq.s32 s10, $0x1;
	s10 =	sld [smem:$0x3F90];
	_ =	sdelay $0x3  }
0x37: {  	[smem:$0x3F90] =	sst s10  }
0x38: {  	s10 =	sld [smem:$0x3F91]  }
0x39: {  	_ = 	snop;
	(pc) =	sbr.ind lr, $3  }
0x3a: {  	_ = 	snop  }
0x3b: {  	_ = 	snop  }
0x3c: {  	p2 =	seq.s32 s10, $0x1;
	s10 =	sld [smem:$0x3F90]  }
0x3d: {  	_ =	shalt  }
0x3e: {  	_ =	shalt  }
0x3f: {  	_ =	shalt  }
0x40: {  	_ =	shalt  }
0x41: {  	_ =	shalt  }
0x42: {  	_ =	shalt  }
0x43: {  	_ =	shalt  }
0x44: {  	_ =	shalt  }
0x45: {  	_ =	shalt  }
0x46: {  	_ =	shalt  }
0x47: {  	_ =	shalt  }
0x48: {  	_ =	shalt  }
0x49: {  	_ =	shalt  }
0x4a: {  	_ =	shalt  }
0x4b: {  	_ =	shalt  }
0x4c: {  	_ =	shalt  }
0x4d: {  	_ =	shalt  }
0x4e: {  	_ =	shalt  }
0x4f: {  	_ =	shalt  }
0x50: {  	_ =	shalt  }
0x51: {  	_ =	shalt  }
0x52: {  	_ =	shalt  }
0x53: {  	_ =	shalt  }
0x54: {  	_ =	shalt  }
0x55: {  	_ =	shalt  }
0x56: {  	_ =	shalt  }
0x57: {  	_ =	shalt  }
0x58: {  	_ =	shalt  }
0x59: {  	_ =	shalt  }
0x5a: {  	_ =	shalt  }
0x5b: {  	_ =	shalt  }
0x5c: {  	_ =	shalt  }
0x5d: {  	_ =	shalt  }
0x5e: {  	_ =	shalt  }
0x5f: {  	_ =	shalt  }
0x60: {  	_ =	shalt  }
0x61: {  	_ =	shalt  }
0x62: {  	_ =	shalt  }
0x63: {  	_ =	shalt  }
0x64: {  	_ =	shalt  }
0x65: {  	_ =	shalt  }
0x66: {  	_ =	shalt  }
0x67: {  	_ =	shalt  }
0x68: {  	_ =	shalt  }
0x69: {  	_ =	shalt  }
0x6a: {  	_ =	shalt  }
0x6b: {  	_ =	shalt  }
0x6c: {  	_ =	shalt  }
0x6d: {  	_ =	shalt  }
0x6e: {  	_ =	shalt  }
0x6f: {  	_ =	shalt  }
0x70: {  	_ =	shalt  }
0x71: {  	_ =	shalt  }
0x72: {  	_ =	shalt  }
0x73: {  	_ =	shalt  }
0x74: {  	_ =	shalt  }
0x75: {  	_ =	shalt  }
0x76: {  	_ =	shalt  }
0x77: {  	_ =	shalt  }
0x78: {  	_ =	shalt  }
0x79: {  	_ =	shalt  }
0x7a: {  	_ =	shalt  }
0x7b: {  	_ =	shalt  }
0x7c: {  	_ =	shalt  }
0x7d: {  	_ =	shalt  }
0x7e: {  	_ =	shalt  }
0x7f: {  	_ =	shalt  }
0x80: {  	_ =	shalt  }
0x81: {  	_ =	shalt  }
0x82: {  	_ =	shalt  }
0x83: {  	_ =	shalt  }
0x84: {  	_ =	shalt  }
0x85: {  	_ =	shalt  }
0x86: {  	_ =	shalt  }
0x87: {  	_ =	shalt  }
.Lfunc_end0:
.L_simem_size_0:
called_computation.1_lowered:
.L_overlay_start_0:
0x88: {  	s2 =	sld [smem:$0x3FD9]  }
0x89: {  	s3 =	sld [smem:$0x3FFE];
	_ =	sdelay $0x1  }
0x8a: {  	s1 =	srdreg.scid  }
0x8b: {  	s0 =	sand.u32 $0x1, s1  }
0x8c: {  	s16 =	sshll.u32 s0, $0xA;
	s2 =	sadd.s32 s3, s2  }
0x8d: {  	s2 =	sadd.s32 s2, s16  }
0x8e: {  	[smem:$0x3F9C] =	sst s2  }
0x8f: {  	_ = 	snop  }
0x90: {  	(tm) =	ssettm $0x1  }
0x91: {  	s17 =	sld [smem:$0x3FFB];
	_ =	sdelay $0x3  }
0x92: {  	_ =	strace s17  }
0x93: {  	s2 =	sld [smem:$0x3FFC];
	_ =	sdelay $0x3  }
0x94: {  	_ =	strace s2  }
0x95: {  	s2 =	sld [smem:$0x3FFD];
	_ =	sdelay $0x3  }
0x96: {  	_ =	strace s2  }
0x97: {  	_ =	strace $0x8FFFFFFF  }
0x98: {  	s18 =	sld [smem:$0x3FDB];
	_ =	sdelay $0x1  }
0x99: {  	s19 =	simm.s32 $_scs_section_size  }
0x9a: {  	s4 =	simm.s32 $_size__tile_overlayer_lowered;
	s5 =	simm.s32 $_tile_overlayer_lowered  }
0x9b: {  	s22 =	simm.s32 $0x1BFF;
	s21 =	sshll.u32 s5, $0x1;
	s2 =	sadd.s32 s19, s18  }
0x9c: {  	s6 =	simm.s32 $0x0;
	s20 =	sshll.u32 s4, $0x1;
	s4 =	sadd.s32 s21, s2  }
0x9d: {  	[timem:s6], [sflag:s22] =	dma.local [hbm:s4], s20  }
0x9e: {  	_ =	swait.ge [sflag:s22], s20  }
0x9f: {  	s3 =	ssub.s32 $0x0, s20;
	[sflag:s22] =	ssyncset.done $0x0  }
0xa0: {  	[sflag:s22] =	ssyncadd.s32 s3;
	_ =	sdelay $0x1  }
0xa1: {  	s23 =	simm.s32 $0x1B8B  }
0xa2: {  	_ =	swait.ge [sflag:s23], $0x1  }
0xa3: {  	[sflag:s23] =	ssyncset.done $0x0  }
0xa4: {  	s25 =	simm.s32 $0x1B8E;
	s24 =	sld [smem:$0x3FFE];
	[sflag:s23] =	ssyncadd.s32 $0xFFFFFFFF  }
0xa5: {  	s26 =	simm.s32 $execute0_lowered;
	[smem:$0x3FD2] =	sst s25  }
0xa6: {  	s4 =	sshll.u32 s26, $0x1;
	_ =	strace $0x80000049;
	[dreg:$0x1] =	wrdreg $0xFFFFFFFF  }
0xa7: {  	s28 =	simm.s32 $_size_execute0_lowered;
	s2 =	sadd.s32 s2, s4;
	[dreg:$0x0] =	wrdreg $0x0  }
0xa8: {  	s4 =	sshll.u32 s28, $0x1;
	[dreg:$0x2] =	wrdreg s2  }
0xa9: {  	[dreg:$0x3] =	wrdreg s4  }
0xaa: {  	[dreg:$0x4] =	wrdreg $0xC0  }
0xab: {  	_ =	task [dreg:s6], $0x5FFFF  }
0xac: {  	[dreg:$0x1] =	wrdreg $0xFFFFFFFF  }
0xad: {  	[dreg:$0x0] =	wrdreg $0x60  }
0xae: {  	[dreg:$0x2] =	wrdreg s24  }
0xaf: {  	[dreg:$0x3] =	wrdreg $0x14A000  }
0xb0: {  	[dreg:$0x4] =	wrdreg $0x9  }
0xb1: {  	_ =	task.clear_ibuf [dreg:s6], $0x5FFFF;
	_ =	strace $0x90000049  }
0xb2: {  	s29 =	simm.s32 $0x9;
	_ =	strace $0x8000004B  }
0xb3: {  	_ =	swait.ge [sflag:s29], $0x1  }
0xb4: {  	[sflag:s29] =	ssyncadd.s32 $0xFFFFFFFF  }
0xb5: {  	_ =	strace $0x9000004B  }
0xb6: {  	_ =	sfence  }
0xb7: {  	s30 =	sld [smem:$0x0];
	_ =	sdelay $0x2  }
0xb8: {  	s31 =	sshll.u32 s1, $0xD;
	s1 =	sshrl.u32 s1, $0x2  }
0xb9: {  	s3 =	sand.u32 $0x4000, s31;
	s1 =	sadd.s32 s1, s30  }
0xba: {  	s0 =	sor.u32 s3, s0;
	s1 =	sshll.u32 s1, $0x11  }
0xbb: {  	s0 =	sor.u32 s1, s0  }
0xbc: {  	s0 =	sadd.s32 $0x8F2B, s0  }
0xbd: {  	[sflag:s0] =	ssyncadd.remote.s32 $0x1  }
0xbe: {  	_ =	sfence.sel $0xFFFF  }
0xbf: {  	[dreg:$0x0] =	wrdreg $0xFFFFFFFF;
	(pc) =	sbr.abs _section_cstart, $3  }
0xc0: {  	[dreg:$0x1] =	wrdreg $0xFFFFFFFF  }
0xc1: {  	_ =	task.clear_ibuf [dreg:s6], $0x2FFFF;
	_ =	strace $0x9FFFFFFF  }
0xc2: {  	(tm) =	ssettm $0x7FFFFFFF  }
0xc3: {  	_ =	shalt  }
tec
execute0_lowered:
.L_overlay_start_1:
0x0: {  	(tag) =	ssettag $0x1  }
0x1: {  	s0 =	srdreg.scid;
	s3 =	rddreg [dreg:$0x0]  }
0x2: {  	s7 =	stileid.u32;
	s2 =	rddreg [dreg:$0x1];
	s4 =	simm.s32 $0x0  }
0x3: {  	s15 =	simm.s32 $0x7D;
	s16 =	simm.s32 $0x5000;
	s18 =	simm.s32 $0x6F40  }
0x4: {  	s20 =	simm.s32 $0x8E80;
	s22 =	simm.s32 $0xADC0;
	s29 =	simm.s32 $0x10B80  }
0x5: {  	s31 =	simm.s32 $0x12AC0;
	s17 =	simm.s32 $0x2;
	s21 =	simm.s32 $0x3  }
0x6: {  	s30 =	simm.s32 $0x9;
	s19 =	simm.s32 $0x5;
	s28 =	simm.s32 $0x6  }
0x7: {  	s14 =	simm.s32 $0x8;
	s9 =	simm.s32 $0xD;
	s10 =	simm.s32 $0xE  }
0x8: {  	s11 =	simm.s32 $0xF;
	s12 =	simm.s32 $0x0;
	s0 =	sand.u32 $0x1, s0  }
0x9: {  	s1 =	sshll.u32 s7, $0x1;
	s5 =	smul.u32 $0x9E00, s7;
	[smem:$0x7FF] =	sst s4  }
0xa: {  	s4 =	sadd.s32 $0x1CE00, s3;
	s8 =	sadd.s32 $0x30800, s3;
	s24 =	sshll.u32 s7, $0x6  }
0xb: {  	s7 =	simm.s32 $0x7;
	s1 =	sor.u32 s0, s1;
	s6 =	smul.u32 $0x9E000, s0  }
0xc: {  	_ =	strace $0x8000004A;
	s0 =	ssub.s32 $0x2, s0;
	[dreg:$0x3] =	wrdreg s8  }
0xd: {  	[dreg:$0x4] =	wrdreg s24;
	s1 =	smul.u32 $0x2800, s1;
	s23 =	sshrl.u32 s0, $0x1  }
0xe: {  	s6 =	sadd.s32 s5, s6;
	s0 =	ssub.s32 s0, s23;
	s5 =	sadd.s32 s5, s2  }
0xf: {  	s1 =	sshrl.u32 s1, $0x3;
	s6 =	sshrl.u32 s6, $0x3;
	s0 =	smax.u32 s0, $0x1  }
0x10: {  	s13 =	sshrl.u32 s5, $0x3;
	s1 =	sadd.s32 s1, s3;
	[dreg:$0x9] =	wrdreg s0  }
0x11: {  	s3 =	sadd.s32 s6, s3;
	s6 =	sor.u32 $0x1C10, s24;
	[dreg:$0xa] =	wrdreg s13  }
0x12: {  	s8 =	simm.s32 $0xC;
	[dreg:$0x5] =	wrdreg s6;
	s25 =	sadd.s32 $0x8E00, s1  }
0x13: {  	s23 =	simm.s32 $0xA;
	s1 =	sadd.s32 $0x12E00, s1;
	[dreg:$0x6] =	wrdreg s25  }
0x14: {  	s5 =	simm.s32 $0xB;
	s26 =	sadd.s32 $0x31C00, s3;
	[dreg:$0x7] =	wrdreg s1  }
0x15: {  	s24 =	simm.s32 $0xCD00;
	s0 =	simm.s32 $0x1;
	[dreg:$0x8] =	wrdreg s26  }
0x16: {  	s26 =	simm.s32 $0xEC40;
	s1 =	simm.s32 $0x10;
	s25 =	simm.s32 $0x4  }
.LBB2_1:
0x17: {  	[dreg:$0xb] =	wrdreg s12  }
0x18: {  	s3 =	rddreg [dreg:$0x3]  }
0x19: {  	s12 =	rddreg [dreg:$0x5]  }
0x1a: {  	[spmem:s13], [sflag:s12] =	dma.local [hbm:s3], $0x13C0  }
0x1b: {  	s6 =	simm.s32 $0x11;
	s3 =	simm.s32 $0x0;
	s12 =	rddreg [dreg:$0x6]  }
0x1c: {  	[tilespmem:s3], [sflag:$0x11] =	stream.linear.gather [hbm4b:s12+s3], $0x2800, $0x38;
	[tilespmem:$0x1E800] =	vst v63  }
0x1d: {  	_ =	swait.ge [sflag:s6], $0x2800  }
0x1e: {  	[sflag:s6] =	ssyncset.done $0x0  }
0x1f: {  	s13 =	simm.s32 $0x2800;
	s12 =	rddreg [dreg:$0x7];
	[sflag:s6] =	ssyncadd.s32 $0xFFFFD800  }
0x20: {  	[tilespmem:s13], [sflag:$0x11] =	stream.linear.gather [hbm4b:s12+s3], $0x2800, $0x38;
	[tilespmem:$0x1E800] =	vst v63  }
0x21: {  	_ =	swait.ge [sflag:s6], $0x2800  }
0x22: {  	[sflag:s6] =	ssyncset.done $0x0  }
0x23: {  	[sflag:s6] =	ssyncadd.s32 $0xFFFFD800  }
0x24: {  	[tilespmem:s16], [sflag:$0x1] =	stream.indirect.gather [hbm4b:s4+s15], $0x40, s3, s15, $0xb8;
	[tilespmem:$0x1E800] =	vst v63  }
0x25: {  	s12 =	simm.s32 $0x80  }
0x26: {  	[tilespmem:s18], [sflag:$0x2] =	stream.indirect.gather [hbm4b:s4+s15], $0x40, s12, s15, $0xb8;
	[tilespmem:$0x1E800] =	vst v63  }
0x27: {  	s6 =	simm.s32 $0x100  }
0x28: {  	[tilespmem:s20], [sflag:$0x3] =	stream.indirect.gather [hbm4b:s4+s15], $0x40, s6, s15, $0xb8;
	[tilespmem:$0x1E800] =	vst v63  }
0x29: {  	s12 =	simm.s32 $0x180  }
0x2a: {  	[tilespmem:s22], [sflag:$0x4] =	stream.indirect.gather [hbm4b:s4+s15], $0x40, s12, s15, $0xb8;
	[tilespmem:$0x1E800] =	vst v63  }
0x2b: {  	s6 =	simm.s32 $0x200  }
0x2c: {  	[tilespmem:s24], [sflag:$0x5] =	stream.indirect.gather [hbm4b:s4+s15], $0x40, s6, s15, $0xb8;
	[tilespmem:$0x1E800] =	vst v63  }
0x2d: {  	s12 =	simm.s32 $0x280  }
0x2e: {  	[tilespmem:s26], [sflag:$0x6] =	stream.indirect.gather [hbm4b:s4+s15], $0x40, s12, s15, $0xb8;
	[tilespmem:$0x1E800] =	vst v63  }
0x2f: {  	s6 =	simm.s32 $0x300  }
0x30: {  	[tilespmem:s29], [sflag:$0x7] =	stream.indirect.gather [hbm4b:s4+s15], $0x40, s6, s15, $0xb8;
	[tilespmem:$0x1E800] =	vst v63  }
0x31: {  	s12 =	simm.s32 $0x380  }
0x32: {  	[tilespmem:s31], [sflag:$0x8] =	stream.indirect.gather [hbm4b:s4+s15], $0x40, s12, s15, $0xb8;
	[tilespmem:$0x1E800] =	vst v63  }
0x33: {  	_ =	swait.ge [sflag:s1], $0x13C0  }
0x34: {  	[sflag:s1] =	ssyncset.done $0x0  }
0x35: {  	[sflag:s1] =	ssyncadd.s32 $0xFFFFEC40  }
0x36: {  	[bflag:$0x0] =	sbarrier.arrive $0xFFFF  }
0x37: {  	_ =	swait.ge [sflag:s0], $0x1F40  }
0x38: {  	[sflag:s0] =	ssyncset.done $0x0  }
0x39: {  	[sflag:s0] =	ssyncadd.s32 $0xFFFFE0C0  }
0x3a: {  	[spmem:s2] =	stream.indirect.scatter.add.f32 [tilespmem:s16], [sflag:$0x9], $0x40, s13, s15, $0xb8;
	[tilespmem:$0x1E800] =	vst v63  }
0x3b: {  	_ =	swait.ge [sflag:s17], $0x1F40  }
0x3c: {  	[sflag:s17] =	ssyncset.done $0x0  }
0x3d: {  	s6 =	simm.s32 $0x2880;
	[sflag:s17] =	ssyncadd.s32 $0xFFFFE0C0  }
0x3e: {  	[spmem:s2] =	stream.indirect.scatter.add.f32 [tilespmem:s18], [sflag:$0xA], $0x40, s6, s15, $0xb8;
	[tilespmem:$0x1E800] =	vst v63  }
0x3f: {  	_ =	swait.ge [sflag:s21], $0x1F40  }
0x40: {  	[sflag:s21] =	ssyncset.done $0x0  }
0x41: {  	s12 =	simm.s32 $0x2900;
	[sflag:s21] =	ssyncadd.s32 $0xFFFFE0C0  }
0x42: {  	[spmem:s2] =	stream.indirect.scatter.add.f32 [tilespmem:s20], [sflag:$0xB], $0x40, s12, s15, $0xb8;
	[tilespmem:$0x1E800] =	vst v63  }
0x43: {  	_ =	swait.ge [sflag:s25], $0x1F40  }
0x44: {  	[sflag:s25] =	ssyncset.done $0x0  }
0x45: {  	s13 =	simm.s32 $0x2980;
	[sflag:s25] =	ssyncadd.s32 $0xFFFFE0C0  }
0x46: {  	[spmem:s2] =	stream.indirect.scatter.add.f32 [tilespmem:s22], [sflag:$0xC], $0x40, s13, s15, $0xb8;
	[tilespmem:$0x1E800] =	vst v63  }
0x47: {  	_ =	swait.ge [sflag:s30], $0x1F40  }
0x48: {  	[sflag:s30] =	ssyncset.done $0x0  }
0x49: {  	s6 =	simm.s32 $0x400;
	[sflag:s30] =	ssyncadd.s32 $0xFFFFE0C0  }
0x4a: {  	[tilespmem:s16], [sflag:$0x1] =	stream.indirect.gather [hbm4b:s4+s15], $0x40, s6, s15, $0xb8;
	[tilespmem:$0x1E800] =	vst v63  }
0x4b: {  	_ =	swait.ge [sflag:s19], $0x1F40  }
0x4c: {  	[sflag:s19] =	ssyncset.done $0x0  }
0x4d: {  	s12 =	simm.s32 $0x2A00;
	[sflag:s19] =	ssyncadd.s32 $0xFFFFE0C0  }
0x4e: {  	[spmem:s2] =	stream.indirect.scatter.add.f32 [tilespmem:s24], [sflag:$0xD], $0x40, s12, s15, $0xb8;
	[tilespmem:$0x1E800] =	vst v63  }
0x4f: {  	_ =	swait.ge [sflag:s23], $0x1F40  }
0x50: {  	[sflag:s23] =	ssyncset.done $0x0  }
0x51: {  	s13 =	simm.s32 $0x480;
	[sflag:s23] =	ssyncadd.s32 $0xFFFFE0C0  }
0x52: {  	[tilespmem:s18], [sflag:$0x2] =	stream.indirect.gather [hbm4b:s4+s15], $0x40, s13, s15, $0xb8;
	[tilespmem:$0x1E800] =	vst v63  }
0x53: {  	_ =	swait.ge [sflag:s28], $0x1F40  }
0x54: {  	[sflag:s28] =	ssyncset.done $0x0  }
0x55: {  	s6 =	simm.s32 $0x2A80;
	[sflag:s28] =	ssyncadd.s32 $0xFFFFE0C0  }
0x56: {  	[spmem:s2] =	stream.indirect.scatter.add.f32 [tilespmem:s26], [sflag:$0xE], $0x40, s6, s15, $0xb8;
	[tilespmem:$0x1E800] =	vst v63  }
0x57: {  	_ =	swait.ge [sflag:s5], $0x1F40  }
0x58: {  	[sflag:s5] =	ssyncset.done $0x0  }
0x59: {  	s12 =	simm.s32 $0x500;
	[sflag:s5] =	ssyncadd.s32 $0xFFFFE0C0  }
0x5a: {  	[tilespmem:s20], [sflag:$0x3] =	stream.indirect.gather [hbm4b:s4+s15], $0x40, s12, s15, $0xb8;
	[tilespmem:$0x1E800] =	vst v63  }
0x5b: {  	_ =	swait.ge [sflag:s7], $0x1F40  }
0x5c: {  	[sflag:s7] =	ssyncset.done $0x0  }
0x5d: {  	s13 =	simm.s32 $0x2B00;
	[sflag:s7] =	ssyncadd.s32 $0xFFFFE0C0  }
0x5e: {  	[spmem:s2] =	stream.indirect.scatter.add.f32 [tilespmem:s29], [sflag:$0xF], $0x40, s13, s15, $0xb8;
	[tilespmem:$0x1E800] =	vst v63  }
0x5f: {  	_ =	swait.ge [sflag:s8], $0x1F40  }
0x60: {  	[sflag:s8] =	ssyncset.done $0x0  }
0x61: {  	s6 =	simm.s32 $0x580;
	[sflag:s8] =	ssyncadd.s32 $0xFFFFE0C0  }
0x62: {  	[tilespmem:s22], [sflag:$0x4] =	stream.indirect.gather [hbm4b:s4+s15], $0x40, s6, s15, $0xb8;
	[tilespmem:$0x1E800] =	vst v63  }
0x63: {  	_ =	swait.ge [sflag:s14], $0x1F40  }
0x64: {  	[sflag:s14] =	ssyncset.done $0x0  }
0x65: {  	s12 =	simm.s32 $0x2B80;
	[sflag:s14] =	ssyncadd.s32 $0xFFFFE0C0  }
0x66: {  	[spmem:s2] =	stream.indirect.scatter.add.f32 [tilespmem:s31], [sflag:$0x10], $0x40, s12, s15, $0xb8;
	[tilespmem:$0x1E800] =	vst v63  }
0x67: {  	_ =	swait.ge [sflag:s9], $0x1F40  }
0x68: {  	[sflag:s9] =	ssyncset.done $0x0  }
0x69: {  	s13 =	simm.s32 $0x600;
	[sflag:s9] =	ssyncadd.s32 $0xFFFFE0C0  }
0x6a: {  	[tilespmem:s24], [sflag:$0x5] =	stream.indirect.gather [hbm4b:s4+s15], $0x40, s13, s15, $0xb8;
	[tilespmem:$0x1E800] =	vst v63  }
0x6b: {  	_ =	swait.ge [sflag:s0], $0x1F40  }
0x6c: {  	[sflag:s0] =	ssyncset.done $0x0  }
0x6d: {  	s6 =	simm.s32 $0x2C00;
	[sflag:s0] =	ssyncadd.s32 $0xFFFFE0C0  }
0x6e: {  	[spmem:s2] =	stream.indirect.scatter.add.f32 [tilespmem:s16], [sflag:$0x9], $0x40, s6, s15, $0xb8;
	[tilespmem:$0x1E800] =	vst v63  }
0x6f: {  	_ =	swait.ge [sflag:s10], $0x1F40  }
0x70: {  	[sflag:s10] =	ssyncset.done $0x0  }
0x71: {  	s12 =	simm.s32 $0x680;
	[sflag:s10] =	ssyncadd.s32 $0xFFFFE0C0  }
0x72: {  	[tilespmem:s26], [sflag:$0x6] =	stream.indirect.gather [hbm4b:s4+s15], $0x40, s12, s15, $0xb8;
	[tilespmem:$0x1E800] =	vst v63  }
0x73: {  	_ =	swait.ge [sflag:s17], $0x1F40  }
0x74: {  	[sflag:s17] =	ssyncset.done $0x0  }
0x75: {  	s13 =	simm.s32 $0x2C80;
	[sflag:s17] =	ssyncadd.s32 $0xFFFFE0C0  }
0x76: {  	[spmem:s2] =	stream.indirect.scatter.add.f32 [tilespmem:s18], [sflag:$0xA], $0x40, s13, s15, $0xb8;
	[tilespmem:$0x1E800] =	vst v63  }
0x77: {  	_ =	swait.ge [sflag:s11], $0x1F40  }
0x78: {  	[sflag:s11] =	ssyncset.done $0x0  }
0x79: {  	s6 =	simm.s32 $0x700;
	[sflag:s11] =	ssyncadd.s32 $0xFFFFE0C0  }
0x7a: {  	[tilespmem:s29], [sflag:$0x7] =	stream.indirect.gather [hbm4b:s4+s15], $0x40, s6, s15, $0xb8;
	[tilespmem:$0x1E800] =	vst v63  }
0x7b: {  	_ =	swait.ge [sflag:s21], $0x1F40  }
0x7c: {  	[sflag:s21] =	ssyncset.done $0x0  }
0x7d: {  	s12 =	simm.s32 $0x2D00;
	[sflag:s21] =	ssyncadd.s32 $0xFFFFE0C0  }
0x7e: {  	[spmem:s2] =	stream.indirect.scatter.add.f32 [tilespmem:s20], [sflag:$0xB], $0x40, s12, s15, $0xb8;
	[tilespmem:$0x1E800] =	vst v63  }
0x7f: {  	_ =	swait.ge [sflag:s1], $0x1F40  }
0x80: {  	[sflag:s1] =	ssyncset.done $0x0  }
0x81: {  	s13 =	simm.s32 $0x780;
	[sflag:s1] =	ssyncadd.s32 $0xFFFFE0C0  }
0x82: {  	[tilespmem:s31], [sflag:$0x8] =	stream.indirect.gather [hbm4b:s4+s15], $0x40, s13, s15, $0xb8;
	[tilespmem:$0x1E800] =	vst v63  }
0x83: {  	_ =	swait.ge [sflag:s25], $0x1F40  }
0x84: {  	[sflag:s25] =	ssyncset.done $0x0  }
0x85: {  	s3 =	simm.s32 $0x1000;
	s12 =	simm.s32 $0x2D80;
	[sflag:s25] =	ssyncadd.s32 $0xFFFFE0C0  }
.LBB2_2:
0x86: {  	[spmem:s2] =	stream.indirect.scatter.add.f32 [tilespmem:s22], [sflag:$0xC], $0x40, s12, s15, $0xb8;
	[tilespmem:$0x1E800] =	vst v63  }
0x87: {  	s12 =	smov.u32 s3  }
0x88: {  	p0 =	sne.s32 s3, $0x8000;
	s3 =	sadd.s32 $0x1000, s3;
	_ =	swait.ge [sflag:s30], $0x1F40  }
0x89: {  	s12 =	sshra.s32 s12, $0x2;
	[sflag:s30] =	ssyncset.done $0x0  }
0x8a: {  	s13 =	sadd.s32 $0x400, s12;
	[sflag:s30] =	ssyncadd.s32 $0xFFFFE0C0  }
0x8b: {  	[tilespmem:s16], [sflag:$0x1] =	stream.indirect.gather [hbm4b:s4+s15], $0x40, s13, s15, $0xb8;
	[tilespmem:$0x1E800] =	vst v63  }
0x8c: {  	_ =	swait.ge [sflag:s19], $0x1F40  }
0x8d: {  	[sflag:s19] =	ssyncset.done $0x0  }
0x8e: {  	s13 =	sadd.s32 $0x2A00, s12;
	[sflag:s19] =	ssyncadd.s32 $0xFFFFE0C0  }
0x8f: {  	[spmem:s2] =	stream.indirect.scatter.add.f32 [tilespmem:s24], [sflag:$0xD], $0x40, s13, s15, $0xb8;
	[tilespmem:$0x1E800] =	vst v63  }
0x90: {  	_ =	swait.ge [sflag:s23], $0x1F40  }
0x91: {  	[sflag:s23] =	ssyncset.done $0x0  }
0x92: {  	s13 =	sadd.s32 $0x480, s12;
	[sflag:s23] =	ssyncadd.s32 $0xFFFFE0C0  }
0x93: {  	[tilespmem:s18], [sflag:$0x2] =	stream.indirect.gather [hbm4b:s4+s15], $0x40, s13, s15, $0xb8;
	[tilespmem:$0x1E800] =	vst v63  }
0x94: {  	_ =	swait.ge [sflag:s28], $0x1F40  }
0x95: {  	[sflag:s28] =	ssyncset.done $0x0  }
0x96: {  	s13 =	sadd.s32 $0x2A80, s12;
	[sflag:s28] =	ssyncadd.s32 $0xFFFFE0C0  }
0x97: {  	[spmem:s2] =	stream.indirect.scatter.add.f32 [tilespmem:s26], [sflag:$0xE], $0x40, s13, s15, $0xb8;
	[tilespmem:$0x1E800] =	vst v63  }
0x98: {  	_ =	swait.ge [sflag:s5], $0x1F40  }
0x99: {  	[sflag:s5] =	ssyncset.done $0x0  }
0x9a: {  	s13 =	sadd.s32 $0x500, s12;
	[sflag:s5] =	ssyncadd.s32 $0xFFFFE0C0  }
0x9b: {  	[tilespmem:s20], [sflag:$0x3] =	stream.indirect.gather [hbm4b:s4+s15], $0x40, s13, s15, $0xb8;
	[tilespmem:$0x1E800] =	vst v63  }
0x9c: {  	_ =	swait.ge [sflag:s7], $0x1F40  }
0x9d: {  	[sflag:s7] =	ssyncset.done $0x0  }
0x9e: {  	s13 =	sadd.s32 $0x2B00, s12;
	[sflag:s7] =	ssyncadd.s32 $0xFFFFE0C0  }
0x9f: {  	[spmem:s2] =	stream.indirect.scatter.add.f32 [tilespmem:s29], [sflag:$0xF], $0x40, s13, s15, $0xb8;
	[tilespmem:$0x1E800] =	vst v63  }
0xa0: {  	_ =	swait.ge [sflag:s8], $0x1F40  }
0xa1: {  	[sflag:s8] =	ssyncset.done $0x0  }
0xa2: {  	s13 =	sadd.s32 $0x580, s12;
	[sflag:s8] =	ssyncadd.s32 $0xFFFFE0C0  }
0xa3: {  	[tilespmem:s22], [sflag:$0x4] =	stream.indirect.gather [hbm4b:s4+s15], $0x40, s13, s15, $0xb8;
	[tilespmem:$0x1E800] =	vst v63  }
0xa4: {  	_ =	swait.ge [sflag:s14], $0x1F40  }
0xa5: {  	[sflag:s14] =	ssyncset.done $0x0  }
0xa6: {  	s13 =	sadd.s32 $0x2B80, s12;
	[sflag:s14] =	ssyncadd.s32 $0xFFFFE0C0  }
0xa7: {  	[spmem:s2] =	stream.indirect.scatter.add.f32 [tilespmem:s31], [sflag:$0x10], $0x40, s13, s15, $0xb8;
	[tilespmem:$0x1E800] =	vst v63  }
0xa8: {  	_ =	swait.ge [sflag:s9], $0x1F40  }
0xa9: {  	[sflag:s9] =	ssyncset.done $0x0  }
0xaa: {  	s13 =	sadd.s32 $0x600, s12;
	[sflag:s9] =	ssyncadd.s32 $0xFFFFE0C0  }
0xab: {  	[tilespmem:s24], [sflag:$0x5] =	stream.indirect.gather [hbm4b:s4+s15], $0x40, s13, s15, $0xb8;
	[tilespmem:$0x1E800] =	vst v63  }
0xac: {  	_ =	swait.ge [sflag:s0], $0x1F40  }
0xad: {  	[sflag:s0] =	ssyncset.done $0x0  }
0xae: {  	s13 =	sadd.s32 $0x2C00, s12;
	[sflag:s0] =	ssyncadd.s32 $0xFFFFE0C0  }
0xaf: {  	[spmem:s2] =	stream.indirect.scatter.add.f32 [tilespmem:s16], [sflag:$0x9], $0x40, s13, s15, $0xb8;
	[tilespmem:$0x1E800] =	vst v63  }
0xb0: {  	_ =	swait.ge [sflag:s10], $0x1F40  }
0xb1: {  	[sflag:s10] =	ssyncset.done $0x0  }
0xb2: {  	s13 =	sadd.s32 $0x680, s12;
	[sflag:s10] =	ssyncadd.s32 $0xFFFFE0C0  }
0xb3: {  	[tilespmem:s26], [sflag:$0x6] =	stream.indirect.gather [hbm4b:s4+s15], $0x40, s13, s15, $0xb8;
	[tilespmem:$0x1E800] =	vst v63  }
0xb4: {  	_ =	swait.ge [sflag:s17], $0x1F40  }
0xb5: {  	[sflag:s17] =	ssyncset.done $0x0  }
0xb6: {  	s13 =	sadd.s32 $0x2C80, s12;
	[sflag:s17] =	ssyncadd.s32 $0xFFFFE0C0  }
0xb7: {  	[spmem:s2] =	stream.indirect.scatter.add.f32 [tilespmem:s18], [sflag:$0xA], $0x40, s13, s15, $0xb8;
	[tilespmem:$0x1E800] =	vst v63  }
0xb8: {  	_ =	swait.ge [sflag:s11], $0x1F40  }
0xb9: {  	[sflag:s11] =	ssyncset.done $0x0  }
0xba: {  	s13 =	sadd.s32 $0x700, s12;
	[sflag:s11] =	ssyncadd.s32 $0xFFFFE0C0  }
0xbb: {  	[tilespmem:s29], [sflag:$0x7] =	stream.indirect.gather [hbm4b:s4+s15], $0x40, s13, s15, $0xb8;
	[tilespmem:$0x1E800] =	vst v63  }
0xbc: {  	_ =	swait.ge [sflag:s21], $0x1F40  }
0xbd: {  	[sflag:s21] =	ssyncset.done $0x0  }
0xbe: {  	s13 =	sadd.s32 $0x2D00, s12;
	[sflag:s21] =	ssyncadd.s32 $0xFFFFE0C0  }
0xbf: {  	[spmem:s2] =	stream.indirect.scatter.add.f32 [tilespmem:s20], [sflag:$0xB], $0x40, s13, s15, $0xb8;
	[tilespmem:$0x1E800] =	vst v63  }
0xc0: {  	_ =	swait.ge [sflag:s1], $0x1F40  }
0xc1: {  	[sflag:s1] =	ssyncset.done $0x0  }
.Ltmp0:
0xc2: {  	s13 =	sadd.s32 $0x780, s12;
	[sflag:s1] =	ssyncadd.s32 $0xFFFFE0C0;
	(pc) =	sbr.rel @p0 .LBB2_2-.Ltmp0, $4  }
0xc3: {  	[tilespmem:s31], [sflag:$0x8] =	stream.indirect.gather [hbm4b:s4+s15], $0x40, s13, s15, $0xb8;
	[tilespmem:$0x1E800] =	vst v63  }
0xc4: {  	_ =	swait.ge [sflag:s25], $0x1F40  }
0xc5: {  	[sflag:s25] =	ssyncset.done $0x0  }
0xc6: {  	s12 =	sadd.s32 $0x2D80, s12;
	[sflag:s25] =	ssyncadd.s32 $0xFFFFE0C0  }
0xc7: {  	[spmem:s2] =	stream.indirect.scatter.add.f32 [tilespmem:s22], [sflag:$0xC], $0x40, s12, s15, $0xb8;
	[tilespmem:$0x1E800] =	vst v63  }
0xc8: {  	_ =	swait.ge [sflag:s19], $0x1F40  }
0xc9: {  	[sflag:s19] =	ssyncset.done $0x0  }
0xca: {  	s3 =	simm.s32 $0x4E00;
	[sflag:s19] =	ssyncadd.s32 $0xFFFFE0C0  }
0xcb: {  	[spmem:s2] =	stream.indirect.scatter.add.f32 [tilespmem:s24], [sflag:$0xD], $0x40, s3, s15, $0xb8;
	[tilespmem:$0x1E800] =	vst v63  }
0xcc: {  	_ =	swait.ge [sflag:s28], $0x1F40  }
0xcd: {  	[sflag:s28] =	ssyncset.done $0x0  }
0xce: {  	s13 =	simm.s32 $0x4E80;
	[sflag:s28] =	ssyncadd.s32 $0xFFFFE0C0  }
0xcf: {  	[spmem:s2] =	stream.indirect.scatter.add.f32 [tilespmem:s26], [sflag:$0xE], $0x40, s13, s15, $0xb8;
	[tilespmem:$0x1E800] =	vst v63  }
0xd0: {  	_ =	swait.ge [sflag:s7], $0x1F40  }
0xd1: {  	[sflag:s7] =	ssyncset.done $0x0  }
0xd2: {  	s6 =	simm.s32 $0x4F00;
	[sflag:s7] =	ssyncadd.s32 $0xFFFFE0C0  }
0xd3: {  	[spmem:s2] =	stream.indirect.scatter.add.f32 [tilespmem:s29], [sflag:$0xF], $0x40, s6, s15, $0xb8;
	[tilespmem:$0x1E800] =	vst v63  }
0xd4: {  	_ =	swait.ge [sflag:s14], $0x1F40  }
0xd5: {  	[sflag:s14] =	ssyncset.done $0x0  }
0xd6: {  	s12 =	simm.s32 $0x4F80;
	[sflag:s14] =	ssyncadd.s32 $0xFFFFE0C0  }
0xd7: {  	[spmem:s2] =	stream.indirect.scatter.add.f32 [tilespmem:s31], [sflag:$0x10], $0x40, s12, s15, $0xb8;
	[tilespmem:$0x1E800] =	vst v63  }
0xd8: {  	_ =	swait.ge [sflag:s30], $0x1F40  }
0xd9: {  	[sflag:s30] =	ssyncset.done $0x0  }
0xda: {  	[sflag:s30] =	ssyncadd.s32 $0xFFFFE0C0  }
0xdb: {  	_ =	swait.ge [sflag:s23], $0x1F40  }
0xdc: {  	[sflag:s23] =	ssyncset.done $0x0  }
0xdd: {  	[sflag:s23] =	ssyncadd.s32 $0xFFFFE0C0  }
0xde: {  	_ =	swait.ge [sflag:s5], $0x1F40  }
0xdf: {  	[sflag:s5] =	ssyncset.done $0x0  }
0xe0: {  	[sflag:s5] =	ssyncadd.s32 $0xFFFFE0C0  }
0xe1: {  	_ =	swait.ge [sflag:s8], $0x1F40  }
0xe2: {  	[sflag:s8] =	ssyncset.done $0x0  }
0xe3: {  	[sflag:s8] =	ssyncadd.s32 $0xFFFFE0C0  }
0xe4: {  	_ =	swait.ge [sflag:s9], $0x1F40  }
0xe5: {  	[sflag:s9] =	ssyncset.done $0x0  }
0xe6: {  	[sflag:s9] =	ssyncadd.s32 $0xFFFFE0C0  }
0xe7: {  	_ =	swait.ge [sflag:s10], $0x1F40  }
0xe8: {  	[sflag:s10] =	ssyncset.done $0x0  }
0xe9: {  	[sflag:s10] =	ssyncadd.s32 $0xFFFFE0C0  }
0xea: {  	_ =	swait.ge [sflag:s11], $0x1F40  }
0xeb: {  	[sflag:s11] =	ssyncset.done $0x0  }
0xec: {  	[sflag:s11] =	ssyncadd.s32 $0xFFFFE0C0  }
0xed: {  	_ =	swait.ge [sflag:s1], $0x1F40  }
0xee: {  	[sflag:s1] =	ssyncset.done $0x0  }
0xef: {  	[sflag:s1] =	ssyncadd.s32 $0xFFFFE0C0  }
0xf0: {  	[bflag:$0x0] =	sbarrier.arrive $0xFFFF  }
0xf1: {  	s13 =	rddreg [dreg:$0x4]  }
0xf2: {  	s6 =	rddreg [dreg:$0x8]  }
0xf3: {  	s3 =	sor.u32 $0x1C11, s13;
	s13 =	rddreg [dreg:$0xa]  }
0xf4: {  	[hbm:s6], [sflag:s3] =	dma.local [spmem:s13], $0x13C0  }
0xf5: {  	s6 =	simm.s32 $0x11  }
0xf6: {  	_ =	swait.ge [sflag:s6], $0x13C0  }
0xf7: {  	s3 =	rddreg [dreg:$0xb]  }
0xf8: {  	s12 =	sadd.s32 $0x1, s3;
	s3 =	rddreg [dreg:$0x9]  }
0xf9: {  	p0 =	sne.s32 s12, s3  }
.Ltmp1:
0xfa: {  	_ = 	snop;
	(pc) =	sbr.rel @p0 .LBB2_1-.Ltmp1, $3  }
0xfb: {  	_ =	sdelay $0x1  }
0xfc: {  	[sflag:s6] =	ssyncset.done $0x0  }
0xfd: {  	[sflag:s6] =	ssyncadd.s32 $0xFFFFEC40  }
0xfe: {  	_ =	sfence.sel $0x180000  }
0xff: {  	[bflag:$0x0] =	sbarrier.arrive $0xFFFF  }
0x100: {  	_ =	strace $0x9000004A  }
0x101: {  	s0 =	stileid.u32;
	[bflag:$0x2] =	sbarrier.arrive $0xFFFF  }
0x102: {  	p0 =	sne.s32 s0, $0x0;
	s0 =	rddreg [dreg:$0x2]  }
0x103: {  	s0 =	sadd.s32 @!p0 $0x100000, s0  }
0x104: {  	[sflag:s0] =	ssyncadd.tile.s32 @!p0 $0x1;
	_ =	shalt  }
.Lfunc_end2:
_tile_overlayer_lowered:
.L_overlay_start_2:
0x105: {  	(tag) =	ssettag $0x2  }
0x106: {  	s0 =	rddreg [dreg:$0x0];
	s2 =	stileid.u32  }
0x107: {  	s1 =	rddreg [dreg:$0x1];
	p0 =	sne.s32 s2, $0x0  }
0x108: {  	s3 =	rddreg [dreg:$0x2];
	[bflag:$0x3] =	sbarrier.arrive $0xFFFF;
	s2 =	simm.s32 @!p0 $0x1C11  }
0x109: {  	[timem:s3], [sflag:s2] =	dma.local @!p0 [hbm:s0], s1  }
0x10a: {  	s0 =	simm.s32 @!p0 $0x11  }
0x10b: {  	_ =	swait.ge @!p0 [sflag:s0], s1  }
0x10c: {  	s1 =	ssub.s32 @!p0 $0x0, s1;
	[sflag:s0] =	ssyncset.done @!p0 $0x0  }
0x10d: {  	[sflag:s0] =	ssyncadd.s32 @!p0 s1  }
0x10e: {  	[bflag:$0x3] =	sbarrier.arrive $0xFFFF  }
0x10f: {  	_ =	shalt  }

// kernel: kernel.17.cloned.1.call-start
scs
__scs_entry_jumppad:
0x0: {  	(pc) =	sbr.rel $0x88, $3  }
0x1: {  	(tag) =	ssettag $0x0;
	lr =	simm.s32 $0x1  }
0x2: {  	[smem:$0x3F75] =	sst lr;
	_ =	strace $0xD0000000  }
0x3: {  	_ = 	snop  }
0x4: {  	_ = 	snop  }
0x5: {  	_ = 	snop  }
0x6: {  	_ = 	snop  }
0x7: {  	_ = 	snop  }
__scs_overlays_trampoline_lowered:
0x8: {  	[smem:$0x3F84] =	sst s0  }
0x9: {  	[smem:$0x3F85] =	sst s1  }
0xa: {  	[smem:$0x3F86] =	sst s2  }
0xb: {  	[smem:$0x3F87] =	sst s3  }
0xc: {  	[smem:$0x3F88] =	sst s4  }
0xd: {  	[smem:$0x3F89] =	sst s5  }
0xe: {  	[smem:$0x3F8A] =	sst s6  }
0xf: {  	[smem:$0x3F8B] =	sst s7  }
0x10: {  	[smem:$0x3F8C] =	sst s8  }
0x11: {  	[smem:$0x3F8D] =	sst s9;
	s0 =	simm.s32 @!p0 $0x0  }
0x12: {  	s1 =	sld [smem:$0x3F73];
	s0 =	simm.s32 @p0 $0x1  }
0x13: {  	[smem:$0x3F8E] =	sst s0;
	s0 =	simm.s32 @!p1 $0x0  }
0x14: {  	s2 =	sld [smem:$0x3F72];
	s0 =	simm.s32 @p1 $0x1  }
0x15: {  	[smem:$0x3F8F] =	sst s0;
	s0 =	simm.s32 @!p2 $0x0  }
0x16: {  	s3 =	sld [smem:$0x3FDB];
	s0 =	simm.s32 @p2 $0x1  }
0x17: {  	s4 =	simm.s32 $0x1BF5;
	[smem:$0x3F91] =	sst s0  }
0x18: {  	s0 =	sld [smem:$0x3F74];
	_ =	swait.ge [sflag:s4], $0x0  }
0x19: {  	s7 =	sld [smem:$0x3F75]  }
0x1a: {  	s8 =	sadd.s32 $0xFFFFE003, lr  }
0x1b: {  	s9 =	sadd.s32 $0xFFFFFEF7, lr;
	s5 =	simm.s32 $0xFFFFFFFF;
	p2 =	slt.u32 s8, $0xFFFFF086  }
0x1c: {  	p1 =	slt.u32 s9, $0xF7A;
	s5 =	simm.s32 @!p2 $0x0  }
0x1d: {  	s5 =	simm.s32 @p1 $0x1;
	p0 =	seq.s32 s7, s2  }
0x1e: {  	s7 =	smul.u32 @!p0 $0xF7A, s2;
	p2 =	seq.s32 @!p0 s5, $0x0  }
0x1f: {  	s9 =	smul.u32 $0xF7A, s1;
	s8 =	simm.s32 @!p0 $0x1BF5;
	p2 =	por !p2, p0  }
0x20: {  	[sflag:s8] =	ssyncset.s32 @!p0 $0xFFFFF086;
	s6 =	sadd.s32 @!p0 s3, s7;
	s7 =	simm.s32 @!p0 $0x108  }
0x21: {  	s3 =	sadd.s32 s3, s9;
	s6 =	sadd.s32 @!p0 $0x88, s6;
	s7 =	simm.s32 @p2 $0x1082  }
0x22: {  	[simem:s7], [sflag:s8] =	dma.local @!p0 [hbm:s6], $0xF7A  }
0x23: {  	s9 =	sor.u32 $0xD0000000, s2;
	s6 =	simm.s32 $0x108;
	_ =	swait.ge @!p0 [sflag:s8], $0x0  }
0x24: {  	s3 =	sadd.s32 $0x88, s3;
	s6 =	simm.s32 @!p1 $0x1082;
	[sflag:s4] =	ssyncset.s32 $0xFFFFF086  }
0x25: {  	[simem:s6], [sflag:s4] =	dma.local [hbm:s3], $0xF7A  }
0x26: {  	[smem:$0x3F75] =	sst s1;
	(tag) =	ssettag s2;
	_ =	strace s9  }
0x27: {  	s1 =	sld [smem:$0x3F85]  }
0x28: {  	s2 =	sld [smem:$0x3F86]  }
0x29: {  	s4 =	sld [smem:$0x3F88]  }
0x2a: {  	p0 =	seq.s32 s5, $0x0;
	s5 =	sld [smem:$0x3F89]  }
0x2b: {  	s6 =	sld [smem:$0x3F8A]  }
0x2c: {  	s7 =	sld [smem:$0x3F8B]  }
0x2d: {  	s3 =	simm.s32 $0x108;
	s8 =	sld [smem:$0x3F8C]  }
0x2e: {  	s3 =	simm.s32 @!p0 $0x1082;
	s9 =	sld [smem:$0x3F8D]  }
0x2f: {  	lr =	sadd.s32 s0, s3;
	s0 =	sld [smem:$0x3F84]  }
0x30: {  	s3 =	sld [smem:$0x3F87]  }
0x31: {  	[smem:$0x3F90] =	sst s10  }
0x32: {  	s10 =	sld [smem:$0x3F8E];
	_ =	sdelay $0x3  }
0x33: {  	p0 =	seq.s32 s10, $0x1;
	s10 =	sld [smem:$0x3F90];
	_ =	sdelay $0x3  }
0x34: {  	[smem:$0x3F90] =	sst s10  }
0x35: {  	s10 =	sld [smem:$0x3F8F];
	_ =	sdelay $0x3  }
0x36: {  	p1 =	seq.s32 s10, $0x1;
	s10 =	sld [smem:$0x3F90];
	_ =	sdelay $0x3  }
0x37: {  	[smem:$0x3F90] =	sst s10  }
0x38: {  	s10 =	sld [smem:$0x3F91]  }
0x39: {  	_ = 	snop;
	(pc) =	sbr.ind lr, $3  }
0x3a: {  	_ = 	snop  }
0x3b: {  	_ = 	snop  }
0x3c: {  	p2 =	seq.s32 s10, $0x1;
	s10 =	sld [smem:$0x3F90]  }
0x3d: {  	_ =	shalt  }
0x3e: {  	_ =	shalt  }
0x3f: {  	_ =	shalt  }
0x40: {  	_ =	shalt  }
0x41: {  	_ =	shalt  }
0x42: {  	_ =	shalt  }
0x43: {  	_ =	shalt  }
0x44: {  	_ =	shalt  }
0x45: {  	_ =	shalt  }
0x46: {  	_ =	shalt  }
0x47: {  	_ =	shalt  }
0x48: {  	_ =	shalt  }
0x49: {  	_ =	shalt  }
0x4a: {  	_ =	shalt  }
0x4b: {  	_ =	shalt  }
0x4c: {  	_ =	shalt  }
0x4d: {  	_ =	shalt  }
0x4e: {  	_ =	shalt  }
0x4f: {  	_ =	shalt  }
0x50: {  	_ =	shalt  }
0x51: {  	_ =	shalt  }
0x52: {  	_ =	shalt  }
0x53: {  	_ =	shalt  }
0x54: {  	_ =	shalt  }
0x55: {  	_ =	shalt  }
0x56: {  	_ =	shalt  }
0x57: {  	_ =	shalt  }
0x58: {  	_ =	shalt  }
0x59: {  	_ =	shalt  }
0x5a: {  	_ =	shalt  }
0x5b: {  	_ =	shalt  }
0x5c: {  	_ =	shalt  }
0x5d: {  	_ =	shalt  }
0x5e: {  	_ =	shalt  }
0x5f: {  	_ =	shalt  }
0x60: {  	_ =	shalt  }
0x61: {  	_ =	shalt  }
0x62: {  	_ =	shalt  }
0x63: {  	_ =	shalt  }
0x64: {  	_ =	shalt  }
0x65: {  	_ =	shalt  }
0x66: {  	_ =	shalt  }
0x67: {  	_ =	shalt  }
0x68: {  	_ =	shalt  }
0x69: {  	_ =	shalt  }
0x6a: {  	_ =	shalt  }
0x6b: {  	_ =	shalt  }
0x6c: {  	_ =	shalt  }
0x6d: {  	_ =	shalt  }
0x6e: {  	_ =	shalt  }
0x6f: {  	_ =	shalt  }
0x70: {  	_ =	shalt  }
0x71: {  	_ =	shalt  }
0x72: {  	_ =	shalt  }
0x73: {  	_ =	shalt  }
0x74: {  	_ =	shalt  }
0x75: {  	_ =	shalt  }
0x76: {  	_ =	shalt  }
0x77: {  	_ =	shalt  }
0x78: {  	_ =	shalt  }
0x79: {  	_ =	shalt  }
0x7a: {  	_ =	shalt  }
0x7b: {  	_ =	shalt  }
0x7c: {  	_ =	shalt  }
0x7d: {  	_ =	shalt  }
0x7e: {  	_ =	shalt  }
0x7f: {  	_ =	shalt  }
0x80: {  	_ =	shalt  }
0x81: {  	_ =	shalt  }
0x82: {  	_ =	shalt  }
0x83: {  	_ =	shalt  }
0x84: {  	_ =	shalt  }
0x85: {  	_ =	shalt  }
0x86: {  	_ =	shalt  }
0x87: {  	_ =	shalt  }
.Lfunc_end0:
.L_simem_size_0:
called_computation.2_lowered:
.L_overlay_start_0:
0x88: {  	s2 =	sld [smem:$0x3FD9]  }
0x89: {  	s3 =	sld [smem:$0x3FFE];
	_ =	sdelay $0x1  }
0x8a: {  	s1 =	srdreg.scid  }
0x8b: {  	s0 =	sand.u32 $0x1, s1  }
0x8c: {  	s16 =	sshll.u32 s0, $0xA;
	s2 =	sadd.s32 s3, s2  }
0x8d: {  	s2 =	sadd.s32 s2, s16  }
0x8e: {  	[smem:$0x3F9C] =	sst s2  }
0x8f: {  	_ = 	snop  }
0x90: {  	(tm) =	ssettm $0x1  }
0x91: {  	s17 =	sld [smem:$0x3FFB];
	_ =	sdelay $0x3  }
0x92: {  	_ =	strace s17  }
0x93: {  	s2 =	sld [smem:$0x3FFC];
	_ =	sdelay $0x3  }
0x94: {  	_ =	strace s2  }
0x95: {  	s2 =	sld [smem:$0x3FFD];
	_ =	sdelay $0x3  }
0x96: {  	_ =	strace s2  }
0x97: {  	_ =	strace $0x8FFFFFFF  }
0x98: {  	s18 =	sld [smem:$0x3FDB];
	_ =	sdelay $0x1  }
0x99: {  	s19 =	simm.s32 $_scs_section_size  }
0x9a: {  	s4 =	simm.s32 $_size__tile_overlayer_lowered;
	s5 =	simm.s32 $_tile_overlayer_lowered  }
0x9b: {  	s22 =	simm.s32 $0x1BFF;
	s21 =	sshll.u32 s5, $0x1;
	s2 =	sadd.s32 s19, s18  }
0x9c: {  	s6 =	simm.s32 $0x0;
	s20 =	sshll.u32 s4, $0x1;
	s4 =	sadd.s32 s21, s2  }
0x9d: {  	[timem:s6], [sflag:s22] =	dma.local [hbm:s4], s20  }
0x9e: {  	_ =	swait.ge [sflag:s22], s20  }
0x9f: {  	s3 =	ssub.s32 $0x0, s20;
	[sflag:s22] =	ssyncset.done $0x0  }
0xa0: {  	[sflag:s22] =	ssyncadd.s32 s3;
	_ =	sdelay $0x1  }
0xa1: {  	s23 =	simm.s32 $0x1B8B  }
0xa2: {  	_ =	swait.ge [sflag:s23], $0x1  }
0xa3: {  	[sflag:s23] =	ssyncset.done $0x0  }
0xa4: {  	s25 =	simm.s32 $0x1B8E;
	s24 =	sld [smem:$0x3FFE];
	[sflag:s23] =	ssyncadd.s32 $0xFFFFFFFF  }
0xa5: {  	s26 =	simm.s32 $execute0_lowered;
	[smem:$0x3FD2] =	sst s25  }
0xa6: {  	s4 =	sshll.u32 s26, $0x1;
	_ =	strace $0x8000004C;
	[dreg:$0x1] =	wrdreg $0xFFFFFFFF  }
0xa7: {  	s28 =	simm.s32 $_size_execute0_lowered;
	s2 =	sadd.s32 s2, s4;
	[dreg:$0x0] =	wrdreg $0x0  }
0xa8: {  	s4 =	sshll.u32 s28, $0x1;
	[dreg:$0x2] =	wrdreg s2  }
0xa9: {  	[dreg:$0x3] =	wrdreg s4  }
0xaa: {  	[dreg:$0x4] =	wrdreg $0xC0  }
0xab: {  	_ =	task [dreg:s6], $0x5FFFF  }
0xac: {  	[dreg:$0x1] =	wrdreg $0xFFFFFFFF  }
0xad: {  	[dreg:$0x0] =	wrdreg $0x60  }
0xae: {  	[dreg:$0x2] =	wrdreg s24  }
0xaf: {  	[dreg:$0x3] =	wrdreg $0x14A000  }
0xb0: {  	[dreg:$0x4] =	wrdreg $0x9  }
0xb1: {  	_ =	task.clear_ibuf [dreg:s6], $0x5FFFF;
	_ =	strace $0x9000004C  }
0xb2: {  	s29 =	simm.s32 $0x9;
	_ =	strace $0x8000004E  }
0xb3: {  	_ =	swait.ge [sflag:s29], $0x1  }
0xb4: {  	[sflag:s29] =	ssyncadd.s32 $0xFFFFFFFF  }
0xb5: {  	_ =	strace $0x9000004E  }
0xb6: {  	_ =	sfence  }
0xb7: {  	s30 =	sld [smem:$0x0];
	_ =	sdelay $0x2  }
0xb8: {  	s31 =	sshll.u32 s1, $0xD;
	s1 =	sshrl.u32 s1, $0x2  }
0xb9: {  	s3 =	sand.u32 $0x4000, s31;
	s1 =	sadd.s32 s1, s30  }
0xba: {  	s0 =	sor.u32 s3, s0;
	s1 =	sshll.u32 s1, $0x11  }
0xbb: {  	s0 =	sor.u32 s1, s0  }
0xbc: {  	s0 =	sadd.s32 $0x8F2B, s0  }
0xbd: {  	[sflag:s0] =	ssyncadd.remote.s32 $0x1  }
0xbe: {  	_ =	sfence.sel $0xFFFF  }
0xbf: {  	[dreg:$0x0] =	wrdreg $0xFFFFFFFF;
	(pc) =	sbr.abs _section_cstart, $3  }
0xc0: {  	[dreg:$0x1] =	wrdreg $0xFFFFFFFF  }
0xc1: {  	_ =	task.clear_ibuf [dreg:s6], $0x2FFFF;
	_ =	strace $0x9FFFFFFF  }
0xc2: {  	(tm) =	ssettm $0x7FFFFFFF  }
0xc3: {  	_ =	shalt  }
tec
execute0_lowered:
.L_overlay_start_1:
0x0: {  	(tag) =	ssettag $0x1  }
0x1: {  	s0 =	srdreg.scid;
	s3 =	rddreg [dreg:$0x0]  }
0x2: {  	s7 =	stileid.u32;
	s2 =	rddreg [dreg:$0x1];
	s4 =	simm.s32 $0x0  }
0x3: {  	s15 =	simm.s32 $0x7D;
	s16 =	simm.s32 $0x5000;
	s18 =	simm.s32 $0x6F40  }
0x4: {  	s20 =	simm.s32 $0x8E80;
	s22 =	simm.s32 $0xADC0;
	s29 =	simm.s32 $0x10B80  }
0x5: {  	s31 =	simm.s32 $0x12AC0;
	s17 =	simm.s32 $0x2;
	s21 =	simm.s32 $0x3  }
0x6: {  	s30 =	simm.s32 $0x9;
	s19 =	simm.s32 $0x5;
	s28 =	simm.s32 $0x6  }
0x7: {  	s14 =	simm.s32 $0x8;
	s9 =	simm.s32 $0xD;
	s10 =	simm.s32 $0xE  }
0x8: {  	s11 =	simm.s32 $0xF;
	s12 =	simm.s32 $0x0;
	s0 =	sand.u32 $0x1, s0  }
0x9: {  	s1 =	sshll.u32 s7, $0x1;
	s5 =	smul.u32 $0x9E00, s7;
	[smem:$0x7FF] =	sst s4  }
0xa: {  	s4 =	sadd.s32 $0x1CE00, s3;
	s8 =	sadd.s32 $0x30800, s3;
	s24 =	sshll.u32 s7, $0x6  }
0xb: {  	s7 =	simm.s32 $0x7;
	s1 =	sor.u32 s0, s1;
	s6 =	smul.u32 $0x9E000, s0  }
0xc: {  	_ =	strace $0x8000004D;
	s0 =	ssub.s32 $0x2, s0;
	[dreg:$0x3] =	wrdreg s8  }
0xd: {  	[dreg:$0x4] =	wrdreg s24;
	s1 =	smul.u32 $0x2800, s1;
	s23 =	sshrl.u32 s0, $0x1  }
0xe: {  	s6 =	sadd.s32 s5, s6;
	s0 =	ssub.s32 s0, s23;
	s5 =	sadd.s32 s5, s2  }
0xf: {  	s1 =	sshrl.u32 s1, $0x3;
	s6 =	sshrl.u32 s6, $0x3;
	s0 =	smax.u32 s0, $0x1  }
0x10: {  	s13 =	sshrl.u32 s5, $0x3;
	s1 =	sadd.s32 s1, s3;
	[dreg:$0x9] =	wrdreg s0  }
0x11: {  	s3 =	sadd.s32 s6, s3;
	s6 =	sor.u32 $0x1C10, s24;
	[dreg:$0xa] =	wrdreg s13  }
0x12: {  	s8 =	simm.s32 $0xC;
	[dreg:$0x5] =	wrdreg s6;
	s25 =	sadd.s32 $0x8E00, s1  }
0x13: {  	s23 =	simm.s32 $0xA;
	s1 =	sadd.s32 $0x12E00, s1;
	[dreg:$0x6] =	wrdreg s25  }
0x14: {  	s5 =	simm.s32 $0xB;
	s26 =	sadd.s32 $0x31C00, s3;
	[dreg:$0x7] =	wrdreg s1  }
0x15: {  	s24 =	simm.s32 $0xCD00;
	s0 =	simm.s32 $0x1;
	[dreg:$0x8] =	wrdreg s26  }
0x16: {  	s26 =	simm.s32 $0xEC40;
	s1 =	simm.s32 $0x10;
	s25 =	simm.s32 $0x4  }
.LBB2_1:
0x17: {  	[dreg:$0xb] =	wrdreg s12  }
0x18: {  	s3 =	rddreg [dreg:$0x3]  }
0x19: {  	s12 =	rddreg [dreg:$0x5]  }
0x1a: {  	[spmem:s13], [sflag:s12] =	dma.local [hbm:s3], $0x13C0  }
0x1b: {  	s6 =	simm.s32 $0x11;
	s3 =	simm.s32 $0x0;
	s12 =	rddreg [dreg:$0x6]  }
0x1c: {  	[tilespmem:s3], [sflag:$0x11] =	stream.linear.gather [hbm4b:s12+s3], $0x2800, $0x38;
	[tilespmem:$0x1E800] =	vst v63  }
0x1d: {  	_ =	swait.ge [sflag:s6], $0x2800  }
0x1e: {  	[sflag:s6] =	ssyncset.done $0x0  }
0x1f: {  	s13 =	simm.s32 $0x2800;
	s12 =	rddreg [dreg:$0x7];
	[sflag:s6] =	ssyncadd.s32 $0xFFFFD800  }
0x20: {  	[tilespmem:s13], [sflag:$0x11] =	stream.linear.gather [hbm4b:s12+s3], $0x2800, $0x38;
	[tilespmem:$0x1E800] =	vst v63  }
0x21: {  	_ =	swait.ge [sflag:s6], $0x2800  }
0x22: {  	[sflag:s6] =	ssyncset.done $0x0  }
0x23: {  	[sflag:s6] =	ssyncadd.s32 $0xFFFFD800  }
0x24: {  	[tilespmem:s16], [sflag:$0x1] =	stream.indirect.gather [hbm4b:s4+s15], $0x40, s3, s15, $0xb8;
	[tilespmem:$0x1E800] =	vst v63  }
0x25: {  	s12 =	simm.s32 $0x80  }
0x26: {  	[tilespmem:s18], [sflag:$0x2] =	stream.indirect.gather [hbm4b:s4+s15], $0x40, s12, s15, $0xb8;
	[tilespmem:$0x1E800] =	vst v63  }
0x27: {  	s6 =	simm.s32 $0x100  }
0x28: {  	[tilespmem:s20], [sflag:$0x3] =	stream.indirect.gather [hbm4b:s4+s15], $0x40, s6, s15, $0xb8;
	[tilespmem:$0x1E800] =	vst v63  }
0x29: {  	s12 =	simm.s32 $0x180  }
0x2a: {  	[tilespmem:s22], [sflag:$0x4] =	stream.indirect.gather [hbm4b:s4+s15], $0x40, s12, s15, $0xb8;
	[tilespmem:$0x1E800] =	vst v63  }
0x2b: {  	s6 =	simm.s32 $0x200  }
0x2c: {  	[tilespmem:s24], [sflag:$0x5] =	stream.indirect.gather [hbm4b:s4+s15], $0x40, s6, s15, $0xb8;
	[tilespmem:$0x1E800] =	vst v63  }
0x2d: {  	s12 =	simm.s32 $0x280  }
0x2e: {  	[tilespmem:s26], [sflag:$0x6] =	stream.indirect.gather [hbm4b:s4+s15], $0x40, s12, s15, $0xb8;
	[tilespmem:$0x1E800] =	vst v63  }
0x2f: {  	s6 =	simm.s32 $0x300  }
0x30: {  	[tilespmem:s29], [sflag:$0x7] =	stream.indirect.gather [hbm4b:s4+s15], $0x40, s6, s15, $0xb8;
	[tilespmem:$0x1E800] =	vst v63  }
0x31: {  	s12 =	simm.s32 $0x380  }
0x32: {  	[tilespmem:s31], [sflag:$0x8] =	stream.indirect.gather [hbm4b:s4+s15], $0x40, s12, s15, $0xb8;
	[tilespmem:$0x1E800] =	vst v63  }
0x33: {  	_ =	swait.ge [sflag:s1], $0x13C0  }
0x34: {  	[sflag:s1] =	ssyncset.done $0x0  }
0x35: {  	[sflag:s1] =	ssyncadd.s32 $0xFFFFEC40  }
0x36: {  	[bflag:$0x0] =	sbarrier.arrive $0xFFFF  }
0x37: {  	_ =	swait.ge [sflag:s0], $0x1F40  }
0x38: {  	[sflag:s0] =	ssyncset.done $0x0  }
0x39: {  	[sflag:s0] =	ssyncadd.s32 $0xFFFFE0C0  }
0x3a: {  	[spmem:s2] =	stream.indirect.scatter.add.f32 [tilespmem:s16], [sflag:$0x9], $0x40, s13, s15, $0xb8;
	[tilespmem:$0x1E800] =	vst v63  }
0x3b: {  	_ =	swait.ge [sflag:s17], $0x1F40  }
0x3c: {  	[sflag:s17] =	ssyncset.done $0x0  }
0x3d: {  	s6 =	simm.s32 $0x2880;
	[sflag:s17] =	ssyncadd.s32 $0xFFFFE0C0  }
0x3e: {  	[spmem:s2] =	stream.indirect.scatter.add.f32 [tilespmem:s18], [sflag:$0xA], $0x40, s6, s15, $0xb8;
	[tilespmem:$0x1E800] =	vst v63  }
0x3f: {  	_ =	swait.ge [sflag:s21], $0x1F40  }
0x40: {  	[sflag:s21] =	ssyncset.done $0x0  }
0x41: {  	s12 =	simm.s32 $0x2900;
	[sflag:s21] =	ssyncadd.s32 $0xFFFFE0C0  }
0x42: {  	[spmem:s2] =	stream.indirect.scatter.add.f32 [tilespmem:s20], [sflag:$0xB], $0x40, s12, s15, $0xb8;
	[tilespmem:$0x1E800] =	vst v63  }
0x43: {  	_ =	swait.ge [sflag:s25], $0x1F40  }
0x44: {  	[sflag:s25] =	ssyncset.done $0x0  }
0x45: {  	s13 =	simm.s32 $0x2980;
	[sflag:s25] =	ssyncadd.s32 $0xFFFFE0C0  }
0x46: {  	[spmem:s2] =	stream.indirect.scatter.add.f32 [tilespmem:s22], [sflag:$0xC], $0x40, s13, s15, $0xb8;
	[tilespmem:$0x1E800] =	vst v63  }
0x47: {  	_ =	swait.ge [sflag:s30], $0x1F40  }
0x48: {  	[sflag:s30] =	ssyncset.done $0x0  }
0x49: {  	s6 =	simm.s32 $0x400;
	[sflag:s30] =	ssyncadd.s32 $0xFFFFE0C0  }
0x4a: {  	[tilespmem:s16], [sflag:$0x1] =	stream.indirect.gather [hbm4b:s4+s15], $0x40, s6, s15, $0xb8;
	[tilespmem:$0x1E800] =	vst v63  }
0x4b: {  	_ =	swait.ge [sflag:s19], $0x1F40  }
0x4c: {  	[sflag:s19] =	ssyncset.done $0x0  }
0x4d: {  	s12 =	simm.s32 $0x2A00;
	[sflag:s19] =	ssyncadd.s32 $0xFFFFE0C0  }
0x4e: {  	[spmem:s2] =	stream.indirect.scatter.add.f32 [tilespmem:s24], [sflag:$0xD], $0x40, s12, s15, $0xb8;
	[tilespmem:$0x1E800] =	vst v63  }
0x4f: {  	_ =	swait.ge [sflag:s23], $0x1F40  }
0x50: {  	[sflag:s23] =	ssyncset.done $0x0  }
0x51: {  	s13 =	simm.s32 $0x480;
	[sflag:s23] =	ssyncadd.s32 $0xFFFFE0C0  }
0x52: {  	[tilespmem:s18], [sflag:$0x2] =	stream.indirect.gather [hbm4b:s4+s15], $0x40, s13, s15, $0xb8;
	[tilespmem:$0x1E800] =	vst v63  }
0x53: {  	_ =	swait.ge [sflag:s28], $0x1F40  }
0x54: {  	[sflag:s28] =	ssyncset.done $0x0  }
0x55: {  	s6 =	simm.s32 $0x2A80;
	[sflag:s28] =	ssyncadd.s32 $0xFFFFE0C0  }
0x56: {  	[spmem:s2] =	stream.indirect.scatter.add.f32 [tilespmem:s26], [sflag:$0xE], $0x40, s6, s15, $0xb8;
	[tilespmem:$0x1E800] =	vst v63  }
0x57: {  	_ =	swait.ge [sflag:s5], $0x1F40  }
0x58: {  	[sflag:s5] =	ssyncset.done $0x0  }
0x59: {  	s12 =	simm.s32 $0x500;
	[sflag:s5] =	ssyncadd.s32 $0xFFFFE0C0  }
0x5a: {  	[tilespmem:s20], [sflag:$0x3] =	stream.indirect.gather [hbm4b:s4+s15], $0x40, s12, s15, $0xb8;
	[tilespmem:$0x1E800] =	vst v63  }
0x5b: {  	_ =	swait.ge [sflag:s7], $0x1F40  }
0x5c: {  	[sflag:s7] =	ssyncset.done $0x0  }
0x5d: {  	s13 =	simm.s32 $0x2B00;
	[sflag:s7] =	ssyncadd.s32 $0xFFFFE0C0  }
0x5e: {  	[spmem:s2] =	stream.indirect.scatter.add.f32 [tilespmem:s29], [sflag:$0xF], $0x40, s13, s15, $0xb8;
	[tilespmem:$0x1E800] =	vst v63  }
0x5f: {  	_ =	swait.ge [sflag:s8], $0x1F40  }
0x60: {  	[sflag:s8] =	ssyncset.done $0x0  }
0x61: {  	s6 =	simm.s32 $0x580;
	[sflag:s8] =	ssyncadd.s32 $0xFFFFE0C0  }
0x62: {  	[tilespmem:s22], [sflag:$0x4] =	stream.indirect.gather [hbm4b:s4+s15], $0x40, s6, s15, $0xb8;
	[tilespmem:$0x1E800] =	vst v63  }
0x63: {  	_ =	swait.ge [sflag:s14], $0x1F40  }
0x64: {  	[sflag:s14] =	ssyncset.done $0x0  }
0x65: {  	s12 =	simm.s32 $0x2B80;
	[sflag:s14] =	ssyncadd.s32 $0xFFFFE0C0  }
0x66: {  	[spmem:s2] =	stream.indirect.scatter.add.f32 [tilespmem:s31], [sflag:$0x10], $0x40, s12, s15, $0xb8;
	[tilespmem:$0x1E800] =	vst v63  }
0x67: {  	_ =	swait.ge [sflag:s9], $0x1F40  }
0x68: {  	[sflag:s9] =	ssyncset.done $0x0  }
0x69: {  	s13 =	simm.s32 $0x600;
	[sflag:s9] =	ssyncadd.s32 $0xFFFFE0C0  }
0x6a: {  	[tilespmem:s24], [sflag:$0x5] =	stream.indirect.gather [hbm4b:s4+s15], $0x40, s13, s15, $0xb8;
	[tilespmem:$0x1E800] =	vst v63  }
0x6b: {  	_ =	swait.ge [sflag:s0], $0x1F40  }
0x6c: {  	[sflag:s0] =	ssyncset.done $0x0  }
0x6d: {  	s6 =	simm.s32 $0x2C00;
	[sflag:s0] =	ssyncadd.s32 $0xFFFFE0C0  }
0x6e: {  	[spmem:s2] =	stream.indirect.scatter.add.f32 [tilespmem:s16], [sflag:$0x9], $0x40, s6, s15, $0xb8;
	[tilespmem:$0x1E800] =	vst v63  }
0x6f: {  	_ =	swait.ge [sflag:s10], $0x1F40  }
0x70: {  	[sflag:s10] =	ssyncset.done $0x0  }
0x71: {  	s12 =	simm.s32 $0x680;
	[sflag:s10] =	ssyncadd.s32 $0xFFFFE0C0  }
0x72: {  	[tilespmem:s26], [sflag:$0x6] =	stream.indirect.gather [hbm4b:s4+s15], $0x40, s12, s15, $0xb8;
	[tilespmem:$0x1E800] =	vst v63  }
0x73: {  	_ =	swait.ge [sflag:s17], $0x1F40  }
0x74: {  	[sflag:s17] =	ssyncset.done $0x0  }
0x75: {  	s13 =	simm.s32 $0x2C80;
	[sflag:s17] =	ssyncadd.s32 $0xFFFFE0C0  }
0x76: {  	[spmem:s2] =	stream.indirect.scatter.add.f32 [tilespmem:s18], [sflag:$0xA], $0x40, s13, s15, $0xb8;
	[tilespmem:$0x1E800] =	vst v63  }
0x77: {  	_ =	swait.ge [sflag:s11], $0x1F40  }
0x78: {  	[sflag:s11] =	ssyncset.done $0x0  }
0x79: {  	s6 =	simm.s32 $0x700;
	[sflag:s11] =	ssyncadd.s32 $0xFFFFE0C0  }
0x7a: {  	[tilespmem:s29], [sflag:$0x7] =	stream.indirect.gather [hbm4b:s4+s15], $0x40, s6, s15, $0xb8;
	[tilespmem:$0x1E800] =	vst v63  }
0x7b: {  	_ =	swait.ge [sflag:s21], $0x1F40  }
0x7c: {  	[sflag:s21] =	ssyncset.done $0x0  }
0x7d: {  	s12 =	simm.s32 $0x2D00;
	[sflag:s21] =	ssyncadd.s32 $0xFFFFE0C0  }
0x7e: {  	[spmem:s2] =	stream.indirect.scatter.add.f32 [tilespmem:s20], [sflag:$0xB], $0x40, s12, s15, $0xb8;
	[tilespmem:$0x1E800] =	vst v63  }
0x7f: {  	_ =	swait.ge [sflag:s1], $0x1F40  }
0x80: {  	[sflag:s1] =	ssyncset.done $0x0  }
0x81: {  	s13 =	simm.s32 $0x780;
	[sflag:s1] =	ssyncadd.s32 $0xFFFFE0C0  }
0x82: {  	[tilespmem:s31], [sflag:$0x8] =	stream.indirect.gather [hbm4b:s4+s15], $0x40, s13, s15, $0xb8;
	[tilespmem:$0x1E800] =	vst v63  }
0x83: {  	_ =	swait.ge [sflag:s25], $0x1F40  }
0x84: {  	[sflag:s25] =	ssyncset.done $0x0  }
0x85: {  	s3 =	simm.s32 $0x1000;
	s12 =	simm.s32 $0x2D80;
	[sflag:s25] =	ssyncadd.s32 $0xFFFFE0C0  }
.LBB2_2:
0x86: {  	[spmem:s2] =	stream.indirect.scatter.add.f32 [tilespmem:s22], [sflag:$0xC], $0x40, s12, s15, $0xb8;
	[tilespmem:$0x1E800] =	vst v63  }
0x87: {  	s12 =	smov.u32 s3  }
0x88: {  	p0 =	sne.s32 s3, $0x8000;
	s3 =	sadd.s32 $0x1000, s3;
	_ =	swait.ge [sflag:s30], $0x1F40  }
0x89: {  	s12 =	sshra.s32 s12, $0x2;
	[sflag:s30] =	ssyncset.done $0x0  }
0x8a: {  	s13 =	sadd.s32 $0x400, s12;
	[sflag:s30] =	ssyncadd.s32 $0xFFFFE0C0  }
0x8b: {  	[tilespmem:s16], [sflag:$0x1] =	stream.indirect.gather [hbm4b:s4+s15], $0x40, s13, s15, $0xb8;
	[tilespmem:$0x1E800] =	vst v63  }
0x8c: {  	_ =	swait.ge [sflag:s19], $0x1F40  }
0x8d: {  	[sflag:s19] =	ssyncset.done $0x0  }
0x8e: {  	s13 =	sadd.s32 $0x2A00, s12;
	[sflag:s19] =	ssyncadd.s32 $0xFFFFE0C0  }
0x8f: {  	[spmem:s2] =	stream.indirect.scatter.add.f32 [tilespmem:s24], [sflag:$0xD], $0x40, s13, s15, $0xb8;
	[tilespmem:$0x1E800] =	vst v63  }
0x90: {  	_ =	swait.ge [sflag:s23], $0x1F40  }
0x91: {  	[sflag:s23] =	ssyncset.done $0x0  }
0x92: {  	s13 =	sadd.s32 $0x480, s12;
	[sflag:s23] =	ssyncadd.s32 $0xFFFFE0C0  }
0x93: {  	[tilespmem:s18], [sflag:$0x2] =	stream.indirect.gather [hbm4b:s4+s15], $0x40, s13, s15, $0xb8;
	[tilespmem:$0x1E800] =	vst v63  }
0x94: {  	_ =	swait.ge [sflag:s28], $0x1F40  }
0x95: {  	[sflag:s28] =	ssyncset.done $0x0  }
0x96: {  	s13 =	sadd.s32 $0x2A80, s12;
	[sflag:s28] =	ssyncadd.s32 $0xFFFFE0C0  }
0x97: {  	[spmem:s2] =	stream.indirect.scatter.add.f32 [tilespmem:s26], [sflag:$0xE], $0x40, s13, s15, $0xb8;
	[tilespmem:$0x1E800] =	vst v63  }
0x98: {  	_ =	swait.ge [sflag:s5], $0x1F40  }
0x99: {  	[sflag:s5] =	ssyncset.done $0x0  }
0x9a: {  	s13 =	sadd.s32 $0x500, s12;
	[sflag:s5] =	ssyncadd.s32 $0xFFFFE0C0  }
0x9b: {  	[tilespmem:s20], [sflag:$0x3] =	stream.indirect.gather [hbm4b:s4+s15], $0x40, s13, s15, $0xb8;
	[tilespmem:$0x1E800] =	vst v63  }
0x9c: {  	_ =	swait.ge [sflag:s7], $0x1F40  }
0x9d: {  	[sflag:s7] =	ssyncset.done $0x0  }
0x9e: {  	s13 =	sadd.s32 $0x2B00, s12;
	[sflag:s7] =	ssyncadd.s32 $0xFFFFE0C0  }
0x9f: {  	[spmem:s2] =	stream.indirect.scatter.add.f32 [tilespmem:s29], [sflag:$0xF], $0x40, s13, s15, $0xb8;
	[tilespmem:$0x1E800] =	vst v63  }
0xa0: {  	_ =	swait.ge [sflag:s8], $0x1F40  }
0xa1: {  	[sflag:s8] =	ssyncset.done $0x0  }
0xa2: {  	s13 =	sadd.s32 $0x580, s12;
	[sflag:s8] =	ssyncadd.s32 $0xFFFFE0C0  }
0xa3: {  	[tilespmem:s22], [sflag:$0x4] =	stream.indirect.gather [hbm4b:s4+s15], $0x40, s13, s15, $0xb8;
	[tilespmem:$0x1E800] =	vst v63  }
0xa4: {  	_ =	swait.ge [sflag:s14], $0x1F40  }
0xa5: {  	[sflag:s14] =	ssyncset.done $0x0  }
0xa6: {  	s13 =	sadd.s32 $0x2B80, s12;
	[sflag:s14] =	ssyncadd.s32 $0xFFFFE0C0  }
0xa7: {  	[spmem:s2] =	stream.indirect.scatter.add.f32 [tilespmem:s31], [sflag:$0x10], $0x40, s13, s15, $0xb8;
	[tilespmem:$0x1E800] =	vst v63  }
0xa8: {  	_ =	swait.ge [sflag:s9], $0x1F40  }
0xa9: {  	[sflag:s9] =	ssyncset.done $0x0  }
0xaa: {  	s13 =	sadd.s32 $0x600, s12;
	[sflag:s9] =	ssyncadd.s32 $0xFFFFE0C0  }
0xab: {  	[tilespmem:s24], [sflag:$0x5] =	stream.indirect.gather [hbm4b:s4+s15], $0x40, s13, s15, $0xb8;
	[tilespmem:$0x1E800] =	vst v63  }
0xac: {  	_ =	swait.ge [sflag:s0], $0x1F40  }
0xad: {  	[sflag:s0] =	ssyncset.done $0x0  }
0xae: {  	s13 =	sadd.s32 $0x2C00, s12;
	[sflag:s0] =	ssyncadd.s32 $0xFFFFE0C0  }
0xaf: {  	[spmem:s2] =	stream.indirect.scatter.add.f32 [tilespmem:s16], [sflag:$0x9], $0x40, s13, s15, $0xb8;
	[tilespmem:$0x1E800] =	vst v63  }
0xb0: {  	_ =	swait.ge [sflag:s10], $0x1F40  }
0xb1: {  	[sflag:s10] =	ssyncset.done $0x0  }
0xb2: {  	s13 =	sadd.s32 $0x680, s12;
	[sflag:s10] =	ssyncadd.s32 $0xFFFFE0C0  }
0xb3: {  	[tilespmem:s26], [sflag:$0x6] =	stream.indirect.gather [hbm4b:s4+s15], $0x40, s13, s15, $0xb8;
	[tilespmem:$0x1E800] =	vst v63  }
0xb4: {  	_ =	swait.ge [sflag:s17], $0x1F40  }
0xb5: {  	[sflag:s17] =	ssyncset.done $0x0  }
0xb6: {  	s13 =	sadd.s32 $0x2C80, s12;
	[sflag:s17] =	ssyncadd.s32 $0xFFFFE0C0  }
0xb7: {  	[spmem:s2] =	stream.indirect.scatter.add.f32 [tilespmem:s18], [sflag:$0xA], $0x40, s13, s15, $0xb8;
	[tilespmem:$0x1E800] =	vst v63  }
0xb8: {  	_ =	swait.ge [sflag:s11], $0x1F40  }
0xb9: {  	[sflag:s11] =	ssyncset.done $0x0  }
0xba: {  	s13 =	sadd.s32 $0x700, s12;
	[sflag:s11] =	ssyncadd.s32 $0xFFFFE0C0  }
0xbb: {  	[tilespmem:s29], [sflag:$0x7] =	stream.indirect.gather [hbm4b:s4+s15], $0x40, s13, s15, $0xb8;
	[tilespmem:$0x1E800] =	vst v63  }
0xbc: {  	_ =	swait.ge [sflag:s21], $0x1F40  }
0xbd: {  	[sflag:s21] =	ssyncset.done $0x0  }
0xbe: {  	s13 =	sadd.s32 $0x2D00, s12;
	[sflag:s21] =	ssyncadd.s32 $0xFFFFE0C0  }
0xbf: {  	[spmem:s2] =	stream.indirect.scatter.add.f32 [tilespmem:s20], [sflag:$0xB], $0x40, s13, s15, $0xb8;
	[tilespmem:$0x1E800] =	vst v63  }
0xc0: {  	_ =	swait.ge [sflag:s1], $0x1F40  }
0xc1: {  	[sflag:s1] =	ssyncset.done $0x0  }
.Ltmp0:
0xc2: {  	s13 =	sadd.s32 $0x780, s12;
	[sflag:s1] =	ssyncadd.s32 $0xFFFFE0C0;
	(pc) =	sbr.rel @p0 .LBB2_2-.Ltmp0, $4  }
0xc3: {  	[tilespmem:s31], [sflag:$0x8] =	stream.indirect.gather [hbm4b:s4+s15], $0x40, s13, s15, $0xb8;
	[tilespmem:$0x1E800] =	vst v63  }
0xc4: {  	_ =	swait.ge [sflag:s25], $0x1F40  }
0xc5: {  	[sflag:s25] =	ssyncset.done $0x0  }
0xc6: {  	s12 =	sadd.s32 $0x2D80, s12;
	[sflag:s25] =	ssyncadd.s32 $0xFFFFE0C0  }
0xc7: {  	[spmem:s2] =	stream.indirect.scatter.add.f32 [tilespmem:s22], [sflag:$0xC], $0x40, s12, s15, $0xb8;
	[tilespmem:$0x1E800] =	vst v63  }
0xc8: {  	_ =	swait.ge [sflag:s19], $0x1F40  }
0xc9: {  	[sflag:s19] =	ssyncset.done $0x0  }
0xca: {  	s3 =	simm.s32 $0x4E00;
	[sflag:s19] =	ssyncadd.s32 $0xFFFFE0C0  }
0xcb: {  	[spmem:s2] =	stream.indirect.scatter.add.f32 [tilespmem:s24], [sflag:$0xD], $0x40, s3, s15, $0xb8;
	[tilespmem:$0x1E800] =	vst v63  }
0xcc: {  	_ =	swait.ge [sflag:s28], $0x1F40  }
0xcd: {  	[sflag:s28] =	ssyncset.done $0x0  }
0xce: {  	s13 =	simm.s32 $0x4E80;
	[sflag:s28] =	ssyncadd.s32 $0xFFFFE0C0  }
0xcf: {  	[spmem:s2] =	stream.indirect.scatter.add.f32 [tilespmem:s26], [sflag:$0xE], $0x40, s13, s15, $0xb8;
	[tilespmem:$0x1E800] =	vst v63  }
0xd0: {  	_ =	swait.ge [sflag:s7], $0x1F40  }
0xd1: {  	[sflag:s7] =	ssyncset.done $0x0  }
0xd2: {  	s6 =	simm.s32 $0x4F00;
	[sflag:s7] =	ssyncadd.s32 $0xFFFFE0C0  }
0xd3: {  	[spmem:s2] =	stream.indirect.scatter.add.f32 [tilespmem:s29], [sflag:$0xF], $0x40, s6, s15, $0xb8;
	[tilespmem:$0x1E800] =	vst v63  }
0xd4: {  	_ =	swait.ge [sflag:s14], $0x1F40  }
0xd5: {  	[sflag:s14] =	ssyncset.done $0x0  }
0xd6: {  	s12 =	simm.s32 $0x4F80;
	[sflag:s14] =	ssyncadd.s32 $0xFFFFE0C0  }
0xd7: {  	[spmem:s2] =	stream.indirect.scatter.add.f32 [tilespmem:s31], [sflag:$0x10], $0x40, s12, s15, $0xb8;
	[tilespmem:$0x1E800] =	vst v63  }
0xd8: {  	_ =	swait.ge [sflag:s30], $0x1F40  }
0xd9: {  	[sflag:s30] =	ssyncset.done $0x0  }
0xda: {  	[sflag:s30] =	ssyncadd.s32 $0xFFFFE0C0  }
0xdb: {  	_ =	swait.ge [sflag:s23], $0x1F40  }
0xdc: {  	[sflag:s23] =	ssyncset.done $0x0  }
0xdd: {  	[sflag:s23] =	ssyncadd.s32 $0xFFFFE0C0  }
0xde: {  	_ =	swait.ge [sflag:s5], $0x1F40  }
0xdf: {  	[sflag:s5] =	ssyncset.done $0x0  }
0xe0: {  	[sflag:s5] =	ssyncadd.s32 $0xFFFFE0C0  }
0xe1: {  	_ =	swait.ge [sflag:s8], $0x1F40  }
0xe2: {  	[sflag:s8] =	ssyncset.done $0x0  }
0xe3: {  	[sflag:s8] =	ssyncadd.s32 $0xFFFFE0C0  }
0xe4: {  	_ =	swait.ge [sflag:s9], $0x1F40  }
0xe5: {  	[sflag:s9] =	ssyncset.done $0x0  }
0xe6: {  	[sflag:s9] =	ssyncadd.s32 $0xFFFFE0C0  }
0xe7: {  	_ =	swait.ge [sflag:s10], $0x1F40  }
0xe8: {  	[sflag:s10] =	ssyncset.done $0x0  }
0xe9: {  	[sflag:s10] =	ssyncadd.s32 $0xFFFFE0C0  }
0xea: {  	_ =	swait.ge [sflag:s11], $0x1F40  }
0xeb: {  	[sflag:s11] =	ssyncset.done $0x0  }
0xec: {  	[sflag:s11] =	ssyncadd.s32 $0xFFFFE0C0  }
0xed: {  	_ =	swait.ge [sflag:s1], $0x1F40  }
0xee: {  	[sflag:s1] =	ssyncset.done $0x0  }
0xef: {  	[sflag:s1] =	ssyncadd.s32 $0xFFFFE0C0  }
0xf0: {  	[bflag:$0x0] =	sbarrier.arrive $0xFFFF  }
0xf1: {  	s13 =	rddreg [dreg:$0x4]  }
0xf2: {  	s6 =	rddreg [dreg:$0x8]  }
0xf3: {  	s3 =	sor.u32 $0x1C11, s13;
	s13 =	rddreg [dreg:$0xa]  }
0xf4: {  	[hbm:s6], [sflag:s3] =	dma.local [spmem:s13], $0x13C0  }
0xf5: {  	s6 =	simm.s32 $0x11  }
0xf6: {  	_ =	swait.ge [sflag:s6], $0x13C0  }
0xf7: {  	s3 =	rddreg [dreg:$0xb]  }
0xf8: {  	s12 =	sadd.s32 $0x1, s3;
	s3 =	rddreg [dreg:$0x9]  }
0xf9: {  	p0 =	sne.s32 s12, s3  }
.Ltmp1:
0xfa: {  	_ = 	snop;
	(pc) =	sbr.rel @p0 .LBB2_1-.Ltmp1, $3  }
0xfb: {  	_ =	sdelay $0x1  }
0xfc: {  	[sflag:s6] =	ssyncset.done $0x0  }
0xfd: {  	[sflag:s6] =	ssyncadd.s32 $0xFFFFEC40  }
0xfe: {  	_ =	sfence.sel $0x180000  }
0xff: {  	[bflag:$0x0] =	sbarrier.arrive $0xFFFF  }
0x100: {  	_ =	strace $0x9000004D  }
0x101: {  	s0 =	stileid.u32;
	[bflag:$0x2] =	sbarrier.arrive $0xFFFF  }
0x102: {  	p0 =	sne.s32 s0, $0x0;
	s0 =	rddreg [dreg:$0x2]  }
0x103: {  	s0 =	sadd.s32 @!p0 $0x100000, s0  }
0x104: {  	[sflag:s0] =	ssyncadd.tile.s32 @!p0 $0x1;
	_ =	shalt  }
.Lfunc_end2:
_tile_overlayer_lowered:
.L_overlay_start_2:
0x105: {  	(tag) =	ssettag $0x2  }
0x106: {  	s0 =	rddreg [dreg:$0x0];
	s2 =	stileid.u32  }
0x107: {  	s1 =	rddreg [dreg:$0x1];
	p0 =	sne.s32 s2, $0x0  }
0x108: {  	s3 =	rddreg [dreg:$0x2];
	[bflag:$0x3] =	sbarrier.arrive $0xFFFF;
	s2 =	simm.s32 @!p0 $0x1C11  }
0x109: {  	[timem:s3], [sflag:s2] =	dma.local @!p0 [hbm:s0], s1  }
0x10a: {  	s0 =	simm.s32 @!p0 $0x11  }
0x10b: {  	_ =	swait.ge @!p0 [sflag:s0], s1  }
0x10c: {  	s1 =	ssub.s32 @!p0 $0x0, s1;
	[sflag:s0] =	ssyncset.done @!p0 $0x0  }
0x10d: {  	[sflag:s0] =	ssyncadd.s32 @!p0 s1  }
0x10e: {  	[bflag:$0x3] =	sbarrier.arrive $0xFFFF  }
0x10f: {  	_ =	shalt  }

</sc_bundles>
